<compile_context>
chip_gen: v7x
topology: tpu7x:2x2x1
jax: 0.10.2.dev20260603
libtpu: 0.0.44.dev20260713+nightly
codegen_flags: <defaults>
</compile_context>

<pallas_src>
import functools

import jax
import jax.numpy as jnp
from jax import lax
from jax.experimental import pallas as pl
from jax.experimental.pallas import tpu as pltpu
from jax.experimental.pallas import tpu_sc as plsc

N_NODES = 100000
N_EDGES = 6400000
NPAD = 102400
NTILES = 16
NCORES = 2
NCH = NPAD // NTILES
ECH = N_EDGES // (NCORES * NTILES)
CHUNK = 4000
NCHUNKS = ECH // CHUNK


def _make_agg(F):
    scratch = (
        [pltpu.VMEM_SHARED((NPAD,), jnp.float32) for _ in range(F)]
        + [pltpu.VMEM_SHARED((NPAD,), jnp.float32) for _ in range(F)]
        + [
            pltpu.VMEM((CHUNK,), jnp.int32),
            pltpu.VMEM((CHUNK,), jnp.int32),
            pltpu.VMEM((CHUNK,), jnp.int32),
            pltpu.VMEM((CHUNK,), jnp.int32),
            pltpu.VMEM((CHUNK,), jnp.float32),
            pltpu.VMEM((CHUNK,), jnp.float32),
            pltpu.VMEM((NCH,), jnp.float32),
            pltpu.VMEM((NCH,), jnp.float32),
            pltpu.VMEM((NCH,), jnp.float32),
            pltpu.VMEM((NCH,), jnp.float32),
            pltpu.SemaphoreType.DMA,
            pltpu.SemaphoreType.DMA,
            pltpu.SemaphoreType.DMA,
            pltpu.SemaphoreType.DMA,
            pltpu.SemaphoreType.DMA,
            pltpu.SemaphoreType.DMA,
            pltpu.SemaphoreType.DMA,
            pltpu.SemaphoreType.DMA,
            pltpu.SemaphoreType.DMA,
            pltpu.SemaphoreType.DMA,
            pltpu.SemaphoreType.DMA,
        ]
    )

    @functools.partial(
        pl.kernel,
        mesh=plsc.VectorSubcoreMesh(core_axis_name="c", subcore_axis_name="s"),
        out_type=jax.ShapeDtypeStruct((NCORES * F * NPAD,), jnp.float32),
        scratch_types=scratch,
    )
    def agg_kernel(src, dst, x, out, *refs):
        xs = refs[:F]
        ag = refs[F:2 * F]
        (srcb0, srcb1, dstb0, dstb1, valb0, valb1, pb0, pb1, pb2, zbuf,
         sem_s0, sem_s1, sem_d0, sem_d1, sem_g0, sem_g1,
         sem_p0, sem_p1, sem_p2, sem_fwd, sem_z) = refs[2 * F:]
        srcbufs, dstbufs = (srcb0, srcb1), (dstb0, dstb1)
        valbufs, sems_g = (valb0, valb1), (sem_g0, sem_g1)
        sems_s, sems_d = (sem_s0, sem_s1), (sem_d0, sem_d1)
        pbufs, sems_p = (pb0, pb1, pb2), (sem_p0, sem_p1, sem_p2)
        c = lax.axis_index("c")
        s = lax.axis_index("s")
        nlo = s * NCH
        nsl = pl.ds(nlo, NCH)

        fetches = [pltpu.make_async_copy(x.at[pl.ds(f * NPAD + nlo, NCH)],
                                         pbufs[f], sems_p[f]) for f in range(F)]
        for cp in fetches:
            cp.start()
        zero = jnp.zeros((16,), jnp.float32)

        def zbody(i, carry):
            zbuf[pl.ds(i * 16, 16)] = zero
            return carry

        lax.fori_loop(0, NCH // 16, zbody, 0)
        zcps = [pltpu.make_async_copy(zbuf, ag[f].at[nsl], sem_z)
                for f in range(F)]
        for cp in zcps:
            cp.start()
        fwds = [pltpu.make_async_copy(pbufs[f], xs[f].at[nsl], sem_fwd)
                for f in range(F)]
        for f in range(F):
            fetches[f].wait()
            fwds[f].start()
        for f in range(F):
            zcps[f].wait()
            fwds[f].wait()
        plsc.subcore_barrier()

        ebase = (c * NTILES + s) * ECH

        def load_copies(g, b):
            off = ebase + g * CHUNK
            return (
                pltpu.make_async_copy(src.at[pl.ds(off, CHUNK)], srcbufs[b],
                                      sems_s[b]),
                pltpu.make_async_copy(dst.at[pl.ds(off, CHUNK)], dstbufs[b],
                                      sems_d[b]),
            )

        def start_loads(g, b):
            for cp in load_copies(g, b):
                cp.start()

        def wait_loads(g, b):
            for cp in load_copies(g, b):
                cp.wait()

        def process(b):
            def gather(f):
                v = f % 2
                return pltpu.make_async_copy(xs[f].at[srcbufs[b]],
                                             valbufs[v], sems_g[v])

            gather(0).start()
            for f in range(F):
                if f + 1 < F:
                    gather(f + 1).start()
                gather(f).wait()
                pltpu.sync_copy(valbufs[f % 2], ag[f].at[dstbufs[b]], add=True)

        start_loads(0, 0)

        def epair(p, carry):
            g0 = p * 2
            start_loads(g0 + 1, 1)
            wait_loads(g0, 0)
            process(0)

            @pl.when(p < NCHUNKS // 2 - 1)
            def _():
                start_loads(g0 + 2, 0)

            wait_loads(g0 + 1, 1)
            process(1)
            return carry

        lax.fori_loop(0, NCHUNKS // 2, epair, 0)
        plsc.subcore_barrier()
        ocps = [pltpu.make_async_copy(ag[f].at[nsl], pbufs[f], sems_p[f])
                for f in range(F)]
        for cp in ocps:
            cp.start()
        wbs = [pltpu.make_async_copy(
                   pbufs[f], out.at[pl.ds((c * F + f) * NPAD + nlo, NCH)],
                   sem_fwd) for f in range(F)]
        for f in range(F):
            ocps[f].wait()
            wbs[f].start()
        for f in range(F):
            wbs[f].wait()

    return agg_kernel


_agg1 = _make_agg(1)
_agg3 = _make_agg(3)


def _pad_planes(x):
    F = x.shape[1]
    return jnp.zeros((F, NPAD), x.dtype).at[:, :N_NODES].set(x.T).reshape(-1)


def _aggregate(agg_fn, src, dst, x):
    F = x.shape[1]
    parts = agg_fn(src, dst, _pad_planes(x)).reshape(NCORES, F, NPAD)
    s = parts[0] + parts[1]
    return s[:, :N_NODES].T


def kernel(subgraph, feat, norm, send_map, recv_map, rank, size,
           W1, b1, W2, b2, W3, b3, W4, b4, W5, b5, W6, b6):
    src = subgraph[0]
    dst = subgraph[1]
    a = _aggregate(_agg1, src, dst, feat * norm)
    h = jax.nn.relu((norm * a) @ W1 + b1)
    for W, b in ((W2, b2), (W3, b3), (W4, b4), (W5, b5)):
        a = _aggregate(_agg3, src, dst, norm * h)
        h = jax.nn.relu((norm * a) @ W + b)
    y = (norm * h) @ W6
    a = _aggregate(_agg1, src, dst, y)
    return jax.nn.relu(norm * a + b6)

# --- scband reference (transcript-rebuilt; emitter-appended) ---
"""Pipeline reference for scband-gcnprotein-31327491457491 (READ-ONLY COPY).

The authoritative reference and input builder live on the scoring server;
editing this copy changes nothing except your own understanding.
"""

import jax, jax.numpy as jnp
import numpy as np

N_NODES = 100000
N_EDGES = 6400000


def setup_inputs(seed: int = 0) -> dict:
    key = jax.random.key(seed)
    ks = jax.random.split(key, 16)
    subgraph = jax.random.randint(ks[0], (2, N_EDGES), 0, N_NODES, dtype=jnp.int32)
    feat = jax.random.normal(ks[1], (N_NODES, 1), dtype=jnp.float32)
    norm = jax.random.uniform(ks[2], (N_NODES, 1), dtype=jnp.float32)
    send_map = jnp.zeros((1,), dtype=jnp.int32)
    recv_map = jnp.zeros((1,), dtype=jnp.int32)
    rank = 0
    size = 1
    # Learned parameters for the 6 hardcoded GCN layers: 1->3->3->3->3->3->1
    dims = [(1, 3), (3, 3), (3, 3), (3, 3), (3, 3), (3, 1)]
    params = {}
    for i, (fi, fo) in enumerate(dims):
        params[f"W{i+1}"] = jax.random.normal(ks[3 + i], (fi, fo), dtype=jnp.float32) * 0.1
        params[f"b{i+1}"] = jnp.zeros((fo,), dtype=jnp.float32)
    return {"subgraph": subgraph, "feat": feat, "norm": norm,
            "send_map": send_map, "recv_map": recv_map, "rank": rank, "size": size,
            **params}


def _gcn_layer(h, norm, src, dst, n_nodes, W, b, activation=True):
    # symmetric-normalized GCN propagation: D^-1/2 A D^-1/2 H W
    h = h * norm
    msg = jnp.take(h, src, axis=0)
    agg = jnp.zeros((n_nodes, h.shape[1]), dtype=h.dtype).at[dst].add(msg)
    agg = agg * norm
    out = agg @ W + b
    if activation:
        out = jax.nn.relu(out)
    return out


def reference(subgraph, feat, norm, send_map, recv_map, rank, size,
              W1, b1, W2, b2, W3, b3, W4, b4, W5, b5, W6, b6):
    # single-rank execution: halo exchange via send_map/recv_map is a no-op
    src = subgraph[0]
    dst = subgraph[1]
    n = feat.shape[0]
    h = _gcn_layer(feat, norm, src, dst, n, W1, b1)
    h = _gcn_layer(h, norm, src, dst, n, W2, b2)
    h = _gcn_layer(h, norm, src, dst, n, W3, b3)
    h = _gcn_layer(h, norm, src, dst, n, W4, b4)
    h = _gcn_layer(h, norm, src, dst, n, W5, b5)
    h = _gcn_layer(h, norm, src, dst, n, W6, b6)
    return h

if __name__ == "__main__":
    import jax
    _d = setup_inputs()
    print(jax.jit(kernel)(*tuple(_d.values())))

</pallas_src>

<mosaic_0001>
#map = affine_map<(d0, d1) -> (0)>
module attributes {stable_mosaic.version = 14 : i64} {
  func.func @agg_kernel(%arg0: i32, %arg1: i32, %arg2: memref<6400000xi32, #tpu.memory_space<hbm>>, %arg3: memref<6400000xi32, #tpu.memory_space<hbm>>, %arg4: memref<307200xf32, #tpu.memory_space<hbm>>, %arg5: memref<614400xf32, #tpu.memory_space<hbm>>, %arg6: memref<102400xf32, #tpu.memory_space<vmem_shared>>, %arg7: memref<102400xf32, #tpu.memory_space<vmem_shared>>, %arg8: memref<102400xf32, #tpu.memory_space<vmem_shared>>, %arg9: memref<102400xf32, #tpu.memory_space<vmem_shared>>, %arg10: memref<102400xf32, #tpu.memory_space<vmem_shared>>, %arg11: memref<102400xf32, #tpu.memory_space<vmem_shared>>, %arg12: memref<4000xi32, #tpu.memory_space<vmem>>, %arg13: memref<4000xi32, #tpu.memory_space<vmem>>, %arg14: memref<4000xi32, #tpu.memory_space<vmem>>, %arg15: memref<4000xi32, #tpu.memory_space<vmem>>, %arg16: memref<4000xf32, #tpu.memory_space<vmem>>, %arg17: memref<4000xf32, #tpu.memory_space<vmem>>, %arg18: memref<6400xf32, #tpu.memory_space<vmem>>, %arg19: memref<6400xf32, #tpu.memory_space<vmem>>, %arg20: memref<6400xf32, #tpu.memory_space<vmem>>, %arg21: memref<6400xf32, #tpu.memory_space<vmem>>, %arg22: memref<!tpu.dma_semaphore, #tpu.memory_space<semaphore_mem>>, %arg23: memref<!tpu.dma_semaphore, #tpu.memory_space<semaphore_mem>>, %arg24: memref<!tpu.dma_semaphore, #tpu.memory_space<semaphore_mem>>, %arg25: memref<!tpu.dma_semaphore, #tpu.memory_space<semaphore_mem>>, %arg26: memref<!tpu.dma_semaphore, #tpu.memory_space<semaphore_mem>>, %arg27: memref<!tpu.dma_semaphore, #tpu.memory_space<semaphore_mem>>, %arg28: memref<!tpu.dma_semaphore, #tpu.memory_space<semaphore_mem>>, %arg29: memref<!tpu.dma_semaphore, #tpu.memory_space<semaphore_mem>>, %arg30: memref<!tpu.dma_semaphore, #tpu.memory_space<semaphore_mem>>, %arg31: memref<!tpu.dma_semaphore, #tpu.memory_space<semaphore_mem>>, %arg32: memref<!tpu.dma_semaphore, #tpu.memory_space<semaphore_mem>>) attributes {dimension_semantics = [#tpu.dimension_semantics<core_parallel>, #tpu.dimension_semantics<subcore_parallel>], iteration_bounds = array<i64: 2, 16>, scalar_prefetch = 0 : i64, scratch_operands = 27 : i64, tpu.core_type = #tpu.core_type<sc_vector_subcore>, window_params = [{transform_indices = #map}, {transform_indices = #map}, {transform_indices = #map}, {transform_indices = #map}]} {
    %mul3A = arith.constant 6400 : i32
    %mul3A_0 = arith.muli %arg1, %mul3A : i32
    %add3A = arith.constant 0 : i32
    %add3A_1 = arith.addi %add3A, %mul3A_0 : i32
    %add3A_2 = arith.constant 102400 : i32
    %add3A_3 = arith.addi %add3A_2, %mul3A_0 : i32
    %add3A_4 = arith.constant 204800 : i32
    %add3A_5 = arith.addi %add3A_4, %mul3A_0 : i32
    %dma_start3A = tpu.memref_slice %arg4[%add3A_1] : memref<307200xf32, #tpu.memory_space<hbm>> -> memref<6400xf32, #tpu.memory_space<hbm>>
    %dma_start3A_6 = tpu.memref_slice %arg4[%add3A_1] : memref<307200xf32, #tpu.memory_space<hbm>> -> memref<6400xf32, #tpu.memory_space<hbm>>
    tpu.enqueue_dma source(%dma_start3A_6 : memref<6400xf32, #tpu.memory_space<hbm>>) target(%arg18 : memref<6400xf32, #tpu.memory_space<vmem>>) target_semaphore(%arg28 : memref<!tpu.dma_semaphore, #tpu.memory_space<semaphore_mem>>)
    %dma_start3A_7 = tpu.memref_slice %arg4[%add3A_3] : memref<307200xf32, #tpu.memory_space<hbm>> -> memref<6400xf32, #tpu.memory_space<hbm>>
    %dma_start3A_8 = tpu.memref_slice %arg4[%add3A_3] : memref<307200xf32, #tpu.memory_space<hbm>> -> memref<6400xf32, #tpu.memory_space<hbm>>
    tpu.enqueue_dma source(%dma_start3A_8 : memref<6400xf32, #tpu.memory_space<hbm>>) target(%arg19 : memref<6400xf32, #tpu.memory_space<vmem>>) target_semaphore(%arg29 : memref<!tpu.dma_semaphore, #tpu.memory_space<semaphore_mem>>)
    %dma_start3A_9 = tpu.memref_slice %arg4[%add3A_5] : memref<307200xf32, #tpu.memory_space<hbm>> -> memref<6400xf32, #tpu.memory_space<hbm>>
    %dma_start3A_10 = tpu.memref_slice %arg4[%add3A_5] : memref<307200xf32, #tpu.memory_space<hbm>> -> memref<6400xf32, #tpu.memory_space<hbm>>
    tpu.enqueue_dma source(%dma_start3A_10 : memref<6400xf32, #tpu.memory_space<hbm>>) target(%arg20 : memref<6400xf32, #tpu.memory_space<vmem>>) target_semaphore(%arg30 : memref<!tpu.dma_semaphore, #tpu.memory_space<semaphore_mem>>)
    %broadcast_in_dim3A = arith.constant 0.000000e+00 : f32
    %broadcast_in_dim3A_11 = vector.broadcast %broadcast_in_dim3A : f32 to vector<16xf32>
    %scan3A = arith.constant 0 : i32
    %scan3A_12 = arith.constant 0 : i32
    %scan3A_13 = arith.constant 400 : i32
    %scan3A_14 = arith.addi %scan3A_12, %scan3A_13 : i32
    %scan3A_15 = arith.constant 1 : i32
    scf.for %scan3A_109 = %scan3A_12 to %scan3A_14 step %scan3A_15  : i32 {
      %mul3A_110 = arith.constant 16 : i32
      %mul3A_111 = arith.muli %scan3A_109, %mul3A_110 : i32
      %swap3A = arith.index_cast %mul3A_111 : i32 to index
      %swap3A_112 = tpu.vector_load %arg21[%swap3A] {strides = array<i32>} : memref<6400xf32, #tpu.memory_space<vmem>>, vector<16xf32>,
      %swap3A_113 = vector.shape_cast %swap3A_112 : vector<16xf32> to vector<16xf32>
      %swap3A_114 = vector.shape_cast %broadcast_in_dim3A_11 : vector<16xf32> to vector<16xf32>
      tpu.vector_store %arg21[%swap3A], %swap3A_114 {strides = array<i32>} : memref<6400xf32, #tpu.memory_space<vmem>>, vector<16xf32>,
    }
    %scan3A_16 = arith.constant 400 : i32
    %dma_start3A_17 = tpu.memref_slice %arg9[%mul3A_0] : memref<102400xf32, #tpu.memory_space<vmem_shared>> -> memref<6400xf32, #tpu.memory_space<vmem_shared>>
    %dma_start3A_18 = tpu.memref_slice %arg9[%mul3A_0] : memref<102400xf32, #tpu.memory_space<vmem_shared>> -> memref<6400xf32, #tpu.memory_space<vmem_shared>>
    tpu.enqueue_dma source(%arg21 : memref<6400xf32, #tpu.memory_space<vmem>>) target(%dma_start3A_18 : memref<6400xf32, #tpu.memory_space<vmem_shared>>) target_semaphore(%arg32 : memref<!tpu.dma_semaphore, #tpu.memory_space<semaphore_mem>>)
    %dma_start3A_19 = tpu.memref_slice %arg10[%mul3A_0] : memref<102400xf32, #tpu.memory_space<vmem_shared>> -> memref<6400xf32, #tpu.memory_space<vmem_shared>>
    %dma_start3A_20 = tpu.memref_slice %arg10[%mul3A_0] : memref<102400xf32, #tpu.memory_space<vmem_shared>> -> memref<6400xf32, #tpu.memory_space<vmem_shared>>
    tpu.enqueue_dma source(%arg21 : memref<6400xf32, #tpu.memory_space<vmem>>) target(%dma_start3A_20 : memref<6400xf32, #tpu.memory_space<vmem_shared>>) target_semaphore(%arg32 : memref<!tpu.dma_semaphore, #tpu.memory_space<semaphore_mem>>)
    %dma_start3A_21 = tpu.memref_slice %arg11[%mul3A_0] : memref<102400xf32, #tpu.memory_space<vmem_shared>> -> memref<6400xf32, #tpu.memory_space<vmem_shared>>
    %dma_start3A_22 = tpu.memref_slice %arg11[%mul3A_0] : memref<102400xf32, #tpu.memory_space<vmem_shared>> -> memref<6400xf32, #tpu.memory_space<vmem_shared>>
    tpu.enqueue_dma source(%arg21 : memref<6400xf32, #tpu.memory_space<vmem>>) target(%dma_start3A_22 : memref<6400xf32, #tpu.memory_space<vmem_shared>>) target_semaphore(%arg32 : memref<!tpu.dma_semaphore, #tpu.memory_space<semaphore_mem>>)
    %dma_wait3A = tpu.memref_slice %arg4[%add3A_1] : memref<307200xf32, #tpu.memory_space<hbm>> -> memref<6400xf32, #tpu.memory_space<hbm>>
    %dma_wait3A_23 = tpu.memref_slice %arg4[%add3A_1] : memref<307200xf32, #tpu.memory_space<hbm>> -> memref<6400xf32, #tpu.memory_space<hbm>>
    tpu.wait_dma2 semaphore(%arg28 : memref<!tpu.dma_semaphore, #tpu.memory_space<semaphore_mem>>) src(%dma_wait3A_23 : memref<6400xf32, #tpu.memory_space<hbm>>) dst(%arg18 : memref<6400xf32, #tpu.memory_space<vmem>>)
    %dma_start3A_24 = tpu.memref_slice %arg6[%mul3A_0] : memref<102400xf32, #tpu.memory_space<vmem_shared>> -> memref<6400xf32, #tpu.memory_space<vmem_shared>>
    %dma_start3A_25 = tpu.memref_slice %arg6[%mul3A_0] : memref<102400xf32, #tpu.memory_space<vmem_shared>> -> memref<6400xf32, #tpu.memory_space<vmem_shared>>
    tpu.enqueue_dma source(%arg18 : memref<6400xf32, #tpu.memory_space<vmem>>) target(%dma_start3A_25 : memref<6400xf32, #tpu.memory_space<vmem_shared>>) target_semaphore(%arg31 : memref<!tpu.dma_semaphore, #tpu.memory_space<semaphore_mem>>)
    %dma_wait3A_26 = tpu.memref_slice %arg4[%add3A_3] : memref<307200xf32, #tpu.memory_space<hbm>> -> memref<6400xf32, #tpu.memory_space<hbm>>
    %dma_wait3A_27 = tpu.memref_slice %arg4[%add3A_3] : memref<307200xf32, #tpu.memory_space<hbm>> -> memref<6400xf32, #tpu.memory_space<hbm>>
    tpu.wait_dma2 semaphore(%arg29 : memref<!tpu.dma_semaphore, #tpu.memory_space<semaphore_mem>>) src(%dma_wait3A_27 : memref<6400xf32, #tpu.memory_space<hbm>>) dst(%arg19 : memref<6400xf32, #tpu.memory_space<vmem>>)
    %dma_start3A_28 = tpu.memref_slice %arg7[%mul3A_0] : memref<102400xf32, #tpu.memory_space<vmem_shared>> -> memref<6400xf32, #tpu.memory_space<vmem_shared>>
    %dma_start3A_29 = tpu.memref_slice %arg7[%mul3A_0] : memref<102400xf32, #tpu.memory_space<vmem_shared>> -> memref<6400xf32, #tpu.memory_space<vmem_shared>>
    tpu.enqueue_dma source(%arg19 : memref<6400xf32, #tpu.memory_space<vmem>>) target(%dma_start3A_29 : memref<6400xf32, #tpu.memory_space<vmem_shared>>) target_semaphore(%arg31 : memref<!tpu.dma_semaphore, #tpu.memory_space<semaphore_mem>>)
    %dma_wait3A_30 = tpu.memref_slice %arg4[%add3A_5] : memref<307200xf32, #tpu.memory_space<hbm>> -> memref<6400xf32, #tpu.memory_space<hbm>>
    %dma_wait3A_31 = tpu.memref_slice %arg4[%add3A_5] : memref<307200xf32, #tpu.memory_space<hbm>> -> memref<6400xf32, #tpu.memory_space<hbm>>
    tpu.wait_dma2 semaphore(%arg30 : memref<!tpu.dma_semaphore, #tpu.memory_space<semaphore_mem>>) src(%dma_wait3A_31 : memref<6400xf32, #tpu.memory_space<hbm>>) dst(%arg20 : memref<6400xf32, #tpu.memory_space<vmem>>)
    %dma_start3A_32 = tpu.memref_slice %arg8[%mul3A_0] : memref<102400xf32, #tpu.memory_space<vmem_shared>> -> memref<6400xf32, #tpu.memory_space<vmem_shared>>
    %dma_start3A_33 = tpu.memref_slice %arg8[%mul3A_0] : memref<102400xf32, #tpu.memory_space<vmem_shared>> -> memref<6400xf32, #tpu.memory_space<vmem_shared>>
    tpu.enqueue_dma source(%arg20 : memref<6400xf32, #tpu.memory_space<vmem>>) target(%dma_start3A_33 : memref<6400xf32, #tpu.memory_space<vmem_shared>>) target_semaphore(%arg31 : memref<!tpu.dma_semaphore, #tpu.memory_space<semaphore_mem>>)
    %dma_wait3A_34 = tpu.memref_slice %arg9[%mul3A_0] : memref<102400xf32, #tpu.memory_space<vmem_shared>> -> memref<6400xf32, #tpu.memory_space<vmem_shared>>
    %dma_wait3A_35 = tpu.memref_slice %arg9[%mul3A_0] : memref<102400xf32, #tpu.memory_space<vmem_shared>> -> memref<6400xf32, #tpu.memory_space<vmem_shared>>
    tpu.wait_dma2 semaphore(%arg32 : memref<!tpu.dma_semaphore, #tpu.memory_space<semaphore_mem>>) src(%arg21 : memref<6400xf32, #tpu.memory_space<vmem>>) dst(%dma_wait3A_35 : memref<6400xf32, #tpu.memory_space<vmem_shared>>)
    %dma_wait3A_36 = tpu.memref_slice %arg6[%mul3A_0] : memref<102400xf32, #tpu.memory_space<vmem_shared>> -> memref<6400xf32, #tpu.memory_space<vmem_shared>>
    %dma_wait3A_37 = tpu.memref_slice %arg6[%mul3A_0] : memref<102400xf32, #tpu.memory_space<vmem_shared>> -> memref<6400xf32, #tpu.memory_space<vmem_shared>>
    tpu.wait_dma2 semaphore(%arg31 : memref<!tpu.dma_semaphore, #tpu.memory_space<semaphore_mem>>) src(%arg18 : memref<6400xf32, #tpu.memory_space<vmem>>) dst(%dma_wait3A_37 : memref<6400xf32, #tpu.memory_space<vmem_shared>>)
    %dma_wait3A_38 = tpu.memref_slice %arg10[%mul3A_0] : memref<102400xf32, #tpu.memory_space<vmem_shared>> -> memref<6400xf32, #tpu.memory_space<vmem_shared>>
    %dma_wait3A_39 = tpu.memref_slice %arg10[%mul3A_0] : memref<102400xf32, #tpu.memory_space<vmem_shared>> -> memref<6400xf32, #tpu.memory_space<vmem_shared>>
    tpu.wait_dma2 semaphore(%arg32 : memref<!tpu.dma_semaphore, #tpu.memory_space<semaphore_mem>>) src(%arg21 : memref<6400xf32, #tpu.memory_space<vmem>>) dst(%dma_wait3A_39 : memref<6400xf32, #tpu.memory_space<vmem_shared>>)
    %dma_wait3A_40 = tpu.memref_slice %arg7[%mul3A_0] : memref<102400xf32, #tpu.memory_space<vmem_shared>> -> memref<6400xf32, #tpu.memory_space<vmem_shared>>
    %dma_wait3A_41 = tpu.memref_slice %arg7[%mul3A_0] : memref<102400xf32, #tpu.memory_space<vmem_shared>> -> memref<6400xf32, #tpu.memory_space<vmem_shared>>
    tpu.wait_dma2 semaphore(%arg31 : memref<!tpu.dma_semaphore, #tpu.memory_space<semaphore_mem>>) src(%arg19 : memref<6400xf32, #tpu.memory_space<vmem>>) dst(%dma_wait3A_41 : memref<6400xf32, #tpu.memory_space<vmem_shared>>)
    %dma_wait3A_42 = tpu.memref_slice %arg11[%mul3A_0] : memref<102400xf32, #tpu.memory_space<vmem_shared>> -> memref<6400xf32, #tpu.memory_space<vmem_shared>>
    %dma_wait3A_43 = tpu.memref_slice %arg11[%mul3A_0] : memref<102400xf32, #tpu.memory_space<vmem_shared>> -> memref<6400xf32, #tpu.memory_space<vmem_shared>>
    tpu.wait_dma2 semaphore(%arg32 : memref<!tpu.dma_semaphore, #tpu.memory_space<semaphore_mem>>) src(%arg21 : memref<6400xf32, #tpu.memory_space<vmem>>) dst(%dma_wait3A_43 : memref<6400xf32, #tpu.memory_space<vmem_shared>>)
    %dma_wait3A_44 = tpu.memref_slice %arg8[%mul3A_0] : memref<102400xf32, #tpu.memory_space<vmem_shared>> -> memref<6400xf32, #tpu.memory_space<vmem_shared>>
    %dma_wait3A_45 = tpu.memref_slice %arg8[%mul3A_0] : memref<102400xf32, #tpu.memory_space<vmem_shared>> -> memref<6400xf32, #tpu.memory_space<vmem_shared>>
    tpu.wait_dma2 semaphore(%arg31 : memref<!tpu.dma_semaphore, #tpu.memory_space<semaphore_mem>>) src(%arg20 : memref<6400xf32, #tpu.memory_space<vmem>>) dst(%dma_wait3A_45 : memref<6400xf32, #tpu.memory_space<vmem_shared>>)
    %barrier3A = arith.constant 0 : index
    tpu.barrier barrier_id(%barrier3A)
    %mul3A_46 = arith.constant 16 : i32
    %mul3A_47 = arith.muli %arg0, %mul3A_46 : i32
    %add3A_48 = arith.addi %mul3A_47, %arg1 : i32
    %mul3A_49 = arith.constant 200000 : i32
    %mul3A_50 = arith.muli %add3A_48, %mul3A_49 : i32
    %add3A_51 = arith.constant 0 : i32
    %add3A_52 = arith.addi %mul3A_50, %add3A_51 : i32
    %dma_start3A_53 = tpu.memref_slice %arg2[%add3A_52] : memref<6400000xi32, #tpu.memory_space<hbm>> -> memref<4000xi32, #tpu.memory_space<hbm>>
    %dma_start3A_54 = tpu.memref_slice %arg2[%add3A_52] : memref<6400000xi32, #tpu.memory_space<hbm>> -> memref<4000xi32, #tpu.memory_space<hbm>>
    tpu.enqueue_dma source(%dma_start3A_54 : memref<4000xi32, #tpu.memory_space<hbm>>) target(%arg12 : memref<4000xi32, #tpu.memory_space<vmem>>) target_semaphore(%arg22 : memref<!tpu.dma_semaphore, #tpu.memory_space<semaphore_mem>>)
    %dma_start3A_55 = tpu.memref_slice %arg3[%add3A_52] : memref<6400000xi32, #tpu.memory_space<hbm>> -> memref<4000xi32, #tpu.memory_space<hbm>>
    %dma_start3A_56 = tpu.memref_slice %arg3[%add3A_52] : memref<6400000xi32, #tpu.memory_space<hbm>> -> memref<4000xi32, #tpu.memory_space<hbm>>
    tpu.enqueue_dma source(%dma_start3A_56 : memref<4000xi32, #tpu.memory_space<hbm>>) target(%arg14 : memref<4000xi32, #tpu.memory_space<vmem>>) target_semaphore(%arg24 : memref<!tpu.dma_semaphore, #tpu.memory_space<semaphore_mem>>)
    %scan3A_57 = arith.constant 0 : i32
    %scan3A_58 = arith.constant 0 : i32
    %scan3A_59 = arith.constant 25 : i32
    %scan3A_60 = arith.addi %scan3A_58, %scan3A_59 : i32
    %scan3A_61 = arith.constant 1 : i32
    scf.for %scan3A_109 = %scan3A_58 to %scan3A_60 step %scan3A_61  : i32 {
      %mul3A_110 = arith.constant 2 : i32
      %mul3A_111 = arith.muli %scan3A_109, %mul3A_110 : i32
      %add3A_112 = arith.constant 1 : i32
      %add3A_113 = arith.addi %mul3A_111, %add3A_112 : i32
      %mul3A_114 = arith.constant 4000 : i32
      %mul3A_115 = arith.muli %add3A_113, %mul3A_114 : i32
      %add3A_116 = arith.addi %mul3A_50, %mul3A_115 : i32
      %dma_start3A_117 = tpu.memref_slice %arg2[%add3A_116] : memref<6400000xi32, #tpu.memory_space<hbm>> -> memref<4000xi32, #tpu.memory_space<hbm>>
      %dma_start3A_118 = tpu.memref_slice %arg2[%add3A_116] : memref<6400000xi32, #tpu.memory_space<hbm>> -> memref<4000xi32, #tpu.memory_space<hbm>>
      tpu.enqueue_dma source(%dma_start3A_118 : memref<4000xi32, #tpu.memory_space<hbm>>) target(%arg13 : memref<4000xi32, #tpu.memory_space<vmem>>) target_semaphore(%arg23 : memref<!tpu.dma_semaphore, #tpu.memory_space<semaphore_mem>>)
      %dma_start3A_119 = tpu.memref_slice %arg3[%add3A_116] : memref<6400000xi32, #tpu.memory_space<hbm>> -> memref<4000xi32, #tpu.memory_space<hbm>>
      %dma_start3A_120 = tpu.memref_slice %arg3[%add3A_116] : memref<6400000xi32, #tpu.memory_space<hbm>> -> memref<4000xi32, #tpu.memory_space<hbm>>
      tpu.enqueue_dma source(%dma_start3A_120 : memref<4000xi32, #tpu.memory_space<hbm>>) target(%arg15 : memref<4000xi32, #tpu.memory_space<vmem>>) target_semaphore(%arg25 : memref<!tpu.dma_semaphore, #tpu.memory_space<semaphore_mem>>)
      %mul3A_121 = arith.constant 4000 : i32
      %mul3A_122 = arith.muli %mul3A_111, %mul3A_121 : i32
      %add3A_123 = arith.addi %mul3A_50, %mul3A_122 : i32
      %dma_wait3A_124 = tpu.memref_slice %arg2[%add3A_123] : memref<6400000xi32, #tpu.memory_space<hbm>> -> memref<4000xi32, #tpu.memory_space<hbm>>
      %dma_wait3A_125 = tpu.memref_slice %arg2[%add3A_123] : memref<6400000xi32, #tpu.memory_space<hbm>> -> memref<4000xi32, #tpu.memory_space<hbm>>
      tpu.wait_dma2 semaphore(%arg22 : memref<!tpu.dma_semaphore, #tpu.memory_space<semaphore_mem>>) src(%dma_wait3A_125 : memref<4000xi32, #tpu.memory_space<hbm>>) dst(%arg12 : memref<4000xi32, #tpu.memory_space<vmem>>)
      %dma_wait3A_126 = tpu.memref_slice %arg3[%add3A_123] : memref<6400000xi32, #tpu.memory_space<hbm>> -> memref<4000xi32, #tpu.memory_space<hbm>>
      %dma_wait3A_127 = tpu.memref_slice %arg3[%add3A_123] : memref<6400000xi32, #tpu.memory_space<hbm>> -> memref<4000xi32, #tpu.memory_space<hbm>>
      tpu.wait_dma2 semaphore(%arg24 : memref<!tpu.dma_semaphore, #tpu.memory_space<semaphore_mem>>) src(%dma_wait3A_127 : memref<4000xi32, #tpu.memory_space<hbm>>) dst(%arg14 : memref<4000xi32, #tpu.memory_space<vmem>>)
      %dma_start3A_128 = arith.constant 0 : i32
      %dma_start3A_129 = tpu.memref_slice %arg6[%dma_start3A_128] : memref<102400xf32, #tpu.memory_space<vmem_shared>> -> memref<102400xf32, #tpu.memory_space<vmem_shared>>
      tpu.enqueue_indirect_dma source(%dma_start3A_129 : memref<102400xf32, #tpu.memory_space<vmem_shared>>) target(%arg16 : memref<4000xf32, #tpu.memory_space<vmem>>) offsets(%arg12 : memref<4000xi32, #tpu.memory_space<vmem>>) semaphore(%arg26 : memref<!tpu.dma_semaphore, #tpu.memory_space<semaphore_mem>>)
      %dma_start3A_130 = arith.constant 0 : i32
      %dma_start3A_131 = tpu.memref_slice %arg7[%dma_start3A_130] : memref<102400xf32, #tpu.memory_space<vmem_shared>> -> memref<102400xf32, #tpu.memory_space<vmem_shared>>
      tpu.enqueue_indirect_dma source(%dma_start3A_131 : memref<102400xf32, #tpu.memory_space<vmem_shared>>) target(%arg17 : memref<4000xf32, #tpu.memory_space<vmem>>) offsets(%arg12 : memref<4000xi32, #tpu.memory_space<vmem>>) semaphore(%arg27 : memref<!tpu.dma_semaphore, #tpu.memory_space<semaphore_mem>>)
      %dma_wait3A_132 = arith.constant 0 : i32
      %dma_wait3A_133 = tpu.memref_slice %arg6[%dma_wait3A_132] : memref<102400xf32, #tpu.memory_space<vmem_shared>> -> memref<102400xf32, #tpu.memory_space<vmem_shared>>
      tpu.wait_indirect_dma semaphore(%arg26 : memref<!tpu.dma_semaphore, #tpu.memory_space<semaphore_mem>>) src(%dma_wait3A_133 : memref<102400xf32, #tpu.memory_space<vmem_shared>>) dst(%arg16 : memref<4000xf32, #tpu.memory_space<vmem>>)
      "tpu.region"() ({
        %run_scoped3A = tpu.sem_alloc : memref<!tpu.dma_semaphore, #tpu.memory_space<semaphore_mem>>
        %dma_start3A_163 = arith.constant 0 : i32
        %dma_start3A_164 = tpu.memref_slice %arg9[%dma_start3A_163] : memref<102400xf32, #tpu.memory_space<vmem_shared>> -> memref<102400xf32, #tpu.memory_space<vmem_shared>>
        tpu.enqueue_indirect_dma source(%arg16 : memref<4000xf32, #tpu.memory_space<vmem>>) target(%dma_start3A_164 : memref<102400xf32, #tpu.memory_space<vmem_shared>>) offsets(%arg14 : memref<4000xi32, #tpu.memory_space<vmem>>) semaphore(%run_scoped3A : memref<!tpu.dma_semaphore, #tpu.memory_space<semaphore_mem>>) {add = true}
        %dma_wait3A_165 = arith.constant 0 : i32
        %dma_wait3A_166 = tpu.memref_slice %arg9[%dma_wait3A_165] : memref<102400xf32, #tpu.memory_space<vmem_shared>> -> memref<102400xf32, #tpu.memory_space<vmem_shared>>
        tpu.wait_indirect_dma semaphore(%run_scoped3A : memref<!tpu.dma_semaphore, #tpu.memory_space<semaphore_mem>>) src(%arg16 : memref<4000xf32, #tpu.memory_space<vmem>>) dst(%dma_wait3A_166 : memref<102400xf32, #tpu.memory_space<vmem_shared>>)
        tpu.yield
      }) : () -> ()
      %dma_start3A_134 = arith.constant 0 : i32
      %dma_start3A_135 = tpu.memref_slice %arg8[%dma_start3A_134] : memref<102400xf32, #tpu.memory_space<vmem_shared>> -> memref<102400xf32, #tpu.memory_space<vmem_shared>>
      tpu.enqueue_indirect_dma source(%dma_start3A_135 : memref<102400xf32, #tpu.memory_space<vmem_shared>>) target(%arg16 : memref<4000xf32, #tpu.memory_space<vmem>>) offsets(%arg12 : memref<4000xi32, #tpu.memory_space<vmem>>) semaphore(%arg26 : memref<!tpu.dma_semaphore, #tpu.memory_space<semaphore_mem>>)
      %dma_wait3A_136 = arith.constant 0 : i32
      %dma_wait3A_137 = tpu.memref_slice %arg7[%dma_wait3A_136] : memref<102400xf32, #tpu.memory_space<vmem_shared>> -> memref<102400xf32, #tpu.memory_space<vmem_shared>>
      tpu.wait_indirect_dma semaphore(%arg27 : memref<!tpu.dma_semaphore, #tpu.memory_space<semaphore_mem>>) src(%dma_wait3A_137 : memref<102400xf32, #tpu.memory_space<vmem_shared>>) dst(%arg17 : memref<4000xf32, #tpu.memory_space<vmem>>)
      "tpu.region"() ({
        %run_scoped3A = tpu.sem_alloc : memref<!tpu.dma_semaphore, #tpu.memory_space<semaphore_mem>>
        %dma_start3A_163 = arith.constant 0 : i32
        %dma_start3A_164 = tpu.memref_slice %arg10[%dma_start3A_163] : memref<102400xf32, #tpu.memory_space<vmem_shared>> -> memref<102400xf32, #tpu.memory_space<vmem_shared>>
        tpu.enqueue_indirect_dma source(%arg17 : memref<4000xf32, #tpu.memory_space<vmem>>) target(%dma_start3A_164 : memref<102400xf32, #tpu.memory_space<vmem_shared>>) offsets(%arg14 : memref<4000xi32, #tpu.memory_space<vmem>>) semaphore(%run_scoped3A : memref<!tpu.dma_semaphore, #tpu.memory_space<semaphore_mem>>) {add = true}
        %dma_wait3A_165 = arith.constant 0 : i32
        %dma_wait3A_166 = tpu.memref_slice %arg10[%dma_wait3A_165] : memref<102400xf32, #tpu.memory_space<vmem_shared>> -> memref<102400xf32, #tpu.memory_space<vmem_shared>>
        tpu.wait_indirect_dma semaphore(%run_scoped3A : memref<!tpu.dma_semaphore, #tpu.memory_space<semaphore_mem>>) src(%arg17 : memref<4000xf32, #tpu.memory_space<vmem>>) dst(%dma_wait3A_166 : memref<102400xf32, #tpu.memory_space<vmem_shared>>)
        tpu.yield
      }) : () -> ()
      %dma_wait3A_138 = arith.constant 0 : i32
      %dma_wait3A_139 = tpu.memref_slice %arg8[%dma_wait3A_138] : memref<102400xf32, #tpu.memory_space<vmem_shared>> -> memref<102400xf32, #tpu.memory_space<vmem_shared>>
      tpu.wait_indirect_dma semaphore(%arg26 : memref<!tpu.dma_semaphore, #tpu.memory_space<semaphore_mem>>) src(%dma_wait3A_139 : memref<102400xf32, #tpu.memory_space<vmem_shared>>) dst(%arg16 : memref<4000xf32, #tpu.memory_space<vmem>>)
      "tpu.region"() ({
        %run_scoped3A = tpu.sem_alloc : memref<!tpu.dma_semaphore, #tpu.memory_space<semaphore_mem>>
        %dma_start3A_163 = arith.constant 0 : i32
        %dma_start3A_164 = tpu.memref_slice %arg11[%dma_start3A_163] : memref<102400xf32, #tpu.memory_space<vmem_shared>> -> memref<102400xf32, #tpu.memory_space<vmem_shared>>
        tpu.enqueue_indirect_dma source(%arg16 : memref<4000xf32, #tpu.memory_space<vmem>>) target(%dma_start3A_164 : memref<102400xf32, #tpu.memory_space<vmem_shared>>) offsets(%arg14 : memref<4000xi32, #tpu.memory_space<vmem>>) semaphore(%run_scoped3A : memref<!tpu.dma_semaphore, #tpu.memory_space<semaphore_mem>>) {add = true}
        %dma_wait3A_165 = arith.constant 0 : i32
        %dma_wait3A_166 = tpu.memref_slice %arg11[%dma_wait3A_165] : memref<102400xf32, #tpu.memory_space<vmem_shared>> -> memref<102400xf32, #tpu.memory_space<vmem_shared>>
        tpu.wait_indirect_dma semaphore(%run_scoped3A : memref<!tpu.dma_semaphore, #tpu.memory_space<semaphore_mem>>) src(%arg16 : memref<4000xf32, #tpu.memory_space<vmem>>) dst(%dma_wait3A_166 : memref<102400xf32, #tpu.memory_space<vmem_shared>>)
        tpu.yield
      }) : () -> ()
      %lt3A = arith.constant 24 : i32
      %lt3A_140 = arith.cmpi slt, %scan3A_109, %lt3A : i32
      %convert_element_type3A = arith.extui %lt3A_140 : i1 to i32
      %cond3A = arith.constant 0 : i32
      %cond3A_141 = arith.cmpi ne, %convert_element_type3A, %cond3A : i32
      scf.if %cond3A_141 {
        %add3A_163 = arith.constant 2 : i32
        %add3A_164 = arith.addi %mul3A_111, %add3A_163 : i32
        %mul3A_165 = arith.constant 4000 : i32
        %mul3A_166 = arith.muli %add3A_164, %mul3A_165 : i32
        %add3A_167 = arith.addi %mul3A_50, %mul3A_166 : i32
        %dma_start3A_168 = tpu.memref_slice %arg2[%add3A_167] : memref<6400000xi32, #tpu.memory_space<hbm>> -> memref<4000xi32, #tpu.memory_space<hbm>>
        %dma_start3A_169 = tpu.memref_slice %arg2[%add3A_167] : memref<6400000xi32, #tpu.memory_space<hbm>> -> memref<4000xi32, #tpu.memory_space<hbm>>
        tpu.enqueue_dma source(%dma_start3A_169 : memref<4000xi32, #tpu.memory_space<hbm>>) target(%arg12 : memref<4000xi32, #tpu.memory_space<vmem>>) target_semaphore(%arg22 : memref<!tpu.dma_semaphore, #tpu.memory_space<semaphore_mem>>)
        %dma_start3A_170 = tpu.memref_slice %arg3[%add3A_167] : memref<6400000xi32, #tpu.memory_space<hbm>> -> memref<4000xi32, #tpu.memory_space<hbm>>
        %dma_start3A_171 = tpu.memref_slice %arg3[%add3A_167] : memref<6400000xi32, #tpu.memory_space<hbm>> -> memref<4000xi32, #tpu.memory_space<hbm>>
        tpu.enqueue_dma source(%dma_start3A_171 : memref<4000xi32, #tpu.memory_space<hbm>>) target(%arg14 : memref<4000xi32, #tpu.memory_space<vmem>>) target_semaphore(%arg24 : memref<!tpu.dma_semaphore, #tpu.memory_space<semaphore_mem>>)
      } else {
      }
      %add3A_142 = arith.constant 1 : i32
      %add3A_143 = arith.addi %mul3A_111, %add3A_142 : i32
      %mul3A_144 = arith.constant 4000 : i32
      %mul3A_145 = arith.muli %add3A_143, %mul3A_144 : i32
      %add3A_146 = arith.addi %mul3A_50, %mul3A_145 : i32
      %dma_wait3A_147 = tpu.memref_slice %arg2[%add3A_146] : memref<6400000xi32, #tpu.memory_space<hbm>> -> memref<4000xi32, #tpu.memory_space<hbm>>
      %dma_wait3A_148 = tpu.memref_slice %arg2[%add3A_146] : memref<6400000xi32, #tpu.memory_space<hbm>> -> memref<4000xi32, #tpu.memory_space<hbm>>
      tpu.wait_dma2 semaphore(%arg23 : memref<!tpu.dma_semaphore, #tpu.memory_space<semaphore_mem>>) src(%dma_wait3A_148 : memref<4000xi32, #tpu.memory_space<hbm>>) dst(%arg13 : memref<4000xi32, #tpu.memory_space<vmem>>)
      %dma_wait3A_149 = tpu.memref_slice %arg3[%add3A_146] : memref<6400000xi32, #tpu.memory_space<hbm>> -> memref<4000xi32, #tpu.memory_space<hbm>>
      %dma_wait3A_150 = tpu.memref_slice %arg3[%add3A_146] : memref<6400000xi32, #tpu.memory_space<hbm>> -> memref<4000xi32, #tpu.memory_space<hbm>>
      tpu.wait_dma2 semaphore(%arg25 : memref<!tpu.dma_semaphore, #tpu.memory_space<semaphore_mem>>) src(%dma_wait3A_150 : memref<4000xi32, #tpu.memory_space<hbm>>) dst(%arg15 : memref<4000xi32, #tpu.memory_space<vmem>>)
      %dma_start3A_151 = arith.constant 0 : i32
      %dma_start3A_152 = tpu.memref_slice %arg6[%dma_start3A_151] : memref<102400xf32, #tpu.memory_space<vmem_shared>> -> memref<102400xf32, #tpu.memory_space<vmem_shared>>
      tpu.enqueue_indirect_dma source(%dma_start3A_152 : memref<102400xf32, #tpu.memory_space<vmem_shared>>) target(%arg16 : memref<4000xf32, #tpu.memory_space<vmem>>) offsets(%arg13 : memref<4000xi32, #tpu.memory_space<vmem>>) semaphore(%arg26 : memref<!tpu.dma_semaphore, #tpu.memory_space<semaphore_mem>>)
      %dma_start3A_153 = arith.constant 0 : i32
      %dma_start3A_154 = tpu.memref_slice %arg7[%dma_start3A_153] : memref<102400xf32, #tpu.memory_space<vmem_shared>> -> memref<102400xf32, #tpu.memory_space<vmem_shared>>
      tpu.enqueue_indirect_dma source(%dma_start3A_154 : memref<102400xf32, #tpu.memory_space<vmem_shared>>) target(%arg17 : memref<4000xf32, #tpu.memory_space<vmem>>) offsets(%arg13 : memref<4000xi32, #tpu.memory_space<vmem>>) semaphore(%arg27 : memref<!tpu.dma_semaphore, #tpu.memory_space<semaphore_mem>>)
      %dma_wait3A_155 = arith.constant 0 : i32
      %dma_wait3A_156 = tpu.memref_slice %arg6[%dma_wait3A_155] : memref<102400xf32, #tpu.memory_space<vmem_shared>> -> memref<102400xf32, #tpu.memory_space<vmem_shared>>
      tpu.wait_indirect_dma semaphore(%arg26 : memref<!tpu.dma_semaphore, #tpu.memory_space<semaphore_mem>>) src(%dma_wait3A_156 : memref<102400xf32, #tpu.memory_space<vmem_shared>>) dst(%arg16 : memref<4000xf32, #tpu.memory_space<vmem>>)
      "tpu.region"() ({
        %run_scoped3A = tpu.sem_alloc : memref<!tpu.dma_semaphore, #tpu.memory_space<semaphore_mem>>
        %dma_start3A_163 = arith.constant 0 : i32
        %dma_start3A_164 = tpu.memref_slice %arg9[%dma_start3A_163] : memref<102400xf32, #tpu.memory_space<vmem_shared>> -> memref<102400xf32, #tpu.memory_space<vmem_shared>>
        tpu.enqueue_indirect_dma source(%arg16 : memref<4000xf32, #tpu.memory_space<vmem>>) target(%dma_start3A_164 : memref<102400xf32, #tpu.memory_space<vmem_shared>>) offsets(%arg15 : memref<4000xi32, #tpu.memory_space<vmem>>) semaphore(%run_scoped3A : memref<!tpu.dma_semaphore, #tpu.memory_space<semaphore_mem>>) {add = true}
        %dma_wait3A_165 = arith.constant 0 : i32
        %dma_wait3A_166 = tpu.memref_slice %arg9[%dma_wait3A_165] : memref<102400xf32, #tpu.memory_space<vmem_shared>> -> memref<102400xf32, #tpu.memory_space<vmem_shared>>
        tpu.wait_indirect_dma semaphore(%run_scoped3A : memref<!tpu.dma_semaphore, #tpu.memory_space<semaphore_mem>>) src(%arg16 : memref<4000xf32, #tpu.memory_space<vmem>>) dst(%dma_wait3A_166 : memref<102400xf32, #tpu.memory_space<vmem_shared>>)
        tpu.yield
      }) : () -> ()
      %dma_start3A_157 = arith.constant 0 : i32
      %dma_start3A_158 = tpu.memref_slice %arg8[%dma_start3A_157] : memref<102400xf32, #tpu.memory_space<vmem_shared>> -> memref<102400xf32, #tpu.memory_space<vmem_shared>>
      tpu.enqueue_indirect_dma source(%dma_start3A_158 : memref<102400xf32, #tpu.memory_space<vmem_shared>>) target(%arg16 : memref<4000xf32, #tpu.memory_space<vmem>>) offsets(%arg13 : memref<4000xi32, #tpu.memory_space<vmem>>) semaphore(%arg26 : memref<!tpu.dma_semaphore, #tpu.memory_space<semaphore_mem>>)
      %dma_wait3A_159 = arith.constant 0 : i32
      %dma_wait3A_160 = tpu.memref_slice %arg7[%dma_wait3A_159] : memref<102400xf32, #tpu.memory_space<vmem_shared>> -> memref<102400xf32, #tpu.memory_space<vmem_shared>>
      tpu.wait_indirect_dma semaphore(%arg27 : memref<!tpu.dma_semaphore, #tpu.memory_space<semaphore_mem>>) src(%dma_wait3A_160 : memref<102400xf32, #tpu.memory_space<vmem_shared>>) dst(%arg17 : memref<4000xf32, #tpu.memory_space<vmem>>)
      "tpu.region"() ({
        %run_scoped3A = tpu.sem_alloc : memref<!tpu.dma_semaphore, #tpu.memory_space<semaphore_mem>>
        %dma_start3A_163 = arith.constant 0 : i32
        %dma_start3A_164 = tpu.memref_slice %arg10[%dma_start3A_163] : memref<102400xf32, #tpu.memory_space<vmem_shared>> -> memref<102400xf32, #tpu.memory_space<vmem_shared>>
        tpu.enqueue_indirect_dma source(%arg17 : memref<4000xf32, #tpu.memory_space<vmem>>) target(%dma_start3A_164 : memref<102400xf32, #tpu.memory_space<vmem_shared>>) offsets(%arg15 : memref<4000xi32, #tpu.memory_space<vmem>>) semaphore(%run_scoped3A : memref<!tpu.dma_semaphore, #tpu.memory_space<semaphore_mem>>) {add = true}
        %dma_wait3A_165 = arith.constant 0 : i32
        %dma_wait3A_166 = tpu.memref_slice %arg10[%dma_wait3A_165] : memref<102400xf32, #tpu.memory_space<vmem_shared>> -> memref<102400xf32, #tpu.memory_space<vmem_shared>>
        tpu.wait_indirect_dma semaphore(%run_scoped3A : memref<!tpu.dma_semaphore, #tpu.memory_space<semaphore_mem>>) src(%arg17 : memref<4000xf32, #tpu.memory_space<vmem>>) dst(%dma_wait3A_166 : memref<102400xf32, #tpu.memory_space<vmem_shared>>)
        tpu.yield
      }) : () -> ()
      %dma_wait3A_161 = arith.constant 0 : i32
      %dma_wait3A_162 = tpu.memref_slice %arg8[%dma_wait3A_161] : memref<102400xf32, #tpu.memory_space<vmem_shared>> -> memref<102400xf32, #tpu.memory_space<vmem_shared>>
      tpu.wait_indirect_dma semaphore(%arg26 : memref<!tpu.dma_semaphore, #tpu.memory_space<semaphore_mem>>) src(%dma_wait3A_162 : memref<102400xf32, #tpu.memory_space<vmem_shared>>) dst(%arg16 : memref<4000xf32, #tpu.memory_space<vmem>>)
      "tpu.region"() ({
        %run_scoped3A = tpu.sem_alloc : memref<!tpu.dma_semaphore, #tpu.memory_space<semaphore_mem>>
        %dma_start3A_163 = arith.constant 0 : i32
        %dma_start3A_164 = tpu.memref_slice %arg11[%dma_start3A_163] : memref<102400xf32, #tpu.memory_space<vmem_shared>> -> memref<102400xf32, #tpu.memory_space<vmem_shared>>
        tpu.enqueue_indirect_dma source(%arg16 : memref<4000xf32, #tpu.memory_space<vmem>>) target(%dma_start3A_164 : memref<102400xf32, #tpu.memory_space<vmem_shared>>) offsets(%arg15 : memref<4000xi32, #tpu.memory_space<vmem>>) semaphore(%run_scoped3A : memref<!tpu.dma_semaphore, #tpu.memory_space<semaphore_mem>>) {add = true}
        %dma_wait3A_165 = arith.constant 0 : i32
        %dma_wait3A_166 = tpu.memref_slice %arg11[%dma_wait3A_165] : memref<102400xf32, #tpu.memory_space<vmem_shared>> -> memref<102400xf32, #tpu.memory_space<vmem_shared>>
        tpu.wait_indirect_dma semaphore(%run_scoped3A : memref<!tpu.dma_semaphore, #tpu.memory_space<semaphore_mem>>) src(%arg16 : memref<4000xf32, #tpu.memory_space<vmem>>) dst(%dma_wait3A_166 : memref<102400xf32, #tpu.memory_space<vmem_shared>>)
        tpu.yield
      }) : () -> ()
    }
    %scan3A_62 = arith.constant 25 : i32
    %barrier3A_63 = arith.constant 0 : index
    tpu.barrier barrier_id(%barrier3A_63)
    %dma_start3A_64 = tpu.memref_slice %arg9[%mul3A_0] : memref<102400xf32, #tpu.memory_space<vmem_shared>> -> memref<6400xf32, #tpu.memory_space<vmem_shared>>
    %dma_start3A_65 = tpu.memref_slice %arg9[%mul3A_0] : memref<102400xf32, #tpu.memory_space<vmem_shared>> -> memref<6400xf32, #tpu.memory_space<vmem_shared>>
    tpu.enqueue_dma source(%dma_start3A_65 : memref<6400xf32, #tpu.memory_space<vmem_shared>>) target(%arg18 : memref<6400xf32, #tpu.memory_space<vmem>>) target_semaphore(%arg28 : memref<!tpu.dma_semaphore, #tpu.memory_space<semaphore_mem>>)
    %dma_start3A_66 = tpu.memref_slice %arg10[%mul3A_0] : memref<102400xf32, #tpu.memory_space<vmem_shared>> -> memref<6400xf32, #tpu.memory_space<vmem_shared>>
    %dma_start3A_67 = tpu.memref_slice %arg10[%mul3A_0] : memref<102400xf32, #tpu.memory_space<vmem_shared>> -> memref<6400xf32, #tpu.memory_space<vmem_shared>>
    tpu.enqueue_dma source(%dma_start3A_67 : memref<6400xf32, #tpu.memory_space<vmem_shared>>) target(%arg19 : memref<6400xf32, #tpu.memory_space<vmem>>) target_semaphore(%arg29 : memref<!tpu.dma_semaphore, #tpu.memory_space<semaphore_mem>>)
    %dma_start3A_68 = tpu.memref_slice %arg11[%mul3A_0] : memref<102400xf32, #tpu.memory_space<vmem_shared>> -> memref<6400xf32, #tpu.memory_space<vmem_shared>>
    %dma_start3A_69 = tpu.memref_slice %arg11[%mul3A_0] : memref<102400xf32, #tpu.memory_space<vmem_shared>> -> memref<6400xf32, #tpu.memory_space<vmem_shared>>
    tpu.enqueue_dma source(%dma_start3A_69 : memref<6400xf32, #tpu.memory_space<vmem_shared>>) target(%arg20 : memref<6400xf32, #tpu.memory_space<vmem>>) target_semaphore(%arg30 : memref<!tpu.dma_semaphore, #tpu.memory_space<semaphore_mem>>)
    %mul3A_70 = arith.constant 3 : i32
    %mul3A_71 = arith.muli %arg0, %mul3A_70 : i32
    %add3A_72 = arith.constant 0 : i32
    %add3A_73 = arith.addi %mul3A_71, %add3A_72 : i32
    %mul3A_74 = arith.constant 102400 : i32
    %mul3A_75 = arith.muli %add3A_73, %mul3A_74 : i32
    %add3A_76 = arith.addi %mul3A_75, %mul3A_0 : i32
    %mul3A_77 = arith.constant 3 : i32
    %mul3A_78 = arith.muli %arg0, %mul3A_77 : i32
    %add3A_79 = arith.constant 1 : i32
    %add3A_80 = arith.addi %mul3A_78, %add3A_79 : i32
    %mul3A_81 = arith.constant 102400 : i32
    %mul3A_82 = arith.muli %add3A_80, %mul3A_81 : i32
    %add3A_83 = arith.addi %mul3A_82, %mul3A_0 : i32
    %mul3A_84 = arith.constant 3 : i32
    %mul3A_85 = arith.muli %arg0, %mul3A_84 : i32
    %add3A_86 = arith.constant 2 : i32
    %add3A_87 = arith.addi %mul3A_85, %add3A_86 : i32
    %mul3A_88 = arith.constant 102400 : i32
    %mul3A_89 = arith.muli %add3A_87, %mul3A_88 : i32
    %add3A_90 = arith.addi %mul3A_89, %mul3A_0 : i32
    %dma_wait3A_91 = tpu.memref_slice %arg9[%mul3A_0] : memref<102400xf32, #tpu.memory_space<vmem_shared>> -> memref<6400xf32, #tpu.memory_space<vmem_shared>>
    %dma_wait3A_92 = tpu.memref_slice %arg9[%mul3A_0] : memref<102400xf32, #tpu.memory_space<vmem_shared>> -> memref<6400xf32, #tpu.memory_space<vmem_shared>>
    tpu.wait_dma2 semaphore(%arg28 : memref<!tpu.dma_semaphore, #tpu.memory_space<semaphore_mem>>) src(%dma_wait3A_92 : memref<6400xf32, #tpu.memory_space<vmem_shared>>) dst(%arg18 : memref<6400xf32, #tpu.memory_space<vmem>>)
    %dma_start3A_93 = tpu.memref_slice %arg5[%add3A_76] : memref<614400xf32, #tpu.memory_space<hbm>> -> memref<6400xf32, #tpu.memory_space<hbm>>
    %dma_start3A_94 = tpu.memref_slice %arg5[%add3A_76] : memref<614400xf32, #tpu.memory_space<hbm>> -> memref<6400xf32, #tpu.memory_space<hbm>>
    tpu.enqueue_dma source(%arg18 : memref<6400xf32, #tpu.memory_space<vmem>>) target(%dma_start3A_94 : memref<6400xf32, #tpu.memory_space<hbm>>) target_semaphore(%arg31 : memref<!tpu.dma_semaphore, #tpu.memory_space<semaphore_mem>>)
    %dma_wait3A_95 = tpu.memref_slice %arg10[%mul3A_0] : memref<102400xf32, #tpu.memory_space<vmem_shared>> -> memref<6400xf32, #tpu.memory_space<vmem_shared>>
    %dma_wait3A_96 = tpu.memref_slice %arg10[%mul3A_0] : memref<102400xf32, #tpu.memory_space<vmem_shared>> -> memref<6400xf32, #tpu.memory_space<vmem_shared>>
    tpu.wait_dma2 semaphore(%arg29 : memref<!tpu.dma_semaphore, #tpu.memory_space<semaphore_mem>>) src(%dma_wait3A_96 : memref<6400xf32, #tpu.memory_space<vmem_shared>>) dst(%arg19 : memref<6400xf32, #tpu.memory_space<vmem>>)
    %dma_start3A_97 = tpu.memref_slice %arg5[%add3A_83] : memref<614400xf32, #tpu.memory_space<hbm>> -> memref<6400xf32, #tpu.memory_space<hbm>>
    %dma_start3A_98 = tpu.memref_slice %arg5[%add3A_83] : memref<614400xf32, #tpu.memory_space<hbm>> -> memref<6400xf32, #tpu.memory_space<hbm>>
    tpu.enqueue_dma source(%arg19 : memref<6400xf32, #tpu.memory_space<vmem>>) target(%dma_start3A_98 : memref<6400xf32, #tpu.memory_space<hbm>>) target_semaphore(%arg31 : memref<!tpu.dma_semaphore, #tpu.memory_space<semaphore_mem>>)
    %dma_wait3A_99 = tpu.memref_slice %arg11[%mul3A_0] : memref<102400xf32, #tpu.memory_space<vmem_shared>> -> memref<6400xf32, #tpu.memory_space<vmem_shared>>
    %dma_wait3A_100 = tpu.memref_slice %arg11[%mul3A_0] : memref<102400xf32, #tpu.memory_space<vmem_shared>> -> memref<6400xf32, #tpu.memory_space<vmem_shared>>
    tpu.wait_dma2 semaphore(%arg30 : memref<!tpu.dma_semaphore, #tpu.memory_space<semaphore_mem>>) src(%dma_wait3A_100 : memref<6400xf32, #tpu.memory_space<vmem_shared>>) dst(%arg20 : memref<6400xf32, #tpu.memory_space<vmem>>)
    %dma_start3A_101 = tpu.memref_slice %arg5[%add3A_90] : memref<614400xf32, #tpu.memory_space<hbm>> -> memref<6400xf32, #tpu.memory_space<hbm>>
    %dma_start3A_102 = tpu.memref_slice %arg5[%add3A_90] : memref<614400xf32, #tpu.memory_space<hbm>> -> memref<6400xf32, #tpu.memory_space<hbm>>
    tpu.enqueue_dma source(%arg20 : memref<6400xf32, #tpu.memory_space<vmem>>) target(%dma_start3A_102 : memref<6400xf32, #tpu.memory_space<hbm>>) target_semaphore(%arg31 : memref<!tpu.dma_semaphore, #tpu.memory_space<semaphore_mem>>)
    %dma_wait3A_103 = tpu.memref_slice %arg5[%add3A_76] : memref<614400xf32, #tpu.memory_space<hbm>> -> memref<6400xf32, #tpu.memory_space<hbm>>
    %dma_wait3A_104 = tpu.memref_slice %arg5[%add3A_76] : memref<614400xf32, #tpu.memory_space<hbm>> -> memref<6400xf32, #tpu.memory_space<hbm>>
    tpu.wait_dma2 semaphore(%arg31 : memref<!tpu.dma_semaphore, #tpu.memory_space<semaphore_mem>>) src(%arg18 : memref<6400xf32, #tpu.memory_space<vmem>>) dst(%dma_wait3A_104 : memref<6400xf32, #tpu.memory_space<hbm>>)
    %dma_wait3A_105 = tpu.memref_slice %arg5[%add3A_83] : memref<614400xf32, #tpu.memory_space<hbm>> -> memref<6400xf32, #tpu.memory_space<hbm>>
    %dma_wait3A_106 = tpu.memref_slice %arg5[%add3A_83] : memref<614400xf32, #tpu.memory_space<hbm>> -> memref<6400xf32, #tpu.memory_space<hbm>>
    tpu.wait_dma2 semaphore(%arg31 : memref<!tpu.dma_semaphore, #tpu.memory_space<semaphore_mem>>) src(%arg19 : memref<6400xf32, #tpu.memory_space<vmem>>) dst(%dma_wait3A_106 : memref<6400xf32, #tpu.memory_space<hbm>>)
    %dma_wait3A_107 = tpu.memref_slice %arg5[%add3A_90] : memref<614400xf32, #tpu.memory_space<hbm>> -> memref<6400xf32, #tpu.memory_space<hbm>>
    %dma_wait3A_108 = tpu.memref_slice %arg5[%add3A_90] : memref<614400xf32, #tpu.memory_space<hbm>> -> memref<6400xf32, #tpu.memory_space<hbm>>
    tpu.wait_dma2 semaphore(%arg31 : memref<!tpu.dma_semaphore, #tpu.memory_space<semaphore_mem>>) src(%arg20 : memref<6400xf32, #tpu.memory_space<vmem>>) dst(%dma_wait3A_108 : memref<6400xf32, #tpu.memory_space<hbm>>)
    return
  }
}

#map = affine_map<(d0, d1) -> (0)>
module attributes {stable_mosaic.version = 14 : i64} {
  func.func @agg_kernel(%arg0: i32, %arg1: i32, %arg2: memref<6400000xi32, #tpu.memory_space<hbm>>, %arg3: memref<6400000xi32, #tpu.memory_space<hbm>>, %arg4: memref<102400xf32, #tpu.memory_space<hbm>>, %arg5: memref<204800xf32, #tpu.memory_space<hbm>>, %arg6: memref<102400xf32, #tpu.memory_space<vmem_shared>>, %arg7: memref<102400xf32, #tpu.memory_space<vmem_shared>>, %arg8: memref<4000xi32, #tpu.memory_space<vmem>>, %arg9: memref<4000xi32, #tpu.memory_space<vmem>>, %arg10: memref<4000xi32, #tpu.memory_space<vmem>>, %arg11: memref<4000xi32, #tpu.memory_space<vmem>>, %arg12: memref<4000xf32, #tpu.memory_space<vmem>>, %arg13: memref<4000xf32, #tpu.memory_space<vmem>>, %arg14: memref<6400xf32, #tpu.memory_space<vmem>>, %arg15: memref<6400xf32, #tpu.memory_space<vmem>>, %arg16: memref<6400xf32, #tpu.memory_space<vmem>>, %arg17: memref<6400xf32, #tpu.memory_space<vmem>>, %arg18: memref<!tpu.dma_semaphore, #tpu.memory_space<semaphore_mem>>, %arg19: memref<!tpu.dma_semaphore, #tpu.memory_space<semaphore_mem>>, %arg20: memref<!tpu.dma_semaphore, #tpu.memory_space<semaphore_mem>>, %arg21: memref<!tpu.dma_semaphore, #tpu.memory_space<semaphore_mem>>, %arg22: memref<!tpu.dma_semaphore, #tpu.memory_space<semaphore_mem>>, %arg23: memref<!tpu.dma_semaphore, #tpu.memory_space<semaphore_mem>>, %arg24: memref<!tpu.dma_semaphore, #tpu.memory_space<semaphore_mem>>, %arg25: memref<!tpu.dma_semaphore, #tpu.memory_space<semaphore_mem>>, %arg26: memref<!tpu.dma_semaphore, #tpu.memory_space<semaphore_mem>>, %arg27: memref<!tpu.dma_semaphore, #tpu.memory_space<semaphore_mem>>, %arg28: memref<!tpu.dma_semaphore, #tpu.memory_space<semaphore_mem>>) attributes {dimension_semantics = [#tpu.dimension_semantics<core_parallel>, #tpu.dimension_semantics<subcore_parallel>], iteration_bounds = array<i64: 2, 16>, scalar_prefetch = 0 : i64, scratch_operands = 23 : i64, tpu.core_type = #tpu.core_type<sc_vector_subcore>, window_params = [{transform_indices = #map}, {transform_indices = #map}, {transform_indices = #map}, {transform_indices = #map}]} {
    %mul3A = arith.constant 6400 : i32
    %mul3A_0 = arith.muli %arg1, %mul3A : i32
    %add3A = arith.constant 0 : i32
    %add3A_1 = arith.addi %add3A, %mul3A_0 : i32
    %dma_start3A = tpu.memref_slice %arg4[%add3A_1] : memref<102400xf32, #tpu.memory_space<hbm>> -> memref<6400xf32, #tpu.memory_space<hbm>>
    %dma_start3A_2 = tpu.memref_slice %arg4[%add3A_1] : memref<102400xf32, #tpu.memory_space<hbm>> -> memref<6400xf32, #tpu.memory_space<hbm>>
    tpu.enqueue_dma source(%dma_start3A_2 : memref<6400xf32, #tpu.memory_space<hbm>>) target(%arg14 : memref<6400xf32, #tpu.memory_space<vmem>>) target_semaphore(%arg24 : memref<!tpu.dma_semaphore, #tpu.memory_space<semaphore_mem>>)
    %broadcast_in_dim3A = arith.constant 0.000000e+00 : f32
    %broadcast_in_dim3A_3 = vector.broadcast %broadcast_in_dim3A : f32 to vector<16xf32>
    %scan3A = arith.constant 0 : i32
    %scan3A_4 = arith.constant 0 : i32
    %scan3A_5 = arith.constant 400 : i32
    %scan3A_6 = arith.addi %scan3A_4, %scan3A_5 : i32
    %scan3A_7 = arith.constant 1 : i32
    scf.for %scan3A_51 = %scan3A_4 to %scan3A_6 step %scan3A_7  : i32 {
      %mul3A_52 = arith.constant 16 : i32
      %mul3A_53 = arith.muli %scan3A_51, %mul3A_52 : i32
      %swap3A = arith.index_cast %mul3A_53 : i32 to index
      %swap3A_54 = tpu.vector_load %arg17[%swap3A] {strides = array<i32>} : memref<6400xf32, #tpu.memory_space<vmem>>, vector<16xf32>,
      %swap3A_55 = vector.shape_cast %swap3A_54 : vector<16xf32> to vector<16xf32>
      %swap3A_56 = vector.shape_cast %broadcast_in_dim3A_3 : vector<16xf32> to vector<16xf32>
      tpu.vector_store %arg17[%swap3A], %swap3A_56 {strides = array<i32>} : memref<6400xf32, #tpu.memory_space<vmem>>, vector<16xf32>,
    }
    %scan3A_8 = arith.constant 400 : i32
    %dma_start3A_9 = tpu.memref_slice %arg7[%mul3A_0] : memref<102400xf32, #tpu.memory_space<vmem_shared>> -> memref<6400xf32, #tpu.memory_space<vmem_shared>>
    %dma_start3A_10 = tpu.memref_slice %arg7[%mul3A_0] : memref<102400xf32, #tpu.memory_space<vmem_shared>> -> memref<6400xf32, #tpu.memory_space<vmem_shared>>
    tpu.enqueue_dma source(%arg17 : memref<6400xf32, #tpu.memory_space<vmem>>) target(%dma_start3A_10 : memref<6400xf32, #tpu.memory_space<vmem_shared>>) target_semaphore(%arg28 : memref<!tpu.dma_semaphore, #tpu.memory_space<semaphore_mem>>)
    %dma_wait3A = tpu.memref_slice %arg4[%add3A_1] : memref<102400xf32, #tpu.memory_space<hbm>> -> memref<6400xf32, #tpu.memory_space<hbm>>
    %dma_wait3A_11 = tpu.memref_slice %arg4[%add3A_1] : memref<102400xf32, #tpu.memory_space<hbm>> -> memref<6400xf32, #tpu.memory_space<hbm>>
    tpu.wait_dma2 semaphore(%arg24 : memref<!tpu.dma_semaphore, #tpu.memory_space<semaphore_mem>>) src(%dma_wait3A_11 : memref<6400xf32, #tpu.memory_space<hbm>>) dst(%arg14 : memref<6400xf32, #tpu.memory_space<vmem>>)
    %dma_start3A_12 = tpu.memref_slice %arg6[%mul3A_0] : memref<102400xf32, #tpu.memory_space<vmem_shared>> -> memref<6400xf32, #tpu.memory_space<vmem_shared>>
    %dma_start3A_13 = tpu.memref_slice %arg6[%mul3A_0] : memref<102400xf32, #tpu.memory_space<vmem_shared>> -> memref<6400xf32, #tpu.memory_space<vmem_shared>>
    tpu.enqueue_dma source(%arg14 : memref<6400xf32, #tpu.memory_space<vmem>>) target(%dma_start3A_13 : memref<6400xf32, #tpu.memory_space<vmem_shared>>) target_semaphore(%arg27 : memref<!tpu.dma_semaphore, #tpu.memory_space<semaphore_mem>>)
    %dma_wait3A_14 = tpu.memref_slice %arg7[%mul3A_0] : memref<102400xf32, #tpu.memory_space<vmem_shared>> -> memref<6400xf32, #tpu.memory_space<vmem_shared>>
    %dma_wait3A_15 = tpu.memref_slice %arg7[%mul3A_0] : memref<102400xf32, #tpu.memory_space<vmem_shared>> -> memref<6400xf32, #tpu.memory_space<vmem_shared>>
    tpu.wait_dma2 semaphore(%arg28 : memref<!tpu.dma_semaphore, #tpu.memory_space<semaphore_mem>>) src(%arg17 : memref<6400xf32, #tpu.memory_space<vmem>>) dst(%dma_wait3A_15 : memref<6400xf32, #tpu.memory_space<vmem_shared>>)
    %dma_wait3A_16 = tpu.memref_slice %arg6[%mul3A_0] : memref<102400xf32, #tpu.memory_space<vmem_shared>> -> memref<6400xf32, #tpu.memory_space<vmem_shared>>
    %dma_wait3A_17 = tpu.memref_slice %arg6[%mul3A_0] : memref<102400xf32, #tpu.memory_space<vmem_shared>> -> memref<6400xf32, #tpu.memory_space<vmem_shared>>
    tpu.wait_dma2 semaphore(%arg27 : memref<!tpu.dma_semaphore, #tpu.memory_space<semaphore_mem>>) src(%arg14 : memref<6400xf32, #tpu.memory_space<vmem>>) dst(%dma_wait3A_17 : memref<6400xf32, #tpu.memory_space<vmem_shared>>)
    %barrier3A = arith.constant 0 : index
    tpu.barrier barrier_id(%barrier3A)
    %mul3A_18 = arith.constant 16 : i32
    %mul3A_19 = arith.muli %arg0, %mul3A_18 : i32
    %add3A_20 = arith.addi %mul3A_19, %arg1 : i32
    %mul3A_21 = arith.constant 200000 : i32
    %mul3A_22 = arith.muli %add3A_20, %mul3A_21 : i32
    %add3A_23 = arith.constant 0 : i32
    %add3A_24 = arith.addi %mul3A_22, %add3A_23 : i32
    %dma_start3A_25 = tpu.memref_slice %arg2[%add3A_24] : memref<6400000xi32, #tpu.memory_space<hbm>> -> memref<4000xi32, #tpu.memory_space<hbm>>
    %dma_start3A_26 = tpu.memref_slice %arg2[%add3A_24] : memref<6400000xi32, #tpu.memory_space<hbm>> -> memref<4000xi32, #tpu.memory_space<hbm>>
    tpu.enqueue_dma source(%dma_start3A_26 : memref<4000xi32, #tpu.memory_space<hbm>>) target(%arg8 : memref<4000xi32, #tpu.memory_space<vmem>>) target_semaphore(%arg18 : memref<!tpu.dma_semaphore, #tpu.memory_space<semaphore_mem>>)
    %dma_start3A_27 = tpu.memref_slice %arg3[%add3A_24] : memref<6400000xi32, #tpu.memory_space<hbm>> -> memref<4000xi32, #tpu.memory_space<hbm>>
    %dma_start3A_28 = tpu.memref_slice %arg3[%add3A_24] : memref<6400000xi32, #tpu.memory_space<hbm>> -> memref<4000xi32, #tpu.memory_space<hbm>>
    tpu.enqueue_dma source(%dma_start3A_28 : memref<4000xi32, #tpu.memory_space<hbm>>) target(%arg10 : memref<4000xi32, #tpu.memory_space<vmem>>) target_semaphore(%arg20 : memref<!tpu.dma_semaphore, #tpu.memory_space<semaphore_mem>>)
    %scan3A_29 = arith.constant 0 : i32
    %scan3A_30 = arith.constant 0 : i32
    %scan3A_31 = arith.constant 25 : i32
    %scan3A_32 = arith.addi %scan3A_30, %scan3A_31 : i32
    %scan3A_33 = arith.constant 1 : i32
    scf.for %scan3A_51 = %scan3A_30 to %scan3A_32 step %scan3A_33  : i32 {
      %mul3A_52 = arith.constant 2 : i32
      %mul3A_53 = arith.muli %scan3A_51, %mul3A_52 : i32
      %add3A_54 = arith.constant 1 : i32
      %add3A_55 = arith.addi %mul3A_53, %add3A_54 : i32
      %mul3A_56 = arith.constant 4000 : i32
      %mul3A_57 = arith.muli %add3A_55, %mul3A_56 : i32
      %add3A_58 = arith.addi %mul3A_22, %mul3A_57 : i32
      %dma_start3A_59 = tpu.memref_slice %arg2[%add3A_58] : memref<6400000xi32, #tpu.memory_space<hbm>> -> memref<4000xi32, #tpu.memory_space<hbm>>
      %dma_start3A_60 = tpu.memref_slice %arg2[%add3A_58] : memref<6400000xi32, #tpu.memory_space<hbm>> -> memref<4000xi32, #tpu.memory_space<hbm>>
      tpu.enqueue_dma source(%dma_start3A_60 : memref<4000xi32, #tpu.memory_space<hbm>>) target(%arg9 : memref<4000xi32, #tpu.memory_space<vmem>>) target_semaphore(%arg19 : memref<!tpu.dma_semaphore, #tpu.memory_space<semaphore_mem>>)
      %dma_start3A_61 = tpu.memref_slice %arg3[%add3A_58] : memref<6400000xi32, #tpu.memory_space<hbm>> -> memref<4000xi32, #tpu.memory_space<hbm>>
      %dma_start3A_62 = tpu.memref_slice %arg3[%add3A_58] : memref<6400000xi32, #tpu.memory_space<hbm>> -> memref<4000xi32, #tpu.memory_space<hbm>>
      tpu.enqueue_dma source(%dma_start3A_62 : memref<4000xi32, #tpu.memory_space<hbm>>) target(%arg11 : memref<4000xi32, #tpu.memory_space<vmem>>) target_semaphore(%arg21 : memref<!tpu.dma_semaphore, #tpu.memory_space<semaphore_mem>>)
      %mul3A_63 = arith.constant 4000 : i32
      %mul3A_64 = arith.muli %mul3A_53, %mul3A_63 : i32
      %add3A_65 = arith.addi %mul3A_22, %mul3A_64 : i32
      %dma_wait3A_66 = tpu.memref_slice %arg2[%add3A_65] : memref<6400000xi32, #tpu.memory_space<hbm>> -> memref<4000xi32, #tpu.memory_space<hbm>>
      %dma_wait3A_67 = tpu.memref_slice %arg2[%add3A_65] : memref<6400000xi32, #tpu.memory_space<hbm>> -> memref<4000xi32, #tpu.memory_space<hbm>>
      tpu.wait_dma2 semaphore(%arg18 : memref<!tpu.dma_semaphore, #tpu.memory_space<semaphore_mem>>) src(%dma_wait3A_67 : memref<4000xi32, #tpu.memory_space<hbm>>) dst(%arg8 : memref<4000xi32, #tpu.memory_space<vmem>>)
      %dma_wait3A_68 = tpu.memref_slice %arg3[%add3A_65] : memref<6400000xi32, #tpu.memory_space<hbm>> -> memref<4000xi32, #tpu.memory_space<hbm>>
      %dma_wait3A_69 = tpu.memref_slice %arg3[%add3A_65] : memref<6400000xi32, #tpu.memory_space<hbm>> -> memref<4000xi32, #tpu.memory_space<hbm>>
      tpu.wait_dma2 semaphore(%arg20 : memref<!tpu.dma_semaphore, #tpu.memory_space<semaphore_mem>>) src(%dma_wait3A_69 : memref<4000xi32, #tpu.memory_space<hbm>>) dst(%arg10 : memref<4000xi32, #tpu.memory_space<vmem>>)
      %dma_start3A_70 = arith.constant 0 : i32
      %dma_start3A_71 = tpu.memref_slice %arg6[%dma_start3A_70] : memref<102400xf32, #tpu.memory_space<vmem_shared>> -> memref<102400xf32, #tpu.memory_space<vmem_shared>>
      tpu.enqueue_indirect_dma source(%dma_start3A_71 : memref<102400xf32, #tpu.memory_space<vmem_shared>>) target(%arg12 : memref<4000xf32, #tpu.memory_space<vmem>>) offsets(%arg8 : memref<4000xi32, #tpu.memory_space<vmem>>) semaphore(%arg22 : memref<!tpu.dma_semaphore, #tpu.memory_space<semaphore_mem>>)
      %dma_wait3A_72 = arith.constant 0 : i32
      %dma_wait3A_73 = tpu.memref_slice %arg6[%dma_wait3A_72] : memref<102400xf32, #tpu.memory_space<vmem_shared>> -> memref<102400xf32, #tpu.memory_space<vmem_shared>>
      tpu.wait_indirect_dma semaphore(%arg22 : memref<!tpu.dma_semaphore, #tpu.memory_space<semaphore_mem>>) src(%dma_wait3A_73 : memref<102400xf32, #tpu.memory_space<vmem_shared>>) dst(%arg12 : memref<4000xf32, #tpu.memory_space<vmem>>)
      "tpu.region"() ({
        %run_scoped3A = tpu.sem_alloc : memref<!tpu.dma_semaphore, #tpu.memory_space<semaphore_mem>>
        %dma_start3A_89 = arith.constant 0 : i32
        %dma_start3A_90 = tpu.memref_slice %arg7[%dma_start3A_89] : memref<102400xf32, #tpu.memory_space<vmem_shared>> -> memref<102400xf32, #tpu.memory_space<vmem_shared>>
        tpu.enqueue_indirect_dma source(%arg12 : memref<4000xf32, #tpu.memory_space<vmem>>) target(%dma_start3A_90 : memref<102400xf32, #tpu.memory_space<vmem_shared>>) offsets(%arg10 : memref<4000xi32, #tpu.memory_space<vmem>>) semaphore(%run_scoped3A : memref<!tpu.dma_semaphore, #tpu.memory_space<semaphore_mem>>) {add = true}
        %dma_wait3A_91 = arith.constant 0 : i32
        %dma_wait3A_92 = tpu.memref_slice %arg7[%dma_wait3A_91] : memref<102400xf32, #tpu.memory_space<vmem_shared>> -> memref<102400xf32, #tpu.memory_space<vmem_shared>>
        tpu.wait_indirect_dma semaphore(%run_scoped3A : memref<!tpu.dma_semaphore, #tpu.memory_space<semaphore_mem>>) src(%arg12 : memref<4000xf32, #tpu.memory_space<vmem>>) dst(%dma_wait3A_92 : memref<102400xf32, #tpu.memory_space<vmem_shared>>)
        tpu.yield
      }) : () -> ()
      %lt3A = arith.constant 24 : i32
      %lt3A_74 = arith.cmpi slt, %scan3A_51, %lt3A : i32
      %convert_element_type3A = arith.extui %lt3A_74 : i1 to i32
      %cond3A = arith.constant 0 : i32
      %cond3A_75 = arith.cmpi ne, %convert_element_type3A, %cond3A : i32
      scf.if %cond3A_75 {
        %add3A_89 = arith.constant 2 : i32
        %add3A_90 = arith.addi %mul3A_53, %add3A_89 : i32
        %mul3A_91 = arith.constant 4000 : i32
        %mul3A_92 = arith.muli %add3A_90, %mul3A_91 : i32
        %add3A_93 = arith.addi %mul3A_22, %mul3A_92 : i32
        %dma_start3A_94 = tpu.memref_slice %arg2[%add3A_93] : memref<6400000xi32, #tpu.memory_space<hbm>> -> memref<4000xi32, #tpu.memory_space<hbm>>
        %dma_start3A_95 = tpu.memref_slice %arg2[%add3A_93] : memref<6400000xi32, #tpu.memory_space<hbm>> -> memref<4000xi32, #tpu.memory_space<hbm>>
        tpu.enqueue_dma source(%dma_start3A_95 : memref<4000xi32, #tpu.memory_space<hbm>>) target(%arg8 : memref<4000xi32, #tpu.memory_space<vmem>>) target_semaphore(%arg18 : memref<!tpu.dma_semaphore, #tpu.memory_space<semaphore_mem>>)
        %dma_start3A_96 = tpu.memref_slice %arg3[%add3A_93] : memref<6400000xi32, #tpu.memory_space<hbm>> -> memref<4000xi32, #tpu.memory_space<hbm>>
        %dma_start3A_97 = tpu.memref_slice %arg3[%add3A_93] : memref<6400000xi32, #tpu.memory_space<hbm>> -> memref<4000xi32, #tpu.memory_space<hbm>>
        tpu.enqueue_dma source(%dma_start3A_97 : memref<4000xi32, #tpu.memory_space<hbm>>) target(%arg10 : memref<4000xi32, #tpu.memory_space<vmem>>) target_semaphore(%arg20 : memref<!tpu.dma_semaphore, #tpu.memory_space<semaphore_mem>>)
      } else {
      }
      %add3A_76 = arith.constant 1 : i32
      %add3A_77 = arith.addi %mul3A_53, %add3A_76 : i32
      %mul3A_78 = arith.constant 4000 : i32
      %mul3A_79 = arith.muli %add3A_77, %mul3A_78 : i32
      %add3A_80 = arith.addi %mul3A_22, %mul3A_79 : i32
      %dma_wait3A_81 = tpu.memref_slice %arg2[%add3A_80] : memref<6400000xi32, #tpu.memory_space<hbm>> -> memref<4000xi32, #tpu.memory_space<hbm>>
      %dma_wait3A_82 = tpu.memref_slice %arg2[%add3A_80] : memref<6400000xi32, #tpu.memory_space<hbm>> -> memref<4000xi32, #tpu.memory_space<hbm>>
      tpu.wait_dma2 semaphore(%arg19 : memref<!tpu.dma_semaphore, #tpu.memory_space<semaphore_mem>>) src(%dma_wait3A_82 : memref<4000xi32, #tpu.memory_space<hbm>>) dst(%arg9 : memref<4000xi32, #tpu.memory_space<vmem>>)
      %dma_wait3A_83 = tpu.memref_slice %arg3[%add3A_80] : memref<6400000xi32, #tpu.memory_space<hbm>> -> memref<4000xi32, #tpu.memory_space<hbm>>
      %dma_wait3A_84 = tpu.memref_slice %arg3[%add3A_80] : memref<6400000xi32, #tpu.memory_space<hbm>> -> memref<4000xi32, #tpu.memory_space<hbm>>
      tpu.wait_dma2 semaphore(%arg21 : memref<!tpu.dma_semaphore, #tpu.memory_space<semaphore_mem>>) src(%dma_wait3A_84 : memref<4000xi32, #tpu.memory_space<hbm>>) dst(%arg11 : memref<4000xi32, #tpu.memory_space<vmem>>)
      %dma_start3A_85 = arith.constant 0 : i32
      %dma_start3A_86 = tpu.memref_slice %arg6[%dma_start3A_85] : memref<102400xf32, #tpu.memory_space<vmem_shared>> -> memref<102400xf32, #tpu.memory_space<vmem_shared>>
      tpu.enqueue_indirect_dma source(%dma_start3A_86 : memref<102400xf32, #tpu.memory_space<vmem_shared>>) target(%arg12 : memref<4000xf32, #tpu.memory_space<vmem>>) offsets(%arg9 : memref<4000xi32, #tpu.memory_space<vmem>>) semaphore(%arg22 : memref<!tpu.dma_semaphore, #tpu.memory_space<semaphore_mem>>)
      %dma_wait3A_87 = arith.constant 0 : i32
      %dma_wait3A_88 = tpu.memref_slice %arg6[%dma_wait3A_87] : memref<102400xf32, #tpu.memory_space<vmem_shared>> -> memref<102400xf32, #tpu.memory_space<vmem_shared>>
      tpu.wait_indirect_dma semaphore(%arg22 : memref<!tpu.dma_semaphore, #tpu.memory_space<semaphore_mem>>) src(%dma_wait3A_88 : memref<102400xf32, #tpu.memory_space<vmem_shared>>) dst(%arg12 : memref<4000xf32, #tpu.memory_space<vmem>>)
      "tpu.region"() ({
        %run_scoped3A = tpu.sem_alloc : memref<!tpu.dma_semaphore, #tpu.memory_space<semaphore_mem>>
        %dma_start3A_89 = arith.constant 0 : i32
        %dma_start3A_90 = tpu.memref_slice %arg7[%dma_start3A_89] : memref<102400xf32, #tpu.memory_space<vmem_shared>> -> memref<102400xf32, #tpu.memory_space<vmem_shared>>
        tpu.enqueue_indirect_dma source(%arg12 : memref<4000xf32, #tpu.memory_space<vmem>>) target(%dma_start3A_90 : memref<102400xf32, #tpu.memory_space<vmem_shared>>) offsets(%arg11 : memref<4000xi32, #tpu.memory_space<vmem>>) semaphore(%run_scoped3A : memref<!tpu.dma_semaphore, #tpu.memory_space<semaphore_mem>>) {add = true}
        %dma_wait3A_91 = arith.constant 0 : i32
        %dma_wait3A_92 = tpu.memref_slice %arg7[%dma_wait3A_91] : memref<102400xf32, #tpu.memory_space<vmem_shared>> -> memref<102400xf32, #tpu.memory_space<vmem_shared>>
        tpu.wait_indirect_dma semaphore(%run_scoped3A : memref<!tpu.dma_semaphore, #tpu.memory_space<semaphore_mem>>) src(%arg12 : memref<4000xf32, #tpu.memory_space<vmem>>) dst(%dma_wait3A_92 : memref<102400xf32, #tpu.memory_space<vmem_shared>>)
        tpu.yield
      }) : () -> ()
    }
    %scan3A_34 = arith.constant 25 : i32
    %barrier3A_35 = arith.constant 0 : index
    tpu.barrier barrier_id(%barrier3A_35)
    %dma_start3A_36 = tpu.memref_slice %arg7[%mul3A_0] : memref<102400xf32, #tpu.memory_space<vmem_shared>> -> memref<6400xf32, #tpu.memory_space<vmem_shared>>
    %dma_start3A_37 = tpu.memref_slice %arg7[%mul3A_0] : memref<102400xf32, #tpu.memory_space<vmem_shared>> -> memref<6400xf32, #tpu.memory_space<vmem_shared>>
    tpu.enqueue_dma source(%dma_start3A_37 : memref<6400xf32, #tpu.memory_space<vmem_shared>>) target(%arg14 : memref<6400xf32, #tpu.memory_space<vmem>>) target_semaphore(%arg24 : memref<!tpu.dma_semaphore, #tpu.memory_space<semaphore_mem>>)
    %mul3A_38 = arith.constant 1 : i32
    %mul3A_39 = arith.muli %arg0, %mul3A_38 : i32
    %add3A_40 = arith.constant 0 : i32
    %add3A_41 = arith.addi %mul3A_39, %add3A_40 : i32
    %mul3A_42 = arith.constant 102400 : i32
    %mul3A_43 = arith.muli %add3A_41, %mul3A_42 : i32
    %add3A_44 = arith.addi %mul3A_43, %mul3A_0 : i32
    %dma_wait3A_45 = tpu.memref_slice %arg7[%mul3A_0] : memref<102400xf32, #tpu.memory_space<vmem_shared>> -> memref<6400xf32, #tpu.memory_space<vmem_shared>>
    %dma_wait3A_46 = tpu.memref_slice %arg7[%mul3A_0] : memref<102400xf32, #tpu.memory_space<vmem_shared>> -> memref<6400xf32, #tpu.memory_space<vmem_shared>>
    tpu.wait_dma2 semaphore(%arg24 : memref<!tpu.dma_semaphore, #tpu.memory_space<semaphore_mem>>) src(%dma_wait3A_46 : memref<6400xf32, #tpu.memory_space<vmem_shared>>) dst(%arg14 : memref<6400xf32, #tpu.memory_space<vmem>>)
    %dma_start3A_47 = tpu.memref_slice %arg5[%add3A_44] : memref<204800xf32, #tpu.memory_space<hbm>> -> memref<6400xf32, #tpu.memory_space<hbm>>
    %dma_start3A_48 = tpu.memref_slice %arg5[%add3A_44] : memref<204800xf32, #tpu.memory_space<hbm>> -> memref<6400xf32, #tpu.memory_space<hbm>>
    tpu.enqueue_dma source(%arg14 : memref<6400xf32, #tpu.memory_space<vmem>>) target(%dma_start3A_48 : memref<6400xf32, #tpu.memory_space<hbm>>) target_semaphore(%arg27 : memref<!tpu.dma_semaphore, #tpu.memory_space<semaphore_mem>>)
    %dma_wait3A_49 = tpu.memref_slice %arg5[%add3A_44] : memref<204800xf32, #tpu.memory_space<hbm>> -> memref<6400xf32, #tpu.memory_space<hbm>>
    %dma_wait3A_50 = tpu.memref_slice %arg5[%add3A_44] : memref<204800xf32, #tpu.memory_space<hbm>> -> memref<6400xf32, #tpu.memory_space<hbm>>
    tpu.wait_dma2 semaphore(%arg27 : memref<!tpu.dma_semaphore, #tpu.memory_space<semaphore_mem>>) src(%arg14 : memref<6400xf32, #tpu.memory_space<vmem>>) dst(%dma_wait3A_50 : memref<6400xf32, #tpu.memory_space<hbm>>)
    return
  }
}

#map = affine_map<(d0, d1) -> (0)>
module attributes {stable_mosaic.version = 14 : i64} {
  func.func @agg_kernel(%arg0: i32, %arg1: i32, %arg2: memref<6400000xi32, #tpu.memory_space<hbm>>, %arg3: memref<6400000xi32, #tpu.memory_space<hbm>>, %arg4: memref<307200xf32, #tpu.memory_space<hbm>>, %arg5: memref<614400xf32, #tpu.memory_space<hbm>>, %arg6: memref<102400xf32, #tpu.memory_space<vmem_shared>>, %arg7: memref<102400xf32, #tpu.memory_space<vmem_shared>>, %arg8: memref<102400xf32, #tpu.memory_space<vmem_shared>>, %arg9: memref<102400xf32, #tpu.memory_space<vmem_shared>>, %arg10: memref<102400xf32, #tpu.memory_space<vmem_shared>>, %arg11: memref<102400xf32, #tpu.memory_space<vmem_shared>>, %arg12: memref<4000xi32, #tpu.memory_space<vmem>>, %arg13: memref<4000xi32, #tpu.memory_space<vmem>>, %arg14: memref<4000xi32, #tpu.memory_space<vmem>>, %arg15: memref<4000xi32, #tpu.memory_space<vmem>>, %arg16: memref<4000xf32, #tpu.memory_space<vmem>>, %arg17: memref<4000xf32, #tpu.memory_space<vmem>>, %arg18: memref<6400xf32, #tpu.memory_space<vmem>>, %arg19: memref<6400xf32, #tpu.memory_space<vmem>>, %arg20: memref<6400xf32, #tpu.memory_space<vmem>>, %arg21: memref<6400xf32, #tpu.memory_space<vmem>>, %arg22: memref<!tpu.dma_semaphore, #tpu.memory_space<semaphore_mem>>, %arg23: memref<!tpu.dma_semaphore, #tpu.memory_space<semaphore_mem>>, %arg24: memref<!tpu.dma_semaphore, #tpu.memory_space<semaphore_mem>>, %arg25: memref<!tpu.dma_semaphore, #tpu.memory_space<semaphore_mem>>, %arg26: memref<!tpu.dma_semaphore, #tpu.memory_space<semaphore_mem>>, %arg27: memref<!tpu.dma_semaphore, #tpu.memory_space<semaphore_mem>>, %arg28: memref<!tpu.dma_semaphore, #tpu.memory_space<semaphore_mem>>, %arg29: memref<!tpu.dma_semaphore, #tpu.memory_space<semaphore_mem>>, %arg30: memref<!tpu.dma_semaphore, #tpu.memory_space<semaphore_mem>>, %arg31: memref<!tpu.dma_semaphore, #tpu.memory_space<semaphore_mem>>, %arg32: memref<!tpu.dma_semaphore, #tpu.memory_space<semaphore_mem>>) attributes {dimension_semantics = [#tpu.dimension_semantics<core_parallel>, #tpu.dimension_semantics<subcore_parallel>], iteration_bounds = array<i64: 2, 16>, scalar_prefetch = 0 : i64, scratch_operands = 27 : i64, tpu.core_type = #tpu.core_type<sc_vector_subcore>, window_params = [{transform_indices = #map}, {transform_indices = #map}, {transform_indices = #map}, {transform_indices = #map}]} {
    %mul3A = arith.constant 6400 : i32
    %mul3A_0 = arith.muli %arg1, %mul3A : i32
    %add3A = arith.constant 0 : i32
    %add3A_1 = arith.addi %add3A, %mul3A_0 : i32
    %add3A_2 = arith.constant 102400 : i32
    %add3A_3 = arith.addi %add3A_2, %mul3A_0 : i32
    %add3A_4 = arith.constant 204800 : i32
    %add3A_5 = arith.addi %add3A_4, %mul3A_0 : i32
    %dma_start3A = tpu.memref_slice %arg4[%add3A_1] : memref<307200xf32, #tpu.memory_space<hbm>> -> memref<6400xf32, #tpu.memory_space<hbm>>
    %dma_start3A_6 = tpu.memref_slice %arg4[%add3A_1] : memref<307200xf32, #tpu.memory_space<hbm>> -> memref<6400xf32, #tpu.memory_space<hbm>>
    tpu.enqueue_dma source(%dma_start3A_6 : memref<6400xf32, #tpu.memory_space<hbm>>) target(%arg18 : memref<6400xf32, #tpu.memory_space<vmem>>) target_semaphore(%arg28 : memref<!tpu.dma_semaphore, #tpu.memory_space<semaphore_mem>>)
    %dma_start3A_7 = tpu.memref_slice %arg4[%add3A_3] : memref<307200xf32, #tpu.memory_space<hbm>> -> memref<6400xf32, #tpu.memory_space<hbm>>
    %dma_start3A_8 = tpu.memref_slice %arg4[%add3A_3] : memref<307200xf32, #tpu.memory_space<hbm>> -> memref<6400xf32, #tpu.memory_space<hbm>>
    tpu.enqueue_dma source(%dma_start3A_8 : memref<6400xf32, #tpu.memory_space<hbm>>) target(%arg19 : memref<6400xf32, #tpu.memory_space<vmem>>) target_semaphore(%arg29 : memref<!tpu.dma_semaphore, #tpu.memory_space<semaphore_mem>>)
    %dma_start3A_9 = tpu.memref_slice %arg4[%add3A_5] : memref<307200xf32, #tpu.memory_space<hbm>> -> memref<6400xf32, #tpu.memory_space<hbm>>
    %dma_start3A_10 = tpu.memref_slice %arg4[%add3A_5] : memref<307200xf32, #tpu.memory_space<hbm>> -> memref<6400xf32, #tpu.memory_space<hbm>>
    tpu.enqueue_dma source(%dma_start3A_10 : memref<6400xf32, #tpu.memory_space<hbm>>) target(%arg20 : memref<6400xf32, #tpu.memory_space<vmem>>) target_semaphore(%arg30 : memref<!tpu.dma_semaphore, #tpu.memory_space<semaphore_mem>>)
    %broadcast_in_dim3A = arith.constant 0.000000e+00 : f32
    %broadcast_in_dim3A_11 = vector.broadcast %broadcast_in_dim3A : f32 to vector<16xf32>
    %scan3A = arith.constant 0 : i32
    %scan3A_12 = arith.constant 0 : i32
    %scan3A_13 = arith.constant 400 : i32
    %scan3A_14 = arith.addi %scan3A_12, %scan3A_13 : i32
    %scan3A_15 = arith.constant 1 : i32
    scf.for %scan3A_109 = %scan3A_12 to %scan3A_14 step %scan3A_15  : i32 {
      %mul3A_110 = arith.constant 16 : i32
      %mul3A_111 = arith.muli %scan3A_109, %mul3A_110 : i32
      %swap3A = arith.index_cast %mul3A_111 : i32 to index
      %swap3A_112 = tpu.vector_load %arg21[%swap3A] {strides = array<i32>} : memref<6400xf32, #tpu.memory_space<vmem>>, vector<16xf32>,
      %swap3A_113 = vector.shape_cast %swap3A_112 : vector<16xf32> to vector<16xf32>
      %swap3A_114 = vector.shape_cast %broadcast_in_dim3A_11 : vector<16xf32> to vector<16xf32>
      tpu.vector_store %arg21[%swap3A], %swap3A_114 {strides = array<i32>} : memref<6400xf32, #tpu.memory_space<vmem>>, vector<16xf32>,
    }
    %scan3A_16 = arith.constant 400 : i32
    %dma_start3A_17 = tpu.memref_slice %arg9[%mul3A_0] : memref<102400xf32, #tpu.memory_space<vmem_shared>> -> memref<6400xf32, #tpu.memory_space<vmem_shared>>
    %dma_start3A_18 = tpu.memref_slice %arg9[%mul3A_0] : memref<102400xf32, #tpu.memory_space<vmem_shared>> -> memref<6400xf32, #tpu.memory_space<vmem_shared>>
    tpu.enqueue_dma source(%arg21 : memref<6400xf32, #tpu.memory_space<vmem>>) target(%dma_start3A_18 : memref<6400xf32, #tpu.memory_space<vmem_shared>>) target_semaphore(%arg32 : memref<!tpu.dma_semaphore, #tpu.memory_space<semaphore_mem>>)
    %dma_start3A_19 = tpu.memref_slice %arg10[%mul3A_0] : memref<102400xf32, #tpu.memory_space<vmem_shared>> -> memref<6400xf32, #tpu.memory_space<vmem_shared>>
    %dma_start3A_20 = tpu.memref_slice %arg10[%mul3A_0] : memref<102400xf32, #tpu.memory_space<vmem_shared>> -> memref<6400xf32, #tpu.memory_space<vmem_shared>>
    tpu.enqueue_dma source(%arg21 : memref<6400xf32, #tpu.memory_space<vmem>>) target(%dma_start3A_20 : memref<6400xf32, #tpu.memory_space<vmem_shared>>) target_semaphore(%arg32 : memref<!tpu.dma_semaphore, #tpu.memory_space<semaphore_mem>>)
    %dma_start3A_21 = tpu.memref_slice %arg11[%mul3A_0] : memref<102400xf32, #tpu.memory_space<vmem_shared>> -> memref<6400xf32, #tpu.memory_space<vmem_shared>>
    %dma_start3A_22 = tpu.memref_slice %arg11[%mul3A_0] : memref<102400xf32, #tpu.memory_space<vmem_shared>> -> memref<6400xf32, #tpu.memory_space<vmem_shared>>
    tpu.enqueue_dma source(%arg21 : memref<6400xf32, #tpu.memory_space<vmem>>) target(%dma_start3A_22 : memref<6400xf32, #tpu.memory_space<vmem_shared>>) target_semaphore(%arg32 : memref<!tpu.dma_semaphore, #tpu.memory_space<semaphore_mem>>)
    %dma_wait3A = tpu.memref_slice %arg4[%add3A_1] : memref<307200xf32, #tpu.memory_space<hbm>> -> memref<6400xf32, #tpu.memory_space<hbm>>
    %dma_wait3A_23 = tpu.memref_slice %arg4[%add3A_1] : memref<307200xf32, #tpu.memory_space<hbm>> -> memref<6400xf32, #tpu.memory_space<hbm>>
    tpu.wait_dma2 semaphore(%arg28 : memref<!tpu.dma_semaphore, #tpu.memory_space<semaphore_mem>>) src(%dma_wait3A_23 : memref<6400xf32, #tpu.memory_space<hbm>>) dst(%arg18 : memref<6400xf32, #tpu.memory_space<vmem>>)
    %dma_start3A_24 = tpu.memref_slice %arg6[%mul3A_0] : memref<102400xf32, #tpu.memory_space<vmem_shared>> -> memref<6400xf32, #tpu.memory_space<vmem_shared>>
    %dma_start3A_25 = tpu.memref_slice %arg6[%mul3A_0] : memref<102400xf32, #tpu.memory_space<vmem_shared>> -> memref<6400xf32, #tpu.memory_space<vmem_shared>>
    tpu.enqueue_dma source(%arg18 : memref<6400xf32, #tpu.memory_space<vmem>>) target(%dma_start3A_25 : memref<6400xf32, #tpu.memory_space<vmem_shared>>) target_semaphore(%arg31 : memref<!tpu.dma_semaphore, #tpu.memory_space<semaphore_mem>>)
    %dma_wait3A_26 = tpu.memref_slice %arg4[%add3A_3] : memref<307200xf32, #tpu.memory_space<hbm>> -> memref<6400xf32, #tpu.memory_space<hbm>>
    %dma_wait3A_27 = tpu.memref_slice %arg4[%add3A_3] : memref<307200xf32, #tpu.memory_space<hbm>> -> memref<6400xf32, #tpu.memory_space<hbm>>
    tpu.wait_dma2 semaphore(%arg29 : memref<!tpu.dma_semaphore, #tpu.memory_space<semaphore_mem>>) src(%dma_wait3A_27 : memref<6400xf32, #tpu.memory_space<hbm>>) dst(%arg19 : memref<6400xf32, #tpu.memory_space<vmem>>)
    %dma_start3A_28 = tpu.memref_slice %arg7[%mul3A_0] : memref<102400xf32, #tpu.memory_space<vmem_shared>> -> memref<6400xf32, #tpu.memory_space<vmem_shared>>
    %dma_start3A_29 = tpu.memref_slice %arg7[%mul3A_0] : memref<102400xf32, #tpu.memory_space<vmem_shared>> -> memref<6400xf32, #tpu.memory_space<vmem_shared>>
    tpu.enqueue_dma source(%arg19 : memref<6400xf32, #tpu.memory_space<vmem>>) target(%dma_start3A_29 : memref<6400xf32, #tpu.memory_space<vmem_shared>>) target_semaphore(%arg31 : memref<!tpu.dma_semaphore, #tpu.memory_space<semaphore_mem>>)
    %dma_wait3A_30 = tpu.memref_slice %arg4[%add3A_5] : memref<307200xf32, #tpu.memory_space<hbm>> -> memref<6400xf32, #tpu.memory_space<hbm>>
    %dma_wait3A_31 = tpu.memref_slice %arg4[%add3A_5] : memref<307200xf32, #tpu.memory_space<hbm>> -> memref<6400xf32, #tpu.memory_space<hbm>>
    tpu.wait_dma2 semaphore(%arg30 : memref<!tpu.dma_semaphore, #tpu.memory_space<semaphore_mem>>) src(%dma_wait3A_31 : memref<6400xf32, #tpu.memory_space<hbm>>) dst(%arg20 : memref<6400xf32, #tpu.memory_space<vmem>>)
    %dma_start3A_32 = tpu.memref_slice %arg8[%mul3A_0] : memref<102400xf32, #tpu.memory_space<vmem_shared>> -> memref<6400xf32, #tpu.memory_space<vmem_shared>>
    %dma_start3A_33 = tpu.memref_slice %arg8[%mul3A_0] : memref<102400xf32, #tpu.memory_space<vmem_shared>> -> memref<6400xf32, #tpu.memory_space<vmem_shared>>
    tpu.enqueue_dma source(%arg20 : memref<6400xf32, #tpu.memory_space<vmem>>) target(%dma_start3A_33 : memref<6400xf32, #tpu.memory_space<vmem_shared>>) target_semaphore(%arg31 : memref<!tpu.dma_semaphore, #tpu.memory_space<semaphore_mem>>)
    %dma_wait3A_34 = tpu.memref_slice %arg9[%mul3A_0] : memref<102400xf32, #tpu.memory_space<vmem_shared>> -> memref<6400xf32, #tpu.memory_space<vmem_shared>>
    %dma_wait3A_35 = tpu.memref_slice %arg9[%mul3A_0] : memref<102400xf32, #tpu.memory_space<vmem_shared>> -> memref<6400xf32, #tpu.memory_space<vmem_shared>>
    tpu.wait_dma2 semaphore(%arg32 : memref<!tpu.dma_semaphore, #tpu.memory_space<semaphore_mem>>) src(%arg21 : memref<6400xf32, #tpu.memory_space<vmem>>) dst(%dma_wait3A_35 : memref<6400xf32, #tpu.memory_space<vmem_shared>>)
    %dma_wait3A_36 = tpu.memref_slice %arg6[%mul3A_0] : memref<102400xf32, #tpu.memory_space<vmem_shared>> -> memref<6400xf32, #tpu.memory_space<vmem_shared>>
    %dma_wait3A_37 = tpu.memref_slice %arg6[%mul3A_0] : memref<102400xf32, #tpu.memory_space<vmem_shared>> -> memref<6400xf32, #tpu.memory_space<vmem_shared>>
    tpu.wait_dma2 semaphore(%arg31 : memref<!tpu.dma_semaphore, #tpu.memory_space<semaphore_mem>>) src(%arg18 : memref<6400xf32, #tpu.memory_space<vmem>>) dst(%dma_wait3A_37 : memref<6400xf32, #tpu.memory_space<vmem_shared>>)
    %dma_wait3A_38 = tpu.memref_slice %arg10[%mul3A_0] : memref<102400xf32, #tpu.memory_space<vmem_shared>> -> memref<6400xf32, #tpu.memory_space<vmem_shared>>
    %dma_wait3A_39 = tpu.memref_slice %arg10[%mul3A_0] : memref<102400xf32, #tpu.memory_space<vmem_shared>> -> memref<6400xf32, #tpu.memory_space<vmem_shared>>
    tpu.wait_dma2 semaphore(%arg32 : memref<!tpu.dma_semaphore, #tpu.memory_space<semaphore_mem>>) src(%arg21 : memref<6400xf32, #tpu.memory_space<vmem>>) dst(%dma_wait3A_39 : memref<6400xf32, #tpu.memory_space<vmem_shared>>)
    %dma_wait3A_40 = tpu.memref_slice %arg7[%mul3A_0] : memref<102400xf32, #tpu.memory_space<vmem_shared>> -> memref<6400xf32, #tpu.memory_space<vmem_shared>>
    %dma_wait3A_41 = tpu.memref_slice %arg7[%mul3A_0] : memref<102400xf32, #tpu.memory_space<vmem_shared>> -> memref<6400xf32, #tpu.memory_space<vmem_shared>>
    tpu.wait_dma2 semaphore(%arg31 : memref<!tpu.dma_semaphore, #tpu.memory_space<semaphore_mem>>) src(%arg19 : memref<6400xf32, #tpu.memory_space<vmem>>) dst(%dma_wait3A_41 : memref<6400xf32, #tpu.memory_space<vmem_shared>>)
    %dma_wait3A_42 = tpu.memref_slice %arg11[%mul3A_0] : memref<102400xf32, #tpu.memory_space<vmem_shared>> -> memref<6400xf32, #tpu.memory_space<vmem_shared>>
    %dma_wait3A_43 = tpu.memref_slice %arg11[%mul3A_0] : memref<102400xf32, #tpu.memory_space<vmem_shared>> -> memref<6400xf32, #tpu.memory_space<vmem_shared>>
    tpu.wait_dma2 semaphore(%arg32 : memref<!tpu.dma_semaphore, #tpu.memory_space<semaphore_mem>>) src(%arg21 : memref<6400xf32, #tpu.memory_space<vmem>>) dst(%dma_wait3A_43 : memref<6400xf32, #tpu.memory_space<vmem_shared>>)
    %dma_wait3A_44 = tpu.memref_slice %arg8[%mul3A_0] : memref<102400xf32, #tpu.memory_space<vmem_shared>> -> memref<6400xf32, #tpu.memory_space<vmem_shared>>
    %dma_wait3A_45 = tpu.memref_slice %arg8[%mul3A_0] : memref<102400xf32, #tpu.memory_space<vmem_shared>> -> memref<6400xf32, #tpu.memory_space<vmem_shared>>
    tpu.wait_dma2 semaphore(%arg31 : memref<!tpu.dma_semaphore, #tpu.memory_space<semaphore_mem>>) src(%arg20 : memref<6400xf32, #tpu.memory_space<vmem>>) dst(%dma_wait3A_45 : memref<6400xf32, #tpu.memory_space<vmem_shared>>)
    %barrier3A = arith.constant 0 : index
    tpu.barrier barrier_id(%barrier3A)
    %mul3A_46 = arith.constant 16 : i32
    %mul3A_47 = arith.muli %arg0, %mul3A_46 : i32
    %add3A_48 = arith.addi %mul3A_47, %arg1 : i32
    %mul3A_49 = arith.constant 200000 : i32
    %mul3A_50 = arith.muli %add3A_48, %mul3A_49 : i32
    %add3A_51 = arith.constant 0 : i32
    %add3A_52 = arith.addi %mul3A_50, %add3A_51 : i32
    %dma_start3A_53 = tpu.memref_slice %arg2[%add3A_52] : memref<6400000xi32, #tpu.memory_space<hbm>> -> memref<4000xi32, #tpu.memory_space<hbm>>
    %dma_start3A_54 = tpu.memref_slice %arg2[%add3A_52] : memref<6400000xi32, #tpu.memory_space<hbm>> -> memref<4000xi32, #tpu.memory_space<hbm>>
    tpu.enqueue_dma source(%dma_start3A_54 : memref<4000xi32, #tpu.memory_space<hbm>>) target(%arg12 : memref<4000xi32, #tpu.memory_space<vmem>>) target_semaphore(%arg22 : memref<!tpu.dma_semaphore, #tpu.memory_space<semaphore_mem>>)
    %dma_start3A_55 = tpu.memref_slice %arg3[%add3A_52] : memref<6400000xi32, #tpu.memory_space<hbm>> -> memref<4000xi32, #tpu.memory_space<hbm>>
    %dma_start3A_56 = tpu.memref_slice %arg3[%add3A_52] : memref<6400000xi32, #tpu.memory_space<hbm>> -> memref<4000xi32, #tpu.memory_space<hbm>>
    tpu.enqueue_dma source(%dma_start3A_56 : memref<4000xi32, #tpu.memory_space<hbm>>) target(%arg14 : memref<4000xi32, #tpu.memory_space<vmem>>) target_semaphore(%arg24 : memref<!tpu.dma_semaphore, #tpu.memory_space<semaphore_mem>>)
    %scan3A_57 = arith.constant 0 : i32
    %scan3A_58 = arith.constant 0 : i32
    %scan3A_59 = arith.constant 25 : i32
    %scan3A_60 = arith.addi %scan3A_58, %scan3A_59 : i32
    %scan3A_61 = arith.constant 1 : i32
    scf.for %scan3A_109 = %scan3A_58 to %scan3A_60 step %scan3A_61  : i32 {
      %mul3A_110 = arith.constant 2 : i32
      %mul3A_111 = arith.muli %scan3A_109, %mul3A_110 : i32
      %add3A_112 = arith.constant 1 : i32
      %add3A_113 = arith.addi %mul3A_111, %add3A_112 : i32
      %mul3A_114 = arith.constant 4000 : i32
      %mul3A_115 = arith.muli %add3A_113, %mul3A_114 : i32
      %add3A_116 = arith.addi %mul3A_50, %mul3A_115 : i32
      %dma_start3A_117 = tpu.memref_slice %arg2[%add3A_116] : memref<6400000xi32, #tpu.memory_space<hbm>> -> memref<4000xi32, #tpu.memory_space<hbm>>
      %dma_start3A_118 = tpu.memref_slice %arg2[%add3A_116] : memref<6400000xi32, #tpu.memory_space<hbm>> -> memref<4000xi32, #tpu.memory_space<hbm>>
      tpu.enqueue_dma source(%dma_start3A_118 : memref<4000xi32, #tpu.memory_space<hbm>>) target(%arg13 : memref<4000xi32, #tpu.memory_space<vmem>>) target_semaphore(%arg23 : memref<!tpu.dma_semaphore, #tpu.memory_space<semaphore_mem>>)
      %dma_start3A_119 = tpu.memref_slice %arg3[%add3A_116] : memref<6400000xi32, #tpu.memory_space<hbm>> -> memref<4000xi32, #tpu.memory_space<hbm>>
      %dma_start3A_120 = tpu.memref_slice %arg3[%add3A_116] : memref<6400000xi32, #tpu.memory_space<hbm>> -> memref<4000xi32, #tpu.memory_space<hbm>>
      tpu.enqueue_dma source(%dma_start3A_120 : memref<4000xi32, #tpu.memory_space<hbm>>) target(%arg15 : memref<4000xi32, #tpu.memory_space<vmem>>) target_semaphore(%arg25 : memref<!tpu.dma_semaphore, #tpu.memory_space<semaphore_mem>>)
      %mul3A_121 = arith.constant 4000 : i32
      %mul3A_122 = arith.muli %mul3A_111, %mul3A_121 : i32
      %add3A_123 = arith.addi %mul3A_50, %mul3A_122 : i32
      %dma_wait3A_124 = tpu.memref_slice %arg2[%add3A_123] : memref<6400000xi32, #tpu.memory_space<hbm>> -> memref<4000xi32, #tpu.memory_space<hbm>>
      %dma_wait3A_125 = tpu.memref_slice %arg2[%add3A_123] : memref<6400000xi32, #tpu.memory_space<hbm>> -> memref<4000xi32, #tpu.memory_space<hbm>>
      tpu.wait_dma2 semaphore(%arg22 : memref<!tpu.dma_semaphore, #tpu.memory_space<semaphore_mem>>) src(%dma_wait3A_125 : memref<4000xi32, #tpu.memory_space<hbm>>) dst(%arg12 : memref<4000xi32, #tpu.memory_space<vmem>>)
      %dma_wait3A_126 = tpu.memref_slice %arg3[%add3A_123] : memref<6400000xi32, #tpu.memory_space<hbm>> -> memref<4000xi32, #tpu.memory_space<hbm>>
      %dma_wait3A_127 = tpu.memref_slice %arg3[%add3A_123] : memref<6400000xi32, #tpu.memory_space<hbm>> -> memref<4000xi32, #tpu.memory_space<hbm>>
      tpu.wait_dma2 semaphore(%arg24 : memref<!tpu.dma_semaphore, #tpu.memory_space<semaphore_mem>>) src(%dma_wait3A_127 : memref<4000xi32, #tpu.memory_space<hbm>>) dst(%arg14 : memref<4000xi32, #tpu.memory_space<vmem>>)
      %dma_start3A_128 = arith.constant 0 : i32
      %dma_start3A_129 = tpu.memref_slice %arg6[%dma_start3A_128] : memref<102400xf32, #tpu.memory_space<vmem_shared>> -> memref<102400xf32, #tpu.memory_space<vmem_shared>>
      tpu.enqueue_indirect_dma source(%dma_start3A_129 : memref<102400xf32, #tpu.memory_space<vmem_shared>>) target(%arg16 : memref<4000xf32, #tpu.memory_space<vmem>>) offsets(%arg12 : memref<4000xi32, #tpu.memory_space<vmem>>) semaphore(%arg26 : memref<!tpu.dma_semaphore, #tpu.memory_space<semaphore_mem>>)
      %dma_start3A_130 = arith.constant 0 : i32
      %dma_start3A_131 = tpu.memref_slice %arg7[%dma_start3A_130] : memref<102400xf32, #tpu.memory_space<vmem_shared>> -> memref<102400xf32, #tpu.memory_space<vmem_shared>>
      tpu.enqueue_indirect_dma source(%dma_start3A_131 : memref<102400xf32, #tpu.memory_space<vmem_shared>>) target(%arg17 : memref<4000xf32, #tpu.memory_space<vmem>>) offsets(%arg12 : memref<4000xi32, #tpu.memory_space<vmem>>) semaphore(%arg27 : memref<!tpu.dma_semaphore, #tpu.memory_space<semaphore_mem>>)
      %dma_wait3A_132 = arith.constant 0 : i32
      %dma_wait3A_133 = tpu.memref_slice %arg6[%dma_wait3A_132] : memref<102400xf32, #tpu.memory_space<vmem_shared>> -> memref<102400xf32, #tpu.memory_space<vmem_shared>>
      tpu.wait_indirect_dma semaphore(%arg26 : memref<!tpu.dma_semaphore, #tpu.memory_space<semaphore_mem>>) src(%dma_wait3A_133 : memref<102400xf32, #tpu.memory_space<vmem_shared>>) dst(%arg16 : memref<4000xf32, #tpu.memory_space<vmem>>)
      "tpu.region"() ({
        %run_scoped3A = tpu.sem_alloc : memref<!tpu.dma_semaphore, #tpu.memory_space<semaphore_mem>>
        %dma_start3A_163 = arith.constant 0 : i32
        %dma_start3A_164 = tpu.memref_slice %arg9[%dma_start3A_163] : memref<102400xf32, #tpu.memory_space<vmem_shared>> -> memref<102400xf32, #tpu.memory_space<vmem_shared>>
        tpu.enqueue_indirect_dma source(%arg16 : memref<4000xf32, #tpu.memory_space<vmem>>) target(%dma_start3A_164 : memref<102400xf32, #tpu.memory_space<vmem_shared>>) offsets(%arg14 : memref<4000xi32, #tpu.memory_space<vmem>>) semaphore(%run_scoped3A : memref<!tpu.dma_semaphore, #tpu.memory_space<semaphore_mem>>) {add = true}
        %dma_wait3A_165 = arith.constant 0 : i32
        %dma_wait3A_166 = tpu.memref_slice %arg9[%dma_wait3A_165] : memref<102400xf32, #tpu.memory_space<vmem_shared>> -> memref<102400xf32, #tpu.memory_space<vmem_shared>>
        tpu.wait_indirect_dma semaphore(%run_scoped3A : memref<!tpu.dma_semaphore, #tpu.memory_space<semaphore_mem>>) src(%arg16 : memref<4000xf32, #tpu.memory_space<vmem>>) dst(%dma_wait3A_166 : memref<102400xf32, #tpu.memory_space<vmem_shared>>)
        tpu.yield
      }) : () -> ()
      %dma_start3A_134 = arith.constant 0 : i32
      %dma_start3A_135 = tpu.memref_slice %arg8[%dma_start3A_134] : memref<102400xf32, #tpu.memory_space<vmem_shared>> -> memref<102400xf32, #tpu.memory_space<vmem_shared>>
      tpu.enqueue_indirect_dma source(%dma_start3A_135 : memref<102400xf32, #tpu.memory_space<vmem_shared>>) target(%arg16 : memref<4000xf32, #tpu.memory_space<vmem>>) offsets(%arg12 : memref<4000xi32, #tpu.memory_space<vmem>>) semaphore(%arg26 : memref<!tpu.dma_semaphore, #tpu.memory_space<semaphore_mem>>)
      %dma_wait3A_136 = arith.constant 0 : i32
      %dma_wait3A_137 = tpu.memref_slice %arg7[%dma_wait3A_136] : memref<102400xf32, #tpu.memory_space<vmem_shared>> -> memref<102400xf32, #tpu.memory_space<vmem_shared>>
      tpu.wait_indirect_dma semaphore(%arg27 : memref<!tpu.dma_semaphore, #tpu.memory_space<semaphore_mem>>) src(%dma_wait3A_137 : memref<102400xf32, #tpu.memory_space<vmem_shared>>) dst(%arg17 : memref<4000xf32, #tpu.memory_space<vmem>>)
      "tpu.region"() ({
        %run_scoped3A = tpu.sem_alloc : memref<!tpu.dma_semaphore, #tpu.memory_space<semaphore_mem>>
        %dma_start3A_163 = arith.constant 0 : i32
        %dma_start3A_164 = tpu.memref_slice %arg10[%dma_start3A_163] : memref<102400xf32, #tpu.memory_space<vmem_shared>> -> memref<102400xf32, #tpu.memory_space<vmem_shared>>
        tpu.enqueue_indirect_dma source(%arg17 : memref<4000xf32, #tpu.memory_space<vmem>>) target(%dma_start3A_164 : memref<102400xf32, #tpu.memory_space<vmem_shared>>) offsets(%arg14 : memref<4000xi32, #tpu.memory_space<vmem>>) semaphore(%run_scoped3A : memref<!tpu.dma_semaphore, #tpu.memory_space<semaphore_mem>>) {add = true}
        %dma_wait3A_165 = arith.constant 0 : i32
        %dma_wait3A_166 = tpu.memref_slice %arg10[%dma_wait3A_165] : memref<102400xf32, #tpu.memory_space<vmem_shared>> -> memref<102400xf32, #tpu.memory_space<vmem_shared>>
        tpu.wait_indirect_dma semaphore(%run_scoped3A : memref<!tpu.dma_semaphore, #tpu.memory_space<semaphore_mem>>) src(%arg17 : memref<4000xf32, #tpu.memory_space<vmem>>) dst(%dma_wait3A_166 : memref<102400xf32, #tpu.memory_space<vmem_shared>>)
        tpu.yield
      }) : () -> ()
      %dma_wait3A_138 = arith.constant 0 : i32
      %dma_wait3A_139 = tpu.memref_slice %arg8[%dma_wait3A_138] : memref<102400xf32, #tpu.memory_space<vmem_shared>> -> memref<102400xf32, #tpu.memory_space<vmem_shared>>
      tpu.wait_indirect_dma semaphore(%arg26 : memref<!tpu.dma_semaphore, #tpu.memory_space<semaphore_mem>>) src(%dma_wait3A_139 : memref<102400xf32, #tpu.memory_space<vmem_shared>>) dst(%arg16 : memref<4000xf32, #tpu.memory_space<vmem>>)
      "tpu.region"() ({
        %run_scoped3A = tpu.sem_alloc : memref<!tpu.dma_semaphore, #tpu.memory_space<semaphore_mem>>
        %dma_start3A_163 = arith.constant 0 : i32
        %dma_start3A_164 = tpu.memref_slice %arg11[%dma_start3A_163] : memref<102400xf32, #tpu.memory_space<vmem_shared>> -> memref<102400xf32, #tpu.memory_space<vmem_shared>>
        tpu.enqueue_indirect_dma source(%arg16 : memref<4000xf32, #tpu.memory_space<vmem>>) target(%dma_start3A_164 : memref<102400xf32, #tpu.memory_space<vmem_shared>>) offsets(%arg14 : memref<4000xi32, #tpu.memory_space<vmem>>) semaphore(%run_scoped3A : memref<!tpu.dma_semaphore, #tpu.memory_space<semaphore_mem>>) {add = true}
        %dma_wait3A_165 = arith.constant 0 : i32
        %dma_wait3A_166 = tpu.memref_slice %arg11[%dma_wait3A_165] : memref<102400xf32, #tpu.memory_space<vmem_shared>> -> memref<102400xf32, #tpu.memory_space<vmem_shared>>
        tpu.wait_indirect_dma semaphore(%run_scoped3A : memref<!tpu.dma_semaphore, #tpu.memory_space<semaphore_mem>>) src(%arg16 : memref<4000xf32, #tpu.memory_space<vmem>>) dst(%dma_wait3A_166 : memref<102400xf32, #tpu.memory_space<vmem_shared>>)
        tpu.yield
      }) : () -> ()
      %lt3A = arith.constant 24 : i32
      %lt3A_140 = arith.cmpi slt, %scan3A_109, %lt3A : i32
      %convert_element_type3A = arith.extui %lt3A_140 : i1 to i32
      %cond3A = arith.constant 0 : i32
      %cond3A_141 = arith.cmpi ne, %convert_element_type3A, %cond3A : i32
      scf.if %cond3A_141 {
        %add3A_163 = arith.constant 2 : i32
        %add3A_164 = arith.addi %mul3A_111, %add3A_163 : i32
        %mul3A_165 = arith.constant 4000 : i32
        %mul3A_166 = arith.muli %add3A_164, %mul3A_165 : i32
        %add3A_167 = arith.addi %mul3A_50, %mul3A_166 : i32
        %dma_start3A_168 = tpu.memref_slice %arg2[%add3A_167] : memref<6400000xi32, #tpu.memory_space<hbm>> -> memref<4000xi32, #tpu.memory_space<hbm>>
        %dma_start3A_169 = tpu.memref_slice %arg2[%add3A_167] : memref<6400000xi32, #tpu.memory_space<hbm>> -> memref<4000xi32, #tpu.memory_space<hbm>>
        tpu.enqueue_dma source(%dma_start3A_169 : memref<4000xi32, #tpu.memory_space<hbm>>) target(%arg12 : memref<4000xi32, #tpu.memory_space<vmem>>) target_semaphore(%arg22 : memref<!tpu.dma_semaphore, #tpu.memory_space<semaphore_mem>>)
        %dma_start3A_170 = tpu.memref_slice %arg3[%add3A_167] : memref<6400000xi32, #tpu.memory_space<hbm>> -> memref<4000xi32, #tpu.memory_space<hbm>>
        %dma_start3A_171 = tpu.memref_slice %arg3[%add3A_167] : memref<6400000xi32, #tpu.memory_space<hbm>> -> memref<4000xi32, #tpu.memory_space<hbm>>
        tpu.enqueue_dma source(%dma_start3A_171 : memref<4000xi32, #tpu.memory_space<hbm>>) target(%arg14 : memref<4000xi32, #tpu.memory_space<vmem>>) target_semaphore(%arg24 : memref<!tpu.dma_semaphore, #tpu.memory_space<semaphore_mem>>)
      } else {
      }
      %add3A_142 = arith.constant 1 : i32
      %add3A_143 = arith.addi %mul3A_111, %add3A_142 : i32
      %mul3A_144 = arith.constant 4000 : i32
      %mul3A_145 = arith.muli %add3A_143, %mul3A_144 : i32
      %add3A_146 = arith.addi %mul3A_50, %mul3A_145 : i32
      %dma_wait3A_147 = tpu.memref_slice %arg2[%add3A_146] : memref<6400000xi32, #tpu.memory_space<hbm>> -> memref<4000xi32, #tpu.memory_space<hbm>>
      %dma_wait3A_148 = tpu.memref_slice %arg2[%add3A_146] : memref<6400000xi32, #tpu.memory_space<hbm>> -> memref<4000xi32, #tpu.memory_space<hbm>>
      tpu.wait_dma2 semaphore(%arg23 : memref<!tpu.dma_semaphore, #tpu.memory_space<semaphore_mem>>) src(%dma_wait3A_148 : memref<4000xi32, #tpu.memory_space<hbm>>) dst(%arg13 : memref<4000xi32, #tpu.memory_space<vmem>>)
      %dma_wait3A_149 = tpu.memref_slice %arg3[%add3A_146] : memref<6400000xi32, #tpu.memory_space<hbm>> -> memref<4000xi32, #tpu.memory_space<hbm>>
      %dma_wait3A_150 = tpu.memref_slice %arg3[%add3A_146] : memref<6400000xi32, #tpu.memory_space<hbm>> -> memref<4000xi32, #tpu.memory_space<hbm>>
      tpu.wait_dma2 semaphore(%arg25 : memref<!tpu.dma_semaphore, #tpu.memory_space<semaphore_mem>>) src(%dma_wait3A_150 : memref<4000xi32, #tpu.memory_space<hbm>>) dst(%arg15 : memref<4000xi32, #tpu.memory_space<vmem>>)
      %dma_start3A_151 = arith.constant 0 : i32
      %dma_start3A_152 = tpu.memref_slice %arg6[%dma_start3A_151] : memref<102400xf32, #tpu.memory_space<vmem_shared>> -> memref<102400xf32, #tpu.memory_space<vmem_shared>>
      tpu.enqueue_indirect_dma source(%dma_start3A_152 : memref<102400xf32, #tpu.memory_space<vmem_shared>>) target(%arg16 : memref<4000xf32, #tpu.memory_space<vmem>>) offsets(%arg13 : memref<4000xi32, #tpu.memory_space<vmem>>) semaphore(%arg26 : memref<!tpu.dma_semaphore, #tpu.memory_space<semaphore_mem>>)
      %dma_start3A_153 = arith.constant 0 : i32
      %dma_start3A_154 = tpu.memref_slice %arg7[%dma_start3A_153] : memref<102400xf32, #tpu.memory_space<vmem_shared>> -> memref<102400xf32, #tpu.memory_space<vmem_shared>>
      tpu.enqueue_indirect_dma source(%dma_start3A_154 : memref<102400xf32, #tpu.memory_space<vmem_shared>>) target(%arg17 : memref<4000xf32, #tpu.memory_space<vmem>>) offsets(%arg13 : memref<4000xi32, #tpu.memory_space<vmem>>) semaphore(%arg27 : memref<!tpu.dma_semaphore, #tpu.memory_space<semaphore_mem>>)
      %dma_wait3A_155 = arith.constant 0 : i32
      %dma_wait3A_156 = tpu.memref_slice %arg6[%dma_wait3A_155] : memref<102400xf32, #tpu.memory_space<vmem_shared>> -> memref<102400xf32, #tpu.memory_space<vmem_shared>>
      tpu.wait_indirect_dma semaphore(%arg26 : memref<!tpu.dma_semaphore, #tpu.memory_space<semaphore_mem>>) src(%dma_wait3A_156 : memref<102400xf32, #tpu.memory_space<vmem_shared>>) dst(%arg16 : memref<4000xf32, #tpu.memory_space<vmem>>)
      "tpu.region"() ({
        %run_scoped3A = tpu.sem_alloc : memref<!tpu.dma_semaphore, #tpu.memory_space<semaphore_mem>>
        %dma_start3A_163 = arith.constant 0 : i32
        %dma_start3A_164 = tpu.memref_slice %arg9[%dma_start3A_163] : memref<102400xf32, #tpu.memory_space<vmem_shared>> -> memref<102400xf32, #tpu.memory_space<vmem_shared>>
        tpu.enqueue_indirect_dma source(%arg16 : memref<4000xf32, #tpu.memory_space<vmem>>) target(%dma_start3A_164 : memref<102400xf32, #tpu.memory_space<vmem_shared>>) offsets(%arg15 : memref<4000xi32, #tpu.memory_space<vmem>>) semaphore(%run_scoped3A : memref<!tpu.dma_semaphore, #tpu.memory_space<semaphore_mem>>) {add = true}
        %dma_wait3A_165 = arith.constant 0 : i32
        %dma_wait3A_166 = tpu.memref_slice %arg9[%dma_wait3A_165] : memref<102400xf32, #tpu.memory_space<vmem_shared>> -> memref<102400xf32, #tpu.memory_space<vmem_shared>>
        tpu.wait_indirect_dma semaphore(%run_scoped3A : memref<!tpu.dma_semaphore, #tpu.memory_space<semaphore_mem>>) src(%arg16 : memref<4000xf32, #tpu.memory_space<vmem>>) dst(%dma_wait3A_166 : memref<102400xf32, #tpu.memory_space<vmem_shared>>)
        tpu.yield
      }) : () -> ()
      %dma_start3A_157 = arith.constant 0 : i32
      %dma_start3A_158 = tpu.memref_slice %arg8[%dma_start3A_157] : memref<102400xf32, #tpu.memory_space<vmem_shared>> -> memref<102400xf32, #tpu.memory_space<vmem_shared>>
      tpu.enqueue_indirect_dma source(%dma_start3A_158 : memref<102400xf32, #tpu.memory_space<vmem_shared>>) target(%arg16 : memref<4000xf32, #tpu.memory_space<vmem>>) offsets(%arg13 : memref<4000xi32, #tpu.memory_space<vmem>>) semaphore(%arg26 : memref<!tpu.dma_semaphore, #tpu.memory_space<semaphore_mem>>)
      %dma_wait3A_159 = arith.constant 0 : i32
      %dma_wait3A_160 = tpu.memref_slice %arg7[%dma_wait3A_159] : memref<102400xf32, #tpu.memory_space<vmem_shared>> -> memref<102400xf32, #tpu.memory_space<vmem_shared>>
      tpu.wait_indirect_dma semaphore(%arg27 : memref<!tpu.dma_semaphore, #tpu.memory_space<semaphore_mem>>) src(%dma_wait3A_160 : memref<102400xf32, #tpu.memory_space<vmem_shared>>) dst(%arg17 : memref<4000xf32, #tpu.memory_space<vmem>>)
      "tpu.region"() ({
        %run_scoped3A = tpu.sem_alloc : memref<!tpu.dma_semaphore, #tpu.memory_space<semaphore_mem>>
        %dma_start3A_163 = arith.constant 0 : i32
        %dma_start3A_164 = tpu.memref_slice %arg10[%dma_start3A_163] : memref<102400xf32, #tpu.memory_space<vmem_shared>> -> memref<102400xf32, #tpu.memory_space<vmem_shared>>
        tpu.enqueue_indirect_dma source(%arg17 : memref<4000xf32, #tpu.memory_space<vmem>>) target(%dma_start3A_164 : memref<102400xf32, #tpu.memory_space<vmem_shared>>) offsets(%arg15 : memref<4000xi32, #tpu.memory_space<vmem>>) semaphore(%run_scoped3A : memref<!tpu.dma_semaphore, #tpu.memory_space<semaphore_mem>>) {add = true}
        %dma_wait3A_165 = arith.constant 0 : i32
        %dma_wait3A_166 = tpu.memref_slice %arg10[%dma_wait3A_165] : memref<102400xf32, #tpu.memory_space<vmem_shared>> -> memref<102400xf32, #tpu.memory_space<vmem_shared>>
        tpu.wait_indirect_dma semaphore(%run_scoped3A : memref<!tpu.dma_semaphore, #tpu.memory_space<semaphore_mem>>) src(%arg17 : memref<4000xf32, #tpu.memory_space<vmem>>) dst(%dma_wait3A_166 : memref<102400xf32, #tpu.memory_space<vmem_shared>>)
        tpu.yield
      }) : () -> ()
      %dma_wait3A_161 = arith.constant 0 : i32
      %dma_wait3A_162 = tpu.memref_slice %arg8[%dma_wait3A_161] : memref<102400xf32, #tpu.memory_space<vmem_shared>> -> memref<102400xf32, #tpu.memory_space<vmem_shared>>
      tpu.wait_indirect_dma semaphore(%arg26 : memref<!tpu.dma_semaphore, #tpu.memory_space<semaphore_mem>>) src(%dma_wait3A_162 : memref<102400xf32, #tpu.memory_space<vmem_shared>>) dst(%arg16 : memref<4000xf32, #tpu.memory_space<vmem>>)
      "tpu.region"() ({
        %run_scoped3A = tpu.sem_alloc : memref<!tpu.dma_semaphore, #tpu.memory_space<semaphore_mem>>
        %dma_start3A_163 = arith.constant 0 : i32
        %dma_start3A_164 = tpu.memref_slice %arg11[%dma_start3A_163] : memref<102400xf32, #tpu.memory_space<vmem_shared>> -> memref<102400xf32, #tpu.memory_space<vmem_shared>>
        tpu.enqueue_indirect_dma source(%arg16 : memref<4000xf32, #tpu.memory_space<vmem>>) target(%dma_start3A_164 : memref<102400xf32, #tpu.memory_space<vmem_shared>>) offsets(%arg15 : memref<4000xi32, #tpu.memory_space<vmem>>) semaphore(%run_scoped3A : memref<!tpu.dma_semaphore, #tpu.memory_space<semaphore_mem>>) {add = true}
        %dma_wait3A_165 = arith.constant 0 : i32
        %dma_wait3A_166 = tpu.memref_slice %arg11[%dma_wait3A_165] : memref<102400xf32, #tpu.memory_space<vmem_shared>> -> memref<102400xf32, #tpu.memory_space<vmem_shared>>
        tpu.wait_indirect_dma semaphore(%run_scoped3A : memref<!tpu.dma_semaphore, #tpu.memory_space<semaphore_mem>>) src(%arg16 : memref<4000xf32, #tpu.memory_space<vmem>>) dst(%dma_wait3A_166 : memref<102400xf32, #tpu.memory_space<vmem_shared>>)
        tpu.yield
      }) : () -> ()
    }
    %scan3A_62 = arith.constant 25 : i32
    %barrier3A_63 = arith.constant 0 : index
    tpu.barrier barrier_id(%barrier3A_63)
    %dma_start3A_64 = tpu.memref_slice %arg9[%mul3A_0] : memref<102400xf32, #tpu.memory_space<vmem_shared>> -> memref<6400xf32, #tpu.memory_space<vmem_shared>>
    %dma_start3A_65 = tpu.memref_slice %arg9[%mul3A_0] : memref<102400xf32, #tpu.memory_space<vmem_shared>> -> memref<6400xf32, #tpu.memory_space<vmem_shared>>
    tpu.enqueue_dma source(%dma_start3A_65 : memref<6400xf32, #tpu.memory_space<vmem_shared>>) target(%arg18 : memref<6400xf32, #tpu.memory_space<vmem>>) target_semaphore(%arg28 : memref<!tpu.dma_semaphore, #tpu.memory_space<semaphore_mem>>)
    %dma_start3A_66 = tpu.memref_slice %arg10[%mul3A_0] : memref<102400xf32, #tpu.memory_space<vmem_shared>> -> memref<6400xf32, #tpu.memory_space<vmem_shared>>
    %dma_start3A_67 = tpu.memref_slice %arg10[%mul3A_0] : memref<102400xf32, #tpu.memory_space<vmem_shared>> -> memref<6400xf32, #tpu.memory_space<vmem_shared>>
    tpu.enqueue_dma source(%dma_start3A_67 : memref<6400xf32, #tpu.memory_space<vmem_shared>>) target(%arg19 : memref<6400xf32, #tpu.memory_space<vmem>>) target_semaphore(%arg29 : memref<!tpu.dma_semaphore, #tpu.memory_space<semaphore_mem>>)
    %dma_start3A_68 = tpu.memref_slice %arg11[%mul3A_0] : memref<102400xf32, #tpu.memory_space<vmem_shared>> -> memref<6400xf32, #tpu.memory_space<vmem_shared>>
    %dma_start3A_69 = tpu.memref_slice %arg11[%mul3A_0] : memref<102400xf32, #tpu.memory_space<vmem_shared>> -> memref<6400xf32, #tpu.memory_space<vmem_shared>>
    tpu.enqueue_dma source(%dma_start3A_69 : memref<6400xf32, #tpu.memory_space<vmem_shared>>) target(%arg20 : memref<6400xf32, #tpu.memory_space<vmem>>) target_semaphore(%arg30 : memref<!tpu.dma_semaphore, #tpu.memory_space<semaphore_mem>>)
    %mul3A_70 = arith.constant 3 : i32
    %mul3A_71 = arith.muli %arg0, %mul3A_70 : i32
    %add3A_72 = arith.constant 0 : i32
    %add3A_73 = arith.addi %mul3A_71, %add3A_72 : i32
    %mul3A_74 = arith.constant 102400 : i32
    %mul3A_75 = arith.muli %add3A_73, %mul3A_74 : i32
    %add3A_76 = arith.addi %mul3A_75, %mul3A_0 : i32
    %mul3A_77 = arith.constant 3 : i32
    %mul3A_78 = arith.muli %arg0, %mul3A_77 : i32
    %add3A_79 = arith.constant 1 : i32
    %add3A_80 = arith.addi %mul3A_78, %add3A_79 : i32
    %mul3A_81 = arith.constant 102400 : i32
    %mul3A_82 = arith.muli %add3A_80, %mul3A_81 : i32
    %add3A_83 = arith.addi %mul3A_82, %mul3A_0 : i32
    %mul3A_84 = arith.constant 3 : i32
    %mul3A_85 = arith.muli %arg0, %mul3A_84 : i32
    %add3A_86 = arith.constant 2 : i32
    %add3A_87 = arith.addi %mul3A_85, %add3A_86 : i32
    %mul3A_88 = arith.constant 102400 : i32
    %mul3A_89 = arith.muli %add3A_87, %mul3A_88 : i32
    %add3A_90 = arith.addi %mul3A_89, %mul3A_0 : i32
    %dma_wait3A_91 = tpu.memref_slice %arg9[%mul3A_0] : memref<102400xf32, #tpu.memory_space<vmem_shared>> -> memref<6400xf32, #tpu.memory_space<vmem_shared>>
    %dma_wait3A_92 = tpu.memref_slice %arg9[%mul3A_0] : memref<102400xf32, #tpu.memory_space<vmem_shared>> -> memref<6400xf32, #tpu.memory_space<vmem_shared>>
    tpu.wait_dma2 semaphore(%arg28 : memref<!tpu.dma_semaphore, #tpu.memory_space<semaphore_mem>>) src(%dma_wait3A_92 : memref<6400xf32, #tpu.memory_space<vmem_shared>>) dst(%arg18 : memref<6400xf32, #tpu.memory_space<vmem>>)
    %dma_start3A_93 = tpu.memref_slice %arg5[%add3A_76] : memref<614400xf32, #tpu.memory_space<hbm>> -> memref<6400xf32, #tpu.memory_space<hbm>>
    %dma_start3A_94 = tpu.memref_slice %arg5[%add3A_76] : memref<614400xf32, #tpu.memory_space<hbm>> -> memref<6400xf32, #tpu.memory_space<hbm>>
    tpu.enqueue_dma source(%arg18 : memref<6400xf32, #tpu.memory_space<vmem>>) target(%dma_start3A_94 : memref<6400xf32, #tpu.memory_space<hbm>>) target_semaphore(%arg31 : memref<!tpu.dma_semaphore, #tpu.memory_space<semaphore_mem>>)
    %dma_wait3A_95 = tpu.memref_slice %arg10[%mul3A_0] : memref<102400xf32, #tpu.memory_space<vmem_shared>> -> memref<6400xf32, #tpu.memory_space<vmem_shared>>
    %dma_wait3A_96 = tpu.memref_slice %arg10[%mul3A_0] : memref<102400xf32, #tpu.memory_space<vmem_shared>> -> memref<6400xf32, #tpu.memory_space<vmem_shared>>
    tpu.wait_dma2 semaphore(%arg29 : memref<!tpu.dma_semaphore, #tpu.memory_space<semaphore_mem>>) src(%dma_wait3A_96 : memref<6400xf32, #tpu.memory_space<vmem_shared>>) dst(%arg19 : memref<6400xf32, #tpu.memory_space<vmem>>)
    %dma_start3A_97 = tpu.memref_slice %arg5[%add3A_83] : memref<614400xf32, #tpu.memory_space<hbm>> -> memref<6400xf32, #tpu.memory_space<hbm>>
    %dma_start3A_98 = tpu.memref_slice %arg5[%add3A_83] : memref<614400xf32, #tpu.memory_space<hbm>> -> memref<6400xf32, #tpu.memory_space<hbm>>
    tpu.enqueue_dma source(%arg19 : memref<6400xf32, #tpu.memory_space<vmem>>) target(%dma_start3A_98 : memref<6400xf32, #tpu.memory_space<hbm>>) target_semaphore(%arg31 : memref<!tpu.dma_semaphore, #tpu.memory_space<semaphore_mem>>)
    %dma_wait3A_99 = tpu.memref_slice %arg11[%mul3A_0] : memref<102400xf32, #tpu.memory_space<vmem_shared>> -> memref<6400xf32, #tpu.memory_space<vmem_shared>>
    %dma_wait3A_100 = tpu.memref_slice %arg11[%mul3A_0] : memref<102400xf32, #tpu.memory_space<vmem_shared>> -> memref<6400xf32, #tpu.memory_space<vmem_shared>>
    tpu.wait_dma2 semaphore(%arg30 : memref<!tpu.dma_semaphore, #tpu.memory_space<semaphore_mem>>) src(%dma_wait3A_100 : memref<6400xf32, #tpu.memory_space<vmem_shared>>) dst(%arg20 : memref<6400xf32, #tpu.memory_space<vmem>>)
    %dma_start3A_101 = tpu.memref_slice %arg5[%add3A_90] : memref<614400xf32, #tpu.memory_space<hbm>> -> memref<6400xf32, #tpu.memory_space<hbm>>
    %dma_start3A_102 = tpu.memref_slice %arg5[%add3A_90] : memref<614400xf32, #tpu.memory_space<hbm>> -> memref<6400xf32, #tpu.memory_space<hbm>>
    tpu.enqueue_dma source(%arg20 : memref<6400xf32, #tpu.memory_space<vmem>>) target(%dma_start3A_102 : memref<6400xf32, #tpu.memory_space<hbm>>) target_semaphore(%arg31 : memref<!tpu.dma_semaphore, #tpu.memory_space<semaphore_mem>>)
    %dma_wait3A_103 = tpu.memref_slice %arg5[%add3A_76] : memref<614400xf32, #tpu.memory_space<hbm>> -> memref<6400xf32, #tpu.memory_space<hbm>>
    %dma_wait3A_104 = tpu.memref_slice %arg5[%add3A_76] : memref<614400xf32, #tpu.memory_space<hbm>> -> memref<6400xf32, #tpu.memory_space<hbm>>
    tpu.wait_dma2 semaphore(%arg31 : memref<!tpu.dma_semaphore, #tpu.memory_space<semaphore_mem>>) src(%arg18 : memref<6400xf32, #tpu.memory_space<vmem>>) dst(%dma_wait3A_104 : memref<6400xf32, #tpu.memory_space<hbm>>)
    %dma_wait3A_105 = tpu.memref_slice %arg5[%add3A_83] : memref<614400xf32, #tpu.memory_space<hbm>> -> memref<6400xf32, #tpu.memory_space<hbm>>
    %dma_wait3A_106 = tpu.memref_slice %arg5[%add3A_83] : memref<614400xf32, #tpu.memory_space<hbm>> -> memref<6400xf32, #tpu.memory_space<hbm>>
    tpu.wait_dma2 semaphore(%arg31 : memref<!tpu.dma_semaphore, #tpu.memory_space<semaphore_mem>>) src(%arg19 : memref<6400xf32, #tpu.memory_space<vmem>>) dst(%dma_wait3A_106 : memref<6400xf32, #tpu.memory_space<hbm>>)
    %dma_wait3A_107 = tpu.memref_slice %arg5[%add3A_90] : memref<614400xf32, #tpu.memory_space<hbm>> -> memref<6400xf32, #tpu.memory_space<hbm>>
    %dma_wait3A_108 = tpu.memref_slice %arg5[%add3A_90] : memref<614400xf32, #tpu.memory_space<hbm>> -> memref<6400xf32, #tpu.memory_space<hbm>>
    tpu.wait_dma2 semaphore(%arg31 : memref<!tpu.dma_semaphore, #tpu.memory_space<semaphore_mem>>) src(%arg20 : memref<6400xf32, #tpu.memory_space<vmem>>) dst(%dma_wait3A_108 : memref<6400xf32, #tpu.memory_space<hbm>>)
    return
  }
}

#map = affine_map<(d0, d1) -> (0)>
module attributes {stable_mosaic.version = 14 : i64} {
  func.func @agg_kernel(%arg0: i32, %arg1: i32, %arg2: memref<6400000xi32, #tpu.memory_space<hbm>>, %arg3: memref<6400000xi32, #tpu.memory_space<hbm>>, %arg4: memref<307200xf32, #tpu.memory_space<hbm>>, %arg5: memref<614400xf32, #tpu.memory_space<hbm>>, %arg6: memref<102400xf32, #tpu.memory_space<vmem_shared>>, %arg7: memref<102400xf32, #tpu.memory_space<vmem_shared>>, %arg8: memref<102400xf32, #tpu.memory_space<vmem_shared>>, %arg9: memref<102400xf32, #tpu.memory_space<vmem_shared>>, %arg10: memref<102400xf32, #tpu.memory_space<vmem_shared>>, %arg11: memref<102400xf32, #tpu.memory_space<vmem_shared>>, %arg12: memref<4000xi32, #tpu.memory_space<vmem>>, %arg13: memref<4000xi32, #tpu.memory_space<vmem>>, %arg14: memref<4000xi32, #tpu.memory_space<vmem>>, %arg15: memref<4000xi32, #tpu.memory_space<vmem>>, %arg16: memref<4000xf32, #tpu.memory_space<vmem>>, %arg17: memref<4000xf32, #tpu.memory_space<vmem>>, %arg18: memref<6400xf32, #tpu.memory_space<vmem>>, %arg19: memref<6400xf32, #tpu.memory_space<vmem>>, %arg20: memref<6400xf32, #tpu.memory_space<vmem>>, %arg21: memref<6400xf32, #tpu.memory_space<vmem>>, %arg22: memref<!tpu.dma_semaphore, #tpu.memory_space<semaphore_mem>>, %arg23: memref<!tpu.dma_semaphore, #tpu.memory_space<semaphore_mem>>, %arg24: memref<!tpu.dma_semaphore, #tpu.memory_space<semaphore_mem>>, %arg25: memref<!tpu.dma_semaphore, #tpu.memory_space<semaphore_mem>>, %arg26: memref<!tpu.dma_semaphore, #tpu.memory_space<semaphore_mem>>, %arg27: memref<!tpu.dma_semaphore, #tpu.memory_space<semaphore_mem>>, %arg28: memref<!tpu.dma_semaphore, #tpu.memory_space<semaphore_mem>>, %arg29: memref<!tpu.dma_semaphore, #tpu.memory_space<semaphore_mem>>, %arg30: memref<!tpu.dma_semaphore, #tpu.memory_space<semaphore_mem>>, %arg31: memref<!tpu.dma_semaphore, #tpu.memory_space<semaphore_mem>>, %arg32: memref<!tpu.dma_semaphore, #tpu.memory_space<semaphore_mem>>) attributes {dimension_semantics = [#tpu.dimension_semantics<core_parallel>, #tpu.dimension_semantics<subcore_parallel>], iteration_bounds = array<i64: 2, 16>, scalar_prefetch = 0 : i64, scratch_operands = 27 : i64, tpu.core_type = #tpu.core_type<sc_vector_subcore>, window_params = [{transform_indices = #map}, {transform_indices = #map}, {transform_indices = #map}, {transform_indices = #map}]} {
    %mul3A = arith.constant 6400 : i32
    %mul3A_0 = arith.muli %arg1, %mul3A : i32
    %add3A = arith.constant 0 : i32
    %add3A_1 = arith.addi %add3A, %mul3A_0 : i32
    %add3A_2 = arith.constant 102400 : i32
    %add3A_3 = arith.addi %add3A_2, %mul3A_0 : i32
    %add3A_4 = arith.constant 204800 : i32
    %add3A_5 = arith.addi %add3A_4, %mul3A_0 : i32
    %dma_start3A = tpu.memref_slice %arg4[%add3A_1] : memref<307200xf32, #tpu.memory_space<hbm>> -> memref<6400xf32, #tpu.memory_space<hbm>>
    %dma_start3A_6 = tpu.memref_slice %arg4[%add3A_1] : memref<307200xf32, #tpu.memory_space<hbm>> -> memref<6400xf32, #tpu.memory_space<hbm>>
    tpu.enqueue_dma source(%dma_start3A_6 : memref<6400xf32, #tpu.memory_space<hbm>>) target(%arg18 : memref<6400xf32, #tpu.memory_space<vmem>>) target_semaphore(%arg28 : memref<!tpu.dma_semaphore, #tpu.memory_space<semaphore_mem>>)
    %dma_start3A_7 = tpu.memref_slice %arg4[%add3A_3] : memref<307200xf32, #tpu.memory_space<hbm>> -> memref<6400xf32, #tpu.memory_space<hbm>>
    %dma_start3A_8 = tpu.memref_slice %arg4[%add3A_3] : memref<307200xf32, #tpu.memory_space<hbm>> -> memref<6400xf32, #tpu.memory_space<hbm>>
    tpu.enqueue_dma source(%dma_start3A_8 : memref<6400xf32, #tpu.memory_space<hbm>>) target(%arg19 : memref<6400xf32, #tpu.memory_space<vmem>>) target_semaphore(%arg29 : memref<!tpu.dma_semaphore, #tpu.memory_space<semaphore_mem>>)
    %dma_start3A_9 = tpu.memref_slice %arg4[%add3A_5] : memref<307200xf32, #tpu.memory_space<hbm>> -> memref<6400xf32, #tpu.memory_space<hbm>>
    %dma_start3A_10 = tpu.memref_slice %arg4[%add3A_5] : memref<307200xf32, #tpu.memory_space<hbm>> -> memref<6400xf32, #tpu.memory_space<hbm>>
    tpu.enqueue_dma source(%dma_start3A_10 : memref<6400xf32, #tpu.memory_space<hbm>>) target(%arg20 : memref<6400xf32, #tpu.memory_space<vmem>>) target_semaphore(%arg30 : memref<!tpu.dma_semaphore, #tpu.memory_space<semaphore_mem>>)
    %broadcast_in_dim3A = arith.constant 0.000000e+00 : f32
    %broadcast_in_dim3A_11 = vector.broadcast %broadcast_in_dim3A : f32 to vector<16xf32>
    %scan3A = arith.constant 0 : i32
    %scan3A_12 = arith.constant 0 : i32
    %scan3A_13 = arith.constant 400 : i32
    %scan3A_14 = arith.addi %scan3A_12, %scan3A_13 : i32
    %scan3A_15 = arith.constant 1 : i32
    scf.for %scan3A_109 = %scan3A_12 to %scan3A_14 step %scan3A_15  : i32 {
      %mul3A_110 = arith.constant 16 : i32
      %mul3A_111 = arith.muli %scan3A_109, %mul3A_110 : i32
      %swap3A = arith.index_cast %mul3A_111 : i32 to index
      %swap3A_112 = tpu.vector_load %arg21[%swap3A] {strides = array<i32>} : memref<6400xf32, #tpu.memory_space<vmem>>, vector<16xf32>,
      %swap3A_113 = vector.shape_cast %swap3A_112 : vector<16xf32> to vector<16xf32>
      %swap3A_114 = vector.shape_cast %broadcast_in_dim3A_11 : vector<16xf32> to vector<16xf32>
      tpu.vector_store %arg21[%swap3A], %swap3A_114 {strides = array<i32>} : memref<6400xf32, #tpu.memory_space<vmem>>, vector<16xf32>,
    }
    %scan3A_16 = arith.constant 400 : i32
    %dma_start3A_17 = tpu.memref_slice %arg9[%mul3A_0] : memref<102400xf32, #tpu.memory_space<vmem_shared>> -> memref<6400xf32, #tpu.memory_space<vmem_shared>>
    %dma_start3A_18 = tpu.memref_slice %arg9[%mul3A_0] : memref<102400xf32, #tpu.memory_space<vmem_shared>> -> memref<6400xf32, #tpu.memory_space<vmem_shared>>
    tpu.enqueue_dma source(%arg21 : memref<6400xf32, #tpu.memory_space<vmem>>) target(%dma_start3A_18 : memref<6400xf32, #tpu.memory_space<vmem_shared>>) target_semaphore(%arg32 : memref<!tpu.dma_semaphore, #tpu.memory_space<semaphore_mem>>)
    %dma_start3A_19 = tpu.memref_slice %arg10[%mul3A_0] : memref<102400xf32, #tpu.memory_space<vmem_shared>> -> memref<6400xf32, #tpu.memory_space<vmem_shared>>
    %dma_start3A_20 = tpu.memref_slice %arg10[%mul3A_0] : memref<102400xf32, #tpu.memory_space<vmem_shared>> -> memref<6400xf32, #tpu.memory_space<vmem_shared>>
    tpu.enqueue_dma source(%arg21 : memref<6400xf32, #tpu.memory_space<vmem>>) target(%dma_start3A_20 : memref<6400xf32, #tpu.memory_space<vmem_shared>>) target_semaphore(%arg32 : memref<!tpu.dma_semaphore, #tpu.memory_space<semaphore_mem>>)
    %dma_start3A_21 = tpu.memref_slice %arg11[%mul3A_0] : memref<102400xf32, #tpu.memory_space<vmem_shared>> -> memref<6400xf32, #tpu.memory_space<vmem_shared>>
    %dma_start3A_22 = tpu.memref_slice %arg11[%mul3A_0] : memref<102400xf32, #tpu.memory_space<vmem_shared>> -> memref<6400xf32, #tpu.memory_space<vmem_shared>>
    tpu.enqueue_dma source(%arg21 : memref<6400xf32, #tpu.memory_space<vmem>>) target(%dma_start3A_22 : memref<6400xf32, #tpu.memory_space<vmem_shared>>) target_semaphore(%arg32 : memref<!tpu.dma_semaphore, #tpu.memory_space<semaphore_mem>>)
    %dma_wait3A = tpu.memref_slice %arg4[%add3A_1] : memref<307200xf32, #tpu.memory_space<hbm>> -> memref<6400xf32, #tpu.memory_space<hbm>>
    %dma_wait3A_23 = tpu.memref_slice %arg4[%add3A_1] : memref<307200xf32, #tpu.memory_space<hbm>> -> memref<6400xf32, #tpu.memory_space<hbm>>
    tpu.wait_dma2 semaphore(%arg28 : memref<!tpu.dma_semaphore, #tpu.memory_space<semaphore_mem>>) src(%dma_wait3A_23 : memref<6400xf32, #tpu.memory_space<hbm>>) dst(%arg18 : memref<6400xf32, #tpu.memory_space<vmem>>)
    %dma_start3A_24 = tpu.memref_slice %arg6[%mul3A_0] : memref<102400xf32, #tpu.memory_space<vmem_shared>> -> memref<6400xf32, #tpu.memory_space<vmem_shared>>
    %dma_start3A_25 = tpu.memref_slice %arg6[%mul3A_0] : memref<102400xf32, #tpu.memory_space<vmem_shared>> -> memref<6400xf32, #tpu.memory_space<vmem_shared>>
    tpu.enqueue_dma source(%arg18 : memref<6400xf32, #tpu.memory_space<vmem>>) target(%dma_start3A_25 : memref<6400xf32, #tpu.memory_space<vmem_shared>>) target_semaphore(%arg31 : memref<!tpu.dma_semaphore, #tpu.memory_space<semaphore_mem>>)
    %dma_wait3A_26 = tpu.memref_slice %arg4[%add3A_3] : memref<307200xf32, #tpu.memory_space<hbm>> -> memref<6400xf32, #tpu.memory_space<hbm>>
    %dma_wait3A_27 = tpu.memref_slice %arg4[%add3A_3] : memref<307200xf32, #tpu.memory_space<hbm>> -> memref<6400xf32, #tpu.memory_space<hbm>>
    tpu.wait_dma2 semaphore(%arg29 : memref<!tpu.dma_semaphore, #tpu.memory_space<semaphore_mem>>) src(%dma_wait3A_27 : memref<6400xf32, #tpu.memory_space<hbm>>) dst(%arg19 : memref<6400xf32, #tpu.memory_space<vmem>>)
    %dma_start3A_28 = tpu.memref_slice %arg7[%mul3A_0] : memref<102400xf32, #tpu.memory_space<vmem_shared>> -> memref<6400xf32, #tpu.memory_space<vmem_shared>>
    %dma_start3A_29 = tpu.memref_slice %arg7[%mul3A_0] : memref<102400xf32, #tpu.memory_space<vmem_shared>> -> memref<6400xf32, #tpu.memory_space<vmem_shared>>
    tpu.enqueue_dma source(%arg19 : memref<6400xf32, #tpu.memory_space<vmem>>) target(%dma_start3A_29 : memref<6400xf32, #tpu.memory_space<vmem_shared>>) target_semaphore(%arg31 : memref<!tpu.dma_semaphore, #tpu.memory_space<semaphore_mem>>)
    %dma_wait3A_30 = tpu.memref_slice %arg4[%add3A_5] : memref<307200xf32, #tpu.memory_space<hbm>> -> memref<6400xf32, #tpu.memory_space<hbm>>
    %dma_wait3A_31 = tpu.memref_slice %arg4[%add3A_5] : memref<307200xf32, #tpu.memory_space<hbm>> -> memref<6400xf32, #tpu.memory_space<hbm>>
    tpu.wait_dma2 semaphore(%arg30 : memref<!tpu.dma_semaphore, #tpu.memory_space<semaphore_mem>>) src(%dma_wait3A_31 : memref<6400xf32, #tpu.memory_space<hbm>>) dst(%arg20 : memref<6400xf32, #tpu.memory_space<vmem>>)
    %dma_start3A_32 = tpu.memref_slice %arg8[%mul3A_0] : memref<102400xf32, #tpu.memory_space<vmem_shared>> -> memref<6400xf32, #tpu.memory_space<vmem_shared>>
    %dma_start3A_33 = tpu.memref_slice %arg8[%mul3A_0] : memref<102400xf32, #tpu.memory_space<vmem_shared>> -> memref<6400xf32, #tpu.memory_space<vmem_shared>>
    tpu.enqueue_dma source(%arg20 : memref<6400xf32, #tpu.memory_space<vmem>>) target(%dma_start3A_33 : memref<6400xf32, #tpu.memory_space<vmem_shared>>) target_semaphore(%arg31 : memref<!tpu.dma_semaphore, #tpu.memory_space<semaphore_mem>>)
    %dma_wait3A_34 = tpu.memref_slice %arg9[%mul3A_0] : memref<102400xf32, #tpu.memory_space<vmem_shared>> -> memref<6400xf32, #tpu.memory_space<vmem_shared>>
    %dma_wait3A_35 = tpu.memref_slice %arg9[%mul3A_0] : memref<102400xf32, #tpu.memory_space<vmem_shared>> -> memref<6400xf32, #tpu.memory_space<vmem_shared>>
    tpu.wait_dma2 semaphore(%arg32 : memref<!tpu.dma_semaphore, #tpu.memory_space<semaphore_mem>>) src(%arg21 : memref<6400xf32, #tpu.memory_space<vmem>>) dst(%dma_wait3A_35 : memref<6400xf32, #tpu.memory_space<vmem_shared>>)
    %dma_wait3A_36 = tpu.memref_slice %arg6[%mul3A_0] : memref<102400xf32, #tpu.memory_space<vmem_shared>> -> memref<6400xf32, #tpu.memory_space<vmem_shared>>
    %dma_wait3A_37 = tpu.memref_slice %arg6[%mul3A_0] : memref<102400xf32, #tpu.memory_space<vmem_shared>> -> memref<6400xf32, #tpu.memory_space<vmem_shared>>
    tpu.wait_dma2 semaphore(%arg31 : memref<!tpu.dma_semaphore, #tpu.memory_space<semaphore_mem>>) src(%arg18 : memref<6400xf32, #tpu.memory_space<vmem>>) dst(%dma_wait3A_37 : memref<6400xf32, #tpu.memory_space<vmem_shared>>)
    %dma_wait3A_38 = tpu.memref_slice %arg10[%mul3A_0] : memref<102400xf32, #tpu.memory_space<vmem_shared>> -> memref<6400xf32, #tpu.memory_space<vmem_shared>>
    %dma_wait3A_39 = tpu.memref_slice %arg10[%mul3A_0] : memref<102400xf32, #tpu.memory_space<vmem_shared>> -> memref<6400xf32, #tpu.memory_space<vmem_shared>>
    tpu.wait_dma2 semaphore(%arg32 : memref<!tpu.dma_semaphore, #tpu.memory_space<semaphore_mem>>) src(%arg21 : memref<6400xf32, #tpu.memory_space<vmem>>) dst(%dma_wait3A_39 : memref<6400xf32, #tpu.memory_space<vmem_shared>>)
    %dma_wait3A_40 = tpu.memref_slice %arg7[%mul3A_0] : memref<102400xf32, #tpu.memory_space<vmem_shared>> -> memref<6400xf32, #tpu.memory_space<vmem_shared>>
    %dma_wait3A_41 = tpu.memref_slice %arg7[%mul3A_0] : memref<102400xf32, #tpu.memory_space<vmem_shared>> -> memref<6400xf32, #tpu.memory_space<vmem_shared>>
    tpu.wait_dma2 semaphore(%arg31 : memref<!tpu.dma_semaphore, #tpu.memory_space<semaphore_mem>>) src(%arg19 : memref<6400xf32, #tpu.memory_space<vmem>>) dst(%dma_wait3A_41 : memref<6400xf32, #tpu.memory_space<vmem_shared>>)
    %dma_wait3A_42 = tpu.memref_slice %arg11[%mul3A_0] : memref<102400xf32, #tpu.memory_space<vmem_shared>> -> memref<6400xf32, #tpu.memory_space<vmem_shared>>
    %dma_wait3A_43 = tpu.memref_slice %arg11[%mul3A_0] : memref<102400xf32, #tpu.memory_space<vmem_shared>> -> memref<6400xf32, #tpu.memory_space<vmem_shared>>
    tpu.wait_dma2 semaphore(%arg32 : memref<!tpu.dma_semaphore, #tpu.memory_space<semaphore_mem>>) src(%arg21 : memref<6400xf32, #tpu.memory_space<vmem>>) dst(%dma_wait3A_43 : memref<6400xf32, #tpu.memory_space<vmem_shared>>)
    %dma_wait3A_44 = tpu.memref_slice %arg8[%mul3A_0] : memref<102400xf32, #tpu.memory_space<vmem_shared>> -> memref<6400xf32, #tpu.memory_space<vmem_shared>>
    %dma_wait3A_45 = tpu.memref_slice %arg8[%mul3A_0] : memref<102400xf32, #tpu.memory_space<vmem_shared>> -> memref<6400xf32, #tpu.memory_space<vmem_shared>>
    tpu.wait_dma2 semaphore(%arg31 : memref<!tpu.dma_semaphore, #tpu.memory_space<semaphore_mem>>) src(%arg20 : memref<6400xf32, #tpu.memory_space<vmem>>) dst(%dma_wait3A_45 : memref<6400xf32, #tpu.memory_space<vmem_shared>>)
    %barrier3A = arith.constant 0 : index
    tpu.barrier barrier_id(%barrier3A)
    %mul3A_46 = arith.constant 16 : i32
    %mul3A_47 = arith.muli %arg0, %mul3A_46 : i32
    %add3A_48 = arith.addi %mul3A_47, %arg1 : i32
    %mul3A_49 = arith.constant 200000 : i32
    %mul3A_50 = arith.muli %add3A_48, %mul3A_49 : i32
    %add3A_51 = arith.constant 0 : i32
    %add3A_52 = arith.addi %mul3A_50, %add3A_51 : i32
    %dma_start3A_53 = tpu.memref_slice %arg2[%add3A_52] : memref<6400000xi32, #tpu.memory_space<hbm>> -> memref<4000xi32, #tpu.memory_space<hbm>>
    %dma_start3A_54 = tpu.memref_slice %arg2[%add3A_52] : memref<6400000xi32, #tpu.memory_space<hbm>> -> memref<4000xi32, #tpu.memory_space<hbm>>
    tpu.enqueue_dma source(%dma_start3A_54 : memref<4000xi32, #tpu.memory_space<hbm>>) target(%arg12 : memref<4000xi32, #tpu.memory_space<vmem>>) target_semaphore(%arg22 : memref<!tpu.dma_semaphore, #tpu.memory_space<semaphore_mem>>)
    %dma_start3A_55 = tpu.memref_slice %arg3[%add3A_52] : memref<6400000xi32, #tpu.memory_space<hbm>> -> memref<4000xi32, #tpu.memory_space<hbm>>
    %dma_start3A_56 = tpu.memref_slice %arg3[%add3A_52] : memref<6400000xi32, #tpu.memory_space<hbm>> -> memref<4000xi32, #tpu.memory_space<hbm>>
    tpu.enqueue_dma source(%dma_start3A_56 : memref<4000xi32, #tpu.memory_space<hbm>>) target(%arg14 : memref<4000xi32, #tpu.memory_space<vmem>>) target_semaphore(%arg24 : memref<!tpu.dma_semaphore, #tpu.memory_space<semaphore_mem>>)
    %scan3A_57 = arith.constant 0 : i32
    %scan3A_58 = arith.constant 0 : i32
    %scan3A_59 = arith.constant 25 : i32
    %scan3A_60 = arith.addi %scan3A_58, %scan3A_59 : i32
    %scan3A_61 = arith.constant 1 : i32
    scf.for %scan3A_109 = %scan3A_58 to %scan3A_60 step %scan3A_61  : i32 {
      %mul3A_110 = arith.constant 2 : i32
      %mul3A_111 = arith.muli %scan3A_109, %mul3A_110 : i32
      %add3A_112 = arith.constant 1 : i32
      %add3A_113 = arith.addi %mul3A_111, %add3A_112 : i32
      %mul3A_114 = arith.constant 4000 : i32
      %mul3A_115 = arith.muli %add3A_113, %mul3A_114 : i32
      %add3A_116 = arith.addi %mul3A_50, %mul3A_115 : i32
      %dma_start3A_117 = tpu.memref_slice %arg2[%add3A_116] : memref<6400000xi32, #tpu.memory_space<hbm>> -> memref<4000xi32, #tpu.memory_space<hbm>>
      %dma_start3A_118 = tpu.memref_slice %arg2[%add3A_116] : memref<6400000xi32, #tpu.memory_space<hbm>> -> memref<4000xi32, #tpu.memory_space<hbm>>
      tpu.enqueue_dma source(%dma_start3A_118 : memref<4000xi32, #tpu.memory_space<hbm>>) target(%arg13 : memref<4000xi32, #tpu.memory_space<vmem>>) target_semaphore(%arg23 : memref<!tpu.dma_semaphore, #tpu.memory_space<semaphore_mem>>)
      %dma_start3A_119 = tpu.memref_slice %arg3[%add3A_116] : memref<6400000xi32, #tpu.memory_space<hbm>> -> memref<4000xi32, #tpu.memory_space<hbm>>
      %dma_start3A_120 = tpu.memref_slice %arg3[%add3A_116] : memref<6400000xi32, #tpu.memory_space<hbm>> -> memref<4000xi32, #tpu.memory_space<hbm>>
      tpu.enqueue_dma source(%dma_start3A_120 : memref<4000xi32, #tpu.memory_space<hbm>>) target(%arg15 : memref<4000xi32, #tpu.memory_space<vmem>>) target_semaphore(%arg25 : memref<!tpu.dma_semaphore, #tpu.memory_space<semaphore_mem>>)
      %mul3A_121 = arith.constant 4000 : i32
      %mul3A_122 = arith.muli %mul3A_111, %mul3A_121 : i32
      %add3A_123 = arith.addi %mul3A_50, %mul3A_122 : i32
      %dma_wait3A_124 = tpu.memref_slice %arg2[%add3A_123] : memref<6400000xi32, #tpu.memory_space<hbm>> -> memref<4000xi32, #tpu.memory_space<hbm>>
      %dma_wait3A_125 = tpu.memref_slice %arg2[%add3A_123] : memref<6400000xi32, #tpu.memory_space<hbm>> -> memref<4000xi32, #tpu.memory_space<hbm>>
      tpu.wait_dma2 semaphore(%arg22 : memref<!tpu.dma_semaphore, #tpu.memory_space<semaphore_mem>>) src(%dma_wait3A_125 : memref<4000xi32, #tpu.memory_space<hbm>>) dst(%arg12 : memref<4000xi32, #tpu.memory_space<vmem>>)
      %dma_wait3A_126 = tpu.memref_slice %arg3[%add3A_123] : memref<6400000xi32, #tpu.memory_space<hbm>> -> memref<4000xi32, #tpu.memory_space<hbm>>
      %dma_wait3A_127 = tpu.memref_slice %arg3[%add3A_123] : memref<6400000xi32, #tpu.memory_space<hbm>> -> memref<4000xi32, #tpu.memory_space<hbm>>
      tpu.wait_dma2 semaphore(%arg24 : memref<!tpu.dma_semaphore, #tpu.memory_space<semaphore_mem>>) src(%dma_wait3A_127 : memref<4000xi32, #tpu.memory_space<hbm>>) dst(%arg14 : memref<4000xi32, #tpu.memory_space<vmem>>)
      %dma_start3A_128 = arith.constant 0 : i32
      %dma_start3A_129 = tpu.memref_slice %arg6[%dma_start3A_128] : memref<102400xf32, #tpu.memory_space<vmem_shared>> -> memref<102400xf32, #tpu.memory_space<vmem_shared>>
      tpu.enqueue_indirect_dma source(%dma_start3A_129 : memref<102400xf32, #tpu.memory_space<vmem_shared>>) target(%arg16 : memref<4000xf32, #tpu.memory_space<vmem>>) offsets(%arg12 : memref<4000xi32, #tpu.memory_space<vmem>>) semaphore(%arg26 : memref<!tpu.dma_semaphore, #tpu.memory_space<semaphore_mem>>)
      %dma_start3A_130 = arith.constant 0 : i32
      %dma_start3A_131 = tpu.memref_slice %arg7[%dma_start3A_130] : memref<102400xf32, #tpu.memory_space<vmem_shared>> -> memref<102400xf32, #tpu.memory_space<vmem_shared>>
      tpu.enqueue_indirect_dma source(%dma_start3A_131 : memref<102400xf32, #tpu.memory_space<vmem_shared>>) target(%arg17 : memref<4000xf32, #tpu.memory_space<vmem>>) offsets(%arg12 : memref<4000xi32, #tpu.memory_space<vmem>>) semaphore(%arg27 : memref<!tpu.dma_semaphore, #tpu.memory_space<semaphore_mem>>)
      %dma_wait3A_132 = arith.constant 0 : i32
      %dma_wait3A_133 = tpu.memref_slice %arg6[%dma_wait3A_132] : memref<102400xf32, #tpu.memory_space<vmem_shared>> -> memref<102400xf32, #tpu.memory_space<vmem_shared>>
      tpu.wait_indirect_dma semaphore(%arg26 : memref<!tpu.dma_semaphore, #tpu.memory_space<semaphore_mem>>) src(%dma_wait3A_133 : memref<102400xf32, #tpu.memory_space<vmem_shared>>) dst(%arg16 : memref<4000xf32, #tpu.memory_space<vmem>>)
      "tpu.region"() ({
        %run_scoped3A = tpu.sem_alloc : memref<!tpu.dma_semaphore, #tpu.memory_space<semaphore_mem>>
        %dma_start3A_163 = arith.constant 0 : i32
        %dma_start3A_164 = tpu.memref_slice %arg9[%dma_start3A_163] : memref<102400xf32, #tpu.memory_space<vmem_shared>> -> memref<102400xf32, #tpu.memory_space<vmem_shared>>
        tpu.enqueue_indirect_dma source(%arg16 : memref<4000xf32, #tpu.memory_space<vmem>>) target(%dma_start3A_164 : memref<102400xf32, #tpu.memory_space<vmem_shared>>) offsets(%arg14 : memref<4000xi32, #tpu.memory_space<vmem>>) semaphore(%run_scoped3A : memref<!tpu.dma_semaphore, #tpu.memory_space<semaphore_mem>>) {add = true}
        %dma_wait3A_165 = arith.constant 0 : i32
        %dma_wait3A_166 = tpu.memref_slice %arg9[%dma_wait3A_165] : memref<102400xf32, #tpu.memory_space<vmem_shared>> -> memref<102400xf32, #tpu.memory_space<vmem_shared>>
        tpu.wait_indirect_dma semaphore(%run_scoped3A : memref<!tpu.dma_semaphore, #tpu.memory_space<semaphore_mem>>) src(%arg16 : memref<4000xf32, #tpu.memory_space<vmem>>) dst(%dma_wait3A_166 : memref<102400xf32, #tpu.memory_space<vmem_shared>>)
        tpu.yield
      }) : () -> ()
      %dma_start3A_134 = arith.constant 0 : i32
      %dma_start3A_135 = tpu.memref_slice %arg8[%dma_start3A_134] : memref<102400xf32, #tpu.memory_space<vmem_shared>> -> memref<102400xf32, #tpu.memory_space<vmem_shared>>
      tpu.enqueue_indirect_dma source(%dma_start3A_135 : memref<102400xf32, #tpu.memory_space<vmem_shared>>) target(%arg16 : memref<4000xf32, #tpu.memory_space<vmem>>) offsets(%arg12 : memref<4000xi32, #tpu.memory_space<vmem>>) semaphore(%arg26 : memref<!tpu.dma_semaphore, #tpu.memory_space<semaphore_mem>>)
      %dma_wait3A_136 = arith.constant 0 : i32
      %dma_wait3A_137 = tpu.memref_slice %arg7[%dma_wait3A_136] : memref<102400xf32, #tpu.memory_space<vmem_shared>> -> memref<102400xf32, #tpu.memory_space<vmem_shared>>
      tpu.wait_indirect_dma semaphore(%arg27 : memref<!tpu.dma_semaphore, #tpu.memory_space<semaphore_mem>>) src(%dma_wait3A_137 : memref<102400xf32, #tpu.memory_space<vmem_shared>>) dst(%arg17 : memref<4000xf32, #tpu.memory_space<vmem>>)
      "tpu.region"() ({
        %run_scoped3A = tpu.sem_alloc : memref<!tpu.dma_semaphore, #tpu.memory_space<semaphore_mem>>
        %dma_start3A_163 = arith.constant 0 : i32
        %dma_start3A_164 = tpu.memref_slice %arg10[%dma_start3A_163] : memref<102400xf32, #tpu.memory_space<vmem_shared>> -> memref<102400xf32, #tpu.memory_space<vmem_shared>>
        tpu.enqueue_indirect_dma source(%arg17 : memref<4000xf32, #tpu.memory_space<vmem>>) target(%dma_start3A_164 : memref<102400xf32, #tpu.memory_space<vmem_shared>>) offsets(%arg14 : memref<4000xi32, #tpu.memory_space<vmem>>) semaphore(%run_scoped3A : memref<!tpu.dma_semaphore, #tpu.memory_space<semaphore_mem>>) {add = true}
        %dma_wait3A_165 = arith.constant 0 : i32
        %dma_wait3A_166 = tpu.memref_slice %arg10[%dma_wait3A_165] : memref<102400xf32, #tpu.memory_space<vmem_shared>> -> memref<102400xf32, #tpu.memory_space<vmem_shared>>
        tpu.wait_indirect_dma semaphore(%run_scoped3A : memref<!tpu.dma_semaphore, #tpu.memory_space<semaphore_mem>>) src(%arg17 : memref<4000xf32, #tpu.memory_space<vmem>>) dst(%dma_wait3A_166 : memref<102400xf32, #tpu.memory_space<vmem_shared>>)
        tpu.yield
      }) : () -> ()
      %dma_wait3A_138 = arith.constant 0 : i32
      %dma_wait3A_139 = tpu.memref_slice %arg8[%dma_wait3A_138] : memref<102400xf32, #tpu.memory_space<vmem_shared>> -> memref<102400xf32, #tpu.memory_space<vmem_shared>>
      tpu.wait_indirect_dma semaphore(%arg26 : memref<!tpu.dma_semaphore, #tpu.memory_space<semaphore_mem>>) src(%dma_wait3A_139 : memref<102400xf32, #tpu.memory_space<vmem_shared>>) dst(%arg16 : memref<4000xf32, #tpu.memory_space<vmem>>)
      "tpu.region"() ({
        %run_scoped3A = tpu.sem_alloc : memref<!tpu.dma_semaphore, #tpu.memory_space<semaphore_mem>>
        %dma_start3A_163 = arith.constant 0 : i32
        %dma_start3A_164 = tpu.memref_slice %arg11[%dma_start3A_163] : memref<102400xf32, #tpu.memory_space<vmem_shared>> -> memref<102400xf32, #tpu.memory_space<vmem_shared>>
        tpu.enqueue_indirect_dma source(%arg16 : memref<4000xf32, #tpu.memory_space<vmem>>) target(%dma_start3A_164 : memref<102400xf32, #tpu.memory_space<vmem_shared>>) offsets(%arg14 : memref<4000xi32, #tpu.memory_space<vmem>>) semaphore(%run_scoped3A : memref<!tpu.dma_semaphore, #tpu.memory_space<semaphore_mem>>) {add = true}
        %dma_wait3A_165 = arith.constant 0 : i32
        %dma_wait3A_166 = tpu.memref_slice %arg11[%dma_wait3A_165] : memref<102400xf32, #tpu.memory_space<vmem_shared>> -> memref<102400xf32, #tpu.memory_space<vmem_shared>>
        tpu.wait_indirect_dma semaphore(%run_scoped3A : memref<!tpu.dma_semaphore, #tpu.memory_space<semaphore_mem>>) src(%arg16 : memref<4000xf32, #tpu.memory_space<vmem>>) dst(%dma_wait3A_166 : memref<102400xf32, #tpu.memory_space<vmem_shared>>)
        tpu.yield
      }) : () -> ()
      %lt3A = arith.constant 24 : i32
      %lt3A_140 = arith.cmpi slt, %scan3A_109, %lt3A : i32
      %convert_element_type3A = arith.extui %lt3A_140 : i1 to i32
      %cond3A = arith.constant 0 : i32
      %cond3A_141 = arith.cmpi ne, %convert_element_type3A, %cond3A : i32
      scf.if %cond3A_141 {
        %add3A_163 = arith.constant 2 : i32
        %add3A_164 = arith.addi %mul3A_111, %add3A_163 : i32
        %mul3A_165 = arith.constant 4000 : i32
        %mul3A_166 = arith.muli %add3A_164, %mul3A_165 : i32
        %add3A_167 = arith.addi %mul3A_50, %mul3A_166 : i32
        %dma_start3A_168 = tpu.memref_slice %arg2[%add3A_167] : memref<6400000xi32, #tpu.memory_space<hbm>> -> memref<4000xi32, #tpu.memory_space<hbm>>
        %dma_start3A_169 = tpu.memref_slice %arg2[%add3A_167] : memref<6400000xi32, #tpu.memory_space<hbm>> -> memref<4000xi32, #tpu.memory_space<hbm>>
        tpu.enqueue_dma source(%dma_start3A_169 : memref<4000xi32, #tpu.memory_space<hbm>>) target(%arg12 : memref<4000xi32, #tpu.memory_space<vmem>>) target_semaphore(%arg22 : memref<!tpu.dma_semaphore, #tpu.memory_space<semaphore_mem>>)
        %dma_start3A_170 = tpu.memref_slice %arg3[%add3A_167] : memref<6400000xi32, #tpu.memory_space<hbm>> -> memref<4000xi32, #tpu.memory_space<hbm>>
        %dma_start3A_171 = tpu.memref_slice %arg3[%add3A_167] : memref<6400000xi32, #tpu.memory_space<hbm>> -> memref<4000xi32, #tpu.memory_space<hbm>>
        tpu.enqueue_dma source(%dma_start3A_171 : memref<4000xi32, #tpu.memory_space<hbm>>) target(%arg14 : memref<4000xi32, #tpu.memory_space<vmem>>) target_semaphore(%arg24 : memref<!tpu.dma_semaphore, #tpu.memory_space<semaphore_mem>>)
      } else {
      }
      %add3A_142 = arith.constant 1 : i32
      %add3A_143 = arith.addi %mul3A_111, %add3A_142 : i32
      %mul3A_144 = arith.constant 4000 : i32
      %mul3A_145 = arith.muli %add3A_143, %mul3A_144 : i32
      %add3A_146 = arith.addi %mul3A_50, %mul3A_145 : i32
      %dma_wait3A_147 = tpu.memref_slice %arg2[%add3A_146] : memref<6400000xi32, #tpu.memory_space<hbm>> -> memref<4000xi32, #tpu.memory_space<hbm>>
      %dma_wait3A_148 = tpu.memref_slice %arg2[%add3A_146] : memref<6400000xi32, #tpu.memory_space<hbm>> -> memref<4000xi32, #tpu.memory_space<hbm>>
      tpu.wait_dma2 semaphore(%arg23 : memref<!tpu.dma_semaphore, #tpu.memory_space<semaphore_mem>>) src(%dma_wait3A_148 : memref<4000xi32, #tpu.memory_space<hbm>>) dst(%arg13 : memref<4000xi32, #tpu.memory_space<vmem>>)
      %dma_wait3A_149 = tpu.memref_slice %arg3[%add3A_146] : memref<6400000xi32, #tpu.memory_space<hbm>> -> memref<4000xi32, #tpu.memory_space<hbm>>
      %dma_wait3A_150 = tpu.memref_slice %arg3[%add3A_146] : memref<6400000xi32, #tpu.memory_space<hbm>> -> memref<4000xi32, #tpu.memory_space<hbm>>
      tpu.wait_dma2 semaphore(%arg25 : memref<!tpu.dma_semaphore, #tpu.memory_space<semaphore_mem>>) src(%dma_wait3A_150 : memref<4000xi32, #tpu.memory_space<hbm>>) dst(%arg15 : memref<4000xi32, #tpu.memory_space<vmem>>)
      %dma_start3A_151 = arith.constant 0 : i32
      %dma_start3A_152 = tpu.memref_slice %arg6[%dma_start3A_151] : memref<102400xf32, #tpu.memory_space<vmem_shared>> -> memref<102400xf32, #tpu.memory_space<vmem_shared>>
      tpu.enqueue_indirect_dma source(%dma_start3A_152 : memref<102400xf32, #tpu.memory_space<vmem_shared>>) target(%arg16 : memref<4000xf32, #tpu.memory_space<vmem>>) offsets(%arg13 : memref<4000xi32, #tpu.memory_space<vmem>>) semaphore(%arg26 : memref<!tpu.dma_semaphore, #tpu.memory_space<semaphore_mem>>)
      %dma_start3A_153 = arith.constant 0 : i32
      %dma_start3A_154 = tpu.memref_slice %arg7[%dma_start3A_153] : memref<102400xf32, #tpu.memory_space<vmem_shared>> -> memref<102400xf32, #tpu.memory_space<vmem_shared>>
      tpu.enqueue_indirect_dma source(%dma_start3A_154 : memref<102400xf32, #tpu.memory_space<vmem_shared>>) target(%arg17 : memref<4000xf32, #tpu.memory_space<vmem>>) offsets(%arg13 : memref<4000xi32, #tpu.memory_space<vmem>>) semaphore(%arg27 : memref<!tpu.dma_semaphore, #tpu.memory_space<semaphore_mem>>)
      %dma_wait3A_155 = arith.constant 0 : i32
      %dma_wait3A_156 = tpu.memref_slice %arg6[%dma_wait3A_155] : memref<102400xf32, #tpu.memory_space<vmem_shared>> -> memref<102400xf32, #tpu.memory_space<vmem_shared>>
      tpu.wait_indirect_dma semaphore(%arg26 : memref<!tpu.dma_semaphore, #tpu.memory_space<semaphore_mem>>) src(%dma_wait3A_156 : memref<102400xf32, #tpu.memory_space<vmem_shared>>) dst(%arg16 : memref<4000xf32, #tpu.memory_space<vmem>>)
      "tpu.region"() ({
        %run_scoped3A = tpu.sem_alloc : memref<!tpu.dma_semaphore, #tpu.memory_space<semaphore_mem>>
        %dma_start3A_163 = arith.constant 0 : i32
        %dma_start3A_164 = tpu.memref_slice %arg9[%dma_start3A_163] : memref<102400xf32, #tpu.memory_space<vmem_shared>> -> memref<102400xf32, #tpu.memory_space<vmem_shared>>
        tpu.enqueue_indirect_dma source(%arg16 : memref<4000xf32, #tpu.memory_space<vmem>>) target(%dma_start3A_164 : memref<102400xf32, #tpu.memory_space<vmem_shared>>) offsets(%arg15 : memref<4000xi32, #tpu.memory_space<vmem>>) semaphore(%run_scoped3A : memref<!tpu.dma_semaphore, #tpu.memory_space<semaphore_mem>>) {add = true}
        %dma_wait3A_165 = arith.constant 0 : i32
        %dma_wait3A_166 = tpu.memref_slice %arg9[%dma_wait3A_165] : memref<102400xf32, #tpu.memory_space<vmem_shared>> -> memref<102400xf32, #tpu.memory_space<vmem_shared>>
        tpu.wait_indirect_dma semaphore(%run_scoped3A : memref<!tpu.dma_semaphore, #tpu.memory_space<semaphore_mem>>) src(%arg16 : memref<4000xf32, #tpu.memory_space<vmem>>) dst(%dma_wait3A_166 : memref<102400xf32, #tpu.memory_space<vmem_shared>>)
        tpu.yield
      }) : () -> ()
      %dma_start3A_157 = arith.constant 0 : i32
      %dma_start3A_158 = tpu.memref_slice %arg8[%dma_start3A_157] : memref<102400xf32, #tpu.memory_space<vmem_shared>> -> memref<102400xf32, #tpu.memory_space<vmem_shared>>
      tpu.enqueue_indirect_dma source(%dma_start3A_158 : memref<102400xf32, #tpu.memory_space<vmem_shared>>) target(%arg16 : memref<4000xf32, #tpu.memory_space<vmem>>) offsets(%arg13 : memref<4000xi32, #tpu.memory_space<vmem>>) semaphore(%arg26 : memref<!tpu.dma_semaphore, #tpu.memory_space<semaphore_mem>>)
      %dma_wait3A_159 = arith.constant 0 : i32
      %dma_wait3A_160 = tpu.memref_slice %arg7[%dma_wait3A_159] : memref<102400xf32, #tpu.memory_space<vmem_shared>> -> memref<102400xf32, #tpu.memory_space<vmem_shared>>
      tpu.wait_indirect_dma semaphore(%arg27 : memref<!tpu.dma_semaphore, #tpu.memory_space<semaphore_mem>>) src(%dma_wait3A_160 : memref<102400xf32, #tpu.memory_space<vmem_shared>>) dst(%arg17 : memref<4000xf32, #tpu.memory_space<vmem>>)
      "tpu.region"() ({
        %run_scoped3A = tpu.sem_alloc : memref<!tpu.dma_semaphore, #tpu.memory_space<semaphore_mem>>
        %dma_start3A_163 = arith.constant 0 : i32
        %dma_start3A_164 = tpu.memref_slice %arg10[%dma_start3A_163] : memref<102400xf32, #tpu.memory_space<vmem_shared>> -> memref<102400xf32, #tpu.memory_space<vmem_shared>>
        tpu.enqueue_indirect_dma source(%arg17 : memref<4000xf32, #tpu.memory_space<vmem>>) target(%dma_start3A_164 : memref<102400xf32, #tpu.memory_space<vmem_shared>>) offsets(%arg15 : memref<4000xi32, #tpu.memory_space<vmem>>) semaphore(%run_scoped3A : memref<!tpu.dma_semaphore, #tpu.memory_space<semaphore_mem>>) {add = true}
        %dma_wait3A_165 = arith.constant 0 : i32
        %dma_wait3A_166 = tpu.memref_slice %arg10[%dma_wait3A_165] : memref<102400xf32, #tpu.memory_space<vmem_shared>> -> memref<102400xf32, #tpu.memory_space<vmem_shared>>
        tpu.wait_indirect_dma semaphore(%run_scoped3A : memref<!tpu.dma_semaphore, #tpu.memory_space<semaphore_mem>>) src(%arg17 : memref<4000xf32, #tpu.memory_space<vmem>>) dst(%dma_wait3A_166 : memref<102400xf32, #tpu.memory_space<vmem_shared>>)
        tpu.yield
      }) : () -> ()
      %dma_wait3A_161 = arith.constant 0 : i32
      %dma_wait3A_162 = tpu.memref_slice %arg8[%dma_wait3A_161] : memref<102400xf32, #tpu.memory_space<vmem_shared>> -> memref<102400xf32, #tpu.memory_space<vmem_shared>>
      tpu.wait_indirect_dma semaphore(%arg26 : memref<!tpu.dma_semaphore, #tpu.memory_space<semaphore_mem>>) src(%dma_wait3A_162 : memref<102400xf32, #tpu.memory_space<vmem_shared>>) dst(%arg16 : memref<4000xf32, #tpu.memory_space<vmem>>)
      "tpu.region"() ({
        %run_scoped3A = tpu.sem_alloc : memref<!tpu.dma_semaphore, #tpu.memory_space<semaphore_mem>>
        %dma_start3A_163 = arith.constant 0 : i32
        %dma_start3A_164 = tpu.memref_slice %arg11[%dma_start3A_163] : memref<102400xf32, #tpu.memory_space<vmem_shared>> -> memref<102400xf32, #tpu.memory_space<vmem_shared>>
        tpu.enqueue_indirect_dma source(%arg16 : memref<4000xf32, #tpu.memory_space<vmem>>) target(%dma_start3A_164 : memref<102400xf32, #tpu.memory_space<vmem_shared>>) offsets(%arg15 : memref<4000xi32, #tpu.memory_space<vmem>>) semaphore(%run_scoped3A : memref<!tpu.dma_semaphore, #tpu.memory_space<semaphore_mem>>) {add = true}
        %dma_wait3A_165 = arith.constant 0 : i32
        %dma_wait3A_166 = tpu.memref_slice %arg11[%dma_wait3A_165] : memref<102400xf32, #tpu.memory_space<vmem_shared>> -> memref<102400xf32, #tpu.memory_space<vmem_shared>>
        tpu.wait_indirect_dma semaphore(%run_scoped3A : memref<!tpu.dma_semaphore, #tpu.memory_space<semaphore_mem>>) src(%arg16 : memref<4000xf32, #tpu.memory_space<vmem>>) dst(%dma_wait3A_166 : memref<102400xf32, #tpu.memory_space<vmem_shared>>)
        tpu.yield
      }) : () -> ()
    }
    %scan3A_62 = arith.constant 25 : i32
    %barrier3A_63 = arith.constant 0 : index
    tpu.barrier barrier_id(%barrier3A_63)
    %dma_start3A_64 = tpu.memref_slice %arg9[%mul3A_0] : memref<102400xf32, #tpu.memory_space<vmem_shared>> -> memref<6400xf32, #tpu.memory_space<vmem_shared>>
    %dma_start3A_65 = tpu.memref_slice %arg9[%mul3A_0] : memref<102400xf32, #tpu.memory_space<vmem_shared>> -> memref<6400xf32, #tpu.memory_space<vmem_shared>>
    tpu.enqueue_dma source(%dma_start3A_65 : memref<6400xf32, #tpu.memory_space<vmem_shared>>) target(%arg18 : memref<6400xf32, #tpu.memory_space<vmem>>) target_semaphore(%arg28 : memref<!tpu.dma_semaphore, #tpu.memory_space<semaphore_mem>>)
    %dma_start3A_66 = tpu.memref_slice %arg10[%mul3A_0] : memref<102400xf32, #tpu.memory_space<vmem_shared>> -> memref<6400xf32, #tpu.memory_space<vmem_shared>>
    %dma_start3A_67 = tpu.memref_slice %arg10[%mul3A_0] : memref<102400xf32, #tpu.memory_space<vmem_shared>> -> memref<6400xf32, #tpu.memory_space<vmem_shared>>
    tpu.enqueue_dma source(%dma_start3A_67 : memref<6400xf32, #tpu.memory_space<vmem_shared>>) target(%arg19 : memref<6400xf32, #tpu.memory_space<vmem>>) target_semaphore(%arg29 : memref<!tpu.dma_semaphore, #tpu.memory_space<semaphore_mem>>)
    %dma_start3A_68 = tpu.memref_slice %arg11[%mul3A_0] : memref<102400xf32, #tpu.memory_space<vmem_shared>> -> memref<6400xf32, #tpu.memory_space<vmem_shared>>
    %dma_start3A_69 = tpu.memref_slice %arg11[%mul3A_0] : memref<102400xf32, #tpu.memory_space<vmem_shared>> -> memref<6400xf32, #tpu.memory_space<vmem_shared>>
    tpu.enqueue_dma source(%dma_start3A_69 : memref<6400xf32, #tpu.memory_space<vmem_shared>>) target(%arg20 : memref<6400xf32, #tpu.memory_space<vmem>>) target_semaphore(%arg30 : memref<!tpu.dma_semaphore, #tpu.memory_space<semaphore_mem>>)
    %mul3A_70 = arith.constant 3 : i32
    %mul3A_71 = arith.muli %arg0, %mul3A_70 : i32
    %add3A_72 = arith.constant 0 : i32
    %add3A_73 = arith.addi %mul3A_71, %add3A_72 : i32
    %mul3A_74 = arith.constant 102400 : i32
    %mul3A_75 = arith.muli %add3A_73, %mul3A_74 : i32
    %add3A_76 = arith.addi %mul3A_75, %mul3A_0 : i32
    %mul3A_77 = arith.constant 3 : i32
    %mul3A_78 = arith.muli %arg0, %mul3A_77 : i32
    %add3A_79 = arith.constant 1 : i32
    %add3A_80 = arith.addi %mul3A_78, %add3A_79 : i32
    %mul3A_81 = arith.constant 102400 : i32
    %mul3A_82 = arith.muli %add3A_80, %mul3A_81 : i32
    %add3A_83 = arith.addi %mul3A_82, %mul3A_0 : i32
    %mul3A_84 = arith.constant 3 : i32
    %mul3A_85 = arith.muli %arg0, %mul3A_84 : i32
    %add3A_86 = arith.constant 2 : i32
    %add3A_87 = arith.addi %mul3A_85, %add3A_86 : i32
    %mul3A_88 = arith.constant 102400 : i32
    %mul3A_89 = arith.muli %add3A_87, %mul3A_88 : i32
    %add3A_90 = arith.addi %mul3A_89, %mul3A_0 : i32
    %dma_wait3A_91 = tpu.memref_slice %arg9[%mul3A_0] : memref<102400xf32, #tpu.memory_space<vmem_shared>> -> memref<6400xf32, #tpu.memory_space<vmem_shared>>
    %dma_wait3A_92 = tpu.memref_slice %arg9[%mul3A_0] : memref<102400xf32, #tpu.memory_space<vmem_shared>> -> memref<6400xf32, #tpu.memory_space<vmem_shared>>
    tpu.wait_dma2 semaphore(%arg28 : memref<!tpu.dma_semaphore, #tpu.memory_space<semaphore_mem>>) src(%dma_wait3A_92 : memref<6400xf32, #tpu.memory_space<vmem_shared>>) dst(%arg18 : memref<6400xf32, #tpu.memory_space<vmem>>)
    %dma_start3A_93 = tpu.memref_slice %arg5[%add3A_76] : memref<614400xf32, #tpu.memory_space<hbm>> -> memref<6400xf32, #tpu.memory_space<hbm>>
    %dma_start3A_94 = tpu.memref_slice %arg5[%add3A_76] : memref<614400xf32, #tpu.memory_space<hbm>> -> memref<6400xf32, #tpu.memory_space<hbm>>
    tpu.enqueue_dma source(%arg18 : memref<6400xf32, #tpu.memory_space<vmem>>) target(%dma_start3A_94 : memref<6400xf32, #tpu.memory_space<hbm>>) target_semaphore(%arg31 : memref<!tpu.dma_semaphore, #tpu.memory_space<semaphore_mem>>)
    %dma_wait3A_95 = tpu.memref_slice %arg10[%mul3A_0] : memref<102400xf32, #tpu.memory_space<vmem_shared>> -> memref<6400xf32, #tpu.memory_space<vmem_shared>>
    %dma_wait3A_96 = tpu.memref_slice %arg10[%mul3A_0] : memref<102400xf32, #tpu.memory_space<vmem_shared>> -> memref<6400xf32, #tpu.memory_space<vmem_shared>>
    tpu.wait_dma2 semaphore(%arg29 : memref<!tpu.dma_semaphore, #tpu.memory_space<semaphore_mem>>) src(%dma_wait3A_96 : memref<6400xf32, #tpu.memory_space<vmem_shared>>) dst(%arg19 : memref<6400xf32, #tpu.memory_space<vmem>>)
    %dma_start3A_97 = tpu.memref_slice %arg5[%add3A_83] : memref<614400xf32, #tpu.memory_space<hbm>> -> memref<6400xf32, #tpu.memory_space<hbm>>
    %dma_start3A_98 = tpu.memref_slice %arg5[%add3A_83] : memref<614400xf32, #tpu.memory_space<hbm>> -> memref<6400xf32, #tpu.memory_space<hbm>>
    tpu.enqueue_dma source(%arg19 : memref<6400xf32, #tpu.memory_space<vmem>>) target(%dma_start3A_98 : memref<6400xf32, #tpu.memory_space<hbm>>) target_semaphore(%arg31 : memref<!tpu.dma_semaphore, #tpu.memory_space<semaphore_mem>>)
    %dma_wait3A_99 = tpu.memref_slice %arg11[%mul3A_0] : memref<102400xf32, #tpu.memory_space<vmem_shared>> -> memref<6400xf32, #tpu.memory_space<vmem_shared>>
    %dma_wait3A_100 = tpu.memref_slice %arg11[%mul3A_0] : memref<102400xf32, #tpu.memory_space<vmem_shared>> -> memref<6400xf32, #tpu.memory_space<vmem_shared>>
    tpu.wait_dma2 semaphore(%arg30 : memref<!tpu.dma_semaphore, #tpu.memory_space<semaphore_mem>>) src(%dma_wait3A_100 : memref<6400xf32, #tpu.memory_space<vmem_shared>>) dst(%arg20 : memref<6400xf32, #tpu.memory_space<vmem>>)
    %dma_start3A_101 = tpu.memref_slice %arg5[%add3A_90] : memref<614400xf32, #tpu.memory_space<hbm>> -> memref<6400xf32, #tpu.memory_space<hbm>>
    %dma_start3A_102 = tpu.memref_slice %arg5[%add3A_90] : memref<614400xf32, #tpu.memory_space<hbm>> -> memref<6400xf32, #tpu.memory_space<hbm>>
    tpu.enqueue_dma source(%arg20 : memref<6400xf32, #tpu.memory_space<vmem>>) target(%dma_start3A_102 : memref<6400xf32, #tpu.memory_space<hbm>>) target_semaphore(%arg31 : memref<!tpu.dma_semaphore, #tpu.memory_space<semaphore_mem>>)
    %dma_wait3A_103 = tpu.memref_slice %arg5[%add3A_76] : memref<614400xf32, #tpu.memory_space<hbm>> -> memref<6400xf32, #tpu.memory_space<hbm>>
    %dma_wait3A_104 = tpu.memref_slice %arg5[%add3A_76] : memref<614400xf32, #tpu.memory_space<hbm>> -> memref<6400xf32, #tpu.memory_space<hbm>>
    tpu.wait_dma2 semaphore(%arg31 : memref<!tpu.dma_semaphore, #tpu.memory_space<semaphore_mem>>) src(%arg18 : memref<6400xf32, #tpu.memory_space<vmem>>) dst(%dma_wait3A_104 : memref<6400xf32, #tpu.memory_space<hbm>>)
    %dma_wait3A_105 = tpu.memref_slice %arg5[%add3A_83] : memref<614400xf32, #tpu.memory_space<hbm>> -> memref<6400xf32, #tpu.memory_space<hbm>>
    %dma_wait3A_106 = tpu.memref_slice %arg5[%add3A_83] : memref<614400xf32, #tpu.memory_space<hbm>> -> memref<6400xf32, #tpu.memory_space<hbm>>
    tpu.wait_dma2 semaphore(%arg31 : memref<!tpu.dma_semaphore, #tpu.memory_space<semaphore_mem>>) src(%arg19 : memref<6400xf32, #tpu.memory_space<vmem>>) dst(%dma_wait3A_106 : memref<6400xf32, #tpu.memory_space<hbm>>)
    %dma_wait3A_107 = tpu.memref_slice %arg5[%add3A_90] : memref<614400xf32, #tpu.memory_space<hbm>> -> memref<6400xf32, #tpu.memory_space<hbm>>
    %dma_wait3A_108 = tpu.memref_slice %arg5[%add3A_90] : memref<614400xf32, #tpu.memory_space<hbm>> -> memref<6400xf32, #tpu.memory_space<hbm>>
    tpu.wait_dma2 semaphore(%arg31 : memref<!tpu.dma_semaphore, #tpu.memory_space<semaphore_mem>>) src(%arg20 : memref<6400xf32, #tpu.memory_space<vmem>>) dst(%dma_wait3A_108 : memref<6400xf32, #tpu.memory_space<hbm>>)
    return
  }
}

#map = affine_map<(d0, d1) -> (0)>
module attributes {stable_mosaic.version = 14 : i64} {
  func.func @agg_kernel(%arg0: i32, %arg1: i32, %arg2: memref<6400000xi32, #tpu.memory_space<hbm>>, %arg3: memref<6400000xi32, #tpu.memory_space<hbm>>, %arg4: memref<307200xf32, #tpu.memory_space<hbm>>, %arg5: memref<614400xf32, #tpu.memory_space<hbm>>, %arg6: memref<102400xf32, #tpu.memory_space<vmem_shared>>, %arg7: memref<102400xf32, #tpu.memory_space<vmem_shared>>, %arg8: memref<102400xf32, #tpu.memory_space<vmem_shared>>, %arg9: memref<102400xf32, #tpu.memory_space<vmem_shared>>, %arg10: memref<102400xf32, #tpu.memory_space<vmem_shared>>, %arg11: memref<102400xf32, #tpu.memory_space<vmem_shared>>, %arg12: memref<4000xi32, #tpu.memory_space<vmem>>, %arg13: memref<4000xi32, #tpu.memory_space<vmem>>, %arg14: memref<4000xi32, #tpu.memory_space<vmem>>, %arg15: memref<4000xi32, #tpu.memory_space<vmem>>, %arg16: memref<4000xf32, #tpu.memory_space<vmem>>, %arg17: memref<4000xf32, #tpu.memory_space<vmem>>, %arg18: memref<6400xf32, #tpu.memory_space<vmem>>, %arg19: memref<6400xf32, #tpu.memory_space<vmem>>, %arg20: memref<6400xf32, #tpu.memory_space<vmem>>, %arg21: memref<6400xf32, #tpu.memory_space<vmem>>, %arg22: memref<!tpu.dma_semaphore, #tpu.memory_space<semaphore_mem>>, %arg23: memref<!tpu.dma_semaphore, #tpu.memory_space<semaphore_mem>>, %arg24: memref<!tpu.dma_semaphore, #tpu.memory_space<semaphore_mem>>, %arg25: memref<!tpu.dma_semaphore, #tpu.memory_space<semaphore_mem>>, %arg26: memref<!tpu.dma_semaphore, #tpu.memory_space<semaphore_mem>>, %arg27: memref<!tpu.dma_semaphore, #tpu.memory_space<semaphore_mem>>, %arg28: memref<!tpu.dma_semaphore, #tpu.memory_space<semaphore_mem>>, %arg29: memref<!tpu.dma_semaphore, #tpu.memory_space<semaphore_mem>>, %arg30: memref<!tpu.dma_semaphore, #tpu.memory_space<semaphore_mem>>, %arg31: memref<!tpu.dma_semaphore, #tpu.memory_space<semaphore_mem>>, %arg32: memref<!tpu.dma_semaphore, #tpu.memory_space<semaphore_mem>>) attributes {dimension_semantics = [#tpu.dimension_semantics<core_parallel>, #tpu.dimension_semantics<subcore_parallel>], iteration_bounds = array<i64: 2, 16>, scalar_prefetch = 0 : i64, scratch_operands = 27 : i64, tpu.core_type = #tpu.core_type<sc_vector_subcore>, window_params = [{transform_indices = #map}, {transform_indices = #map}, {transform_indices = #map}, {transform_indices = #map}]} {
    %mul3A = arith.constant 6400 : i32
    %mul3A_0 = arith.muli %arg1, %mul3A : i32
    %add3A = arith.constant 0 : i32
    %add3A_1 = arith.addi %add3A, %mul3A_0 : i32
    %add3A_2 = arith.constant 102400 : i32
    %add3A_3 = arith.addi %add3A_2, %mul3A_0 : i32
    %add3A_4 = arith.constant 204800 : i32
    %add3A_5 = arith.addi %add3A_4, %mul3A_0 : i32
    %dma_start3A = tpu.memref_slice %arg4[%add3A_1] : memref<307200xf32, #tpu.memory_space<hbm>> -> memref<6400xf32, #tpu.memory_space<hbm>>
    %dma_start3A_6 = tpu.memref_slice %arg4[%add3A_1] : memref<307200xf32, #tpu.memory_space<hbm>> -> memref<6400xf32, #tpu.memory_space<hbm>>
    tpu.enqueue_dma source(%dma_start3A_6 : memref<6400xf32, #tpu.memory_space<hbm>>) target(%arg18 : memref<6400xf32, #tpu.memory_space<vmem>>) target_semaphore(%arg28 : memref<!tpu.dma_semaphore, #tpu.memory_space<semaphore_mem>>)
    %dma_start3A_7 = tpu.memref_slice %arg4[%add3A_3] : memref<307200xf32, #tpu.memory_space<hbm>> -> memref<6400xf32, #tpu.memory_space<hbm>>
    %dma_start3A_8 = tpu.memref_slice %arg4[%add3A_3] : memref<307200xf32, #tpu.memory_space<hbm>> -> memref<6400xf32, #tpu.memory_space<hbm>>
    tpu.enqueue_dma source(%dma_start3A_8 : memref<6400xf32, #tpu.memory_space<hbm>>) target(%arg19 : memref<6400xf32, #tpu.memory_space<vmem>>) target_semaphore(%arg29 : memref<!tpu.dma_semaphore, #tpu.memory_space<semaphore_mem>>)
    %dma_start3A_9 = tpu.memref_slice %arg4[%add3A_5] : memref<307200xf32, #tpu.memory_space<hbm>> -> memref<6400xf32, #tpu.memory_space<hbm>>
    %dma_start3A_10 = tpu.memref_slice %arg4[%add3A_5] : memref<307200xf32, #tpu.memory_space<hbm>> -> memref<6400xf32, #tpu.memory_space<hbm>>
    tpu.enqueue_dma source(%dma_start3A_10 : memref<6400xf32, #tpu.memory_space<hbm>>) target(%arg20 : memref<6400xf32, #tpu.memory_space<vmem>>) target_semaphore(%arg30 : memref<!tpu.dma_semaphore, #tpu.memory_space<semaphore_mem>>)
    %broadcast_in_dim3A = arith.constant 0.000000e+00 : f32
    %broadcast_in_dim3A_11 = vector.broadcast %broadcast_in_dim3A : f32 to vector<16xf32>
    %scan3A = arith.constant 0 : i32
    %scan3A_12 = arith.constant 0 : i32
    %scan3A_13 = arith.constant 400 : i32
    %scan3A_14 = arith.addi %scan3A_12, %scan3A_13 : i32
    %scan3A_15 = arith.constant 1 : i32
    scf.for %scan3A_109 = %scan3A_12 to %scan3A_14 step %scan3A_15  : i32 {
      %mul3A_110 = arith.constant 16 : i32
      %mul3A_111 = arith.muli %scan3A_109, %mul3A_110 : i32
      %swap3A = arith.index_cast %mul3A_111 : i32 to index
      %swap3A_112 = tpu.vector_load %arg21[%swap3A] {strides = array<i32>} : memref<6400xf32, #tpu.memory_space<vmem>>, vector<16xf32>,
      %swap3A_113 = vector.shape_cast %swap3A_112 : vector<16xf32> to vector<16xf32>
      %swap3A_114 = vector.shape_cast %broadcast_in_dim3A_11 : vector<16xf32> to vector<16xf32>
      tpu.vector_store %arg21[%swap3A], %swap3A_114 {strides = array<i32>} : memref<6400xf32, #tpu.memory_space<vmem>>, vector<16xf32>,
    }
    %scan3A_16 = arith.constant 400 : i32
    %dma_start3A_17 = tpu.memref_slice %arg9[%mul3A_0] : memref<102400xf32, #tpu.memory_space<vmem_shared>> -> memref<6400xf32, #tpu.memory_space<vmem_shared>>
    %dma_start3A_18 = tpu.memref_slice %arg9[%mul3A_0] : memref<102400xf32, #tpu.memory_space<vmem_shared>> -> memref<6400xf32, #tpu.memory_space<vmem_shared>>
    tpu.enqueue_dma source(%arg21 : memref<6400xf32, #tpu.memory_space<vmem>>) target(%dma_start3A_18 : memref<6400xf32, #tpu.memory_space<vmem_shared>>) target_semaphore(%arg32 : memref<!tpu.dma_semaphore, #tpu.memory_space<semaphore_mem>>)
    %dma_start3A_19 = tpu.memref_slice %arg10[%mul3A_0] : memref<102400xf32, #tpu.memory_space<vmem_shared>> -> memref<6400xf32, #tpu.memory_space<vmem_shared>>
    %dma_start3A_20 = tpu.memref_slice %arg10[%mul3A_0] : memref<102400xf32, #tpu.memory_space<vmem_shared>> -> memref<6400xf32, #tpu.memory_space<vmem_shared>>
    tpu.enqueue_dma source(%arg21 : memref<6400xf32, #tpu.memory_space<vmem>>) target(%dma_start3A_20 : memref<6400xf32, #tpu.memory_space<vmem_shared>>) target_semaphore(%arg32 : memref<!tpu.dma_semaphore, #tpu.memory_space<semaphore_mem>>)
    %dma_start3A_21 = tpu.memref_slice %arg11[%mul3A_0] : memref<102400xf32, #tpu.memory_space<vmem_shared>> -> memref<6400xf32, #tpu.memory_space<vmem_shared>>
    %dma_start3A_22 = tpu.memref_slice %arg11[%mul3A_0] : memref<102400xf32, #tpu.memory_space<vmem_shared>> -> memref<6400xf32, #tpu.memory_space<vmem_shared>>
    tpu.enqueue_dma source(%arg21 : memref<6400xf32, #tpu.memory_space<vmem>>) target(%dma_start3A_22 : memref<6400xf32, #tpu.memory_space<vmem_shared>>) target_semaphore(%arg32 : memref<!tpu.dma_semaphore, #tpu.memory_space<semaphore_mem>>)
    %dma_wait3A = tpu.memref_slice %arg4[%add3A_1] : memref<307200xf32, #tpu.memory_space<hbm>> -> memref<6400xf32, #tpu.memory_space<hbm>>
    %dma_wait3A_23 = tpu.memref_slice %arg4[%add3A_1] : memref<307200xf32, #tpu.memory_space<hbm>> -> memref<6400xf32, #tpu.memory_space<hbm>>
    tpu.wait_dma2 semaphore(%arg28 : memref<!tpu.dma_semaphore, #tpu.memory_space<semaphore_mem>>) src(%dma_wait3A_23 : memref<6400xf32, #tpu.memory_space<hbm>>) dst(%arg18 : memref<6400xf32, #tpu.memory_space<vmem>>)
    %dma_start3A_24 = tpu.memref_slice %arg6[%mul3A_0] : memref<102400xf32, #tpu.memory_space<vmem_shared>> -> memref<6400xf32, #tpu.memory_space<vmem_shared>>
    %dma_start3A_25 = tpu.memref_slice %arg6[%mul3A_0] : memref<102400xf32, #tpu.memory_space<vmem_shared>> -> memref<6400xf32, #tpu.memory_space<vmem_shared>>
    tpu.enqueue_dma source(%arg18 : memref<6400xf32, #tpu.memory_space<vmem>>) target(%dma_start3A_25 : memref<6400xf32, #tpu.memory_space<vmem_shared>>) target_semaphore(%arg31 : memref<!tpu.dma_semaphore, #tpu.memory_space<semaphore_mem>>)
    %dma_wait3A_26 = tpu.memref_slice %arg4[%add3A_3] : memref<307200xf32, #tpu.memory_space<hbm>> -> memref<6400xf32, #tpu.memory_space<hbm>>
    %dma_wait3A_27 = tpu.memref_slice %arg4[%add3A_3] : memref<307200xf32, #tpu.memory_space<hbm>> -> memref<6400xf32, #tpu.memory_space<hbm>>
    tpu.wait_dma2 semaphore(%arg29 : memref<!tpu.dma_semaphore, #tpu.memory_space<semaphore_mem>>) src(%dma_wait3A_27 : memref<6400xf32, #tpu.memory_space<hbm>>) dst(%arg19 : memref<6400xf32, #tpu.memory_space<vmem>>)
    %dma_start3A_28 = tpu.memref_slice %arg7[%mul3A_0] : memref<102400xf32, #tpu.memory_space<vmem_shared>> -> memref<6400xf32, #tpu.memory_space<vmem_shared>>
    %dma_start3A_29 = tpu.memref_slice %arg7[%mul3A_0] : memref<102400xf32, #tpu.memory_space<vmem_shared>> -> memref<6400xf32, #tpu.memory_space<vmem_shared>>
    tpu.enqueue_dma source(%arg19 : memref<6400xf32, #tpu.memory_space<vmem>>) target(%dma_start3A_29 : memref<6400xf32, #tpu.memory_space<vmem_shared>>) target_semaphore(%arg31 : memref<!tpu.dma_semaphore, #tpu.memory_space<semaphore_mem>>)
    %dma_wait3A_30 = tpu.memref_slice %arg4[%add3A_5] : memref<307200xf32, #tpu.memory_space<hbm>> -> memref<6400xf32, #tpu.memory_space<hbm>>
    %dma_wait3A_31 = tpu.memref_slice %arg4[%add3A_5] : memref<307200xf32, #tpu.memory_space<hbm>> -> memref<6400xf32, #tpu.memory_space<hbm>>
    tpu.wait_dma2 semaphore(%arg30 : memref<!tpu.dma_semaphore, #tpu.memory_space<semaphore_mem>>) src(%dma_wait3A_31 : memref<6400xf32, #tpu.memory_space<hbm>>) dst(%arg20 : memref<6400xf32, #tpu.memory_space<vmem>>)
    %dma_start3A_32 = tpu.memref_slice %arg8[%mul3A_0] : memref<102400xf32, #tpu.memory_space<vmem_shared>> -> memref<6400xf32, #tpu.memory_space<vmem_shared>>
    %dma_start3A_33 = tpu.memref_slice %arg8[%mul3A_0] : memref<102400xf32, #tpu.memory_space<vmem_shared>> -> memref<6400xf32, #tpu.memory_space<vmem_shared>>
    tpu.enqueue_dma source(%arg20 : memref<6400xf32, #tpu.memory_space<vmem>>) target(%dma_start3A_33 : memref<6400xf32, #tpu.memory_space<vmem_shared>>) target_semaphore(%arg31 : memref<!tpu.dma_semaphore, #tpu.memory_space<semaphore_mem>>)
    %dma_wait3A_34 = tpu.memref_slice %arg9[%mul3A_0] : memref<102400xf32, #tpu.memory_space<vmem_shared>> -> memref<6400xf32, #tpu.memory_space<vmem_shared>>
    %dma_wait3A_35 = tpu.memref_slice %arg9[%mul3A_0] : memref<102400xf32, #tpu.memory_space<vmem_shared>> -> memref<6400xf32, #tpu.memory_space<vmem_shared>>
    tpu.wait_dma2 semaphore(%arg32 : memref<!tpu.dma_semaphore, #tpu.memory_space<semaphore_mem>>) src(%arg21 : memref<6400xf32, #tpu.memory_space<vmem>>) dst(%dma_wait3A_35 : memref<6400xf32, #tpu.memory_space<vmem_shared>>)
    %dma_wait3A_36 = tpu.memref_slice %arg6[%mul3A_0] : memref<102400xf32, #tpu.memory_space<vmem_shared>> -> memref<6400xf32, #tpu.memory_space<vmem_shared>>
    %dma_wait3A_37 = tpu.memref_slice %arg6[%mul3A_0] : memref<102400xf32, #tpu.memory_space<vmem_shared>> -> memref<6400xf32, #tpu.memory_space<vmem_shared>>
    tpu.wait_dma2 semaphore(%arg31 : memref<!tpu.dma_semaphore, #tpu.memory_space<semaphore_mem>>) src(%arg18 : memref<6400xf32, #tpu.memory_space<vmem>>) dst(%dma_wait3A_37 : memref<6400xf32, #tpu.memory_space<vmem_shared>>)
    %dma_wait3A_38 = tpu.memref_slice %arg10[%mul3A_0] : memref<102400xf32, #tpu.memory_space<vmem_shared>> -> memref<6400xf32, #tpu.memory_space<vmem_shared>>
    %dma_wait3A_39 = tpu.memref_slice %arg10[%mul3A_0] : memref<102400xf32, #tpu.memory_space<vmem_shared>> -> memref<6400xf32, #tpu.memory_space<vmem_shared>>
    tpu.wait_dma2 semaphore(%arg32 : memref<!tpu.dma_semaphore, #tpu.memory_space<semaphore_mem>>) src(%arg21 : memref<6400xf32, #tpu.memory_space<vmem>>) dst(%dma_wait3A_39 : memref<6400xf32, #tpu.memory_space<vmem_shared>>)
    %dma_wait3A_40 = tpu.memref_slice %arg7[%mul3A_0] : memref<102400xf32, #tpu.memory_space<vmem_shared>> -> memref<6400xf32, #tpu.memory_space<vmem_shared>>
    %dma_wait3A_41 = tpu.memref_slice %arg7[%mul3A_0] : memref<102400xf32, #tpu.memory_space<vmem_shared>> -> memref<6400xf32, #tpu.memory_space<vmem_shared>>
    tpu.wait_dma2 semaphore(%arg31 : memref<!tpu.dma_semaphore, #tpu.memory_space<semaphore_mem>>) src(%arg19 : memref<6400xf32, #tpu.memory_space<vmem>>) dst(%dma_wait3A_41 : memref<6400xf32, #tpu.memory_space<vmem_shared>>)
    %dma_wait3A_42 = tpu.memref_slice %arg11[%mul3A_0] : memref<102400xf32, #tpu.memory_space<vmem_shared>> -> memref<6400xf32, #tpu.memory_space<vmem_shared>>
    %dma_wait3A_43 = tpu.memref_slice %arg11[%mul3A_0] : memref<102400xf32, #tpu.memory_space<vmem_shared>> -> memref<6400xf32, #tpu.memory_space<vmem_shared>>
    tpu.wait_dma2 semaphore(%arg32 : memref<!tpu.dma_semaphore, #tpu.memory_space<semaphore_mem>>) src(%arg21 : memref<6400xf32, #tpu.memory_space<vmem>>) dst(%dma_wait3A_43 : memref<6400xf32, #tpu.memory_space<vmem_shared>>)
    %dma_wait3A_44 = tpu.memref_slice %arg8[%mul3A_0] : memref<102400xf32, #tpu.memory_space<vmem_shared>> -> memref<6400xf32, #tpu.memory_space<vmem_shared>>
    %dma_wait3A_45 = tpu.memref_slice %arg8[%mul3A_0] : memref<102400xf32, #tpu.memory_space<vmem_shared>> -> memref<6400xf32, #tpu.memory_space<vmem_shared>>
    tpu.wait_dma2 semaphore(%arg31 : memref<!tpu.dma_semaphore, #tpu.memory_space<semaphore_mem>>) src(%arg20 : memref<6400xf32, #tpu.memory_space<vmem>>) dst(%dma_wait3A_45 : memref<6400xf32, #tpu.memory_space<vmem_shared>>)
    %barrier3A = arith.constant 0 : index
    tpu.barrier barrier_id(%barrier3A)
    %mul3A_46 = arith.constant 16 : i32
    %mul3A_47 = arith.muli %arg0, %mul3A_46 : i32
    %add3A_48 = arith.addi %mul3A_47, %arg1 : i32
    %mul3A_49 = arith.constant 200000 : i32
    %mul3A_50 = arith.muli %add3A_48, %mul3A_49 : i32
    %add3A_51 = arith.constant 0 : i32
    %add3A_52 = arith.addi %mul3A_50, %add3A_51 : i32
    %dma_start3A_53 = tpu.memref_slice %arg2[%add3A_52] : memref<6400000xi32, #tpu.memory_space<hbm>> -> memref<4000xi32, #tpu.memory_space<hbm>>
    %dma_start3A_54 = tpu.memref_slice %arg2[%add3A_52] : memref<6400000xi32, #tpu.memory_space<hbm>> -> memref<4000xi32, #tpu.memory_space<hbm>>
    tpu.enqueue_dma source(%dma_start3A_54 : memref<4000xi32, #tpu.memory_space<hbm>>) target(%arg12 : memref<4000xi32, #tpu.memory_space<vmem>>) target_semaphore(%arg22 : memref<!tpu.dma_semaphore, #tpu.memory_space<semaphore_mem>>)
    %dma_start3A_55 = tpu.memref_slice %arg3[%add3A_52] : memref<6400000xi32, #tpu.memory_space<hbm>> -> memref<4000xi32, #tpu.memory_space<hbm>>
    %dma_start3A_56 = tpu.memref_slice %arg3[%add3A_52] : memref<6400000xi32, #tpu.memory_space<hbm>> -> memref<4000xi32, #tpu.memory_space<hbm>>
    tpu.enqueue_dma source(%dma_start3A_56 : memref<4000xi32, #tpu.memory_space<hbm>>) target(%arg14 : memref<4000xi32, #tpu.memory_space<vmem>>) target_semaphore(%arg24 : memref<!tpu.dma_semaphore, #tpu.memory_space<semaphore_mem>>)
    %scan3A_57 = arith.constant 0 : i32
    %scan3A_58 = arith.constant 0 : i32
    %scan3A_59 = arith.constant 25 : i32
    %scan3A_60 = arith.addi %scan3A_58, %scan3A_59 : i32
    %scan3A_61 = arith.constant 1 : i32
    scf.for %scan3A_109 = %scan3A_58 to %scan3A_60 step %scan3A_61  : i32 {
      %mul3A_110 = arith.constant 2 : i32
      %mul3A_111 = arith.muli %scan3A_109, %mul3A_110 : i32
      %add3A_112 = arith.constant 1 : i32
      %add3A_113 = arith.addi %mul3A_111, %add3A_112 : i32
      %mul3A_114 = arith.constant 4000 : i32
      %mul3A_115 = arith.muli %add3A_113, %mul3A_114 : i32
      %add3A_116 = arith.addi %mul3A_50, %mul3A_115 : i32
      %dma_start3A_117 = tpu.memref_slice %arg2[%add3A_116] : memref<6400000xi32, #tpu.memory_space<hbm>> -> memref<4000xi32, #tpu.memory_space<hbm>>
      %dma_start3A_118 = tpu.memref_slice %arg2[%add3A_116] : memref<6400000xi32, #tpu.memory_space<hbm>> -> memref<4000xi32, #tpu.memory_space<hbm>>
      tpu.enqueue_dma source(%dma_start3A_118 : memref<4000xi32, #tpu.memory_space<hbm>>) target(%arg13 : memref<4000xi32, #tpu.memory_space<vmem>>) target_semaphore(%arg23 : memref<!tpu.dma_semaphore, #tpu.memory_space<semaphore_mem>>)
      %dma_start3A_119 = tpu.memref_slice %arg3[%add3A_116] : memref<6400000xi32, #tpu.memory_space<hbm>> -> memref<4000xi32, #tpu.memory_space<hbm>>
      %dma_start3A_120 = tpu.memref_slice %arg3[%add3A_116] : memref<6400000xi32, #tpu.memory_space<hbm>> -> memref<4000xi32, #tpu.memory_space<hbm>>
      tpu.enqueue_dma source(%dma_start3A_120 : memref<4000xi32, #tpu.memory_space<hbm>>) target(%arg15 : memref<4000xi32, #tpu.memory_space<vmem>>) target_semaphore(%arg25 : memref<!tpu.dma_semaphore, #tpu.memory_space<semaphore_mem>>)
      %mul3A_121 = arith.constant 4000 : i32
      %mul3A_122 = arith.muli %mul3A_111, %mul3A_121 : i32
      %add3A_123 = arith.addi %mul3A_50, %mul3A_122 : i32
      %dma_wait3A_124 = tpu.memref_slice %arg2[%add3A_123] : memref<6400000xi32, #tpu.memory_space<hbm>> -> memref<4000xi32, #tpu.memory_space<hbm>>
      %dma_wait3A_125 = tpu.memref_slice %arg2[%add3A_123] : memref<6400000xi32, #tpu.memory_space<hbm>> -> memref<4000xi32, #tpu.memory_space<hbm>>
      tpu.wait_dma2 semaphore(%arg22 : memref<!tpu.dma_semaphore, #tpu.memory_space<semaphore_mem>>) src(%dma_wait3A_125 : memref<4000xi32, #tpu.memory_space<hbm>>) dst(%arg12 : memref<4000xi32, #tpu.memory_space<vmem>>)
      %dma_wait3A_126 = tpu.memref_slice %arg3[%add3A_123] : memref<6400000xi32, #tpu.memory_space<hbm>> -> memref<4000xi32, #tpu.memory_space<hbm>>
      %dma_wait3A_127 = tpu.memref_slice %arg3[%add3A_123] : memref<6400000xi32, #tpu.memory_space<hbm>> -> memref<4000xi32, #tpu.memory_space<hbm>>
      tpu.wait_dma2 semaphore(%arg24 : memref<!tpu.dma_semaphore, #tpu.memory_space<semaphore_mem>>) src(%dma_wait3A_127 : memref<4000xi32, #tpu.memory_space<hbm>>) dst(%arg14 : memref<4000xi32, #tpu.memory_space<vmem>>)
      %dma_start3A_128 = arith.constant 0 : i32
      %dma_start3A_129 = tpu.memref_slice %arg6[%dma_start3A_128] : memref<102400xf32, #tpu.memory_space<vmem_shared>> -> memref<102400xf32, #tpu.memory_space<vmem_shared>>
      tpu.enqueue_indirect_dma source(%dma_start3A_129 : memref<102400xf32, #tpu.memory_space<vmem_shared>>) target(%arg16 : memref<4000xf32, #tpu.memory_space<vmem>>) offsets(%arg12 : memref<4000xi32, #tpu.memory_space<vmem>>) semaphore(%arg26 : memref<!tpu.dma_semaphore, #tpu.memory_space<semaphore_mem>>)
      %dma_start3A_130 = arith.constant 0 : i32
      %dma_start3A_131 = tpu.memref_slice %arg7[%dma_start3A_130] : memref<102400xf32, #tpu.memory_space<vmem_shared>> -> memref<102400xf32, #tpu.memory_space<vmem_shared>>
      tpu.enqueue_indirect_dma source(%dma_start3A_131 : memref<102400xf32, #tpu.memory_space<vmem_shared>>) target(%arg17 : memref<4000xf32, #tpu.memory_space<vmem>>) offsets(%arg12 : memref<4000xi32, #tpu.memory_space<vmem>>) semaphore(%arg27 : memref<!tpu.dma_semaphore, #tpu.memory_space<semaphore_mem>>)
      %dma_wait3A_132 = arith.constant 0 : i32
      %dma_wait3A_133 = tpu.memref_slice %arg6[%dma_wait3A_132] : memref<102400xf32, #tpu.memory_space<vmem_shared>> -> memref<102400xf32, #tpu.memory_space<vmem_shared>>
      tpu.wait_indirect_dma semaphore(%arg26 : memref<!tpu.dma_semaphore, #tpu.memory_space<semaphore_mem>>) src(%dma_wait3A_133 : memref<102400xf32, #tpu.memory_space<vmem_shared>>) dst(%arg16 : memref<4000xf32, #tpu.memory_space<vmem>>)
      "tpu.region"() ({
        %run_scoped3A = tpu.sem_alloc : memref<!tpu.dma_semaphore, #tpu.memory_space<semaphore_mem>>
        %dma_start3A_163 = arith.constant 0 : i32
        %dma_start3A_164 = tpu.memref_slice %arg9[%dma_start3A_163] : memref<102400xf32, #tpu.memory_space<vmem_shared>> -> memref<102400xf32, #tpu.memory_space<vmem_shared>>
        tpu.enqueue_indirect_dma source(%arg16 : memref<4000xf32, #tpu.memory_space<vmem>>) target(%dma_start3A_164 : memref<102400xf32, #tpu.memory_space<vmem_shared>>) offsets(%arg14 : memref<4000xi32, #tpu.memory_space<vmem>>) semaphore(%run_scoped3A : memref<!tpu.dma_semaphore, #tpu.memory_space<semaphore_mem>>) {add = true}
        %dma_wait3A_165 = arith.constant 0 : i32
        %dma_wait3A_166 = tpu.memref_slice %arg9[%dma_wait3A_165] : memref<102400xf32, #tpu.memory_space<vmem_shared>> -> memref<102400xf32, #tpu.memory_space<vmem_shared>>
        tpu.wait_indirect_dma semaphore(%run_scoped3A : memref<!tpu.dma_semaphore, #tpu.memory_space<semaphore_mem>>) src(%arg16 : memref<4000xf32, #tpu.memory_space<vmem>>) dst(%dma_wait3A_166 : memref<102400xf32, #tpu.memory_space<vmem_shared>>)
        tpu.yield
      }) : () -> ()
      %dma_start3A_134 = arith.constant 0 : i32
      %dma_start3A_135 = tpu.memref_slice %arg8[%dma_start3A_134] : memref<102400xf32, #tpu.memory_space<vmem_shared>> -> memref<102400xf32, #tpu.memory_space<vmem_shared>>
      tpu.enqueue_indirect_dma source(%dma_start3A_135 : memref<102400xf32, #tpu.memory_space<vmem_shared>>) target(%arg16 : memref<4000xf32, #tpu.memory_space<vmem>>) offsets(%arg12 : memref<4000xi32, #tpu.memory_space<vmem>>) semaphore(%arg26 : memref<!tpu.dma_semaphore, #tpu.memory_space<semaphore_mem>>)
      %dma_wait3A_136 = arith.constant 0 : i32
      %dma_wait3A_137 = tpu.memref_slice %arg7[%dma_wait3A_136] : memref<102400xf32, #tpu.memory_space<vmem_shared>> -> memref<102400xf32, #tpu.memory_space<vmem_shared>>
      tpu.wait_indirect_dma semaphore(%arg27 : memref<!tpu.dma_semaphore, #tpu.memory_space<semaphore_mem>>) src(%dma_wait3A_137 : memref<102400xf32, #tpu.memory_space<vmem_shared>>) dst(%arg17 : memref<4000xf32, #tpu.memory_space<vmem>>)
      "tpu.region"() ({
        %run_scoped3A = tpu.sem_alloc : memref<!tpu.dma_semaphore, #tpu.memory_space<semaphore_mem>>
        %dma_start3A_163 = arith.constant 0 : i32
        %dma_start3A_164 = tpu.memref_slice %arg10[%dma_start3A_163] : memref<102400xf32, #tpu.memory_space<vmem_shared>> -> memref<102400xf32, #tpu.memory_space<vmem_shared>>
        tpu.enqueue_indirect_dma source(%arg17 : memref<4000xf32, #tpu.memory_space<vmem>>) target(%dma_start3A_164 : memref<102400xf32, #tpu.memory_space<vmem_shared>>) offsets(%arg14 : memref<4000xi32, #tpu.memory_space<vmem>>) semaphore(%run_scoped3A : memref<!tpu.dma_semaphore, #tpu.memory_space<semaphore_mem>>) {add = true}
        %dma_wait3A_165 = arith.constant 0 : i32
        %dma_wait3A_166 = tpu.memref_slice %arg10[%dma_wait3A_165] : memref<102400xf32, #tpu.memory_space<vmem_shared>> -> memref<102400xf32, #tpu.memory_space<vmem_shared>>
        tpu.wait_indirect_dma semaphore(%run_scoped3A : memref<!tpu.dma_semaphore, #tpu.memory_space<semaphore_mem>>) src(%arg17 : memref<4000xf32, #tpu.memory_space<vmem>>) dst(%dma_wait3A_166 : memref<102400xf32, #tpu.memory_space<vmem_shared>>)
        tpu.yield
      }) : () -> ()
      %dma_wait3A_138 = arith.constant 0 : i32
      %dma_wait3A_139 = tpu.memref_slice %arg8[%dma_wait3A_138] : memref<102400xf32, #tpu.memory_space<vmem_shared>> -> memref<102400xf32, #tpu.memory_space<vmem_shared>>
      tpu.wait_indirect_dma semaphore(%arg26 : memref<!tpu.dma_semaphore, #tpu.memory_space<semaphore_mem>>) src(%dma_wait3A_139 : memref<102400xf32, #tpu.memory_space<vmem_shared>>) dst(%arg16 : memref<4000xf32, #tpu.memory_space<vmem>>)
      "tpu.region"() ({
        %run_scoped3A = tpu.sem_alloc : memref<!tpu.dma_semaphore, #tpu.memory_space<semaphore_mem>>
        %dma_start3A_163 = arith.constant 0 : i32
        %dma_start3A_164 = tpu.memref_slice %arg11[%dma_start3A_163] : memref<102400xf32, #tpu.memory_space<vmem_shared>> -> memref<102400xf32, #tpu.memory_space<vmem_shared>>
        tpu.enqueue_indirect_dma source(%arg16 : memref<4000xf32, #tpu.memory_space<vmem>>) target(%dma_start3A_164 : memref<102400xf32, #tpu.memory_space<vmem_shared>>) offsets(%arg14 : memref<4000xi32, #tpu.memory_space<vmem>>) semaphore(%run_scoped3A : memref<!tpu.dma_semaphore, #tpu.memory_space<semaphore_mem>>) {add = true}
        %dma_wait3A_165 = arith.constant 0 : i32
        %dma_wait3A_166 = tpu.memref_slice %arg11[%dma_wait3A_165] : memref<102400xf32, #tpu.memory_space<vmem_shared>> -> memref<102400xf32, #tpu.memory_space<vmem_shared>>
        tpu.wait_indirect_dma semaphore(%run_scoped3A : memref<!tpu.dma_semaphore, #tpu.memory_space<semaphore_mem>>) src(%arg16 : memref<4000xf32, #tpu.memory_space<vmem>>) dst(%dma_wait3A_166 : memref<102400xf32, #tpu.memory_space<vmem_shared>>)
        tpu.yield
      }) : () -> ()
      %lt3A = arith.constant 24 : i32
      %lt3A_140 = arith.cmpi slt, %scan3A_109, %lt3A : i32
      %convert_element_type3A = arith.extui %lt3A_140 : i1 to i32
      %cond3A = arith.constant 0 : i32
      %cond3A_141 = arith.cmpi ne, %convert_element_type3A, %cond3A : i32
      scf.if %cond3A_141 {
        %add3A_163 = arith.constant 2 : i32
        %add3A_164 = arith.addi %mul3A_111, %add3A_163 : i32
        %mul3A_165 = arith.constant 4000 : i32
        %mul3A_166 = arith.muli %add3A_164, %mul3A_165 : i32
        %add3A_167 = arith.addi %mul3A_50, %mul3A_166 : i32
        %dma_start3A_168 = tpu.memref_slice %arg2[%add3A_167] : memref<6400000xi32, #tpu.memory_space<hbm>> -> memref<4000xi32, #tpu.memory_space<hbm>>
        %dma_start3A_169 = tpu.memref_slice %arg2[%add3A_167] : memref<6400000xi32, #tpu.memory_space<hbm>> -> memref<4000xi32, #tpu.memory_space<hbm>>
        tpu.enqueue_dma source(%dma_start3A_169 : memref<4000xi32, #tpu.memory_space<hbm>>) target(%arg12 : memref<4000xi32, #tpu.memory_space<vmem>>) target_semaphore(%arg22 : memref<!tpu.dma_semaphore, #tpu.memory_space<semaphore_mem>>)
        %dma_start3A_170 = tpu.memref_slice %arg3[%add3A_167] : memref<6400000xi32, #tpu.memory_space<hbm>> -> memref<4000xi32, #tpu.memory_space<hbm>>
        %dma_start3A_171 = tpu.memref_slice %arg3[%add3A_167] : memref<6400000xi32, #tpu.memory_space<hbm>> -> memref<4000xi32, #tpu.memory_space<hbm>>
        tpu.enqueue_dma source(%dma_start3A_171 : memref<4000xi32, #tpu.memory_space<hbm>>) target(%arg14 : memref<4000xi32, #tpu.memory_space<vmem>>) target_semaphore(%arg24 : memref<!tpu.dma_semaphore, #tpu.memory_space<semaphore_mem>>)
      } else {
      }
      %add3A_142 = arith.constant 1 : i32
      %add3A_143 = arith.addi %mul3A_111, %add3A_142 : i32
      %mul3A_144 = arith.constant 4000 : i32
      %mul3A_145 = arith.muli %add3A_143, %mul3A_144 : i32
      %add3A_146 = arith.addi %mul3A_50, %mul3A_145 : i32
      %dma_wait3A_147 = tpu.memref_slice %arg2[%add3A_146] : memref<6400000xi32, #tpu.memory_space<hbm>> -> memref<4000xi32, #tpu.memory_space<hbm>>
      %dma_wait3A_148 = tpu.memref_slice %arg2[%add3A_146] : memref<6400000xi32, #tpu.memory_space<hbm>> -> memref<4000xi32, #tpu.memory_space<hbm>>
      tpu.wait_dma2 semaphore(%arg23 : memref<!tpu.dma_semaphore, #tpu.memory_space<semaphore_mem>>) src(%dma_wait3A_148 : memref<4000xi32, #tpu.memory_space<hbm>>) dst(%arg13 : memref<4000xi32, #tpu.memory_space<vmem>>)
      %dma_wait3A_149 = tpu.memref_slice %arg3[%add3A_146] : memref<6400000xi32, #tpu.memory_space<hbm>> -> memref<4000xi32, #tpu.memory_space<hbm>>
      %dma_wait3A_150 = tpu.memref_slice %arg3[%add3A_146] : memref<6400000xi32, #tpu.memory_space<hbm>> -> memref<4000xi32, #tpu.memory_space<hbm>>
      tpu.wait_dma2 semaphore(%arg25 : memref<!tpu.dma_semaphore, #tpu.memory_space<semaphore_mem>>) src(%dma_wait3A_150 : memref<4000xi32, #tpu.memory_space<hbm>>) dst(%arg15 : memref<4000xi32, #tpu.memory_space<vmem>>)
      %dma_start3A_151 = arith.constant 0 : i32
      %dma_start3A_152 = tpu.memref_slice %arg6[%dma_start3A_151] : memref<102400xf32, #tpu.memory_space<vmem_shared>> -> memref<102400xf32, #tpu.memory_space<vmem_shared>>
      tpu.enqueue_indirect_dma source(%dma_start3A_152 : memref<102400xf32, #tpu.memory_space<vmem_shared>>) target(%arg16 : memref<4000xf32, #tpu.memory_space<vmem>>) offsets(%arg13 : memref<4000xi32, #tpu.memory_space<vmem>>) semaphore(%arg26 : memref<!tpu.dma_semaphore, #tpu.memory_space<semaphore_mem>>)
      %dma_start3A_153 = arith.constant 0 : i32
      %dma_start3A_154 = tpu.memref_slice %arg7[%dma_start3A_153] : memref<102400xf32, #tpu.memory_space<vmem_shared>> -> memref<102400xf32, #tpu.memory_space<vmem_shared>>
      tpu.enqueue_indirect_dma source(%dma_start3A_154 : memref<102400xf32, #tpu.memory_space<vmem_shared>>) target(%arg17 : memref<4000xf32, #tpu.memory_space<vmem>>) offsets(%arg13 : memref<4000xi32, #tpu.memory_space<vmem>>) semaphore(%arg27 : memref<!tpu.dma_semaphore, #tpu.memory_space<semaphore_mem>>)
      %dma_wait3A_155 = arith.constant 0 : i32
      %dma_wait3A_156 = tpu.memref_slice %arg6[%dma_wait3A_155] : memref<102400xf32, #tpu.memory_space<vmem_shared>> -> memref<102400xf32, #tpu.memory_space<vmem_shared>>
      tpu.wait_indirect_dma semaphore(%arg26 : memref<!tpu.dma_semaphore, #tpu.memory_space<semaphore_mem>>) src(%dma_wait3A_156 : memref<102400xf32, #tpu.memory_space<vmem_shared>>) dst(%arg16 : memref<4000xf32, #tpu.memory_space<vmem>>)
      "tpu.region"() ({
        %run_scoped3A = tpu.sem_alloc : memref<!tpu.dma_semaphore, #tpu.memory_space<semaphore_mem>>
        %dma_start3A_163 = arith.constant 0 : i32
        %dma_start3A_164 = tpu.memref_slice %arg9[%dma_start3A_163] : memref<102400xf32, #tpu.memory_space<vmem_shared>> -> memref<102400xf32, #tpu.memory_space<vmem_shared>>
        tpu.enqueue_indirect_dma source(%arg16 : memref<4000xf32, #tpu.memory_space<vmem>>) target(%dma_start3A_164 : memref<102400xf32, #tpu.memory_space<vmem_shared>>) offsets(%arg15 : memref<4000xi32, #tpu.memory_space<vmem>>) semaphore(%run_scoped3A : memref<!tpu.dma_semaphore, #tpu.memory_space<semaphore_mem>>) {add = true}
        %dma_wait3A_165 = arith.constant 0 : i32
        %dma_wait3A_166 = tpu.memref_slice %arg9[%dma_wait3A_165] : memref<102400xf32, #tpu.memory_space<vmem_shared>> -> memref<102400xf32, #tpu.memory_space<vmem_shared>>
        tpu.wait_indirect_dma semaphore(%run_scoped3A : memref<!tpu.dma_semaphore, #tpu.memory_space<semaphore_mem>>) src(%arg16 : memref<4000xf32, #tpu.memory_space<vmem>>) dst(%dma_wait3A_166 : memref<102400xf32, #tpu.memory_space<vmem_shared>>)
        tpu.yield
      }) : () -> ()
      %dma_start3A_157 = arith.constant 0 : i32
      %dma_start3A_158 = tpu.memref_slice %arg8[%dma_start3A_157] : memref<102400xf32, #tpu.memory_space<vmem_shared>> -> memref<102400xf32, #tpu.memory_space<vmem_shared>>
      tpu.enqueue_indirect_dma source(%dma_start3A_158 : memref<102400xf32, #tpu.memory_space<vmem_shared>>) target(%arg16 : memref<4000xf32, #tpu.memory_space<vmem>>) offsets(%arg13 : memref<4000xi32, #tpu.memory_space<vmem>>) semaphore(%arg26 : memref<!tpu.dma_semaphore, #tpu.memory_space<semaphore_mem>>)
      %dma_wait3A_159 = arith.constant 0 : i32
      %dma_wait3A_160 = tpu.memref_slice %arg7[%dma_wait3A_159] : memref<102400xf32, #tpu.memory_space<vmem_shared>> -> memref<102400xf32, #tpu.memory_space<vmem_shared>>
      tpu.wait_indirect_dma semaphore(%arg27 : memref<!tpu.dma_semaphore, #tpu.memory_space<semaphore_mem>>) src(%dma_wait3A_160 : memref<102400xf32, #tpu.memory_space<vmem_shared>>) dst(%arg17 : memref<4000xf32, #tpu.memory_space<vmem>>)
      "tpu.region"() ({
        %run_scoped3A = tpu.sem_alloc : memref<!tpu.dma_semaphore, #tpu.memory_space<semaphore_mem>>
        %dma_start3A_163 = arith.constant 0 : i32
        %dma_start3A_164 = tpu.memref_slice %arg10[%dma_start3A_163] : memref<102400xf32, #tpu.memory_space<vmem_shared>> -> memref<102400xf32, #tpu.memory_space<vmem_shared>>
        tpu.enqueue_indirect_dma source(%arg17 : memref<4000xf32, #tpu.memory_space<vmem>>) target(%dma_start3A_164 : memref<102400xf32, #tpu.memory_space<vmem_shared>>) offsets(%arg15 : memref<4000xi32, #tpu.memory_space<vmem>>) semaphore(%run_scoped3A : memref<!tpu.dma_semaphore, #tpu.memory_space<semaphore_mem>>) {add = true}
        %dma_wait3A_165 = arith.constant 0 : i32
        %dma_wait3A_166 = tpu.memref_slice %arg10[%dma_wait3A_165] : memref<102400xf32, #tpu.memory_space<vmem_shared>> -> memref<102400xf32, #tpu.memory_space<vmem_shared>>
        tpu.wait_indirect_dma semaphore(%run_scoped3A : memref<!tpu.dma_semaphore, #tpu.memory_space<semaphore_mem>>) src(%arg17 : memref<4000xf32, #tpu.memory_space<vmem>>) dst(%dma_wait3A_166 : memref<102400xf32, #tpu.memory_space<vmem_shared>>)
        tpu.yield
      }) : () -> ()
      %dma_wait3A_161 = arith.constant 0 : i32
      %dma_wait3A_162 = tpu.memref_slice %arg8[%dma_wait3A_161] : memref<102400xf32, #tpu.memory_space<vmem_shared>> -> memref<102400xf32, #tpu.memory_space<vmem_shared>>
      tpu.wait_indirect_dma semaphore(%arg26 : memref<!tpu.dma_semaphore, #tpu.memory_space<semaphore_mem>>) src(%dma_wait3A_162 : memref<102400xf32, #tpu.memory_space<vmem_shared>>) dst(%arg16 : memref<4000xf32, #tpu.memory_space<vmem>>)
      "tpu.region"() ({
        %run_scoped3A = tpu.sem_alloc : memref<!tpu.dma_semaphore, #tpu.memory_space<semaphore_mem>>
        %dma_start3A_163 = arith.constant 0 : i32
        %dma_start3A_164 = tpu.memref_slice %arg11[%dma_start3A_163] : memref<102400xf32, #tpu.memory_space<vmem_shared>> -> memref<102400xf32, #tpu.memory_space<vmem_shared>>
        tpu.enqueue_indirect_dma source(%arg16 : memref<4000xf32, #tpu.memory_space<vmem>>) target(%dma_start3A_164 : memref<102400xf32, #tpu.memory_space<vmem_shared>>) offsets(%arg15 : memref<4000xi32, #tpu.memory_space<vmem>>) semaphore(%run_scoped3A : memref<!tpu.dma_semaphore, #tpu.memory_space<semaphore_mem>>) {add = true}
        %dma_wait3A_165 = arith.constant 0 : i32
        %dma_wait3A_166 = tpu.memref_slice %arg11[%dma_wait3A_165] : memref<102400xf32, #tpu.memory_space<vmem_shared>> -> memref<102400xf32, #tpu.memory_space<vmem_shared>>
        tpu.wait_indirect_dma semaphore(%run_scoped3A : memref<!tpu.dma_semaphore, #tpu.memory_space<semaphore_mem>>) src(%arg16 : memref<4000xf32, #tpu.memory_space<vmem>>) dst(%dma_wait3A_166 : memref<102400xf32, #tpu.memory_space<vmem_shared>>)
        tpu.yield
      }) : () -> ()
    }
    %scan3A_62 = arith.constant 25 : i32
    %barrier3A_63 = arith.constant 0 : index
    tpu.barrier barrier_id(%barrier3A_63)
    %dma_start3A_64 = tpu.memref_slice %arg9[%mul3A_0] : memref<102400xf32, #tpu.memory_space<vmem_shared>> -> memref<6400xf32, #tpu.memory_space<vmem_shared>>
    %dma_start3A_65 = tpu.memref_slice %arg9[%mul3A_0] : memref<102400xf32, #tpu.memory_space<vmem_shared>> -> memref<6400xf32, #tpu.memory_space<vmem_shared>>
    tpu.enqueue_dma source(%dma_start3A_65 : memref<6400xf32, #tpu.memory_space<vmem_shared>>) target(%arg18 : memref<6400xf32, #tpu.memory_space<vmem>>) target_semaphore(%arg28 : memref<!tpu.dma_semaphore, #tpu.memory_space<semaphore_mem>>)
    %dma_start3A_66 = tpu.memref_slice %arg10[%mul3A_0] : memref<102400xf32, #tpu.memory_space<vmem_shared>> -> memref<6400xf32, #tpu.memory_space<vmem_shared>>
    %dma_start3A_67 = tpu.memref_slice %arg10[%mul3A_0] : memref<102400xf32, #tpu.memory_space<vmem_shared>> -> memref<6400xf32, #tpu.memory_space<vmem_shared>>
    tpu.enqueue_dma source(%dma_start3A_67 : memref<6400xf32, #tpu.memory_space<vmem_shared>>) target(%arg19 : memref<6400xf32, #tpu.memory_space<vmem>>) target_semaphore(%arg29 : memref<!tpu.dma_semaphore, #tpu.memory_space<semaphore_mem>>)
    %dma_start3A_68 = tpu.memref_slice %arg11[%mul3A_0] : memref<102400xf32, #tpu.memory_space<vmem_shared>> -> memref<6400xf32, #tpu.memory_space<vmem_shared>>
    %dma_start3A_69 = tpu.memref_slice %arg11[%mul3A_0] : memref<102400xf32, #tpu.memory_space<vmem_shared>> -> memref<6400xf32, #tpu.memory_space<vmem_shared>>
    tpu.enqueue_dma source(%dma_start3A_69 : memref<6400xf32, #tpu.memory_space<vmem_shared>>) target(%arg20 : memref<6400xf32, #tpu.memory_space<vmem>>) target_semaphore(%arg30 : memref<!tpu.dma_semaphore, #tpu.memory_space<semaphore_mem>>)
    %mul3A_70 = arith.constant 3 : i32
    %mul3A_71 = arith.muli %arg0, %mul3A_70 : i32
    %add3A_72 = arith.constant 0 : i32
    %add3A_73 = arith.addi %mul3A_71, %add3A_72 : i32
    %mul3A_74 = arith.constant 102400 : i32
    %mul3A_75 = arith.muli %add3A_73, %mul3A_74 : i32
    %add3A_76 = arith.addi %mul3A_75, %mul3A_0 : i32
    %mul3A_77 = arith.constant 3 : i32
    %mul3A_78 = arith.muli %arg0, %mul3A_77 : i32
    %add3A_79 = arith.constant 1 : i32
    %add3A_80 = arith.addi %mul3A_78, %add3A_79 : i32
    %mul3A_81 = arith.constant 102400 : i32
    %mul3A_82 = arith.muli %add3A_80, %mul3A_81 : i32
    %add3A_83 = arith.addi %mul3A_82, %mul3A_0 : i32
    %mul3A_84 = arith.constant 3 : i32
    %mul3A_85 = arith.muli %arg0, %mul3A_84 : i32
    %add3A_86 = arith.constant 2 : i32
    %add3A_87 = arith.addi %mul3A_85, %add3A_86 : i32
    %mul3A_88 = arith.constant 102400 : i32
    %mul3A_89 = arith.muli %add3A_87, %mul3A_88 : i32
    %add3A_90 = arith.addi %mul3A_89, %mul3A_0 : i32
    %dma_wait3A_91 = tpu.memref_slice %arg9[%mul3A_0] : memref<102400xf32, #tpu.memory_space<vmem_shared>> -> memref<6400xf32, #tpu.memory_space<vmem_shared>>
    %dma_wait3A_92 = tpu.memref_slice %arg9[%mul3A_0] : memref<102400xf32, #tpu.memory_space<vmem_shared>> -> memref<6400xf32, #tpu.memory_space<vmem_shared>>
    tpu.wait_dma2 semaphore(%arg28 : memref<!tpu.dma_semaphore, #tpu.memory_space<semaphore_mem>>) src(%dma_wait3A_92 : memref<6400xf32, #tpu.memory_space<vmem_shared>>) dst(%arg18 : memref<6400xf32, #tpu.memory_space<vmem>>)
    %dma_start3A_93 = tpu.memref_slice %arg5[%add3A_76] : memref<614400xf32, #tpu.memory_space<hbm>> -> memref<6400xf32, #tpu.memory_space<hbm>>
    %dma_start3A_94 = tpu.memref_slice %arg5[%add3A_76] : memref<614400xf32, #tpu.memory_space<hbm>> -> memref<6400xf32, #tpu.memory_space<hbm>>
    tpu.enqueue_dma source(%arg18 : memref<6400xf32, #tpu.memory_space<vmem>>) target(%dma_start3A_94 : memref<6400xf32, #tpu.memory_space<hbm>>) target_semaphore(%arg31 : memref<!tpu.dma_semaphore, #tpu.memory_space<semaphore_mem>>)
    %dma_wait3A_95 = tpu.memref_slice %arg10[%mul3A_0] : memref<102400xf32, #tpu.memory_space<vmem_shared>> -> memref<6400xf32, #tpu.memory_space<vmem_shared>>
    %dma_wait3A_96 = tpu.memref_slice %arg10[%mul3A_0] : memref<102400xf32, #tpu.memory_space<vmem_shared>> -> memref<6400xf32, #tpu.memory_space<vmem_shared>>
    tpu.wait_dma2 semaphore(%arg29 : memref<!tpu.dma_semaphore, #tpu.memory_space<semaphore_mem>>) src(%dma_wait3A_96 : memref<6400xf32, #tpu.memory_space<vmem_shared>>) dst(%arg19 : memref<6400xf32, #tpu.memory_space<vmem>>)
    %dma_start3A_97 = tpu.memref_slice %arg5[%add3A_83] : memref<614400xf32, #tpu.memory_space<hbm>> -> memref<6400xf32, #tpu.memory_space<hbm>>
    %dma_start3A_98 = tpu.memref_slice %arg5[%add3A_83] : memref<614400xf32, #tpu.memory_space<hbm>> -> memref<6400xf32, #tpu.memory_space<hbm>>
    tpu.enqueue_dma source(%arg19 : memref<6400xf32, #tpu.memory_space<vmem>>) target(%dma_start3A_98 : memref<6400xf32, #tpu.memory_space<hbm>>) target_semaphore(%arg31 : memref<!tpu.dma_semaphore, #tpu.memory_space<semaphore_mem>>)
    %dma_wait3A_99 = tpu.memref_slice %arg11[%mul3A_0] : memref<102400xf32, #tpu.memory_space<vmem_shared>> -> memref<6400xf32, #tpu.memory_space<vmem_shared>>
    %dma_wait3A_100 = tpu.memref_slice %arg11[%mul3A_0] : memref<102400xf32, #tpu.memory_space<vmem_shared>> -> memref<6400xf32, #tpu.memory_space<vmem_shared>>
    tpu.wait_dma2 semaphore(%arg30 : memref<!tpu.dma_semaphore, #tpu.memory_space<semaphore_mem>>) src(%dma_wait3A_100 : memref<6400xf32, #tpu.memory_space<vmem_shared>>) dst(%arg20 : memref<6400xf32, #tpu.memory_space<vmem>>)
    %dma_start3A_101 = tpu.memref_slice %arg5[%add3A_90] : memref<614400xf32, #tpu.memory_space<hbm>> -> memref<6400xf32, #tpu.memory_space<hbm>>
    %dma_start3A_102 = tpu.memref_slice %arg5[%add3A_90] : memref<614400xf32, #tpu.memory_space<hbm>> -> memref<6400xf32, #tpu.memory_space<hbm>>
    tpu.enqueue_dma source(%arg20 : memref<6400xf32, #tpu.memory_space<vmem>>) target(%dma_start3A_102 : memref<6400xf32, #tpu.memory_space<hbm>>) target_semaphore(%arg31 : memref<!tpu.dma_semaphore, #tpu.memory_space<semaphore_mem>>)
    %dma_wait3A_103 = tpu.memref_slice %arg5[%add3A_76] : memref<614400xf32, #tpu.memory_space<hbm>> -> memref<6400xf32, #tpu.memory_space<hbm>>
    %dma_wait3A_104 = tpu.memref_slice %arg5[%add3A_76] : memref<614400xf32, #tpu.memory_space<hbm>> -> memref<6400xf32, #tpu.memory_space<hbm>>
    tpu.wait_dma2 semaphore(%arg31 : memref<!tpu.dma_semaphore, #tpu.memory_space<semaphore_mem>>) src(%arg18 : memref<6400xf32, #tpu.memory_space<vmem>>) dst(%dma_wait3A_104 : memref<6400xf32, #tpu.memory_space<hbm>>)
    %dma_wait3A_105 = tpu.memref_slice %arg5[%add3A_83] : memref<614400xf32, #tpu.memory_space<hbm>> -> memref<6400xf32, #tpu.memory_space<hbm>>
    %dma_wait3A_106 = tpu.memref_slice %arg5[%add3A_83] : memref<614400xf32, #tpu.memory_space<hbm>> -> memref<6400xf32, #tpu.memory_space<hbm>>
    tpu.wait_dma2 semaphore(%arg31 : memref<!tpu.dma_semaphore, #tpu.memory_space<semaphore_mem>>) src(%arg19 : memref<6400xf32, #tpu.memory_space<vmem>>) dst(%dma_wait3A_106 : memref<6400xf32, #tpu.memory_space<hbm>>)
    %dma_wait3A_107 = tpu.memref_slice %arg5[%add3A_90] : memref<614400xf32, #tpu.memory_space<hbm>> -> memref<6400xf32, #tpu.memory_space<hbm>>
    %dma_wait3A_108 = tpu.memref_slice %arg5[%add3A_90] : memref<614400xf32, #tpu.memory_space<hbm>> -> memref<6400xf32, #tpu.memory_space<hbm>>
    tpu.wait_dma2 semaphore(%arg31 : memref<!tpu.dma_semaphore, #tpu.memory_space<semaphore_mem>>) src(%arg20 : memref<6400xf32, #tpu.memory_space<vmem>>) dst(%dma_wait3A_108 : memref<6400xf32, #tpu.memory_space<hbm>>)
    return
  }
}

#map = affine_map<(d0, d1) -> (0)>
module attributes {stable_mosaic.version = 14 : i64} {
  func.func @agg_kernel(%arg0: i32, %arg1: i32, %arg2: memref<6400000xi32, #tpu.memory_space<hbm>>, %arg3: memref<6400000xi32, #tpu.memory_space<hbm>>, %arg4: memref<102400xf32, #tpu.memory_space<hbm>>, %arg5: memref<204800xf32, #tpu.memory_space<hbm>>, %arg6: memref<102400xf32, #tpu.memory_space<vmem_shared>>, %arg7: memref<102400xf32, #tpu.memory_space<vmem_shared>>, %arg8: memref<4000xi32, #tpu.memory_space<vmem>>, %arg9: memref<4000xi32, #tpu.memory_space<vmem>>, %arg10: memref<4000xi32, #tpu.memory_space<vmem>>, %arg11: memref<4000xi32, #tpu.memory_space<vmem>>, %arg12: memref<4000xf32, #tpu.memory_space<vmem>>, %arg13: memref<4000xf32, #tpu.memory_space<vmem>>, %arg14: memref<6400xf32, #tpu.memory_space<vmem>>, %arg15: memref<6400xf32, #tpu.memory_space<vmem>>, %arg16: memref<6400xf32, #tpu.memory_space<vmem>>, %arg17: memref<6400xf32, #tpu.memory_space<vmem>>, %arg18: memref<!tpu.dma_semaphore, #tpu.memory_space<semaphore_mem>>, %arg19: memref<!tpu.dma_semaphore, #tpu.memory_space<semaphore_mem>>, %arg20: memref<!tpu.dma_semaphore, #tpu.memory_space<semaphore_mem>>, %arg21: memref<!tpu.dma_semaphore, #tpu.memory_space<semaphore_mem>>, %arg22: memref<!tpu.dma_semaphore, #tpu.memory_space<semaphore_mem>>, %arg23: memref<!tpu.dma_semaphore, #tpu.memory_space<semaphore_mem>>, %arg24: memref<!tpu.dma_semaphore, #tpu.memory_space<semaphore_mem>>, %arg25: memref<!tpu.dma_semaphore, #tpu.memory_space<semaphore_mem>>, %arg26: memref<!tpu.dma_semaphore, #tpu.memory_space<semaphore_mem>>, %arg27: memref<!tpu.dma_semaphore, #tpu.memory_space<semaphore_mem>>, %arg28: memref<!tpu.dma_semaphore, #tpu.memory_space<semaphore_mem>>) attributes {dimension_semantics = [#tpu.dimension_semantics<core_parallel>, #tpu.dimension_semantics<subcore_parallel>], iteration_bounds = array<i64: 2, 16>, scalar_prefetch = 0 : i64, scratch_operands = 23 : i64, tpu.core_type = #tpu.core_type<sc_vector_subcore>, window_params = [{transform_indices = #map}, {transform_indices = #map}, {transform_indices = #map}, {transform_indices = #map}]} {
    %mul3A = arith.constant 6400 : i32
    %mul3A_0 = arith.muli %arg1, %mul3A : i32
    %add3A = arith.constant 0 : i32
    %add3A_1 = arith.addi %add3A, %mul3A_0 : i32
    %dma_start3A = tpu.memref_slice %arg4[%add3A_1] : memref<102400xf32, #tpu.memory_space<hbm>> -> memref<6400xf32, #tpu.memory_space<hbm>>
    %dma_start3A_2 = tpu.memref_slice %arg4[%add3A_1] : memref<102400xf32, #tpu.memory_space<hbm>> -> memref<6400xf32, #tpu.memory_space<hbm>>
    tpu.enqueue_dma source(%dma_start3A_2 : memref<6400xf32, #tpu.memory_space<hbm>>) target(%arg14 : memref<6400xf32, #tpu.memory_space<vmem>>) target_semaphore(%arg24 : memref<!tpu.dma_semaphore, #tpu.memory_space<semaphore_mem>>)
    %broadcast_in_dim3A = arith.constant 0.000000e+00 : f32
    %broadcast_in_dim3A_3 = vector.broadcast %broadcast_in_dim3A : f32 to vector<16xf32>
    %scan3A = arith.constant 0 : i32
    %scan3A_4 = arith.constant 0 : i32
    %scan3A_5 = arith.constant 400 : i32
    %scan3A_6 = arith.addi %scan3A_4, %scan3A_5 : i32
    %scan3A_7 = arith.constant 1 : i32
    scf.for %scan3A_51 = %scan3A_4 to %scan3A_6 step %scan3A_7  : i32 {
      %mul3A_52 = arith.constant 16 : i32
      %mul3A_53 = arith.muli %scan3A_51, %mul3A_52 : i32
      %swap3A = arith.index_cast %mul3A_53 : i32 to index
      %swap3A_54 = tpu.vector_load %arg17[%swap3A] {strides = array<i32>} : memref<6400xf32, #tpu.memory_space<vmem>>, vector<16xf32>,
      %swap3A_55 = vector.shape_cast %swap3A_54 : vector<16xf32> to vector<16xf32>
      %swap3A_56 = vector.shape_cast %broadcast_in_dim3A_3 : vector<16xf32> to vector<16xf32>
      tpu.vector_store %arg17[%swap3A], %swap3A_56 {strides = array<i32>} : memref<6400xf32, #tpu.memory_space<vmem>>, vector<16xf32>,
    }
    %scan3A_8 = arith.constant 400 : i32
    %dma_start3A_9 = tpu.memref_slice %arg7[%mul3A_0] : memref<102400xf32, #tpu.memory_space<vmem_shared>> -> memref<6400xf32, #tpu.memory_space<vmem_shared>>
    %dma_start3A_10 = tpu.memref_slice %arg7[%mul3A_0] : memref<102400xf32, #tpu.memory_space<vmem_shared>> -> memref<6400xf32, #tpu.memory_space<vmem_shared>>
    tpu.enqueue_dma source(%arg17 : memref<6400xf32, #tpu.memory_space<vmem>>) target(%dma_start3A_10 : memref<6400xf32, #tpu.memory_space<vmem_shared>>) target_semaphore(%arg28 : memref<!tpu.dma_semaphore, #tpu.memory_space<semaphore_mem>>)
    %dma_wait3A = tpu.memref_slice %arg4[%add3A_1] : memref<102400xf32, #tpu.memory_space<hbm>> -> memref<6400xf32, #tpu.memory_space<hbm>>
    %dma_wait3A_11 = tpu.memref_slice %arg4[%add3A_1] : memref<102400xf32, #tpu.memory_space<hbm>> -> memref<6400xf32, #tpu.memory_space<hbm>>
    tpu.wait_dma2 semaphore(%arg24 : memref<!tpu.dma_semaphore, #tpu.memory_space<semaphore_mem>>) src(%dma_wait3A_11 : memref<6400xf32, #tpu.memory_space<hbm>>) dst(%arg14 : memref<6400xf32, #tpu.memory_space<vmem>>)
    %dma_start3A_12 = tpu.memref_slice %arg6[%mul3A_0] : memref<102400xf32, #tpu.memory_space<vmem_shared>> -> memref<6400xf32, #tpu.memory_space<vmem_shared>>
    %dma_start3A_13 = tpu.memref_slice %arg6[%mul3A_0] : memref<102400xf32, #tpu.memory_space<vmem_shared>> -> memref<6400xf32, #tpu.memory_space<vmem_shared>>
    tpu.enqueue_dma source(%arg14 : memref<6400xf32, #tpu.memory_space<vmem>>) target(%dma_start3A_13 : memref<6400xf32, #tpu.memory_space<vmem_shared>>) target_semaphore(%arg27 : memref<!tpu.dma_semaphore, #tpu.memory_space<semaphore_mem>>)
    %dma_wait3A_14 = tpu.memref_slice %arg7[%mul3A_0] : memref<102400xf32, #tpu.memory_space<vmem_shared>> -> memref<6400xf32, #tpu.memory_space<vmem_shared>>
    %dma_wait3A_15 = tpu.memref_slice %arg7[%mul3A_0] : memref<102400xf32, #tpu.memory_space<vmem_shared>> -> memref<6400xf32, #tpu.memory_space<vmem_shared>>
    tpu.wait_dma2 semaphore(%arg28 : memref<!tpu.dma_semaphore, #tpu.memory_space<semaphore_mem>>) src(%arg17 : memref<6400xf32, #tpu.memory_space<vmem>>) dst(%dma_wait3A_15 : memref<6400xf32, #tpu.memory_space<vmem_shared>>)
    %dma_wait3A_16 = tpu.memref_slice %arg6[%mul3A_0] : memref<102400xf32, #tpu.memory_space<vmem_shared>> -> memref<6400xf32, #tpu.memory_space<vmem_shared>>
    %dma_wait3A_17 = tpu.memref_slice %arg6[%mul3A_0] : memref<102400xf32, #tpu.memory_space<vmem_shared>> -> memref<6400xf32, #tpu.memory_space<vmem_shared>>
    tpu.wait_dma2 semaphore(%arg27 : memref<!tpu.dma_semaphore, #tpu.memory_space<semaphore_mem>>) src(%arg14 : memref<6400xf32, #tpu.memory_space<vmem>>) dst(%dma_wait3A_17 : memref<6400xf32, #tpu.memory_space<vmem_shared>>)
    %barrier3A = arith.constant 0 : index
    tpu.barrier barrier_id(%barrier3A)
    %mul3A_18 = arith.constant 16 : i32
    %mul3A_19 = arith.muli %arg0, %mul3A_18 : i32
    %add3A_20 = arith.addi %mul3A_19, %arg1 : i32
    %mul3A_21 = arith.constant 200000 : i32
    %mul3A_22 = arith.muli %add3A_20, %mul3A_21 : i32
    %add3A_23 = arith.constant 0 : i32
    %add3A_24 = arith.addi %mul3A_22, %add3A_23 : i32
    %dma_start3A_25 = tpu.memref_slice %arg2[%add3A_24] : memref<6400000xi32, #tpu.memory_space<hbm>> -> memref<4000xi32, #tpu.memory_space<hbm>>
    %dma_start3A_26 = tpu.memref_slice %arg2[%add3A_24] : memref<6400000xi32, #tpu.memory_space<hbm>> -> memref<4000xi32, #tpu.memory_space<hbm>>
    tpu.enqueue_dma source(%dma_start3A_26 : memref<4000xi32, #tpu.memory_space<hbm>>) target(%arg8 : memref<4000xi32, #tpu.memory_space<vmem>>) target_semaphore(%arg18 : memref<!tpu.dma_semaphore, #tpu.memory_space<semaphore_mem>>)
    %dma_start3A_27 = tpu.memref_slice %arg3[%add3A_24] : memref<6400000xi32, #tpu.memory_space<hbm>> -> memref<4000xi32, #tpu.memory_space<hbm>>
    %dma_start3A_28 = tpu.memref_slice %arg3[%add3A_24] : memref<6400000xi32, #tpu.memory_space<hbm>> -> memref<4000xi32, #tpu.memory_space<hbm>>
    tpu.enqueue_dma source(%dma_start3A_28 : memref<4000xi32, #tpu.memory_space<hbm>>) target(%arg10 : memref<4000xi32, #tpu.memory_space<vmem>>) target_semaphore(%arg20 : memref<!tpu.dma_semaphore, #tpu.memory_space<semaphore_mem>>)
    %scan3A_29 = arith.constant 0 : i32
    %scan3A_30 = arith.constant 0 : i32
    %scan3A_31 = arith.constant 25 : i32
    %scan3A_32 = arith.addi %scan3A_30, %scan3A_31 : i32
    %scan3A_33 = arith.constant 1 : i32
    scf.for %scan3A_51 = %scan3A_30 to %scan3A_32 step %scan3A_33  : i32 {
      %mul3A_52 = arith.constant 2 : i32
      %mul3A_53 = arith.muli %scan3A_51, %mul3A_52 : i32
      %add3A_54 = arith.constant 1 : i32
      %add3A_55 = arith.addi %mul3A_53, %add3A_54 : i32
      %mul3A_56 = arith.constant 4000 : i32
      %mul3A_57 = arith.muli %add3A_55, %mul3A_56 : i32
      %add3A_58 = arith.addi %mul3A_22, %mul3A_57 : i32
      %dma_start3A_59 = tpu.memref_slice %arg2[%add3A_58] : memref<6400000xi32, #tpu.memory_space<hbm>> -> memref<4000xi32, #tpu.memory_space<hbm>>
      %dma_start3A_60 = tpu.memref_slice %arg2[%add3A_58] : memref<6400000xi32, #tpu.memory_space<hbm>> -> memref<4000xi32, #tpu.memory_space<hbm>>
      tpu.enqueue_dma source(%dma_start3A_60 : memref<4000xi32, #tpu.memory_space<hbm>>) target(%arg9 : memref<4000xi32, #tpu.memory_space<vmem>>) target_semaphore(%arg19 : memref<!tpu.dma_semaphore, #tpu.memory_space<semaphore_mem>>)
      %dma_start3A_61 = tpu.memref_slice %arg3[%add3A_58] : memref<6400000xi32, #tpu.memory_space<hbm>> -> memref<4000xi32, #tpu.memory_space<hbm>>
      %dma_start3A_62 = tpu.memref_slice %arg3[%add3A_58] : memref<6400000xi32, #tpu.memory_space<hbm>> -> memref<4000xi32, #tpu.memory_space<hbm>>
      tpu.enqueue_dma source(%dma_start3A_62 : memref<4000xi32, #tpu.memory_space<hbm>>) target(%arg11 : memref<4000xi32, #tpu.memory_space<vmem>>) target_semaphore(%arg21 : memref<!tpu.dma_semaphore, #tpu.memory_space<semaphore_mem>>)
      %mul3A_63 = arith.constant 4000 : i32
      %mul3A_64 = arith.muli %mul3A_53, %mul3A_63 : i32
      %add3A_65 = arith.addi %mul3A_22, %mul3A_64 : i32
      %dma_wait3A_66 = tpu.memref_slice %arg2[%add3A_65] : memref<6400000xi32, #tpu.memory_space<hbm>> -> memref<4000xi32, #tpu.memory_space<hbm>>
      %dma_wait3A_67 = tpu.memref_slice %arg2[%add3A_65] : memref<6400000xi32, #tpu.memory_space<hbm>> -> memref<4000xi32, #tpu.memory_space<hbm>>
      tpu.wait_dma2 semaphore(%arg18 : memref<!tpu.dma_semaphore, #tpu.memory_space<semaphore_mem>>) src(%dma_wait3A_67 : memref<4000xi32, #tpu.memory_space<hbm>>) dst(%arg8 : memref<4000xi32, #tpu.memory_space<vmem>>)
      %dma_wait3A_68 = tpu.memref_slice %arg3[%add3A_65] : memref<6400000xi32, #tpu.memory_space<hbm>> -> memref<4000xi32, #tpu.memory_space<hbm>>
      %dma_wait3A_69 = tpu.memref_slice %arg3[%add3A_65] : memref<6400000xi32, #tpu.memory_space<hbm>> -> memref<4000xi32, #tpu.memory_space<hbm>>
      tpu.wait_dma2 semaphore(%arg20 : memref<!tpu.dma_semaphore, #tpu.memory_space<semaphore_mem>>) src(%dma_wait3A_69 : memref<4000xi32, #tpu.memory_space<hbm>>) dst(%arg10 : memref<4000xi32, #tpu.memory_space<vmem>>)
      %dma_start3A_70 = arith.constant 0 : i32
      %dma_start3A_71 = tpu.memref_slice %arg6[%dma_start3A_70] : memref<102400xf32, #tpu.memory_space<vmem_shared>> -> memref<102400xf32, #tpu.memory_space<vmem_shared>>
      tpu.enqueue_indirect_dma source(%dma_start3A_71 : memref<102400xf32, #tpu.memory_space<vmem_shared>>) target(%arg12 : memref<4000xf32, #tpu.memory_space<vmem>>) offsets(%arg8 : memref<4000xi32, #tpu.memory_space<vmem>>) semaphore(%arg22 : memref<!tpu.dma_semaphore, #tpu.memory_space<semaphore_mem>>)
      %dma_wait3A_72 = arith.constant 0 : i32
      %dma_wait3A_73 = tpu.memref_slice %arg6[%dma_wait3A_72] : memref<102400xf32, #tpu.memory_space<vmem_shared>> -> memref<102400xf32, #tpu.memory_space<vmem_shared>>
      tpu.wait_indirect_dma semaphore(%arg22 : memref<!tpu.dma_semaphore, #tpu.memory_space<semaphore_mem>>) src(%dma_wait3A_73 : memref<102400xf32, #tpu.memory_space<vmem_shared>>) dst(%arg12 : memref<4000xf32, #tpu.memory_space<vmem>>)
      "tpu.region"() ({
        %run_scoped3A = tpu.sem_alloc : memref<!tpu.dma_semaphore, #tpu.memory_space<semaphore_mem>>
        %dma_start3A_89 = arith.constant 0 : i32
        %dma_start3A_90 = tpu.memref_slice %arg7[%dma_start3A_89] : memref<102400xf32, #tpu.memory_space<vmem_shared>> -> memref<102400xf32, #tpu.memory_space<vmem_shared>>
        tpu.enqueue_indirect_dma source(%arg12 : memref<4000xf32, #tpu.memory_space<vmem>>) target(%dma_start3A_90 : memref<102400xf32, #tpu.memory_space<vmem_shared>>) offsets(%arg10 : memref<4000xi32, #tpu.memory_space<vmem>>) semaphore(%run_scoped3A : memref<!tpu.dma_semaphore, #tpu.memory_space<semaphore_mem>>) {add = true}
        %dma_wait3A_91 = arith.constant 0 : i32
        %dma_wait3A_92 = tpu.memref_slice %arg7[%dma_wait3A_91] : memref<102400xf32, #tpu.memory_space<vmem_shared>> -> memref<102400xf32, #tpu.memory_space<vmem_shared>>
        tpu.wait_indirect_dma semaphore(%run_scoped3A : memref<!tpu.dma_semaphore, #tpu.memory_space<semaphore_mem>>) src(%arg12 : memref<4000xf32, #tpu.memory_space<vmem>>) dst(%dma_wait3A_92 : memref<102400xf32, #tpu.memory_space<vmem_shared>>)
        tpu.yield
      }) : () -> ()
      %lt3A = arith.constant 24 : i32
      %lt3A_74 = arith.cmpi slt, %scan3A_51, %lt3A : i32
      %convert_element_type3A = arith.extui %lt3A_74 : i1 to i32
      %cond3A = arith.constant 0 : i32
      %cond3A_75 = arith.cmpi ne, %convert_element_type3A, %cond3A : i32
      scf.if %cond3A_75 {
        %add3A_89 = arith.constant 2 : i32
        %add3A_90 = arith.addi %mul3A_53, %add3A_89 : i32
        %mul3A_91 = arith.constant 4000 : i32
        %mul3A_92 = arith.muli %add3A_90, %mul3A_91 : i32
        %add3A_93 = arith.addi %mul3A_22, %mul3A_92 : i32
        %dma_start3A_94 = tpu.memref_slice %arg2[%add3A_93] : memref<6400000xi32, #tpu.memory_space<hbm>> -> memref<4000xi32, #tpu.memory_space<hbm>>
        %dma_start3A_95 = tpu.memref_slice %arg2[%add3A_93] : memref<6400000xi32, #tpu.memory_space<hbm>> -> memref<4000xi32, #tpu.memory_space<hbm>>
        tpu.enqueue_dma source(%dma_start3A_95 : memref<4000xi32, #tpu.memory_space<hbm>>) target(%arg8 : memref<4000xi32, #tpu.memory_space<vmem>>) target_semaphore(%arg18 : memref<!tpu.dma_semaphore, #tpu.memory_space<semaphore_mem>>)
        %dma_start3A_96 = tpu.memref_slice %arg3[%add3A_93] : memref<6400000xi32, #tpu.memory_space<hbm>> -> memref<4000xi32, #tpu.memory_space<hbm>>
        %dma_start3A_97 = tpu.memref_slice %arg3[%add3A_93] : memref<6400000xi32, #tpu.memory_space<hbm>> -> memref<4000xi32, #tpu.memory_space<hbm>>
        tpu.enqueue_dma source(%dma_start3A_97 : memref<4000xi32, #tpu.memory_space<hbm>>) target(%arg10 : memref<4000xi32, #tpu.memory_space<vmem>>) target_semaphore(%arg20 : memref<!tpu.dma_semaphore, #tpu.memory_space<semaphore_mem>>)
      } else {
      }
      %add3A_76 = arith.constant 1 : i32
      %add3A_77 = arith.addi %mul3A_53, %add3A_76 : i32
      %mul3A_78 = arith.constant 4000 : i32
      %mul3A_79 = arith.muli %add3A_77, %mul3A_78 : i32
      %add3A_80 = arith.addi %mul3A_22, %mul3A_79 : i32
      %dma_wait3A_81 = tpu.memref_slice %arg2[%add3A_80] : memref<6400000xi32, #tpu.memory_space<hbm>> -> memref<4000xi32, #tpu.memory_space<hbm>>
      %dma_wait3A_82 = tpu.memref_slice %arg2[%add3A_80] : memref<6400000xi32, #tpu.memory_space<hbm>> -> memref<4000xi32, #tpu.memory_space<hbm>>
      tpu.wait_dma2 semaphore(%arg19 : memref<!tpu.dma_semaphore, #tpu.memory_space<semaphore_mem>>) src(%dma_wait3A_82 : memref<4000xi32, #tpu.memory_space<hbm>>) dst(%arg9 : memref<4000xi32, #tpu.memory_space<vmem>>)
      %dma_wait3A_83 = tpu.memref_slice %arg3[%add3A_80] : memref<6400000xi32, #tpu.memory_space<hbm>> -> memref<4000xi32, #tpu.memory_space<hbm>>
      %dma_wait3A_84 = tpu.memref_slice %arg3[%add3A_80] : memref<6400000xi32, #tpu.memory_space<hbm>> -> memref<4000xi32, #tpu.memory_space<hbm>>
      tpu.wait_dma2 semaphore(%arg21 : memref<!tpu.dma_semaphore, #tpu.memory_space<semaphore_mem>>) src(%dma_wait3A_84 : memref<4000xi32, #tpu.memory_space<hbm>>) dst(%arg11 : memref<4000xi32, #tpu.memory_space<vmem>>)
      %dma_start3A_85 = arith.constant 0 : i32
      %dma_start3A_86 = tpu.memref_slice %arg6[%dma_start3A_85] : memref<102400xf32, #tpu.memory_space<vmem_shared>> -> memref<102400xf32, #tpu.memory_space<vmem_shared>>
      tpu.enqueue_indirect_dma source(%dma_start3A_86 : memref<102400xf32, #tpu.memory_space<vmem_shared>>) target(%arg12 : memref<4000xf32, #tpu.memory_space<vmem>>) offsets(%arg9 : memref<4000xi32, #tpu.memory_space<vmem>>) semaphore(%arg22 : memref<!tpu.dma_semaphore, #tpu.memory_space<semaphore_mem>>)
      %dma_wait3A_87 = arith.constant 0 : i32
      %dma_wait3A_88 = tpu.memref_slice %arg6[%dma_wait3A_87] : memref<102400xf32, #tpu.memory_space<vmem_shared>> -> memref<102400xf32, #tpu.memory_space<vmem_shared>>
      tpu.wait_indirect_dma semaphore(%arg22 : memref<!tpu.dma_semaphore, #tpu.memory_space<semaphore_mem>>) src(%dma_wait3A_88 : memref<102400xf32, #tpu.memory_space<vmem_shared>>) dst(%arg12 : memref<4000xf32, #tpu.memory_space<vmem>>)
      "tpu.region"() ({
        %run_scoped3A = tpu.sem_alloc : memref<!tpu.dma_semaphore, #tpu.memory_space<semaphore_mem>>
        %dma_start3A_89 = arith.constant 0 : i32
        %dma_start3A_90 = tpu.memref_slice %arg7[%dma_start3A_89] : memref<102400xf32, #tpu.memory_space<vmem_shared>> -> memref<102400xf32, #tpu.memory_space<vmem_shared>>
        tpu.enqueue_indirect_dma source(%arg12 : memref<4000xf32, #tpu.memory_space<vmem>>) target(%dma_start3A_90 : memref<102400xf32, #tpu.memory_space<vmem_shared>>) offsets(%arg11 : memref<4000xi32, #tpu.memory_space<vmem>>) semaphore(%run_scoped3A : memref<!tpu.dma_semaphore, #tpu.memory_space<semaphore_mem>>) {add = true}
        %dma_wait3A_91 = arith.constant 0 : i32
        %dma_wait3A_92 = tpu.memref_slice %arg7[%dma_wait3A_91] : memref<102400xf32, #tpu.memory_space<vmem_shared>> -> memref<102400xf32, #tpu.memory_space<vmem_shared>>
        tpu.wait_indirect_dma semaphore(%run_scoped3A : memref<!tpu.dma_semaphore, #tpu.memory_space<semaphore_mem>>) src(%arg12 : memref<4000xf32, #tpu.memory_space<vmem>>) dst(%dma_wait3A_92 : memref<102400xf32, #tpu.memory_space<vmem_shared>>)
        tpu.yield
      }) : () -> ()
    }
    %scan3A_34 = arith.constant 25 : i32
    %barrier3A_35 = arith.constant 0 : index
    tpu.barrier barrier_id(%barrier3A_35)
    %dma_start3A_36 = tpu.memref_slice %arg7[%mul3A_0] : memref<102400xf32, #tpu.memory_space<vmem_shared>> -> memref<6400xf32, #tpu.memory_space<vmem_shared>>
    %dma_start3A_37 = tpu.memref_slice %arg7[%mul3A_0] : memref<102400xf32, #tpu.memory_space<vmem_shared>> -> memref<6400xf32, #tpu.memory_space<vmem_shared>>
    tpu.enqueue_dma source(%dma_start3A_37 : memref<6400xf32, #tpu.memory_space<vmem_shared>>) target(%arg14 : memref<6400xf32, #tpu.memory_space<vmem>>) target_semaphore(%arg24 : memref<!tpu.dma_semaphore, #tpu.memory_space<semaphore_mem>>)
    %mul3A_38 = arith.constant 1 : i32
    %mul3A_39 = arith.muli %arg0, %mul3A_38 : i32
    %add3A_40 = arith.constant 0 : i32
    %add3A_41 = arith.addi %mul3A_39, %add3A_40 : i32
    %mul3A_42 = arith.constant 102400 : i32
    %mul3A_43 = arith.muli %add3A_41, %mul3A_42 : i32
    %add3A_44 = arith.addi %mul3A_43, %mul3A_0 : i32
    %dma_wait3A_45 = tpu.memref_slice %arg7[%mul3A_0] : memref<102400xf32, #tpu.memory_space<vmem_shared>> -> memref<6400xf32, #tpu.memory_space<vmem_shared>>
    %dma_wait3A_46 = tpu.memref_slice %arg7[%mul3A_0] : memref<102400xf32, #tpu.memory_space<vmem_shared>> -> memref<6400xf32, #tpu.memory_space<vmem_shared>>
    tpu.wait_dma2 semaphore(%arg24 : memref<!tpu.dma_semaphore, #tpu.memory_space<semaphore_mem>>) src(%dma_wait3A_46 : memref<6400xf32, #tpu.memory_space<vmem_shared>>) dst(%arg14 : memref<6400xf32, #tpu.memory_space<vmem>>)
    %dma_start3A_47 = tpu.memref_slice %arg5[%add3A_44] : memref<204800xf32, #tpu.memory_space<hbm>> -> memref<6400xf32, #tpu.memory_space<hbm>>
    %dma_start3A_48 = tpu.memref_slice %arg5[%add3A_44] : memref<204800xf32, #tpu.memory_space<hbm>> -> memref<6400xf32, #tpu.memory_space<hbm>>
    tpu.enqueue_dma source(%arg14 : memref<6400xf32, #tpu.memory_space<vmem>>) target(%dma_start3A_48 : memref<6400xf32, #tpu.memory_space<hbm>>) target_semaphore(%arg27 : memref<!tpu.dma_semaphore, #tpu.memory_space<semaphore_mem>>)
    %dma_wait3A_49 = tpu.memref_slice %arg5[%add3A_44] : memref<204800xf32, #tpu.memory_space<hbm>> -> memref<6400xf32, #tpu.memory_space<hbm>>
    %dma_wait3A_50 = tpu.memref_slice %arg5[%add3A_44] : memref<204800xf32, #tpu.memory_space<hbm>> -> memref<6400xf32, #tpu.memory_space<hbm>>
    tpu.wait_dma2 semaphore(%arg27 : memref<!tpu.dma_semaphore, #tpu.memory_space<semaphore_mem>>) src(%arg14 : memref<6400xf32, #tpu.memory_space<vmem>>) dst(%dma_wait3A_50 : memref<6400xf32, #tpu.memory_space<hbm>>)
    return
  }
}

</mosaic_0001>

<sc_bundles>
// kernel: kernel.11.cloned.1.call-start
scs
__scs_entry_jumppad:
0x0: {  	(pc) =	sbr.rel $0x88, $3  }
0x1: {  	(tag) =	ssettag $0x0;
	lr =	simm.s32 $0x1  }
0x2: {  	[smem:$0x3F92] =	sst lr;
	_ =	strace $0xD0000000  }
0x3: {  	_ = 	snop  }
0x4: {  	_ = 	snop  }
0x5: {  	_ = 	snop  }
0x6: {  	_ = 	snop  }
0x7: {  	_ = 	snop  }
__scs_overlays_trampoline_lowered:
0x8: {  	[smem:$0x3FA1] =	sst s0  }
0x9: {  	[smem:$0x3FA2] =	sst s1  }
0xa: {  	[smem:$0x3FA3] =	sst s2  }
0xb: {  	[smem:$0x3FA4] =	sst s3  }
0xc: {  	[smem:$0x3FA5] =	sst s4  }
0xd: {  	[smem:$0x3FA6] =	sst s5  }
0xe: {  	[smem:$0x3FA7] =	sst s6  }
0xf: {  	[smem:$0x3FA8] =	sst s7  }
0x10: {  	[smem:$0x3FA9] =	sst s8  }
0x11: {  	[smem:$0x3FAA] =	sst s9;
	s0 =	simm.s32 @!p0 $0x0  }
0x12: {  	s1 =	sld [smem:$0x3F90];
	s0 =	simm.s32 @p0 $0x1  }
0x13: {  	[smem:$0x3FAB] =	sst s0;
	s0 =	simm.s32 @!p1 $0x0  }
0x14: {  	s2 =	sld [smem:$0x3F8F];
	s0 =	simm.s32 @p1 $0x1  }
0x15: {  	[smem:$0x3FAC] =	sst s0;
	s0 =	simm.s32 @!p2 $0x0  }
0x16: {  	s3 =	sld [smem:$0x3FDB];
	s0 =	simm.s32 @p2 $0x1  }
0x17: {  	s4 =	simm.s32 $0x1BF5;
	[smem:$0x3FAE] =	sst s0  }
0x18: {  	s0 =	sld [smem:$0x3F91];
	_ =	swait.ge [sflag:s4], $0x0  }
0x19: {  	s7 =	sld [smem:$0x3F92]  }
0x1a: {  	s8 =	sadd.s32 $0xFFFFE003, lr  }
0x1b: {  	s9 =	sadd.s32 $0xFFFFFEF7, lr;
	s5 =	simm.s32 $0xFFFFFFFF;
	p2 =	slt.u32 s8, $0xFFFFF086  }
0x1c: {  	p1 =	slt.u32 s9, $0xF7A;
	s5 =	simm.s32 @!p2 $0x0  }
0x1d: {  	s5 =	simm.s32 @p1 $0x1;
	p0 =	seq.s32 s7, s2  }
0x1e: {  	s7 =	smul.u32 @!p0 $0xF7A, s2;
	p2 =	seq.s32 @!p0 s5, $0x0  }
0x1f: {  	s9 =	smul.u32 $0xF7A, s1;
	s8 =	simm.s32 @!p0 $0x1BF5;
	p2 =	por !p2, p0  }
0x20: {  	[sflag:s8] =	ssyncset.s32 @!p0 $0xFFFFF086;
	s6 =	sadd.s32 @!p0 s3, s7;
	s7 =	simm.s32 @!p0 $0x108  }
0x21: {  	s3 =	sadd.s32 s3, s9;
	s6 =	sadd.s32 @!p0 $0x88, s6;
	s7 =	simm.s32 @p2 $0x1082  }
0x22: {  	[simem:s7], [sflag:s8] =	dma.local @!p0 [hbm:s6], $0xF7A  }
0x23: {  	s9 =	sor.u32 $0xD0000000, s2;
	s6 =	simm.s32 $0x108;
	_ =	swait.ge @!p0 [sflag:s8], $0x0  }
0x24: {  	s3 =	sadd.s32 $0x88, s3;
	s6 =	simm.s32 @!p1 $0x1082;
	[sflag:s4] =	ssyncset.s32 $0xFFFFF086  }
0x25: {  	[simem:s6], [sflag:s4] =	dma.local [hbm:s3], $0xF7A  }
0x26: {  	[smem:$0x3F92] =	sst s1;
	(tag) =	ssettag s2;
	_ =	strace s9  }
0x27: {  	s1 =	sld [smem:$0x3FA2]  }
0x28: {  	s2 =	sld [smem:$0x3FA3]  }
0x29: {  	s4 =	sld [smem:$0x3FA5]  }
0x2a: {  	p0 =	seq.s32 s5, $0x0;
	s5 =	sld [smem:$0x3FA6]  }
0x2b: {  	s6 =	sld [smem:$0x3FA7]  }
0x2c: {  	s7 =	sld [smem:$0x3FA8]  }
0x2d: {  	s3 =	simm.s32 $0x108;
	s8 =	sld [smem:$0x3FA9]  }
0x2e: {  	s3 =	simm.s32 @!p0 $0x1082;
	s9 =	sld [smem:$0x3FAA]  }
0x2f: {  	lr =	sadd.s32 s0, s3;
	s0 =	sld [smem:$0x3FA1]  }
0x30: {  	s3 =	sld [smem:$0x3FA4]  }
0x31: {  	[smem:$0x3FAD] =	sst s10  }
0x32: {  	s10 =	sld [smem:$0x3FAB];
	_ =	sdelay $0x3  }
0x33: {  	p0 =	seq.s32 s10, $0x1;
	s10 =	sld [smem:$0x3FAD];
	_ =	sdelay $0x3  }
0x34: {  	[smem:$0x3FAD] =	sst s10  }
0x35: {  	s10 =	sld [smem:$0x3FAC];
	_ =	sdelay $0x3  }
0x36: {  	p1 =	seq.s32 s10, $0x1;
	s10 =	sld [smem:$0x3FAD];
	_ =	sdelay $0x3  }
0x37: {  	[smem:$0x3FAD] =	sst s10  }
0x38: {  	s10 =	sld [smem:$0x3FAE]  }
0x39: {  	_ = 	snop;
	(pc) =	sbr.ind lr, $3  }
0x3a: {  	_ = 	snop  }
0x3b: {  	_ = 	snop  }
0x3c: {  	p2 =	seq.s32 s10, $0x1;
	s10 =	sld [smem:$0x3FAD]  }
0x3d: {  	_ =	shalt  }
0x3e: {  	_ =	shalt  }
0x3f: {  	_ =	shalt  }
0x40: {  	_ =	shalt  }
0x41: {  	_ =	shalt  }
0x42: {  	_ =	shalt  }
0x43: {  	_ =	shalt  }
0x44: {  	_ =	shalt  }
0x45: {  	_ =	shalt  }
0x46: {  	_ =	shalt  }
0x47: {  	_ =	shalt  }
0x48: {  	_ =	shalt  }
0x49: {  	_ =	shalt  }
0x4a: {  	_ =	shalt  }
0x4b: {  	_ =	shalt  }
0x4c: {  	_ =	shalt  }
0x4d: {  	_ =	shalt  }
0x4e: {  	_ =	shalt  }
0x4f: {  	_ =	shalt  }
0x50: {  	_ =	shalt  }
0x51: {  	_ =	shalt  }
0x52: {  	_ =	shalt  }
0x53: {  	_ =	shalt  }
0x54: {  	_ =	shalt  }
0x55: {  	_ =	shalt  }
0x56: {  	_ =	shalt  }
0x57: {  	_ =	shalt  }
0x58: {  	_ =	shalt  }
0x59: {  	_ =	shalt  }
0x5a: {  	_ =	shalt  }
0x5b: {  	_ =	shalt  }
0x5c: {  	_ =	shalt  }
0x5d: {  	_ =	shalt  }
0x5e: {  	_ =	shalt  }
0x5f: {  	_ =	shalt  }
0x60: {  	_ =	shalt  }
0x61: {  	_ =	shalt  }
0x62: {  	_ =	shalt  }
0x63: {  	_ =	shalt  }
0x64: {  	_ =	shalt  }
0x65: {  	_ =	shalt  }
0x66: {  	_ =	shalt  }
0x67: {  	_ =	shalt  }
0x68: {  	_ =	shalt  }
0x69: {  	_ =	shalt  }
0x6a: {  	_ =	shalt  }
0x6b: {  	_ =	shalt  }
0x6c: {  	_ =	shalt  }
0x6d: {  	_ =	shalt  }
0x6e: {  	_ =	shalt  }
0x6f: {  	_ =	shalt  }
0x70: {  	_ =	shalt  }
0x71: {  	_ =	shalt  }
0x72: {  	_ =	shalt  }
0x73: {  	_ =	shalt  }
0x74: {  	_ =	shalt  }
0x75: {  	_ =	shalt  }
0x76: {  	_ =	shalt  }
0x77: {  	_ =	shalt  }
0x78: {  	_ =	shalt  }
0x79: {  	_ =	shalt  }
0x7a: {  	_ =	shalt  }
0x7b: {  	_ =	shalt  }
0x7c: {  	_ =	shalt  }
0x7d: {  	_ =	shalt  }
0x7e: {  	_ =	shalt  }
0x7f: {  	_ =	shalt  }
0x80: {  	_ =	shalt  }
0x81: {  	_ =	shalt  }
0x82: {  	_ =	shalt  }
0x83: {  	_ =	shalt  }
0x84: {  	_ =	shalt  }
0x85: {  	_ =	shalt  }
0x86: {  	_ =	shalt  }
0x87: {  	_ =	shalt  }
.Lfunc_end0:
.L_simem_size_0:
called_computation.1_lowered:
.L_overlay_start_0:
0x88: {  	s2 =	sld [smem:$0x3FD9]  }
0x89: {  	s3 =	sld [smem:$0x3FFE];
	_ =	sdelay $0x1  }
0x8a: {  	s1 =	srdreg.scid  }
0x8b: {  	s0 =	sand.u32 $0x1, s1  }
0x8c: {  	s16 =	sshll.u32 s0, $0xA;
	s2 =	sadd.s32 s3, s2  }
0x8d: {  	s2 =	sadd.s32 s2, s16  }
0x8e: {  	[smem:$0x3FB9] =	sst s2  }
0x8f: {  	_ = 	snop  }
0x90: {  	(tm) =	ssettm $0x1  }
0x91: {  	s17 =	sld [smem:$0x3FFB];
	_ =	sdelay $0x3  }
0x92: {  	_ =	strace s17  }
0x93: {  	s2 =	sld [smem:$0x3FFC];
	_ =	sdelay $0x3  }
0x94: {  	_ =	strace s2  }
0x95: {  	s2 =	sld [smem:$0x3FFD];
	_ =	sdelay $0x3  }
0x96: {  	_ =	strace s2  }
0x97: {  	_ =	strace $0x8FFFFFFF  }
0x98: {  	s18 =	sld [smem:$0x3FDB];
	_ =	sdelay $0x1  }
0x99: {  	s19 =	simm.s32 $_scs_section_size  }
0x9a: {  	s4 =	simm.s32 $_size__tile_overlayer_lowered;
	s5 =	simm.s32 $_tile_overlayer_lowered  }
0x9b: {  	s22 =	simm.s32 $0x1BFF;
	s21 =	sshll.u32 s5, $0x1;
	s2 =	sadd.s32 s19, s18  }
0x9c: {  	s6 =	simm.s32 $0x0;
	s20 =	sshll.u32 s4, $0x1;
	s4 =	sadd.s32 s21, s2  }
0x9d: {  	[timem:s6], [sflag:s22] =	dma.local [hbm:s4], s20  }
0x9e: {  	_ =	swait.ge [sflag:s22], s20  }
0x9f: {  	s3 =	ssub.s32 $0x0, s20;
	[sflag:s22] =	ssyncset.done $0x0  }
0xa0: {  	[sflag:s22] =	ssyncadd.s32 s3;
	_ =	sdelay $0x1  }
0xa1: {  	s23 =	simm.s32 $0x1B8B  }
0xa2: {  	_ =	swait.ge [sflag:s23], $0x1  }
0xa3: {  	[sflag:s23] =	ssyncset.done $0x0  }
0xa4: {  	s25 =	simm.s32 $0x1B8E;
	s24 =	sld [smem:$0x3FFE];
	[sflag:s23] =	ssyncadd.s32 $0xFFFFFFFF  }
0xa5: {  	s26 =	simm.s32 $execute0_lowered;
	[smem:$0x3FD2] =	sst s25  }
0xa6: {  	s4 =	sshll.u32 s26, $0x1;
	_ =	strace $0x80000049;
	[dreg:$0x1] =	wrdreg $0xFFFFFFFF  }
0xa7: {  	s28 =	simm.s32 $_size_execute0_lowered;
	s2 =	sadd.s32 s2, s4;
	[dreg:$0x0] =	wrdreg $0x0  }
0xa8: {  	s4 =	sshll.u32 s28, $0x1;
	[dreg:$0x2] =	wrdreg s2  }
0xa9: {  	[dreg:$0x3] =	wrdreg s4  }
0xaa: {  	[dreg:$0x4] =	wrdreg $0xC0  }
0xab: {  	_ =	task [dreg:s6], $0x5FFFF  }
0xac: {  	[dreg:$0x1] =	wrdreg $0xFFFFFFFF  }
0xad: {  	[dreg:$0x0] =	wrdreg $0x60  }
0xae: {  	[dreg:$0x2] =	wrdreg s24  }
0xaf: {  	[dreg:$0x3] =	wrdreg $0x4B000  }
0xb0: {  	[dreg:$0x4] =	wrdreg $0x64000  }
0xb1: {  	[dreg:$0x5] =	wrdreg $0x7D000  }
0xb2: {  	[dreg:$0x6] =	wrdreg $0x0  }
0xb3: {  	[dreg:$0x7] =	wrdreg $0x19000  }
0xb4: {  	[dreg:$0x8] =	wrdreg $0x32000  }
0xb5: {  	[dreg:$0x9] =	wrdreg $0x9  }
0xb6: {  	_ =	task.clear_ibuf [dreg:s6], $0xAFFFF;
	_ =	strace $0x90000049  }
0xb7: {  	s29 =	simm.s32 $0x9;
	_ =	strace $0x8000004B  }
0xb8: {  	_ =	swait.ge [sflag:s29], $0x1  }
0xb9: {  	[sflag:s29] =	ssyncadd.s32 $0xFFFFFFFF  }
0xba: {  	_ =	strace $0x9000004B  }
0xbb: {  	_ =	sfence  }
0xbc: {  	s30 =	sld [smem:$0x0];
	_ =	sdelay $0x2  }
0xbd: {  	s31 =	sshll.u32 s1, $0xD;
	s1 =	sshrl.u32 s1, $0x2  }
0xbe: {  	s3 =	sand.u32 $0x4000, s31;
	s1 =	sadd.s32 s1, s30  }
0xbf: {  	s0 =	sor.u32 s3, s0;
	s1 =	sshll.u32 s1, $0x11  }
0xc0: {  	s0 =	sor.u32 s1, s0  }
0xc1: {  	s0 =	sadd.s32 $0x8F2B, s0  }
0xc2: {  	[sflag:s0] =	ssyncadd.remote.s32 $0x1  }
0xc3: {  	_ =	sfence.sel $0xFFFF  }
0xc4: {  	[dreg:$0x0] =	wrdreg $0xFFFFFFFF;
	(pc) =	sbr.abs _section_cstart, $3  }
0xc5: {  	[dreg:$0x1] =	wrdreg $0xFFFFFFFF  }
0xc6: {  	_ =	task.clear_ibuf [dreg:s6], $0x2FFFF;
	_ =	strace $0x9FFFFFFF  }
0xc7: {  	(tm) =	ssettm $0x7FFFFFFF  }
tec
execute0_lowered:
.L_overlay_start_1:
0x0: {  	(tag) =	ssettag $0x1  }
0x1: {  	s0 =	rddreg [dreg:$0x0]  }
0x2: {  	s1 =	rddreg [dreg:$0x1]  }
0x3: {  	s2 =	rddreg [dreg:$0x2]  }
0x4: {  	s3 =	rddreg [dreg:$0x3]  }
0x5: {  	s5 =	rddreg [dreg:$0x4]  }
0x6: {  	s6 =	rddreg [dreg:$0x5]  }
0x7: {  	s7 =	rddreg [dreg:$0x6];
	s17 =	stileid.u32  }
0x8: {  	s4 =	srdreg.scid;
	s8 =	simm.s32 $0x0;
	s31 =	simm.s32 $0x5  }
0x9: {  	s28 =	simm.s32 $0x4;
	s29 =	simm.s32 $0x0;
	s11 =	smul.u32 $0x1900, s17  }
0xa: {  	s4 =	sand.u32 $0x1, s4;
	[smem:$0x7FF] =	sst s8;
	s24 =	smul.u32 $0x30D40, s17  }
0xb: {  	s9 =	sadd.s32 $0xC6400, s0;
	s10 =	smul.u32 $0x4B000, s4;
	_ =	strace $0x8000004A  }
0xc: {  	s23 =	ssub.s32 $0x2, s4;
	s14 =	smul.u32 $0x30D400, s4;
	s4 =	sshll.u32 s4, $0x4  }
0xd: {  	s12 =	sshrl.u32 s11, $0x3;
	s15 =	sshrl.u32 s23, $0x1;
	s30 =	sadd.s32 s11, s1  }
0xe: {  	s4 =	sor.u32 s17, s4;
	s17 =	sadd.s32 s11, s3;
	s18 =	sadd.s32 s11, s5  }
0xf: {  	s19 =	sadd.s32 s11, s6;
	s13 =	sadd.s32 s11, s10;
	[dreg:$0xf] =	wrdreg s17  }
0x10: {  	s10 =	sadd.s32 $0x2E00, s0;
	s12 =	sadd.s32 s12, s0;
	[dreg:$0x10] =	wrdreg s18  }
0x11: {  	s26 =	sadd.s32 s24, s14;
	s4 =	smul.u32 $0x30D40, s4;
	[dreg:$0x11] =	wrdreg s19  }
0x12: {  	s17 =	simm.s32 $0x9600;
	s18 =	simm.s32 $0xB600;
	s19 =	simm.s32 $0xA600  }
0x13: {  	[dreg:$0xd] =	wrdreg s30;
	s13 =	sshrl.u32 s13, $0x3;
	s16 =	sadd.s32 $0x189A00, s12  }
0x14: {  	s25 =	sadd.s32 $0x18CC00, s12;
	s12 =	sadd.s32 $0x18FE00, s12;
	[dreg:$0xa] =	wrdreg s16  }
0x15: {  	s0 =	sadd.s32 s13, s0;
	s13 =	ssub.s32 s23, s15;
	[dreg:$0xb] =	wrdreg s25  }
0x16: {  	[dreg:$0xc] =	wrdreg s12;
	s15 =	sadd.s32 s11, s2;
	s16 =	sadd.s32 $0xFA0, s26  }
0x17: {  	s11 =	sadd.s32 s11, s7;
	s4 =	sshrl.u32 s4, $0x3;
	[dreg:$0xe] =	wrdreg s15  }
0x18: {  	s26 =	sadd.s32 $0x1F40, s26;
	s12 =	simm.s32 $0x12800;
	[dreg:$0x12] =	wrdreg s11  }
0x19: {  	s14 =	sshrl.u32 s16, $0x3;
	s21 =	sadd.s32 s9, s4;
	[dreg:$0x19] =	wrdreg s26  }
0x1a: {  	s4 =	sadd.s32 s10, s4;
	s23 =	sadd.s32 $0x193000, s0;
	[dreg:$0x13] =	wrdreg s21  }
0x1b: {  	s24 =	sadd.s32 $0x196200, s0;
	s0 =	sadd.s32 $0x199400, s0;
	[dreg:$0x14] =	wrdreg s4  }
0x1c: {  	s25 =	smax.u32 s13, $0x1;
	s11 =	simm.s32 $0x10F00;
	[dreg:$0x15] =	wrdreg s23  }
0x1d: {  	s13 =	simm.s32 $0xA;
	s15 =	simm.s32 $0x6;
	[dreg:$0x16] =	wrdreg s24  }
0x1e: {  	s16 =	simm.s32 $0x2;
	s20 =	sadd.s32 s14, s10;
	[dreg:$0x17] =	wrdreg s0  }
0x1f: {  	s22 =	sadd.s32 s14, s9;
	[dreg:$0x18] =	wrdreg s25;
	s4 =	simm.s32 $0xF600  }
0x20: {  	s21 =	simm.s32 $0x1;
	s23 =	simm.s32 $0xFA0;
	s24 =	simm.s32 $0xD600  }
0x21: {  	s25 =	simm.s32 $0xE600;
	s14 =	simm.s32 $0xC;
	[dreg:$0x8] =	wrdreg s20  }
0x22: {  	v0 =	vimm.f32 $0.0e+00;
	[dreg:$0x9] =	wrdreg s22;
	s20 =	simm.s32 $0xC600;
	s22 =	simm.s32 $0x3  }
.LBB2_1:
0x23: {  	s0 =	rddreg [dreg:$0xa]  }
0x24: {  	[tilespmem:s4], [sflag:$0x7] =	stream.linear.gather [hbm4b:s0+s8], $0x1900, $0x38;
	[tilespmem:$0x15A00] =	vst v63  }
0x25: {  	s26 =	rddreg [dreg:$0xb]  }
0x26: {  	[tilespmem:s11], [sflag:$0x8] =	stream.linear.gather [hbm4b:s26+s8], $0x1900, $0x38;
	[tilespmem:$0x15A00] =	vst v63  }
0x27: {  	s26 =	rddreg [dreg:$0xc]  }
0x28: {  	[tilespmem:s12], [sflag:$0x9] =	stream.linear.gather [hbm4b:s26+s8], $0x1900, $0x38;
	[tilespmem:$0x15A00] =	vst v63  }
0x29: {  	s0 =	simm.s32 $0x40;
	s26 =	simm.s32 $0x0  }
.LBB2_2:
0x2a: {  	p0 =	sne.s32 s0, $0x63C0;
	[tilespmem:s26+$0x14100] =	vst v0;
	s26 =	smov.u32 s0;
	s0 =	sadd.s32 $0x40, s0  }
.Ltmp0:
0x2b: {  	(pc) =	sbr.rel @p0 .LBB2_2-.Ltmp0, $2  }
0x2c: {  	_ =	sdelay $0x2  }
0x2d: {  	s26 =	sshra.s32 s26, $0x2  }
0x2e: {  	[tilespmem:s26+$0x14100] =	vst v0;
	s26 =	simm.s32 $0x14100  }
0x2f: {  	[spmem:s30] =	stream.linear.scatter [tilespmem:s26], [sflag:$0xB], $0x1900, $0x38;
	[tilespmem:$0x15A00] =	vst v63  }
0x30: {  	s0 =	rddreg [dreg:$0xe]  }
0x31: {  	[spmem:s0] =	stream.linear.scatter [tilespmem:s26], [sflag:$0xB], $0x1900, $0x38;
	[tilespmem:$0x15A00] =	vst v63  }
0x32: {  	s0 =	rddreg [dreg:$0xf]  }
0x33: {  	[spmem:s0] =	stream.linear.scatter [tilespmem:s26], [sflag:$0xB], $0x1900, $0x38;
	[tilespmem:$0x15A00] =	vst v63  }
0x34: {  	s26 =	simm.s32 $0x7  }
0x35: {  	_ =	swait.ge [sflag:s26], $0x1900  }
0x36: {  	[sflag:s26] =	ssyncset.done $0x0  }
0x37: {  	[sflag:s26] =	ssyncadd.s32 $0xFFFFE700;
	s26 =	rddreg [dreg:$0x10]  }
0x38: {  	[spmem:s26] =	stream.linear.scatter [tilespmem:s4], [sflag:$0xA], $0x1900, $0x38;
	[tilespmem:$0x15A00] =	vst v63  }
0x39: {  	s26 =	simm.s32 $0x8  }
0x3a: {  	_ =	swait.ge [sflag:s26], $0x1900  }
0x3b: {  	[sflag:s26] =	ssyncset.done $0x0  }
0x3c: {  	s4 =	rddreg [dreg:$0x11];
	[sflag:s26] =	ssyncadd.s32 $0xFFFFE700;
	s26 =	simm.s32 $0x9  }
0x3d: {  	[spmem:s4] =	stream.linear.scatter [tilespmem:s11], [sflag:$0xA], $0x1900, $0x38;
	[tilespmem:$0x15A00] =	vst v63  }
0x3e: {  	_ =	swait.ge [sflag:s26], $0x1900  }
0x3f: {  	[sflag:s26] =	ssyncset.done $0x0  }
0x40: {  	s11 =	simm.s32 $0xB;
	s4 =	rddreg [dreg:$0x12];
	[sflag:s26] =	ssyncadd.s32 $0xFFFFE700  }
0x41: {  	[spmem:s4] =	stream.linear.scatter [tilespmem:s12], [sflag:$0xA], $0x1900, $0x38;
	[tilespmem:$0x15A00] =	vst v63  }
0x42: {  	_ =	swait.ge [sflag:s11], $0x1900  }
0x43: {  	[sflag:s11] =	ssyncset.done $0x0  }
0x44: {  	[sflag:s11] =	ssyncadd.s32 $0xFFFFE700  }
0x45: {  	_ =	swait.ge [sflag:s13], $0x1900  }
0x46: {  	[sflag:s13] =	ssyncset.done $0x0  }
0x47: {  	[sflag:s13] =	ssyncadd.s32 $0xFFFFE700  }
0x48: {  	_ =	swait.ge [sflag:s11], $0x1900  }
0x49: {  	[sflag:s11] =	ssyncset.done $0x0  }
0x4a: {  	[sflag:s11] =	ssyncadd.s32 $0xFFFFE700  }
0x4b: {  	_ =	swait.ge [sflag:s13], $0x1900  }
0x4c: {  	[sflag:s13] =	ssyncset.done $0x0  }
0x4d: {  	[sflag:s13] =	ssyncadd.s32 $0xFFFFE700  }
0x4e: {  	_ =	swait.ge [sflag:s11], $0x1900  }
0x4f: {  	[sflag:s11] =	ssyncset.done $0x0  }
0x50: {  	[sflag:s11] =	ssyncadd.s32 $0xFFFFE700  }
0x51: {  	_ =	swait.ge [sflag:s13], $0x1900  }
0x52: {  	[sflag:s13] =	ssyncset.done $0x0  }
0x53: {  	[sflag:s13] =	ssyncadd.s32 $0xFFFFE700  }
0x54: {  	[bflag:$0x0] =	sbarrier.arrive $0xFFFF  }
0x55: {  	s26 =	rddreg [dreg:$0x13]  }
0x56: {  	s12 =	simm.s32 $0x0;
	s11 =	rddreg [dreg:$0x14]  }
0x57: {  	[tilespmem:s17], [sflag:$0x1] =	stream.linear.gather [hbm4b:s26+s12], $0xFA0, $0x38;
	[tilespmem:$0x15A00] =	vst v63  }
0x58: {  	s26 =	rddreg [dreg:$0x9]  }
0x59: {  	[tilespmem:s18], [sflag:$0x3] =	stream.linear.gather [hbm4b:s11+s12], $0xFA0, $0x38;
	[tilespmem:$0x15A00] =	vst v63  }
0x5a: {  	s26 =	sadd.s32 $0x0, s26;
	s12 =	rddreg [dreg:$0x8]  }
0x5b: {  	[tilespmem:s19], [sflag:$0x2] =	stream.linear.gather [hbm4b:s26+s8], $0xFA0, $0x38;
	[tilespmem:$0x15A00] =	vst v63  }
0x5c: {  	s0 =	sadd.s32 $0x0, s12  }
0x5d: {  	[tilespmem:s20], [sflag:$0x4] =	stream.linear.gather [hbm4b:s0+s8], $0xFA0, $0x38;
	[tilespmem:$0x15A00] =	vst v63  }
0x5e: {  	_ =	swait.ge [sflag:s21], $0xFA0  }
0x5f: {  	[sflag:s21] =	ssyncset.done $0x0  }
0x60: {  	[sflag:s21] =	ssyncadd.s32 $0xFFFFF060  }
0x61: {  	_ =	swait.ge [sflag:s22], $0xFA0  }
0x62: {  	[sflag:s22] =	ssyncset.done $0x0  }
0x63: {  	[sflag:s22] =	ssyncadd.s32 $0xFFFFF060  }
0x64: {  	[tilespmem:s24], [sflag:$0x5] =	stream.indirect.gather [spmem:s5], $0x1, s17, s23, $0xb8;
	[tilespmem:$0x15A00] =	vst v63  }
0x65: {  	_ = 	snop  }
0x66: {  	[tilespmem:s25], [sflag:$0x6] =	stream.indirect.gather [spmem:s6], $0x1, s17, s23, $0xb8;
	[tilespmem:$0x15A00] =	vst v63  }
0x67: {  	_ =	swait.ge [sflag:s31], $0xFA0  }
0x68: {  	[sflag:s31] =	ssyncset.done $0x0  }
0x69: {  	[sflag:s31] =	ssyncadd.s32 $0xFFFFF060  }
0x6a: {  	[spmem:s1] =	stream.indirect.scatter.add.f32 [tilespmem:s24], [sflag:$0xC], $0x1, s18, s23, $0xb8;
	[tilespmem:$0x15A00] =	vst v63  }
0x6b: {  	_ =	swait.ge [sflag:s14], $0xFA0  }
0x6c: {  	[sflag:s14] =	ssyncset.done $0x0  }
0x6d: {  	[sflag:s14] =	ssyncadd.s32 $0xFFFFF060  }
0x6e: {  	[tilespmem:s24], [sflag:$0x5] =	stream.indirect.gather [spmem:s7], $0x1, s17, s23, $0xb8;
	[tilespmem:$0x15A00] =	vst v63  }
0x6f: {  	_ =	swait.ge [sflag:s15], $0xFA0  }
0x70: {  	[sflag:s15] =	ssyncset.done $0x0  }
0x71: {  	[sflag:s15] =	ssyncadd.s32 $0xFFFFF060  }
0x72: {  	[spmem:s2] =	stream.indirect.scatter.add.f32 [tilespmem:s25], [sflag:$0xC], $0x1, s18, s23, $0xb8;
	[tilespmem:$0x15A00] =	vst v63  }
0x73: {  	_ =	swait.ge [sflag:s14], $0xFA0  }
0x74: {  	[sflag:s14] =	ssyncset.done $0x0  }
0x75: {  	[sflag:s14] =	ssyncadd.s32 $0xFFFFF060  }
0x76: {  	_ =	swait.ge [sflag:s31], $0xFA0  }
0x77: {  	[sflag:s31] =	ssyncset.done $0x0  }
0x78: {  	[sflag:s31] =	ssyncadd.s32 $0xFFFFF060  }
0x79: {  	[spmem:s3] =	stream.indirect.scatter.add.f32 [tilespmem:s24], [sflag:$0xC], $0x1, s18, s23, $0xb8;
	[tilespmem:$0x15A00] =	vst v63  }
0x7a: {  	_ =	swait.ge [sflag:s14], $0xFA0  }
0x7b: {  	p0 =	por $0x0, $0x0;
	s11 =	rddreg [dreg:$0x19]  }
0x7c: {  	s4 =	simm.s32 @!p0 $0x0;
	[sflag:s14] =	ssyncset.done $0x0;
	s0 =	sshrl.u32 @!p0 s11, $0x3  }
0x7d: {  	s26 =	simm.s32 @!p0 $0x9600;
	[sflag:s14] =	ssyncadd.s32 $0xFFFFF060;
	s30 =	sadd.s32 @!p0 s9, s0  }
0x7e: {  	[tilespmem:s26], [sflag:$0x1] =	stream.linear.gather @!p0 [hbm4b:s30+s4], $0xFA0, $0x38;
	[tilespmem:$0x15A00] =	vst v63  }
0x7f: {  	s0 =	sadd.s32 @!p0 s10, s0;
	s26 =	simm.s32 @!p0 $0xB600  }
0x80: {  	[tilespmem:s26], [sflag:$0x3] =	stream.linear.gather @!p0 [hbm4b:s0+s4], $0xFA0, $0x38;
	[tilespmem:$0x15A00] =	vst v63  }
0x81: {  	_ =	swait.ge [sflag:s16], $0xFA0  }
0x82: {  	[sflag:s16] =	ssyncset.done $0x0  }
0x83: {  	[sflag:s16] =	ssyncadd.s32 $0xFFFFF060  }
0x84: {  	_ =	swait.ge [sflag:s28], $0xFA0  }
0x85: {  	[sflag:s28] =	ssyncset.done $0x0  }
0x86: {  	[sflag:s28] =	ssyncadd.s32 $0xFFFFF060  }
0x87: {  	[tilespmem:s24], [sflag:$0x5] =	stream.indirect.gather [spmem:s5], $0x1, s19, s23, $0xb8;
	[tilespmem:$0x15A00] =	vst v63  }
0x88: {  	_ = 	snop  }
0x89: {  	[tilespmem:s25], [sflag:$0x6] =	stream.indirect.gather [spmem:s6], $0x1, s19, s23, $0xb8;
	[tilespmem:$0x15A00] =	vst v63  }
0x8a: {  	_ =	swait.ge [sflag:s31], $0xFA0  }
0x8b: {  	[sflag:s31] =	ssyncset.done $0x0  }
0x8c: {  	[sflag:s31] =	ssyncadd.s32 $0xFFFFF060  }
0x8d: {  	[spmem:s1] =	stream.indirect.scatter.add.f32 [tilespmem:s24], [sflag:$0xC], $0x1, s20, s23, $0xb8;
	[tilespmem:$0x15A00] =	vst v63  }
0x8e: {  	_ =	swait.ge [sflag:s14], $0xFA0  }
0x8f: {  	[sflag:s14] =	ssyncset.done $0x0  }
0x90: {  	[sflag:s14] =	ssyncadd.s32 $0xFFFFF060  }
0x91: {  	[tilespmem:s24], [sflag:$0x5] =	stream.indirect.gather [spmem:s7], $0x1, s19, s23, $0xb8;
	[tilespmem:$0x15A00] =	vst v63  }
0x92: {  	_ =	swait.ge [sflag:s15], $0xFA0  }
0x93: {  	[sflag:s15] =	ssyncset.done $0x0  }
0x94: {  	[sflag:s15] =	ssyncadd.s32 $0xFFFFF060  }
0x95: {  	[spmem:s2] =	stream.indirect.scatter.add.f32 [tilespmem:s25], [sflag:$0xC], $0x1, s20, s23, $0xb8;
	[tilespmem:$0x15A00] =	vst v63  }
0x96: {  	_ =	swait.ge [sflag:s14], $0xFA0  }
0x97: {  	[sflag:s14] =	ssyncset.done $0x0  }
0x98: {  	[sflag:s14] =	ssyncadd.s32 $0xFFFFF060  }
0x99: {  	_ =	swait.ge [sflag:s31], $0xFA0  }
0x9a: {  	[sflag:s31] =	ssyncset.done $0x0  }
0x9b: {  	[sflag:s31] =	ssyncadd.s32 $0xFFFFF060  }
0x9c: {  	[spmem:s3] =	stream.indirect.scatter.add.f32 [tilespmem:s24], [sflag:$0xC], $0x1, s20, s23, $0xb8;
	[tilespmem:$0x15A00] =	vst v63  }
0x9d: {  	s30 =	simm.s32 $0x3E8;
	s26 =	smov.u32 s11;
	_ =	swait.ge [sflag:s14], $0xFA0  }
.LBB2_4:
0x9e: {  	s4 =	rddreg [dreg:$0x9];
	s0 =	smov.u32 s30;
	[sflag:s14] =	ssyncset.done $0x0  }
0x9f: {  	s11 =	rddreg [dreg:$0x8];
	s4 =	sadd.s32 s0, s4;
	[sflag:s14] =	ssyncadd.s32 $0xFFFFF060  }
0xa0: {  	[tilespmem:s19], [sflag:$0x2] =	stream.linear.gather [hbm4b:s4+s8], $0xFA0, $0x38;
	[tilespmem:$0x15A00] =	vst v63  }
0xa1: {  	s12 =	sadd.s32 s0, s11  }
0xa2: {  	[tilespmem:s20], [sflag:$0x4] =	stream.linear.gather [hbm4b:s12+s8], $0xFA0, $0x38;
	[tilespmem:$0x15A00] =	vst v63  }
0xa3: {  	_ =	swait.ge [sflag:s21], $0xFA0  }
0xa4: {  	[sflag:s21] =	ssyncset.done $0x0  }
0xa5: {  	[sflag:s21] =	ssyncadd.s32 $0xFFFFF060  }
0xa6: {  	_ =	swait.ge [sflag:s22], $0xFA0  }
0xa7: {  	[sflag:s22] =	ssyncset.done $0x0  }
0xa8: {  	[sflag:s22] =	ssyncadd.s32 $0xFFFFF060  }
0xa9: {  	[tilespmem:s24], [sflag:$0x5] =	stream.indirect.gather [spmem:s5], $0x1, s17, s23, $0xb8;
	[tilespmem:$0x15A00] =	vst v63  }
0xaa: {  	_ = 	snop  }
0xab: {  	[tilespmem:s25], [sflag:$0x6] =	stream.indirect.gather [spmem:s6], $0x1, s17, s23, $0xb8;
	[tilespmem:$0x15A00] =	vst v63  }
0xac: {  	_ =	swait.ge [sflag:s31], $0xFA0  }
0xad: {  	[sflag:s31] =	ssyncset.done $0x0  }
0xae: {  	[sflag:s31] =	ssyncadd.s32 $0xFFFFF060  }
0xaf: {  	[spmem:s1] =	stream.indirect.scatter.add.f32 [tilespmem:s24], [sflag:$0xC], $0x1, s18, s23, $0xb8;
	[tilespmem:$0x15A00] =	vst v63  }
0xb0: {  	_ =	swait.ge [sflag:s14], $0xFA0  }
0xb1: {  	[sflag:s14] =	ssyncset.done $0x0  }
0xb2: {  	[sflag:s14] =	ssyncadd.s32 $0xFFFFF060  }
0xb3: {  	[tilespmem:s24], [sflag:$0x5] =	stream.indirect.gather [spmem:s7], $0x1, s17, s23, $0xb8;
	[tilespmem:$0x15A00] =	vst v63  }
0xb4: {  	_ =	swait.ge [sflag:s15], $0xFA0  }
0xb5: {  	[sflag:s15] =	ssyncset.done $0x0  }
0xb6: {  	[sflag:s15] =	ssyncadd.s32 $0xFFFFF060  }
0xb7: {  	[spmem:s2] =	stream.indirect.scatter.add.f32 [tilespmem:s25], [sflag:$0xC], $0x1, s18, s23, $0xb8;
	[tilespmem:$0x15A00] =	vst v63  }
0xb8: {  	_ =	swait.ge [sflag:s14], $0xFA0  }
0xb9: {  	[sflag:s14] =	ssyncset.done $0x0  }
0xba: {  	[sflag:s14] =	ssyncadd.s32 $0xFFFFF060  }
0xbb: {  	_ =	swait.ge [sflag:s31], $0xFA0  }
0xbc: {  	[sflag:s31] =	ssyncset.done $0x0  }
0xbd: {  	[sflag:s31] =	ssyncadd.s32 $0xFFFFF060  }
0xbe: {  	[spmem:s3] =	stream.indirect.scatter.add.f32 [tilespmem:s24], [sflag:$0xC], $0x1, s18, s23, $0xb8;
	[tilespmem:$0x15A00] =	vst v63  }
0xbf: {  	s26 =	sadd.s32 $0x1F40, s26;
	p1 =	seq.s32 s0, $0x5DC0;
	_ =	swait.ge [sflag:s14], $0xFA0  }
0xc0: {  	s0 =	sshrl.u32 @!p1 s26, $0x3;
	s4 =	simm.s32 @!p1 $0x9600;
	[sflag:s14] =	ssyncset.done $0x0  }
0xc1: {  	s11 =	sadd.s32 @!p1 s9, s0;
	s12 =	simm.s32 @!p1 $0x0;
	[sflag:s14] =	ssyncadd.s32 $0xFFFFF060  }
0xc2: {  	[tilespmem:s4], [sflag:$0x1] =	stream.linear.gather @!p1 [hbm4b:s11+s12], $0xFA0, $0x38;
	[tilespmem:$0x15A00] =	vst v63  }
0xc3: {  	s0 =	sadd.s32 @!p1 s10, s0;
	s4 =	simm.s32 @!p1 $0xB600  }
0xc4: {  	[tilespmem:s4], [sflag:$0x3] =	stream.linear.gather @!p1 [hbm4b:s0+s12], $0xFA0, $0x38;
	[tilespmem:$0x15A00] =	vst v63  }
0xc5: {  	_ =	swait.ge [sflag:s16], $0xFA0  }
0xc6: {  	[sflag:s16] =	ssyncset.done $0x0  }
0xc7: {  	[sflag:s16] =	ssyncadd.s32 $0xFFFFF060  }
0xc8: {  	_ =	swait.ge [sflag:s28], $0xFA0  }
0xc9: {  	[sflag:s28] =	ssyncset.done $0x0  }
0xca: {  	[sflag:s28] =	ssyncadd.s32 $0xFFFFF060  }
0xcb: {  	[tilespmem:s24], [sflag:$0x5] =	stream.indirect.gather [spmem:s5], $0x1, s19, s23, $0xb8;
	[tilespmem:$0x15A00] =	vst v63  }
0xcc: {  	_ = 	snop  }
0xcd: {  	[tilespmem:s25], [sflag:$0x6] =	stream.indirect.gather [spmem:s6], $0x1, s19, s23, $0xb8;
	[tilespmem:$0x15A00] =	vst v63  }
0xce: {  	_ =	swait.ge [sflag:s31], $0xFA0  }
0xcf: {  	[sflag:s31] =	ssyncset.done $0x0  }
0xd0: {  	[sflag:s31] =	ssyncadd.s32 $0xFFFFF060  }
0xd1: {  	[spmem:s1] =	stream.indirect.scatter.add.f32 [tilespmem:s24], [sflag:$0xC], $0x1, s20, s23, $0xb8;
	[tilespmem:$0x15A00] =	vst v63  }
0xd2: {  	_ =	swait.ge [sflag:s14], $0xFA0  }
0xd3: {  	[sflag:s14] =	ssyncset.done $0x0  }
0xd4: {  	[sflag:s14] =	ssyncadd.s32 $0xFFFFF060  }
0xd5: {  	[tilespmem:s24], [sflag:$0x5] =	stream.indirect.gather [spmem:s7], $0x1, s19, s23, $0xb8;
	[tilespmem:$0x15A00] =	vst v63  }
0xd6: {  	_ =	swait.ge [sflag:s15], $0xFA0  }
0xd7: {  	[sflag:s15] =	ssyncset.done $0x0  }
0xd8: {  	[sflag:s15] =	ssyncadd.s32 $0xFFFFF060  }
0xd9: {  	[spmem:s2] =	stream.indirect.scatter.add.f32 [tilespmem:s25], [sflag:$0xC], $0x1, s20, s23, $0xb8;
	[tilespmem:$0x15A00] =	vst v63  }
0xda: {  	_ =	swait.ge [sflag:s14], $0xFA0  }
0xdb: {  	s30 =	sadd.s32 $0x3E8, s30;
	[sflag:s14] =	ssyncset.done $0x0  }
0xdc: {  	p0 =	sne.s32 s30, $0x61A8;
	[sflag:s14] =	ssyncadd.s32 $0xFFFFF060  }
.Ltmp1:
0xdd: {  	_ =	swait.ge [sflag:s31], $0xFA0;
	(pc) =	sbr.rel @p0 .LBB2_4-.Ltmp1, $4  }
0xde: {  	[sflag:s31] =	ssyncset.done $0x0  }
0xdf: {  	[sflag:s31] =	ssyncadd.s32 $0xFFFFF060  }
0xe0: {  	[spmem:s3] =	stream.indirect.scatter.add.f32 [tilespmem:s24], [sflag:$0xC], $0x1, s20, s23, $0xb8;
	[tilespmem:$0x15A00] =	vst v63  }
0xe1: {  	_ =	swait.ge [sflag:s14], $0xFA0  }
0xe2: {  	[sflag:s14] =	ssyncset.done $0x0  }
0xe3: {  	[sflag:s14] =	ssyncadd.s32 $0xFFFFF060  }
0xe4: {  	[bflag:$0x0] =	sbarrier.arrive $0xFFFF  }
0xe5: {  	s4 =	simm.s32 $0xF600;
	s30 =	rddreg [dreg:$0xd]  }
0xe6: {  	[tilespmem:s4], [sflag:$0x7] =	stream.linear.gather [spmem:s30], $0x1900, $0x38;
	[tilespmem:$0x15A00] =	vst v63  }
0xe7: {  	s11 =	simm.s32 $0x10F00;
	s0 =	rddreg [dreg:$0xe]  }
0xe8: {  	[tilespmem:s11], [sflag:$0x8] =	stream.linear.gather [spmem:s0], $0x1900, $0x38;
	[tilespmem:$0x15A00] =	vst v63  }
0xe9: {  	s12 =	simm.s32 $0x12800;
	s26 =	rddreg [dreg:$0xf]  }
0xea: {  	[tilespmem:s12], [sflag:$0x9] =	stream.linear.gather [spmem:s26], $0x1900, $0x38;
	[tilespmem:$0x15A00] =	vst v63  }
0xeb: {  	s26 =	simm.s32 $0x7  }
0xec: {  	_ =	swait.ge [sflag:s26], $0x1900  }
0xed: {  	[sflag:s26] =	ssyncset.done $0x0  }
0xee: {  	[sflag:s26] =	ssyncadd.s32 $0xFFFFE700;
	s26 =	rddreg [dreg:$0x15]  }
0xef: {  	[hbm4b:s26+s8] =	stream.linear.scatter [tilespmem:s4], [sflag:$0xA], $0x1900, $0x38;
	[tilespmem:$0x15A00] =	vst v63  }
0xf0: {  	s26 =	simm.s32 $0x8  }
0xf1: {  	_ =	swait.ge [sflag:s26], $0x1900  }
0xf2: {  	[sflag:s26] =	ssyncset.done $0x0  }
0xf3: {  	[sflag:s26] =	ssyncadd.s32 $0xFFFFE700;
	s26 =	rddreg [dreg:$0x16]  }
0xf4: {  	[hbm4b:s26+s8] =	stream.linear.scatter [tilespmem:s11], [sflag:$0xA], $0x1900, $0x38;
	[tilespmem:$0x15A00] =	vst v63  }
0xf5: {  	s26 =	simm.s32 $0x9  }
0xf6: {  	_ =	swait.ge [sflag:s26], $0x1900  }
0xf7: {  	[sflag:s26] =	ssyncset.done $0x0  }
0xf8: {  	[sflag:s26] =	ssyncadd.s32 $0xFFFFE700;
	s26 =	rddreg [dreg:$0x17]  }
0xf9: {  	[hbm4b:s26+s8] =	stream.linear.scatter [tilespmem:s12], [sflag:$0xA], $0x1900, $0x38;
	[tilespmem:$0x15A00] =	vst v63  }
0xfa: {  	_ =	swait.ge [sflag:s13], $0x1900  }
0xfb: {  	[sflag:s13] =	ssyncset.done $0x0  }
0xfc: {  	[sflag:s13] =	ssyncadd.s32 $0xFFFFE700  }
0xfd: {  	_ =	swait.ge [sflag:s13], $0x1900  }
0xfe: {  	[sflag:s13] =	ssyncset.done $0x0  }
0xff: {  	[sflag:s13] =	ssyncadd.s32 $0xFFFFE700  }
0x100: {  	_ =	swait.ge [sflag:s13], $0x1900  }
0x101: {  	s29 =	sadd.s32 $0x1, s29;
	s26 =	rddreg [dreg:$0x18]  }
0x102: {  	p0 =	sne.s32 s29, s26  }
.Ltmp2:
0x103: {  	_ = 	snop;
	(pc) =	sbr.rel @p0 .LBB2_1-.Ltmp2, $3  }
0x104: {  	_ =	sdelay $0x1  }
0x105: {  	[sflag:s13] =	ssyncset.done $0x0  }
0x106: {  	[sflag:s13] =	ssyncadd.s32 $0xFFFFE700  }
0x107: {  	_ =	sfence.sel $0x180000  }
0x108: {  	[bflag:$0x0] =	sbarrier.arrive $0xFFFF  }
0x109: {  	_ =	strace $0x9000004A  }
0x10a: {  	s0 =	stileid.u32;
	[bflag:$0x2] =	sbarrier.arrive $0xFFFF  }
0x10b: {  	p0 =	sne.s32 s0, $0x0;
	s0 =	rddreg [dreg:$0x7]  }
0x10c: {  	s0 =	sadd.s32 @!p0 $0x100000, s0  }
0x10d: {  	[sflag:s0] =	ssyncadd.tile.s32 @!p0 $0x1;
	_ =	shalt  }
.Lfunc_end2:
_tile_overlayer_lowered:
.L_overlay_start_2:
0x10e: {  	(tag) =	ssettag $0x2  }
0x10f: {  	s0 =	rddreg [dreg:$0x0];
	s2 =	stileid.u32  }
0x110: {  	s1 =	rddreg [dreg:$0x1];
	p0 =	sne.s32 s2, $0x0  }
0x111: {  	s3 =	rddreg [dreg:$0x2];
	[bflag:$0x3] =	sbarrier.arrive $0xFFFF;
	s2 =	simm.s32 @!p0 $0x1C0C  }
0x112: {  	[timem:s3], [sflag:s2] =	dma.local @!p0 [hbm:s0], s1  }
0x113: {  	s0 =	simm.s32 @!p0 $0xC  }
0x114: {  	_ =	swait.ge @!p0 [sflag:s0], s1  }
0x115: {  	s1 =	ssub.s32 @!p0 $0x0, s1;
	[sflag:s0] =	ssyncset.done @!p0 $0x0  }
0x116: {  	[sflag:s0] =	ssyncadd.s32 @!p0 s1  }
0x117: {  	[bflag:$0x3] =	sbarrier.arrive $0xFFFF  }
0x118: {  	_ =	shalt  }

// kernel: kernel.14.cloned.1.call-start
scs
__scs_entry_jumppad:
0x0: {  	(pc) =	sbr.rel $0x88, $3  }
0x1: {  	(tag) =	ssettag $0x0;
	lr =	simm.s32 $0x1  }
0x2: {  	[smem:$0x3F92] =	sst lr;
	_ =	strace $0xD0000000  }
0x3: {  	_ = 	snop  }
0x4: {  	_ = 	snop  }
0x5: {  	_ = 	snop  }
0x6: {  	_ = 	snop  }
0x7: {  	_ = 	snop  }
__scs_overlays_trampoline_lowered:
0x8: {  	[smem:$0x3FA1] =	sst s0  }
0x9: {  	[smem:$0x3FA2] =	sst s1  }
0xa: {  	[smem:$0x3FA3] =	sst s2  }
0xb: {  	[smem:$0x3FA4] =	sst s3  }
0xc: {  	[smem:$0x3FA5] =	sst s4  }
0xd: {  	[smem:$0x3FA6] =	sst s5  }
0xe: {  	[smem:$0x3FA7] =	sst s6  }
0xf: {  	[smem:$0x3FA8] =	sst s7  }
0x10: {  	[smem:$0x3FA9] =	sst s8  }
0x11: {  	[smem:$0x3FAA] =	sst s9;
	s0 =	simm.s32 @!p0 $0x0  }
0x12: {  	s1 =	sld [smem:$0x3F90];
	s0 =	simm.s32 @p0 $0x1  }
0x13: {  	[smem:$0x3FAB] =	sst s0;
	s0 =	simm.s32 @!p1 $0x0  }
0x14: {  	s2 =	sld [smem:$0x3F8F];
	s0 =	simm.s32 @p1 $0x1  }
0x15: {  	[smem:$0x3FAC] =	sst s0;
	s0 =	simm.s32 @!p2 $0x0  }
0x16: {  	s3 =	sld [smem:$0x3FDB];
	s0 =	simm.s32 @p2 $0x1  }
0x17: {  	s4 =	simm.s32 $0x1BF5;
	[smem:$0x3FAE] =	sst s0  }
0x18: {  	s0 =	sld [smem:$0x3F91];
	_ =	swait.ge [sflag:s4], $0x0  }
0x19: {  	s7 =	sld [smem:$0x3F92]  }
0x1a: {  	s8 =	sadd.s32 $0xFFFFE003, lr  }
0x1b: {  	s9 =	sadd.s32 $0xFFFFFEF7, lr;
	s5 =	simm.s32 $0xFFFFFFFF;
	p2 =	slt.u32 s8, $0xFFFFF086  }
0x1c: {  	p1 =	slt.u32 s9, $0xF7A;
	s5 =	simm.s32 @!p2 $0x0  }
0x1d: {  	s5 =	simm.s32 @p1 $0x1;
	p0 =	seq.s32 s7, s2  }
0x1e: {  	s7 =	smul.u32 @!p0 $0xF7A, s2;
	p2 =	seq.s32 @!p0 s5, $0x0  }
0x1f: {  	s9 =	smul.u32 $0xF7A, s1;
	s8 =	simm.s32 @!p0 $0x1BF5;
	p2 =	por !p2, p0  }
0x20: {  	[sflag:s8] =	ssyncset.s32 @!p0 $0xFFFFF086;
	s6 =	sadd.s32 @!p0 s3, s7;
	s7 =	simm.s32 @!p0 $0x108  }
0x21: {  	s3 =	sadd.s32 s3, s9;
	s6 =	sadd.s32 @!p0 $0x88, s6;
	s7 =	simm.s32 @p2 $0x1082  }
0x22: {  	[simem:s7], [sflag:s8] =	dma.local @!p0 [hbm:s6], $0xF7A  }
0x23: {  	s9 =	sor.u32 $0xD0000000, s2;
	s6 =	simm.s32 $0x108;
	_ =	swait.ge @!p0 [sflag:s8], $0x0  }
0x24: {  	s3 =	sadd.s32 $0x88, s3;
	s6 =	simm.s32 @!p1 $0x1082;
	[sflag:s4] =	ssyncset.s32 $0xFFFFF086  }
0x25: {  	[simem:s6], [sflag:s4] =	dma.local [hbm:s3], $0xF7A  }
0x26: {  	[smem:$0x3F92] =	sst s1;
	(tag) =	ssettag s2;
	_ =	strace s9  }
0x27: {  	s1 =	sld [smem:$0x3FA2]  }
0x28: {  	s2 =	sld [smem:$0x3FA3]  }
0x29: {  	s4 =	sld [smem:$0x3FA5]  }
0x2a: {  	p0 =	seq.s32 s5, $0x0;
	s5 =	sld [smem:$0x3FA6]  }
0x2b: {  	s6 =	sld [smem:$0x3FA7]  }
0x2c: {  	s7 =	sld [smem:$0x3FA8]  }
0x2d: {  	s3 =	simm.s32 $0x108;
	s8 =	sld [smem:$0x3FA9]  }
0x2e: {  	s3 =	simm.s32 @!p0 $0x1082;
	s9 =	sld [smem:$0x3FAA]  }
0x2f: {  	lr =	sadd.s32 s0, s3;
	s0 =	sld [smem:$0x3FA1]  }
0x30: {  	s3 =	sld [smem:$0x3FA4]  }
0x31: {  	[smem:$0x3FAD] =	sst s10  }
0x32: {  	s10 =	sld [smem:$0x3FAB];
	_ =	sdelay $0x3  }
0x33: {  	p0 =	seq.s32 s10, $0x1;
	s10 =	sld [smem:$0x3FAD];
	_ =	sdelay $0x3  }
0x34: {  	[smem:$0x3FAD] =	sst s10  }
0x35: {  	s10 =	sld [smem:$0x3FAC];
	_ =	sdelay $0x3  }
0x36: {  	p1 =	seq.s32 s10, $0x1;
	s10 =	sld [smem:$0x3FAD];
	_ =	sdelay $0x3  }
0x37: {  	[smem:$0x3FAD] =	sst s10  }
0x38: {  	s10 =	sld [smem:$0x3FAE]  }
0x39: {  	_ = 	snop;
	(pc) =	sbr.ind lr, $3  }
0x3a: {  	_ = 	snop  }
0x3b: {  	_ = 	snop  }
0x3c: {  	p2 =	seq.s32 s10, $0x1;
	s10 =	sld [smem:$0x3FAD]  }
0x3d: {  	_ =	shalt  }
0x3e: {  	_ =	shalt  }
0x3f: {  	_ =	shalt  }
0x40: {  	_ =	shalt  }
0x41: {  	_ =	shalt  }
0x42: {  	_ =	shalt  }
0x43: {  	_ =	shalt  }
0x44: {  	_ =	shalt  }
0x45: {  	_ =	shalt  }
0x46: {  	_ =	shalt  }
0x47: {  	_ =	shalt  }
0x48: {  	_ =	shalt  }
0x49: {  	_ =	shalt  }
0x4a: {  	_ =	shalt  }
0x4b: {  	_ =	shalt  }
0x4c: {  	_ =	shalt  }
0x4d: {  	_ =	shalt  }
0x4e: {  	_ =	shalt  }
0x4f: {  	_ =	shalt  }
0x50: {  	_ =	shalt  }
0x51: {  	_ =	shalt  }
0x52: {  	_ =	shalt  }
0x53: {  	_ =	shalt  }
0x54: {  	_ =	shalt  }
0x55: {  	_ =	shalt  }
0x56: {  	_ =	shalt  }
0x57: {  	_ =	shalt  }
0x58: {  	_ =	shalt  }
0x59: {  	_ =	shalt  }
0x5a: {  	_ =	shalt  }
0x5b: {  	_ =	shalt  }
0x5c: {  	_ =	shalt  }
0x5d: {  	_ =	shalt  }
0x5e: {  	_ =	shalt  }
0x5f: {  	_ =	shalt  }
0x60: {  	_ =	shalt  }
0x61: {  	_ =	shalt  }
0x62: {  	_ =	shalt  }
0x63: {  	_ =	shalt  }
0x64: {  	_ =	shalt  }
0x65: {  	_ =	shalt  }
0x66: {  	_ =	shalt  }
0x67: {  	_ =	shalt  }
0x68: {  	_ =	shalt  }
0x69: {  	_ =	shalt  }
0x6a: {  	_ =	shalt  }
0x6b: {  	_ =	shalt  }
0x6c: {  	_ =	shalt  }
0x6d: {  	_ =	shalt  }
0x6e: {  	_ =	shalt  }
0x6f: {  	_ =	shalt  }
0x70: {  	_ =	shalt  }
0x71: {  	_ =	shalt  }
0x72: {  	_ =	shalt  }
0x73: {  	_ =	shalt  }
0x74: {  	_ =	shalt  }
0x75: {  	_ =	shalt  }
0x76: {  	_ =	shalt  }
0x77: {  	_ =	shalt  }
0x78: {  	_ =	shalt  }
0x79: {  	_ =	shalt  }
0x7a: {  	_ =	shalt  }
0x7b: {  	_ =	shalt  }
0x7c: {  	_ =	shalt  }
0x7d: {  	_ =	shalt  }
0x7e: {  	_ =	shalt  }
0x7f: {  	_ =	shalt  }
0x80: {  	_ =	shalt  }
0x81: {  	_ =	shalt  }
0x82: {  	_ =	shalt  }
0x83: {  	_ =	shalt  }
0x84: {  	_ =	shalt  }
0x85: {  	_ =	shalt  }
0x86: {  	_ =	shalt  }
0x87: {  	_ =	shalt  }
.Lfunc_end0:
.L_simem_size_0:
called_computation.2_lowered:
.L_overlay_start_0:
0x88: {  	s2 =	sld [smem:$0x3FD9]  }
0x89: {  	s3 =	sld [smem:$0x3FFE];
	_ =	sdelay $0x1  }
0x8a: {  	s1 =	srdreg.scid  }
0x8b: {  	s0 =	sand.u32 $0x1, s1  }
0x8c: {  	s16 =	sshll.u32 s0, $0xA;
	s2 =	sadd.s32 s3, s2  }
0x8d: {  	s2 =	sadd.s32 s2, s16  }
0x8e: {  	[smem:$0x3FB9] =	sst s2  }
0x8f: {  	_ = 	snop  }
0x90: {  	(tm) =	ssettm $0x1  }
0x91: {  	s17 =	sld [smem:$0x3FFB];
	_ =	sdelay $0x3  }
0x92: {  	_ =	strace s17  }
0x93: {  	s2 =	sld [smem:$0x3FFC];
	_ =	sdelay $0x3  }
0x94: {  	_ =	strace s2  }
0x95: {  	s2 =	sld [smem:$0x3FFD];
	_ =	sdelay $0x3  }
0x96: {  	_ =	strace s2  }
0x97: {  	_ =	strace $0x8FFFFFFF  }
0x98: {  	s18 =	sld [smem:$0x3FDB];
	_ =	sdelay $0x1  }
0x99: {  	s19 =	simm.s32 $_scs_section_size  }
0x9a: {  	s4 =	simm.s32 $_size__tile_overlayer_lowered;
	s5 =	simm.s32 $_tile_overlayer_lowered  }
0x9b: {  	s22 =	simm.s32 $0x1BFF;
	s21 =	sshll.u32 s5, $0x1;
	s2 =	sadd.s32 s19, s18  }
0x9c: {  	s6 =	simm.s32 $0x0;
	s20 =	sshll.u32 s4, $0x1;
	s4 =	sadd.s32 s21, s2  }
0x9d: {  	[timem:s6], [sflag:s22] =	dma.local [hbm:s4], s20  }
0x9e: {  	_ =	swait.ge [sflag:s22], s20  }
0x9f: {  	s3 =	ssub.s32 $0x0, s20;
	[sflag:s22] =	ssyncset.done $0x0  }
0xa0: {  	[sflag:s22] =	ssyncadd.s32 s3;
	_ =	sdelay $0x1  }
0xa1: {  	s23 =	simm.s32 $0x1B8B  }
0xa2: {  	_ =	swait.ge [sflag:s23], $0x1  }
0xa3: {  	[sflag:s23] =	ssyncset.done $0x0  }
0xa4: {  	s25 =	simm.s32 $0x1B8E;
	s24 =	sld [smem:$0x3FFE];
	[sflag:s23] =	ssyncadd.s32 $0xFFFFFFFF  }
0xa5: {  	s26 =	simm.s32 $execute0_lowered;
	[smem:$0x3FD2] =	sst s25  }
0xa6: {  	s4 =	sshll.u32 s26, $0x1;
	_ =	strace $0x8000004C;
	[dreg:$0x1] =	wrdreg $0xFFFFFFFF  }
0xa7: {  	s28 =	simm.s32 $_size_execute0_lowered;
	s2 =	sadd.s32 s2, s4;
	[dreg:$0x0] =	wrdreg $0x0  }
0xa8: {  	s4 =	sshll.u32 s28, $0x1;
	[dreg:$0x2] =	wrdreg s2  }
0xa9: {  	[dreg:$0x3] =	wrdreg s4  }
0xaa: {  	[dreg:$0x4] =	wrdreg $0xC0  }
0xab: {  	_ =	task [dreg:s6], $0x5FFFF  }
0xac: {  	[dreg:$0x1] =	wrdreg $0xFFFFFFFF  }
0xad: {  	[dreg:$0x0] =	wrdreg $0x60  }
0xae: {  	[dreg:$0x2] =	wrdreg s24  }
0xaf: {  	[dreg:$0x3] =	wrdreg $0x4B000  }
0xb0: {  	[dreg:$0x4] =	wrdreg $0x64000  }
0xb1: {  	[dreg:$0x5] =	wrdreg $0x7D000  }
0xb2: {  	[dreg:$0x6] =	wrdreg $0x0  }
0xb3: {  	[dreg:$0x7] =	wrdreg $0x19000  }
0xb4: {  	[dreg:$0x8] =	wrdreg $0x32000  }
0xb5: {  	[dreg:$0x9] =	wrdreg $0x9  }
0xb6: {  	_ =	task.clear_ibuf [dreg:s6], $0xAFFFF;
	_ =	strace $0x9000004C  }
0xb7: {  	s29 =	simm.s32 $0x9;
	_ =	strace $0x8000004E  }
0xb8: {  	_ =	swait.ge [sflag:s29], $0x1  }
0xb9: {  	[sflag:s29] =	ssyncadd.s32 $0xFFFFFFFF  }
0xba: {  	_ =	strace $0x9000004E  }
0xbb: {  	_ =	sfence  }
0xbc: {  	s30 =	sld [smem:$0x0];
	_ =	sdelay $0x2  }
0xbd: {  	s31 =	sshll.u32 s1, $0xD;
	s1 =	sshrl.u32 s1, $0x2  }
0xbe: {  	s3 =	sand.u32 $0x4000, s31;
	s1 =	sadd.s32 s1, s30  }
0xbf: {  	s0 =	sor.u32 s3, s0;
	s1 =	sshll.u32 s1, $0x11  }
0xc0: {  	s0 =	sor.u32 s1, s0  }
0xc1: {  	s0 =	sadd.s32 $0x8F2B, s0  }
0xc2: {  	[sflag:s0] =	ssyncadd.remote.s32 $0x1  }
0xc3: {  	_ =	sfence.sel $0xFFFF  }
0xc4: {  	[dreg:$0x0] =	wrdreg $0xFFFFFFFF;
	(pc) =	sbr.abs _section_cstart, $3  }
0xc5: {  	[dreg:$0x1] =	wrdreg $0xFFFFFFFF  }
0xc6: {  	_ =	task.clear_ibuf [dreg:s6], $0x2FFFF;
	_ =	strace $0x9FFFFFFF  }
0xc7: {  	(tm) =	ssettm $0x7FFFFFFF  }
tec
execute0_lowered:
.L_overlay_start_1:
0x0: {  	(tag) =	ssettag $0x1  }
0x1: {  	s0 =	rddreg [dreg:$0x0]  }
0x2: {  	s1 =	rddreg [dreg:$0x1]  }
0x3: {  	s2 =	rddreg [dreg:$0x2]  }
0x4: {  	s3 =	rddreg [dreg:$0x3]  }
0x5: {  	s5 =	rddreg [dreg:$0x4]  }
0x6: {  	s6 =	rddreg [dreg:$0x5]  }
0x7: {  	s7 =	rddreg [dreg:$0x6];
	s17 =	stileid.u32  }
0x8: {  	s4 =	srdreg.scid;
	s8 =	simm.s32 $0x0;
	s31 =	simm.s32 $0x5  }
0x9: {  	s28 =	simm.s32 $0x4;
	s29 =	simm.s32 $0x0;
	s11 =	smul.u32 $0x1900, s17  }
0xa: {  	s4 =	sand.u32 $0x1, s4;
	[smem:$0x7FF] =	sst s8;
	s24 =	smul.u32 $0x30D40, s17  }
0xb: {  	s9 =	sadd.s32 $0xC6400, s0;
	s10 =	smul.u32 $0x4B000, s4;
	_ =	strace $0x8000004D  }
0xc: {  	s23 =	ssub.s32 $0x2, s4;
	s14 =	smul.u32 $0x30D400, s4;
	s4 =	sshll.u32 s4, $0x4  }
0xd: {  	s12 =	sshrl.u32 s11, $0x3;
	s15 =	sshrl.u32 s23, $0x1;
	s30 =	sadd.s32 s11, s1  }
0xe: {  	s4 =	sor.u32 s17, s4;
	s17 =	sadd.s32 s11, s3;
	s18 =	sadd.s32 s11, s5  }
0xf: {  	s19 =	sadd.s32 s11, s6;
	s13 =	sadd.s32 s11, s10;
	[dreg:$0xf] =	wrdreg s17  }
0x10: {  	s10 =	sadd.s32 $0x2E00, s0;
	s12 =	sadd.s32 s12, s0;
	[dreg:$0x10] =	wrdreg s18  }
0x11: {  	s26 =	sadd.s32 s24, s14;
	s4 =	smul.u32 $0x30D40, s4;
	[dreg:$0x11] =	wrdreg s19  }
0x12: {  	s17 =	simm.s32 $0x9600;
	s18 =	simm.s32 $0xB600;
	s19 =	simm.s32 $0xA600  }
0x13: {  	[dreg:$0xd] =	wrdreg s30;
	s13 =	sshrl.u32 s13, $0x3;
	s16 =	sadd.s32 $0x189A00, s12  }
0x14: {  	s25 =	sadd.s32 $0x18CC00, s12;
	s12 =	sadd.s32 $0x18FE00, s12;
	[dreg:$0xa] =	wrdreg s16  }
0x15: {  	s0 =	sadd.s32 s13, s0;
	s13 =	ssub.s32 s23, s15;
	[dreg:$0xb] =	wrdreg s25  }
0x16: {  	[dreg:$0xc] =	wrdreg s12;
	s15 =	sadd.s32 s11, s2;
	s16 =	sadd.s32 $0xFA0, s26  }
0x17: {  	s11 =	sadd.s32 s11, s7;
	s4 =	sshrl.u32 s4, $0x3;
	[dreg:$0xe] =	wrdreg s15  }
0x18: {  	s26 =	sadd.s32 $0x1F40, s26;
	s12 =	simm.s32 $0x12800;
	[dreg:$0x12] =	wrdreg s11  }
0x19: {  	s14 =	sshrl.u32 s16, $0x3;
	s21 =	sadd.s32 s9, s4;
	[dreg:$0x19] =	wrdreg s26  }
0x1a: {  	s4 =	sadd.s32 s10, s4;
	s23 =	sadd.s32 $0x193000, s0;
	[dreg:$0x13] =	wrdreg s21  }
0x1b: {  	s24 =	sadd.s32 $0x196200, s0;
	s0 =	sadd.s32 $0x199400, s0;
	[dreg:$0x14] =	wrdreg s4  }
0x1c: {  	s25 =	smax.u32 s13, $0x1;
	s11 =	simm.s32 $0x10F00;
	[dreg:$0x15] =	wrdreg s23  }
0x1d: {  	s13 =	simm.s32 $0xA;
	s15 =	simm.s32 $0x6;
	[dreg:$0x16] =	wrdreg s24  }
0x1e: {  	s16 =	simm.s32 $0x2;
	s20 =	sadd.s32 s14, s10;
	[dreg:$0x17] =	wrdreg s0  }
0x1f: {  	s22 =	sadd.s32 s14, s9;
	[dreg:$0x18] =	wrdreg s25;
	s4 =	simm.s32 $0xF600  }
0x20: {  	s21 =	simm.s32 $0x1;
	s23 =	simm.s32 $0xFA0;
	s24 =	simm.s32 $0xD600  }
0x21: {  	s25 =	simm.s32 $0xE600;
	s14 =	simm.s32 $0xC;
	[dreg:$0x8] =	wrdreg s20  }
0x22: {  	v0 =	vimm.f32 $0.0e+00;
	[dreg:$0x9] =	wrdreg s22;
	s20 =	simm.s32 $0xC600;
	s22 =	simm.s32 $0x3  }
.LBB2_1:
0x23: {  	s0 =	rddreg [dreg:$0xa]  }
0x24: {  	[tilespmem:s4], [sflag:$0x7] =	stream.linear.gather [hbm4b:s0+s8], $0x1900, $0x38;
	[tilespmem:$0x15A00] =	vst v63  }
0x25: {  	s26 =	rddreg [dreg:$0xb]  }
0x26: {  	[tilespmem:s11], [sflag:$0x8] =	stream.linear.gather [hbm4b:s26+s8], $0x1900, $0x38;
	[tilespmem:$0x15A00] =	vst v63  }
0x27: {  	s26 =	rddreg [dreg:$0xc]  }
0x28: {  	[tilespmem:s12], [sflag:$0x9] =	stream.linear.gather [hbm4b:s26+s8], $0x1900, $0x38;
	[tilespmem:$0x15A00] =	vst v63  }
0x29: {  	s0 =	simm.s32 $0x40;
	s26 =	simm.s32 $0x0  }
.LBB2_2:
0x2a: {  	p0 =	sne.s32 s0, $0x63C0;
	[tilespmem:s26+$0x14100] =	vst v0;
	s26 =	smov.u32 s0;
	s0 =	sadd.s32 $0x40, s0  }
.Ltmp0:
0x2b: {  	(pc) =	sbr.rel @p0 .LBB2_2-.Ltmp0, $2  }
0x2c: {  	_ =	sdelay $0x2  }
0x2d: {  	s26 =	sshra.s32 s26, $0x2  }
0x2e: {  	[tilespmem:s26+$0x14100] =	vst v0;
	s26 =	simm.s32 $0x14100  }
0x2f: {  	[spmem:s30] =	stream.linear.scatter [tilespmem:s26], [sflag:$0xB], $0x1900, $0x38;
	[tilespmem:$0x15A00] =	vst v63  }
0x30: {  	s0 =	rddreg [dreg:$0xe]  }
0x31: {  	[spmem:s0] =	stream.linear.scatter [tilespmem:s26], [sflag:$0xB], $0x1900, $0x38;
	[tilespmem:$0x15A00] =	vst v63  }
0x32: {  	s0 =	rddreg [dreg:$0xf]  }
0x33: {  	[spmem:s0] =	stream.linear.scatter [tilespmem:s26], [sflag:$0xB], $0x1900, $0x38;
	[tilespmem:$0x15A00] =	vst v63  }
0x34: {  	s26 =	simm.s32 $0x7  }
0x35: {  	_ =	swait.ge [sflag:s26], $0x1900  }
0x36: {  	[sflag:s26] =	ssyncset.done $0x0  }
0x37: {  	[sflag:s26] =	ssyncadd.s32 $0xFFFFE700;
	s26 =	rddreg [dreg:$0x10]  }
0x38: {  	[spmem:s26] =	stream.linear.scatter [tilespmem:s4], [sflag:$0xA], $0x1900, $0x38;
	[tilespmem:$0x15A00] =	vst v63  }
0x39: {  	s26 =	simm.s32 $0x8  }
0x3a: {  	_ =	swait.ge [sflag:s26], $0x1900  }
0x3b: {  	[sflag:s26] =	ssyncset.done $0x0  }
0x3c: {  	s4 =	rddreg [dreg:$0x11];
	[sflag:s26] =	ssyncadd.s32 $0xFFFFE700;
	s26 =	simm.s32 $0x9  }
0x3d: {  	[spmem:s4] =	stream.linear.scatter [tilespmem:s11], [sflag:$0xA], $0x1900, $0x38;
	[tilespmem:$0x15A00] =	vst v63  }
0x3e: {  	_ =	swait.ge [sflag:s26], $0x1900  }
0x3f: {  	[sflag:s26] =	ssyncset.done $0x0  }
0x40: {  	s11 =	simm.s32 $0xB;
	s4 =	rddreg [dreg:$0x12];
	[sflag:s26] =	ssyncadd.s32 $0xFFFFE700  }
0x41: {  	[spmem:s4] =	stream.linear.scatter [tilespmem:s12], [sflag:$0xA], $0x1900, $0x38;
	[tilespmem:$0x15A00] =	vst v63  }
0x42: {  	_ =	swait.ge [sflag:s11], $0x1900  }
0x43: {  	[sflag:s11] =	ssyncset.done $0x0  }
0x44: {  	[sflag:s11] =	ssyncadd.s32 $0xFFFFE700  }
0x45: {  	_ =	swait.ge [sflag:s13], $0x1900  }
0x46: {  	[sflag:s13] =	ssyncset.done $0x0  }
0x47: {  	[sflag:s13] =	ssyncadd.s32 $0xFFFFE700  }
0x48: {  	_ =	swait.ge [sflag:s11], $0x1900  }
0x49: {  	[sflag:s11] =	ssyncset.done $0x0  }
0x4a: {  	[sflag:s11] =	ssyncadd.s32 $0xFFFFE700  }
0x4b: {  	_ =	swait.ge [sflag:s13], $0x1900  }
0x4c: {  	[sflag:s13] =	ssyncset.done $0x0  }
0x4d: {  	[sflag:s13] =	ssyncadd.s32 $0xFFFFE700  }
0x4e: {  	_ =	swait.ge [sflag:s11], $0x1900  }
0x4f: {  	[sflag:s11] =	ssyncset.done $0x0  }
0x50: {  	[sflag:s11] =	ssyncadd.s32 $0xFFFFE700  }
0x51: {  	_ =	swait.ge [sflag:s13], $0x1900  }
0x52: {  	[sflag:s13] =	ssyncset.done $0x0  }
0x53: {  	[sflag:s13] =	ssyncadd.s32 $0xFFFFE700  }
0x54: {  	[bflag:$0x0] =	sbarrier.arrive $0xFFFF  }
0x55: {  	s26 =	rddreg [dreg:$0x13]  }
0x56: {  	s12 =	simm.s32 $0x0;
	s11 =	rddreg [dreg:$0x14]  }
0x57: {  	[tilespmem:s17], [sflag:$0x1] =	stream.linear.gather [hbm4b:s26+s12], $0xFA0, $0x38;
	[tilespmem:$0x15A00] =	vst v63  }
0x58: {  	s26 =	rddreg [dreg:$0x9]  }
0x59: {  	[tilespmem:s18], [sflag:$0x3] =	stream.linear.gather [hbm4b:s11+s12], $0xFA0, $0x38;
	[tilespmem:$0x15A00] =	vst v63  }
0x5a: {  	s26 =	sadd.s32 $0x0, s26;
	s12 =	rddreg [dreg:$0x8]  }
0x5b: {  	[tilespmem:s19], [sflag:$0x2] =	stream.linear.gather [hbm4b:s26+s8], $0xFA0, $0x38;
	[tilespmem:$0x15A00] =	vst v63  }
0x5c: {  	s0 =	sadd.s32 $0x0, s12  }
0x5d: {  	[tilespmem:s20], [sflag:$0x4] =	stream.linear.gather [hbm4b:s0+s8], $0xFA0, $0x38;
	[tilespmem:$0x15A00] =	vst v63  }
0x5e: {  	_ =	swait.ge [sflag:s21], $0xFA0  }
0x5f: {  	[sflag:s21] =	ssyncset.done $0x0  }
0x60: {  	[sflag:s21] =	ssyncadd.s32 $0xFFFFF060  }
0x61: {  	_ =	swait.ge [sflag:s22], $0xFA0  }
0x62: {  	[sflag:s22] =	ssyncset.done $0x0  }
0x63: {  	[sflag:s22] =	ssyncadd.s32 $0xFFFFF060  }
0x64: {  	[tilespmem:s24], [sflag:$0x5] =	stream.indirect.gather [spmem:s5], $0x1, s17, s23, $0xb8;
	[tilespmem:$0x15A00] =	vst v63  }
0x65: {  	_ = 	snop  }
0x66: {  	[tilespmem:s25], [sflag:$0x6] =	stream.indirect.gather [spmem:s6], $0x1, s17, s23, $0xb8;
	[tilespmem:$0x15A00] =	vst v63  }
0x67: {  	_ =	swait.ge [sflag:s31], $0xFA0  }
0x68: {  	[sflag:s31] =	ssyncset.done $0x0  }
0x69: {  	[sflag:s31] =	ssyncadd.s32 $0xFFFFF060  }
0x6a: {  	[spmem:s1] =	stream.indirect.scatter.add.f32 [tilespmem:s24], [sflag:$0xC], $0x1, s18, s23, $0xb8;
	[tilespmem:$0x15A00] =	vst v63  }
0x6b: {  	_ =	swait.ge [sflag:s14], $0xFA0  }
0x6c: {  	[sflag:s14] =	ssyncset.done $0x0  }
0x6d: {  	[sflag:s14] =	ssyncadd.s32 $0xFFFFF060  }
0x6e: {  	[tilespmem:s24], [sflag:$0x5] =	stream.indirect.gather [spmem:s7], $0x1, s17, s23, $0xb8;
	[tilespmem:$0x15A00] =	vst v63  }
0x6f: {  	_ =	swait.ge [sflag:s15], $0xFA0  }
0x70: {  	[sflag:s15] =	ssyncset.done $0x0  }
0x71: {  	[sflag:s15] =	ssyncadd.s32 $0xFFFFF060  }
0x72: {  	[spmem:s2] =	stream.indirect.scatter.add.f32 [tilespmem:s25], [sflag:$0xC], $0x1, s18, s23, $0xb8;
	[tilespmem:$0x15A00] =	vst v63  }
0x73: {  	_ =	swait.ge [sflag:s14], $0xFA0  }
0x74: {  	[sflag:s14] =	ssyncset.done $0x0  }
0x75: {  	[sflag:s14] =	ssyncadd.s32 $0xFFFFF060  }
0x76: {  	_ =	swait.ge [sflag:s31], $0xFA0  }
0x77: {  	[sflag:s31] =	ssyncset.done $0x0  }
0x78: {  	[sflag:s31] =	ssyncadd.s32 $0xFFFFF060  }
0x79: {  	[spmem:s3] =	stream.indirect.scatter.add.f32 [tilespmem:s24], [sflag:$0xC], $0x1, s18, s23, $0xb8;
	[tilespmem:$0x15A00] =	vst v63  }
0x7a: {  	_ =	swait.ge [sflag:s14], $0xFA0  }
0x7b: {  	p0 =	por $0x0, $0x0;
	s11 =	rddreg [dreg:$0x19]  }
0x7c: {  	s4 =	simm.s32 @!p0 $0x0;
	[sflag:s14] =	ssyncset.done $0x0;
	s0 =	sshrl.u32 @!p0 s11, $0x3  }
0x7d: {  	s26 =	simm.s32 @!p0 $0x9600;
	[sflag:s14] =	ssyncadd.s32 $0xFFFFF060;
	s30 =	sadd.s32 @!p0 s9, s0  }
0x7e: {  	[tilespmem:s26], [sflag:$0x1] =	stream.linear.gather @!p0 [hbm4b:s30+s4], $0xFA0, $0x38;
	[tilespmem:$0x15A00] =	vst v63  }
0x7f: {  	s0 =	sadd.s32 @!p0 s10, s0;
	s26 =	simm.s32 @!p0 $0xB600  }
0x80: {  	[tilespmem:s26], [sflag:$0x3] =	stream.linear.gather @!p0 [hbm4b:s0+s4], $0xFA0, $0x38;
	[tilespmem:$0x15A00] =	vst v63  }
0x81: {  	_ =	swait.ge [sflag:s16], $0xFA0  }
0x82: {  	[sflag:s16] =	ssyncset.done $0x0  }
0x83: {  	[sflag:s16] =	ssyncadd.s32 $0xFFFFF060  }
0x84: {  	_ =	swait.ge [sflag:s28], $0xFA0  }
0x85: {  	[sflag:s28] =	ssyncset.done $0x0  }
0x86: {  	[sflag:s28] =	ssyncadd.s32 $0xFFFFF060  }
0x87: {  	[tilespmem:s24], [sflag:$0x5] =	stream.indirect.gather [spmem:s5], $0x1, s19, s23, $0xb8;
	[tilespmem:$0x15A00] =	vst v63  }
0x88: {  	_ = 	snop  }
0x89: {  	[tilespmem:s25], [sflag:$0x6] =	stream.indirect.gather [spmem:s6], $0x1, s19, s23, $0xb8;
	[tilespmem:$0x15A00] =	vst v63  }
0x8a: {  	_ =	swait.ge [sflag:s31], $0xFA0  }
0x8b: {  	[sflag:s31] =	ssyncset.done $0x0  }
0x8c: {  	[sflag:s31] =	ssyncadd.s32 $0xFFFFF060  }
0x8d: {  	[spmem:s1] =	stream.indirect.scatter.add.f32 [tilespmem:s24], [sflag:$0xC], $0x1, s20, s23, $0xb8;
	[tilespmem:$0x15A00] =	vst v63  }
0x8e: {  	_ =	swait.ge [sflag:s14], $0xFA0  }
0x8f: {  	[sflag:s14] =	ssyncset.done $0x0  }
0x90: {  	[sflag:s14] =	ssyncadd.s32 $0xFFFFF060  }
0x91: {  	[tilespmem:s24], [sflag:$0x5] =	stream.indirect.gather [spmem:s7], $0x1, s19, s23, $0xb8;
	[tilespmem:$0x15A00] =	vst v63  }
0x92: {  	_ =	swait.ge [sflag:s15], $0xFA0  }
0x93: {  	[sflag:s15] =	ssyncset.done $0x0  }
0x94: {  	[sflag:s15] =	ssyncadd.s32 $0xFFFFF060  }
0x95: {  	[spmem:s2] =	stream.indirect.scatter.add.f32 [tilespmem:s25], [sflag:$0xC], $0x1, s20, s23, $0xb8;
	[tilespmem:$0x15A00] =	vst v63  }
0x96: {  	_ =	swait.ge [sflag:s14], $0xFA0  }
0x97: {  	[sflag:s14] =	ssyncset.done $0x0  }
0x98: {  	[sflag:s14] =	ssyncadd.s32 $0xFFFFF060  }
0x99: {  	_ =	swait.ge [sflag:s31], $0xFA0  }
0x9a: {  	[sflag:s31] =	ssyncset.done $0x0  }
0x9b: {  	[sflag:s31] =	ssyncadd.s32 $0xFFFFF060  }
0x9c: {  	[spmem:s3] =	stream.indirect.scatter.add.f32 [tilespmem:s24], [sflag:$0xC], $0x1, s20, s23, $0xb8;
	[tilespmem:$0x15A00] =	vst v63  }
0x9d: {  	s30 =	simm.s32 $0x3E8;
	s26 =	smov.u32 s11;
	_ =	swait.ge [sflag:s14], $0xFA0  }
.LBB2_4:
0x9e: {  	s4 =	rddreg [dreg:$0x9];
	s0 =	smov.u32 s30;
	[sflag:s14] =	ssyncset.done $0x0  }
0x9f: {  	s11 =	rddreg [dreg:$0x8];
	s4 =	sadd.s32 s0, s4;
	[sflag:s14] =	ssyncadd.s32 $0xFFFFF060  }
0xa0: {  	[tilespmem:s19], [sflag:$0x2] =	stream.linear.gather [hbm4b:s4+s8], $0xFA0, $0x38;
	[tilespmem:$0x15A00] =	vst v63  }
0xa1: {  	s12 =	sadd.s32 s0, s11  }
0xa2: {  	[tilespmem:s20], [sflag:$0x4] =	stream.linear.gather [hbm4b:s12+s8], $0xFA0, $0x38;
	[tilespmem:$0x15A00] =	vst v63  }
0xa3: {  	_ =	swait.ge [sflag:s21], $0xFA0  }
0xa4: {  	[sflag:s21] =	ssyncset.done $0x0  }
0xa5: {  	[sflag:s21] =	ssyncadd.s32 $0xFFFFF060  }
0xa6: {  	_ =	swait.ge [sflag:s22], $0xFA0  }
0xa7: {  	[sflag:s22] =	ssyncset.done $0x0  }
0xa8: {  	[sflag:s22] =	ssyncadd.s32 $0xFFFFF060  }
0xa9: {  	[tilespmem:s24], [sflag:$0x5] =	stream.indirect.gather [spmem:s5], $0x1, s17, s23, $0xb8;
	[tilespmem:$0x15A00] =	vst v63  }
0xaa: {  	_ = 	snop  }
0xab: {  	[tilespmem:s25], [sflag:$0x6] =	stream.indirect.gather [spmem:s6], $0x1, s17, s23, $0xb8;
	[tilespmem:$0x15A00] =	vst v63  }
0xac: {  	_ =	swait.ge [sflag:s31], $0xFA0  }
0xad: {  	[sflag:s31] =	ssyncset.done $0x0  }
0xae: {  	[sflag:s31] =	ssyncadd.s32 $0xFFFFF060  }
0xaf: {  	[spmem:s1] =	stream.indirect.scatter.add.f32 [tilespmem:s24], [sflag:$0xC], $0x1, s18, s23, $0xb8;
	[tilespmem:$0x15A00] =	vst v63  }
0xb0: {  	_ =	swait.ge [sflag:s14], $0xFA0  }
0xb1: {  	[sflag:s14] =	ssyncset.done $0x0  }
0xb2: {  	[sflag:s14] =	ssyncadd.s32 $0xFFFFF060  }
0xb3: {  	[tilespmem:s24], [sflag:$0x5] =	stream.indirect.gather [spmem:s7], $0x1, s17, s23, $0xb8;
	[tilespmem:$0x15A00] =	vst v63  }
0xb4: {  	_ =	swait.ge [sflag:s15], $0xFA0  }
0xb5: {  	[sflag:s15] =	ssyncset.done $0x0  }
0xb6: {  	[sflag:s15] =	ssyncadd.s32 $0xFFFFF060  }
0xb7: {  	[spmem:s2] =	stream.indirect.scatter.add.f32 [tilespmem:s25], [sflag:$0xC], $0x1, s18, s23, $0xb8;
	[tilespmem:$0x15A00] =	vst v63  }
0xb8: {  	_ =	swait.ge [sflag:s14], $0xFA0  }
0xb9: {  	[sflag:s14] =	ssyncset.done $0x0  }
0xba: {  	[sflag:s14] =	ssyncadd.s32 $0xFFFFF060  }
0xbb: {  	_ =	swait.ge [sflag:s31], $0xFA0  }
0xbc: {  	[sflag:s31] =	ssyncset.done $0x0  }
0xbd: {  	[sflag:s31] =	ssyncadd.s32 $0xFFFFF060  }
0xbe: {  	[spmem:s3] =	stream.indirect.scatter.add.f32 [tilespmem:s24], [sflag:$0xC], $0x1, s18, s23, $0xb8;
	[tilespmem:$0x15A00] =	vst v63  }
0xbf: {  	s26 =	sadd.s32 $0x1F40, s26;
	p1 =	seq.s32 s0, $0x5DC0;
	_ =	swait.ge [sflag:s14], $0xFA0  }
0xc0: {  	s0 =	sshrl.u32 @!p1 s26, $0x3;
	s4 =	simm.s32 @!p1 $0x9600;
	[sflag:s14] =	ssyncset.done $0x0  }
0xc1: {  	s11 =	sadd.s32 @!p1 s9, s0;
	s12 =	simm.s32 @!p1 $0x0;
	[sflag:s14] =	ssyncadd.s32 $0xFFFFF060  }
0xc2: {  	[tilespmem:s4], [sflag:$0x1] =	stream.linear.gather @!p1 [hbm4b:s11+s12], $0xFA0, $0x38;
	[tilespmem:$0x15A00] =	vst v63  }
0xc3: {  	s0 =	sadd.s32 @!p1 s10, s0;
	s4 =	simm.s32 @!p1 $0xB600  }
0xc4: {  	[tilespmem:s4], [sflag:$0x3] =	stream.linear.gather @!p1 [hbm4b:s0+s12], $0xFA0, $0x38;
	[tilespmem:$0x15A00] =	vst v63  }
0xc5: {  	_ =	swait.ge [sflag:s16], $0xFA0  }
0xc6: {  	[sflag:s16] =	ssyncset.done $0x0  }
0xc7: {  	[sflag:s16] =	ssyncadd.s32 $0xFFFFF060  }
0xc8: {  	_ =	swait.ge [sflag:s28], $0xFA0  }
0xc9: {  	[sflag:s28] =	ssyncset.done $0x0  }
0xca: {  	[sflag:s28] =	ssyncadd.s32 $0xFFFFF060  }
0xcb: {  	[tilespmem:s24], [sflag:$0x5] =	stream.indirect.gather [spmem:s5], $0x1, s19, s23, $0xb8;
	[tilespmem:$0x15A00] =	vst v63  }
0xcc: {  	_ = 	snop  }
0xcd: {  	[tilespmem:s25], [sflag:$0x6] =	stream.indirect.gather [spmem:s6], $0x1, s19, s23, $0xb8;
	[tilespmem:$0x15A00] =	vst v63  }
0xce: {  	_ =	swait.ge [sflag:s31], $0xFA0  }
0xcf: {  	[sflag:s31] =	ssyncset.done $0x0  }
0xd0: {  	[sflag:s31] =	ssyncadd.s32 $0xFFFFF060  }
0xd1: {  	[spmem:s1] =	stream.indirect.scatter.add.f32 [tilespmem:s24], [sflag:$0xC], $0x1, s20, s23, $0xb8;
	[tilespmem:$0x15A00] =	vst v63  }
0xd2: {  	_ =	swait.ge [sflag:s14], $0xFA0  }
0xd3: {  	[sflag:s14] =	ssyncset.done $0x0  }
0xd4: {  	[sflag:s14] =	ssyncadd.s32 $0xFFFFF060  }
0xd5: {  	[tilespmem:s24], [sflag:$0x5] =	stream.indirect.gather [spmem:s7], $0x1, s19, s23, $0xb8;
	[tilespmem:$0x15A00] =	vst v63  }
0xd6: {  	_ =	swait.ge [sflag:s15], $0xFA0  }
0xd7: {  	[sflag:s15] =	ssyncset.done $0x0  }
0xd8: {  	[sflag:s15] =	ssyncadd.s32 $0xFFFFF060  }
0xd9: {  	[spmem:s2] =	stream.indirect.scatter.add.f32 [tilespmem:s25], [sflag:$0xC], $0x1, s20, s23, $0xb8;
	[tilespmem:$0x15A00] =	vst v63  }
0xda: {  	_ =	swait.ge [sflag:s14], $0xFA0  }
0xdb: {  	s30 =	sadd.s32 $0x3E8, s30;
	[sflag:s14] =	ssyncset.done $0x0  }
0xdc: {  	p0 =	sne.s32 s30, $0x61A8;
	[sflag:s14] =	ssyncadd.s32 $0xFFFFF060  }
.Ltmp1:
0xdd: {  	_ =	swait.ge [sflag:s31], $0xFA0;
	(pc) =	sbr.rel @p0 .LBB2_4-.Ltmp1, $4  }
0xde: {  	[sflag:s31] =	ssyncset.done $0x0  }
0xdf: {  	[sflag:s31] =	ssyncadd.s32 $0xFFFFF060  }
0xe0: {  	[spmem:s3] =	stream.indirect.scatter.add.f32 [tilespmem:s24], [sflag:$0xC], $0x1, s20, s23, $0xb8;
	[tilespmem:$0x15A00] =	vst v63  }
0xe1: {  	_ =	swait.ge [sflag:s14], $0xFA0  }
0xe2: {  	[sflag:s14] =	ssyncset.done $0x0  }
0xe3: {  	[sflag:s14] =	ssyncadd.s32 $0xFFFFF060  }
0xe4: {  	[bflag:$0x0] =	sbarrier.arrive $0xFFFF  }
0xe5: {  	s4 =	simm.s32 $0xF600;
	s30 =	rddreg [dreg:$0xd]  }
0xe6: {  	[tilespmem:s4], [sflag:$0x7] =	stream.linear.gather [spmem:s30], $0x1900, $0x38;
	[tilespmem:$0x15A00] =	vst v63  }
0xe7: {  	s11 =	simm.s32 $0x10F00;
	s0 =	rddreg [dreg:$0xe]  }
0xe8: {  	[tilespmem:s11], [sflag:$0x8] =	stream.linear.gather [spmem:s0], $0x1900, $0x38;
	[tilespmem:$0x15A00] =	vst v63  }
0xe9: {  	s12 =	simm.s32 $0x12800;
	s26 =	rddreg [dreg:$0xf]  }
0xea: {  	[tilespmem:s12], [sflag:$0x9] =	stream.linear.gather [spmem:s26], $0x1900, $0x38;
	[tilespmem:$0x15A00] =	vst v63  }
0xeb: {  	s26 =	simm.s32 $0x7  }
0xec: {  	_ =	swait.ge [sflag:s26], $0x1900  }
0xed: {  	[sflag:s26] =	ssyncset.done $0x0  }
0xee: {  	[sflag:s26] =	ssyncadd.s32 $0xFFFFE700;
	s26 =	rddreg [dreg:$0x15]  }
0xef: {  	[hbm4b:s26+s8] =	stream.linear.scatter [tilespmem:s4], [sflag:$0xA], $0x1900, $0x38;
	[tilespmem:$0x15A00] =	vst v63  }
0xf0: {  	s26 =	simm.s32 $0x8  }
0xf1: {  	_ =	swait.ge [sflag:s26], $0x1900  }
0xf2: {  	[sflag:s26] =	ssyncset.done $0x0  }
0xf3: {  	[sflag:s26] =	ssyncadd.s32 $0xFFFFE700;
	s26 =	rddreg [dreg:$0x16]  }
0xf4: {  	[hbm4b:s26+s8] =	stream.linear.scatter [tilespmem:s11], [sflag:$0xA], $0x1900, $0x38;
	[tilespmem:$0x15A00] =	vst v63  }
0xf5: {  	s26 =	simm.s32 $0x9  }
0xf6: {  	_ =	swait.ge [sflag:s26], $0x1900  }
0xf7: {  	[sflag:s26] =	ssyncset.done $0x0  }
0xf8: {  	[sflag:s26] =	ssyncadd.s32 $0xFFFFE700;
	s26 =	rddreg [dreg:$0x17]  }
0xf9: {  	[hbm4b:s26+s8] =	stream.linear.scatter [tilespmem:s12], [sflag:$0xA], $0x1900, $0x38;
	[tilespmem:$0x15A00] =	vst v63  }
0xfa: {  	_ =	swait.ge [sflag:s13], $0x1900  }
0xfb: {  	[sflag:s13] =	ssyncset.done $0x0  }
0xfc: {  	[sflag:s13] =	ssyncadd.s32 $0xFFFFE700  }
0xfd: {  	_ =	swait.ge [sflag:s13], $0x1900  }
0xfe: {  	[sflag:s13] =	ssyncset.done $0x0  }
0xff: {  	[sflag:s13] =	ssyncadd.s32 $0xFFFFE700  }
0x100: {  	_ =	swait.ge [sflag:s13], $0x1900  }
0x101: {  	s29 =	sadd.s32 $0x1, s29;
	s26 =	rddreg [dreg:$0x18]  }
0x102: {  	p0 =	sne.s32 s29, s26  }
.Ltmp2:
0x103: {  	_ = 	snop;
	(pc) =	sbr.rel @p0 .LBB2_1-.Ltmp2, $3  }
0x104: {  	_ =	sdelay $0x1  }
0x105: {  	[sflag:s13] =	ssyncset.done $0x0  }
0x106: {  	[sflag:s13] =	ssyncadd.s32 $0xFFFFE700  }
0x107: {  	_ =	sfence.sel $0x180000  }
0x108: {  	[bflag:$0x0] =	sbarrier.arrive $0xFFFF  }
0x109: {  	_ =	strace $0x9000004D  }
0x10a: {  	s0 =	stileid.u32;
	[bflag:$0x2] =	sbarrier.arrive $0xFFFF  }
0x10b: {  	p0 =	sne.s32 s0, $0x0;
	s0 =	rddreg [dreg:$0x7]  }
0x10c: {  	s0 =	sadd.s32 @!p0 $0x100000, s0  }
0x10d: {  	[sflag:s0] =	ssyncadd.tile.s32 @!p0 $0x1;
	_ =	shalt  }
.Lfunc_end2:
_tile_overlayer_lowered:
.L_overlay_start_2:
0x10e: {  	(tag) =	ssettag $0x2  }
0x10f: {  	s0 =	rddreg [dreg:$0x0];
	s2 =	stileid.u32  }
0x110: {  	s1 =	rddreg [dreg:$0x1];
	p0 =	sne.s32 s2, $0x0  }
0x111: {  	s3 =	rddreg [dreg:$0x2];
	[bflag:$0x3] =	sbarrier.arrive $0xFFFF;
	s2 =	simm.s32 @!p0 $0x1C0C  }
0x112: {  	[timem:s3], [sflag:s2] =	dma.local @!p0 [hbm:s0], s1  }
0x113: {  	s0 =	simm.s32 @!p0 $0xC  }
0x114: {  	_ =	swait.ge @!p0 [sflag:s0], s1  }
0x115: {  	s1 =	ssub.s32 @!p0 $0x0, s1;
	[sflag:s0] =	ssyncset.done @!p0 $0x0  }
0x116: {  	[sflag:s0] =	ssyncadd.s32 @!p0 s1  }
0x117: {  	[bflag:$0x3] =	sbarrier.arrive $0xFFFF  }
0x118: {  	_ =	shalt  }

// kernel: kernel.17.cloned.1.call-start
scs
__scs_entry_jumppad:
0x0: {  	(pc) =	sbr.rel $0x88, $3  }
0x1: {  	(tag) =	ssettag $0x0;
	lr =	simm.s32 $0x1  }
0x2: {  	[smem:$0x3F92] =	sst lr;
	_ =	strace $0xD0000000  }
0x3: {  	_ = 	snop  }
0x4: {  	_ = 	snop  }
0x5: {  	_ = 	snop  }
0x6: {  	_ = 	snop  }
0x7: {  	_ = 	snop  }
__scs_overlays_trampoline_lowered:
0x8: {  	[smem:$0x3FA1] =	sst s0  }
0x9: {  	[smem:$0x3FA2] =	sst s1  }
0xa: {  	[smem:$0x3FA3] =	sst s2  }
0xb: {  	[smem:$0x3FA4] =	sst s3  }
0xc: {  	[smem:$0x3FA5] =	sst s4  }
0xd: {  	[smem:$0x3FA6] =	sst s5  }
0xe: {  	[smem:$0x3FA7] =	sst s6  }
0xf: {  	[smem:$0x3FA8] =	sst s7  }
0x10: {  	[smem:$0x3FA9] =	sst s8  }
0x11: {  	[smem:$0x3FAA] =	sst s9;
	s0 =	simm.s32 @!p0 $0x0  }
0x12: {  	s1 =	sld [smem:$0x3F90];
	s0 =	simm.s32 @p0 $0x1  }
0x13: {  	[smem:$0x3FAB] =	sst s0;
	s0 =	simm.s32 @!p1 $0x0  }
0x14: {  	s2 =	sld [smem:$0x3F8F];
	s0 =	simm.s32 @p1 $0x1  }
0x15: {  	[smem:$0x3FAC] =	sst s0;
	s0 =	simm.s32 @!p2 $0x0  }
0x16: {  	s3 =	sld [smem:$0x3FDB];
	s0 =	simm.s32 @p2 $0x1  }
0x17: {  	s4 =	simm.s32 $0x1BF5;
	[smem:$0x3FAE] =	sst s0  }
0x18: {  	s0 =	sld [smem:$0x3F91];
	_ =	swait.ge [sflag:s4], $0x0  }
0x19: {  	s7 =	sld [smem:$0x3F92]  }
0x1a: {  	s8 =	sadd.s32 $0xFFFFE003, lr  }
0x1b: {  	s9 =	sadd.s32 $0xFFFFFEF7, lr;
	s5 =	simm.s32 $0xFFFFFFFF;
	p2 =	slt.u32 s8, $0xFFFFF086  }
0x1c: {  	p1 =	slt.u32 s9, $0xF7A;
	s5 =	simm.s32 @!p2 $0x0  }
0x1d: {  	s5 =	simm.s32 @p1 $0x1;
	p0 =	seq.s32 s7, s2  }
0x1e: {  	s7 =	smul.u32 @!p0 $0xF7A, s2;
	p2 =	seq.s32 @!p0 s5, $0x0  }
0x1f: {  	s9 =	smul.u32 $0xF7A, s1;
	s8 =	simm.s32 @!p0 $0x1BF5;
	p2 =	por !p2, p0  }
0x20: {  	[sflag:s8] =	ssyncset.s32 @!p0 $0xFFFFF086;
	s6 =	sadd.s32 @!p0 s3, s7;
	s7 =	simm.s32 @!p0 $0x108  }
0x21: {  	s3 =	sadd.s32 s3, s9;
	s6 =	sadd.s32 @!p0 $0x88, s6;
	s7 =	simm.s32 @p2 $0x1082  }
0x22: {  	[simem:s7], [sflag:s8] =	dma.local @!p0 [hbm:s6], $0xF7A  }
0x23: {  	s9 =	sor.u32 $0xD0000000, s2;
	s6 =	simm.s32 $0x108;
	_ =	swait.ge @!p0 [sflag:s8], $0x0  }
0x24: {  	s3 =	sadd.s32 $0x88, s3;
	s6 =	simm.s32 @!p1 $0x1082;
	[sflag:s4] =	ssyncset.s32 $0xFFFFF086  }
0x25: {  	[simem:s6], [sflag:s4] =	dma.local [hbm:s3], $0xF7A  }
0x26: {  	[smem:$0x3F92] =	sst s1;
	(tag) =	ssettag s2;
	_ =	strace s9  }
0x27: {  	s1 =	sld [smem:$0x3FA2]  }
0x28: {  	s2 =	sld [smem:$0x3FA3]  }
0x29: {  	s4 =	sld [smem:$0x3FA5]  }
0x2a: {  	p0 =	seq.s32 s5, $0x0;
	s5 =	sld [smem:$0x3FA6]  }
0x2b: {  	s6 =	sld [smem:$0x3FA7]  }
0x2c: {  	s7 =	sld [smem:$0x3FA8]  }
0x2d: {  	s3 =	simm.s32 $0x108;
	s8 =	sld [smem:$0x3FA9]  }
0x2e: {  	s3 =	simm.s32 @!p0 $0x1082;
	s9 =	sld [smem:$0x3FAA]  }
0x2f: {  	lr =	sadd.s32 s0, s3;
	s0 =	sld [smem:$0x3FA1]  }
0x30: {  	s3 =	sld [smem:$0x3FA4]  }
0x31: {  	[smem:$0x3FAD] =	sst s10  }
0x32: {  	s10 =	sld [smem:$0x3FAB];
	_ =	sdelay $0x3  }
0x33: {  	p0 =	seq.s32 s10, $0x1;
	s10 =	sld [smem:$0x3FAD];
	_ =	sdelay $0x3  }
0x34: {  	[smem:$0x3FAD] =	sst s10  }
0x35: {  	s10 =	sld [smem:$0x3FAC];
	_ =	sdelay $0x3  }
0x36: {  	p1 =	seq.s32 s10, $0x1;
	s10 =	sld [smem:$0x3FAD];
	_ =	sdelay $0x3  }
0x37: {  	[smem:$0x3FAD] =	sst s10  }
0x38: {  	s10 =	sld [smem:$0x3FAE]  }
0x39: {  	_ = 	snop;
	(pc) =	sbr.ind lr, $3  }
0x3a: {  	_ = 	snop  }
0x3b: {  	_ = 	snop  }
0x3c: {  	p2 =	seq.s32 s10, $0x1;
	s10 =	sld [smem:$0x3FAD]  }
0x3d: {  	_ =	shalt  }
0x3e: {  	_ =	shalt  }
0x3f: {  	_ =	shalt  }
0x40: {  	_ =	shalt  }
0x41: {  	_ =	shalt  }
0x42: {  	_ =	shalt  }
0x43: {  	_ =	shalt  }
0x44: {  	_ =	shalt  }
0x45: {  	_ =	shalt  }
0x46: {  	_ =	shalt  }
0x47: {  	_ =	shalt  }
0x48: {  	_ =	shalt  }
0x49: {  	_ =	shalt  }
0x4a: {  	_ =	shalt  }
0x4b: {  	_ =	shalt  }
0x4c: {  	_ =	shalt  }
0x4d: {  	_ =	shalt  }
0x4e: {  	_ =	shalt  }
0x4f: {  	_ =	shalt  }
0x50: {  	_ =	shalt  }
0x51: {  	_ =	shalt  }
0x52: {  	_ =	shalt  }
0x53: {  	_ =	shalt  }
0x54: {  	_ =	shalt  }
0x55: {  	_ =	shalt  }
0x56: {  	_ =	shalt  }
0x57: {  	_ =	shalt  }
0x58: {  	_ =	shalt  }
0x59: {  	_ =	shalt  }
0x5a: {  	_ =	shalt  }
0x5b: {  	_ =	shalt  }
0x5c: {  	_ =	shalt  }
0x5d: {  	_ =	shalt  }
0x5e: {  	_ =	shalt  }
0x5f: {  	_ =	shalt  }
0x60: {  	_ =	shalt  }
0x61: {  	_ =	shalt  }
0x62: {  	_ =	shalt  }
0x63: {  	_ =	shalt  }
0x64: {  	_ =	shalt  }
0x65: {  	_ =	shalt  }
0x66: {  	_ =	shalt  }
0x67: {  	_ =	shalt  }
0x68: {  	_ =	shalt  }
0x69: {  	_ =	shalt  }
0x6a: {  	_ =	shalt  }
0x6b: {  	_ =	shalt  }
0x6c: {  	_ =	shalt  }
0x6d: {  	_ =	shalt  }
0x6e: {  	_ =	shalt  }
0x6f: {  	_ =	shalt  }
0x70: {  	_ =	shalt  }
0x71: {  	_ =	shalt  }
0x72: {  	_ =	shalt  }
0x73: {  	_ =	shalt  }
0x74: {  	_ =	shalt  }
0x75: {  	_ =	shalt  }
0x76: {  	_ =	shalt  }
0x77: {  	_ =	shalt  }
0x78: {  	_ =	shalt  }
0x79: {  	_ =	shalt  }
0x7a: {  	_ =	shalt  }
0x7b: {  	_ =	shalt  }
0x7c: {  	_ =	shalt  }
0x7d: {  	_ =	shalt  }
0x7e: {  	_ =	shalt  }
0x7f: {  	_ =	shalt  }
0x80: {  	_ =	shalt  }
0x81: {  	_ =	shalt  }
0x82: {  	_ =	shalt  }
0x83: {  	_ =	shalt  }
0x84: {  	_ =	shalt  }
0x85: {  	_ =	shalt  }
0x86: {  	_ =	shalt  }
0x87: {  	_ =	shalt  }
.Lfunc_end0:
.L_simem_size_0:
called_computation.3_lowered:
.L_overlay_start_0:
0x88: {  	s2 =	sld [smem:$0x3FD9]  }
0x89: {  	s3 =	sld [smem:$0x3FFE];
	_ =	sdelay $0x1  }
0x8a: {  	s1 =	srdreg.scid  }
0x8b: {  	s0 =	sand.u32 $0x1, s1  }
0x8c: {  	s16 =	sshll.u32 s0, $0xA;
	s2 =	sadd.s32 s3, s2  }
0x8d: {  	s2 =	sadd.s32 s2, s16  }
0x8e: {  	[smem:$0x3FB9] =	sst s2  }
0x8f: {  	_ = 	snop  }
0x90: {  	(tm) =	ssettm $0x1  }
0x91: {  	s17 =	sld [smem:$0x3FFB];
	_ =	sdelay $0x3  }
0x92: {  	_ =	strace s17  }
0x93: {  	s2 =	sld [smem:$0x3FFC];
	_ =	sdelay $0x3  }
0x94: {  	_ =	strace s2  }
0x95: {  	s2 =	sld [smem:$0x3FFD];
	_ =	sdelay $0x3  }
0x96: {  	_ =	strace s2  }
0x97: {  	_ =	strace $0x8FFFFFFF  }
0x98: {  	s18 =	sld [smem:$0x3FDB];
	_ =	sdelay $0x1  }
0x99: {  	s19 =	simm.s32 $_scs_section_size  }
0x9a: {  	s4 =	simm.s32 $_size__tile_overlayer_lowered;
	s5 =	simm.s32 $_tile_overlayer_lowered  }
0x9b: {  	s22 =	simm.s32 $0x1BFF;
	s21 =	sshll.u32 s5, $0x1;
	s2 =	sadd.s32 s19, s18  }
0x9c: {  	s6 =	simm.s32 $0x0;
	s20 =	sshll.u32 s4, $0x1;
	s4 =	sadd.s32 s21, s2  }
0x9d: {  	[timem:s6], [sflag:s22] =	dma.local [hbm:s4], s20  }
0x9e: {  	_ =	swait.ge [sflag:s22], s20  }
0x9f: {  	s3 =	ssub.s32 $0x0, s20;
	[sflag:s22] =	ssyncset.done $0x0  }
0xa0: {  	[sflag:s22] =	ssyncadd.s32 s3;
	_ =	sdelay $0x1  }
0xa1: {  	s23 =	simm.s32 $0x1B8B  }
0xa2: {  	_ =	swait.ge [sflag:s23], $0x1  }
0xa3: {  	[sflag:s23] =	ssyncset.done $0x0  }
0xa4: {  	s25 =	simm.s32 $0x1B8E;
	s24 =	sld [smem:$0x3FFE];
	[sflag:s23] =	ssyncadd.s32 $0xFFFFFFFF  }
0xa5: {  	s26 =	simm.s32 $execute0_lowered;
	[smem:$0x3FD2] =	sst s25  }
0xa6: {  	s4 =	sshll.u32 s26, $0x1;
	_ =	strace $0x8000004F;
	[dreg:$0x1] =	wrdreg $0xFFFFFFFF  }
0xa7: {  	s28 =	simm.s32 $_size_execute0_lowered;
	s2 =	sadd.s32 s2, s4;
	[dreg:$0x0] =	wrdreg $0x0  }
0xa8: {  	s4 =	sshll.u32 s28, $0x1;
	[dreg:$0x2] =	wrdreg s2  }
0xa9: {  	[dreg:$0x3] =	wrdreg s4  }
0xaa: {  	[dreg:$0x4] =	wrdreg $0xC0  }
0xab: {  	_ =	task [dreg:s6], $0x5FFFF  }
0xac: {  	[dreg:$0x1] =	wrdreg $0xFFFFFFFF  }
0xad: {  	[dreg:$0x0] =	wrdreg $0x60  }
0xae: {  	[dreg:$0x2] =	wrdreg s24  }
0xaf: {  	[dreg:$0x3] =	wrdreg $0x4B000  }
0xb0: {  	[dreg:$0x4] =	wrdreg $0x64000  }
0xb1: {  	[dreg:$0x5] =	wrdreg $0x7D000  }
0xb2: {  	[dreg:$0x6] =	wrdreg $0x0  }
0xb3: {  	[dreg:$0x7] =	wrdreg $0x19000  }
0xb4: {  	[dreg:$0x8] =	wrdreg $0x32000  }
0xb5: {  	[dreg:$0x9] =	wrdreg $0x9  }
0xb6: {  	_ =	task.clear_ibuf [dreg:s6], $0xAFFFF;
	_ =	strace $0x9000004F  }
0xb7: {  	s29 =	simm.s32 $0x9;
	_ =	strace $0x80000051  }
0xb8: {  	_ =	swait.ge [sflag:s29], $0x1  }
0xb9: {  	[sflag:s29] =	ssyncadd.s32 $0xFFFFFFFF  }
0xba: {  	_ =	strace $0x90000051  }
0xbb: {  	_ =	sfence  }
0xbc: {  	s30 =	sld [smem:$0x0];
	_ =	sdelay $0x2  }
0xbd: {  	s31 =	sshll.u32 s1, $0xD;
	s1 =	sshrl.u32 s1, $0x2  }
0xbe: {  	s3 =	sand.u32 $0x4000, s31;
	s1 =	sadd.s32 s1, s30  }
0xbf: {  	s0 =	sor.u32 s3, s0;
	s1 =	sshll.u32 s1, $0x11  }
0xc0: {  	s0 =	sor.u32 s1, s0  }
0xc1: {  	s0 =	sadd.s32 $0x8F2B, s0  }
0xc2: {  	[sflag:s0] =	ssyncadd.remote.s32 $0x1  }
0xc3: {  	_ =	sfence.sel $0xFFFF  }
0xc4: {  	[dreg:$0x0] =	wrdreg $0xFFFFFFFF;
	(pc) =	sbr.abs _section_cstart, $3  }
0xc5: {  	[dreg:$0x1] =	wrdreg $0xFFFFFFFF  }
0xc6: {  	_ =	task.clear_ibuf [dreg:s6], $0x2FFFF;
	_ =	strace $0x9FFFFFFF  }
0xc7: {  	(tm) =	ssettm $0x7FFFFFFF  }
tec
execute0_lowered:
.L_overlay_start_1:
0x0: {  	(tag) =	ssettag $0x1  }
0x1: {  	s0 =	rddreg [dreg:$0x0]  }
0x2: {  	s1 =	rddreg [dreg:$0x1]  }
0x3: {  	s2 =	rddreg [dreg:$0x2]  }
0x4: {  	s3 =	rddreg [dreg:$0x3]  }
0x5: {  	s5 =	rddreg [dreg:$0x4]  }
0x6: {  	s6 =	rddreg [dreg:$0x5]  }
0x7: {  	s7 =	rddreg [dreg:$0x6];
	s17 =	stileid.u32  }
0x8: {  	s4 =	srdreg.scid;
	s8 =	simm.s32 $0x0;
	s31 =	simm.s32 $0x5  }
0x9: {  	s28 =	simm.s32 $0x4;
	s29 =	simm.s32 $0x0;
	s11 =	smul.u32 $0x1900, s17  }
0xa: {  	s4 =	sand.u32 $0x1, s4;
	[smem:$0x7FF] =	sst s8;
	s24 =	smul.u32 $0x30D40, s17  }
0xb: {  	s9 =	sadd.s32 $0xC6400, s0;
	s10 =	smul.u32 $0x4B000, s4;
	_ =	strace $0x80000050  }
0xc: {  	s23 =	ssub.s32 $0x2, s4;
	s14 =	smul.u32 $0x30D400, s4;
	s4 =	sshll.u32 s4, $0x4  }
0xd: {  	s12 =	sshrl.u32 s11, $0x3;
	s15 =	sshrl.u32 s23, $0x1;
	s30 =	sadd.s32 s11, s1  }
0xe: {  	s4 =	sor.u32 s17, s4;
	s17 =	sadd.s32 s11, s3;
	s18 =	sadd.s32 s11, s5  }
0xf: {  	s19 =	sadd.s32 s11, s6;
	s13 =	sadd.s32 s11, s10;
	[dreg:$0xf] =	wrdreg s17  }
0x10: {  	s10 =	sadd.s32 $0x2E00, s0;
	s12 =	sadd.s32 s12, s0;
	[dreg:$0x10] =	wrdreg s18  }
0x11: {  	s26 =	sadd.s32 s24, s14;
	s4 =	smul.u32 $0x30D40, s4;
	[dreg:$0x11] =	wrdreg s19  }
0x12: {  	s17 =	simm.s32 $0x9600;
	s18 =	simm.s32 $0xB600;
	s19 =	simm.s32 $0xA600  }
0x13: {  	[dreg:$0xd] =	wrdreg s30;
	s13 =	sshrl.u32 s13, $0x3;
	s16 =	sadd.s32 $0x189A00, s12  }
0x14: {  	s25 =	sadd.s32 $0x18CC00, s12;
	s12 =	sadd.s32 $0x18FE00, s12;
	[dreg:$0xa] =	wrdreg s16  }
0x15: {  	s0 =	sadd.s32 s13, s0;
	s13 =	ssub.s32 s23, s15;
	[dreg:$0xb] =	wrdreg s25  }
0x16: {  	[dreg:$0xc] =	wrdreg s12;
	s15 =	sadd.s32 s11, s2;
	s16 =	sadd.s32 $0xFA0, s26  }
0x17: {  	s11 =	sadd.s32 s11, s7;
	s4 =	sshrl.u32 s4, $0x3;
	[dreg:$0xe] =	wrdreg s15  }
0x18: {  	s26 =	sadd.s32 $0x1F40, s26;
	s12 =	simm.s32 $0x12800;
	[dreg:$0x12] =	wrdreg s11  }
0x19: {  	s14 =	sshrl.u32 s16, $0x3;
	s21 =	sadd.s32 s9, s4;
	[dreg:$0x19] =	wrdreg s26  }
0x1a: {  	s4 =	sadd.s32 s10, s4;
	s23 =	sadd.s32 $0x193000, s0;
	[dreg:$0x13] =	wrdreg s21  }
0x1b: {  	s24 =	sadd.s32 $0x196200, s0;
	s0 =	sadd.s32 $0x199400, s0;
	[dreg:$0x14] =	wrdreg s4  }
0x1c: {  	s25 =	smax.u32 s13, $0x1;
	s11 =	simm.s32 $0x10F00;
	[dreg:$0x15] =	wrdreg s23  }
0x1d: {  	s13 =	simm.s32 $0xA;
	s15 =	simm.s32 $0x6;
	[dreg:$0x16] =	wrdreg s24  }
0x1e: {  	s16 =	simm.s32 $0x2;
	s20 =	sadd.s32 s14, s10;
	[dreg:$0x17] =	wrdreg s0  }
0x1f: {  	s22 =	sadd.s32 s14, s9;
	[dreg:$0x18] =	wrdreg s25;
	s4 =	simm.s32 $0xF600  }
0x20: {  	s21 =	simm.s32 $0x1;
	s23 =	simm.s32 $0xFA0;
	s24 =	simm.s32 $0xD600  }
0x21: {  	s25 =	simm.s32 $0xE600;
	s14 =	simm.s32 $0xC;
	[dreg:$0x8] =	wrdreg s20  }
0x22: {  	v0 =	vimm.f32 $0.0e+00;
	[dreg:$0x9] =	wrdreg s22;
	s20 =	simm.s32 $0xC600;
	s22 =	simm.s32 $0x3  }
.LBB2_1:
0x23: {  	s0 =	rddreg [dreg:$0xa]  }
0x24: {  	[tilespmem:s4], [sflag:$0x7] =	stream.linear.gather [hbm4b:s0+s8], $0x1900, $0x38;
	[tilespmem:$0x15A00] =	vst v63  }
0x25: {  	s26 =	rddreg [dreg:$0xb]  }
0x26: {  	[tilespmem:s11], [sflag:$0x8] =	stream.linear.gather [hbm4b:s26+s8], $0x1900, $0x38;
	[tilespmem:$0x15A00] =	vst v63  }
0x27: {  	s26 =	rddreg [dreg:$0xc]  }
0x28: {  	[tilespmem:s12], [sflag:$0x9] =	stream.linear.gather [hbm4b:s26+s8], $0x1900, $0x38;
	[tilespmem:$0x15A00] =	vst v63  }
0x29: {  	s0 =	simm.s32 $0x40;
	s26 =	simm.s32 $0x0  }
.LBB2_2:
0x2a: {  	p0 =	sne.s32 s0, $0x63C0;
	[tilespmem:s26+$0x14100] =	vst v0;
	s26 =	smov.u32 s0;
	s0 =	sadd.s32 $0x40, s0  }
.Ltmp0:
0x2b: {  	(pc) =	sbr.rel @p0 .LBB2_2-.Ltmp0, $2  }
0x2c: {  	_ =	sdelay $0x2  }
0x2d: {  	s26 =	sshra.s32 s26, $0x2  }
0x2e: {  	[tilespmem:s26+$0x14100] =	vst v0;
	s26 =	simm.s32 $0x14100  }
0x2f: {  	[spmem:s30] =	stream.linear.scatter [tilespmem:s26], [sflag:$0xB], $0x1900, $0x38;
	[tilespmem:$0x15A00] =	vst v63  }
0x30: {  	s0 =	rddreg [dreg:$0xe]  }
0x31: {  	[spmem:s0] =	stream.linear.scatter [tilespmem:s26], [sflag:$0xB], $0x1900, $0x38;
	[tilespmem:$0x15A00] =	vst v63  }
0x32: {  	s0 =	rddreg [dreg:$0xf]  }
0x33: {  	[spmem:s0] =	stream.linear.scatter [tilespmem:s26], [sflag:$0xB], $0x1900, $0x38;
	[tilespmem:$0x15A00] =	vst v63  }
0x34: {  	s26 =	simm.s32 $0x7  }
0x35: {  	_ =	swait.ge [sflag:s26], $0x1900  }
0x36: {  	[sflag:s26] =	ssyncset.done $0x0  }
0x37: {  	[sflag:s26] =	ssyncadd.s32 $0xFFFFE700;
	s26 =	rddreg [dreg:$0x10]  }
0x38: {  	[spmem:s26] =	stream.linear.scatter [tilespmem:s4], [sflag:$0xA], $0x1900, $0x38;
	[tilespmem:$0x15A00] =	vst v63  }
0x39: {  	s26 =	simm.s32 $0x8  }
0x3a: {  	_ =	swait.ge [sflag:s26], $0x1900  }
0x3b: {  	[sflag:s26] =	ssyncset.done $0x0  }
0x3c: {  	s4 =	rddreg [dreg:$0x11];
	[sflag:s26] =	ssyncadd.s32 $0xFFFFE700;
	s26 =	simm.s32 $0x9  }
0x3d: {  	[spmem:s4] =	stream.linear.scatter [tilespmem:s11], [sflag:$0xA], $0x1900, $0x38;
	[tilespmem:$0x15A00] =	vst v63  }
0x3e: {  	_ =	swait.ge [sflag:s26], $0x1900  }
0x3f: {  	[sflag:s26] =	ssyncset.done $0x0  }
0x40: {  	s11 =	simm.s32 $0xB;
	s4 =	rddreg [dreg:$0x12];
	[sflag:s26] =	ssyncadd.s32 $0xFFFFE700  }
0x41: {  	[spmem:s4] =	stream.linear.scatter [tilespmem:s12], [sflag:$0xA], $0x1900, $0x38;
	[tilespmem:$0x15A00] =	vst v63  }
0x42: {  	_ =	swait.ge [sflag:s11], $0x1900  }
0x43: {  	[sflag:s11] =	ssyncset.done $0x0  }
0x44: {  	[sflag:s11] =	ssyncadd.s32 $0xFFFFE700  }
0x45: {  	_ =	swait.ge [sflag:s13], $0x1900  }
0x46: {  	[sflag:s13] =	ssyncset.done $0x0  }
0x47: {  	[sflag:s13] =	ssyncadd.s32 $0xFFFFE700  }
0x48: {  	_ =	swait.ge [sflag:s11], $0x1900  }
0x49: {  	[sflag:s11] =	ssyncset.done $0x0  }
0x4a: {  	[sflag:s11] =	ssyncadd.s32 $0xFFFFE700  }
0x4b: {  	_ =	swait.ge [sflag:s13], $0x1900  }
0x4c: {  	[sflag:s13] =	ssyncset.done $0x0  }
0x4d: {  	[sflag:s13] =	ssyncadd.s32 $0xFFFFE700  }
0x4e: {  	_ =	swait.ge [sflag:s11], $0x1900  }
0x4f: {  	[sflag:s11] =	ssyncset.done $0x0  }
0x50: {  	[sflag:s11] =	ssyncadd.s32 $0xFFFFE700  }
0x51: {  	_ =	swait.ge [sflag:s13], $0x1900  }
0x52: {  	[sflag:s13] =	ssyncset.done $0x0  }
0x53: {  	[sflag:s13] =	ssyncadd.s32 $0xFFFFE700  }
0x54: {  	[bflag:$0x0] =	sbarrier.arrive $0xFFFF  }
0x55: {  	s26 =	rddreg [dreg:$0x13]  }
0x56: {  	s12 =	simm.s32 $0x0;
	s11 =	rddreg [dreg:$0x14]  }
0x57: {  	[tilespmem:s17], [sflag:$0x1] =	stream.linear.gather [hbm4b:s26+s12], $0xFA0, $0x38;
	[tilespmem:$0x15A00] =	vst v63  }
0x58: {  	s26 =	rddreg [dreg:$0x9]  }
0x59: {  	[tilespmem:s18], [sflag:$0x3] =	stream.linear.gather [hbm4b:s11+s12], $0xFA0, $0x38;
	[tilespmem:$0x15A00] =	vst v63  }
0x5a: {  	s26 =	sadd.s32 $0x0, s26;
	s12 =	rddreg [dreg:$0x8]  }
0x5b: {  	[tilespmem:s19], [sflag:$0x2] =	stream.linear.gather [hbm4b:s26+s8], $0xFA0, $0x38;
	[tilespmem:$0x15A00] =	vst v63  }
0x5c: {  	s0 =	sadd.s32 $0x0, s12  }
0x5d: {  	[tilespmem:s20], [sflag:$0x4] =	stream.linear.gather [hbm4b:s0+s8], $0xFA0, $0x38;
	[tilespmem:$0x15A00] =	vst v63  }
0x5e: {  	_ =	swait.ge [sflag:s21], $0xFA0  }
0x5f: {  	[sflag:s21] =	ssyncset.done $0x0  }
0x60: {  	[sflag:s21] =	ssyncadd.s32 $0xFFFFF060  }
0x61: {  	_ =	swait.ge [sflag:s22], $0xFA0  }
0x62: {  	[sflag:s22] =	ssyncset.done $0x0  }
0x63: {  	[sflag:s22] =	ssyncadd.s32 $0xFFFFF060  }
0x64: {  	[tilespmem:s24], [sflag:$0x5] =	stream.indirect.gather [spmem:s5], $0x1, s17, s23, $0xb8;
	[tilespmem:$0x15A00] =	vst v63  }
0x65: {  	_ = 	snop  }
0x66: {  	[tilespmem:s25], [sflag:$0x6] =	stream.indirect.gather [spmem:s6], $0x1, s17, s23, $0xb8;
	[tilespmem:$0x15A00] =	vst v63  }
0x67: {  	_ =	swait.ge [sflag:s31], $0xFA0  }
0x68: {  	[sflag:s31] =	ssyncset.done $0x0  }
0x69: {  	[sflag:s31] =	ssyncadd.s32 $0xFFFFF060  }
0x6a: {  	[spmem:s1] =	stream.indirect.scatter.add.f32 [tilespmem:s24], [sflag:$0xC], $0x1, s18, s23, $0xb8;
	[tilespmem:$0x15A00] =	vst v63  }
0x6b: {  	_ =	swait.ge [sflag:s14], $0xFA0  }
0x6c: {  	[sflag:s14] =	ssyncset.done $0x0  }
0x6d: {  	[sflag:s14] =	ssyncadd.s32 $0xFFFFF060  }
0x6e: {  	[tilespmem:s24], [sflag:$0x5] =	stream.indirect.gather [spmem:s7], $0x1, s17, s23, $0xb8;
	[tilespmem:$0x15A00] =	vst v63  }
0x6f: {  	_ =	swait.ge [sflag:s15], $0xFA0  }
0x70: {  	[sflag:s15] =	ssyncset.done $0x0  }
0x71: {  	[sflag:s15] =	ssyncadd.s32 $0xFFFFF060  }
0x72: {  	[spmem:s2] =	stream.indirect.scatter.add.f32 [tilespmem:s25], [sflag:$0xC], $0x1, s18, s23, $0xb8;
	[tilespmem:$0x15A00] =	vst v63  }
0x73: {  	_ =	swait.ge [sflag:s14], $0xFA0  }
0x74: {  	[sflag:s14] =	ssyncset.done $0x0  }
0x75: {  	[sflag:s14] =	ssyncadd.s32 $0xFFFFF060  }
0x76: {  	_ =	swait.ge [sflag:s31], $0xFA0  }
0x77: {  	[sflag:s31] =	ssyncset.done $0x0  }
0x78: {  	[sflag:s31] =	ssyncadd.s32 $0xFFFFF060  }
0x79: {  	[spmem:s3] =	stream.indirect.scatter.add.f32 [tilespmem:s24], [sflag:$0xC], $0x1, s18, s23, $0xb8;
	[tilespmem:$0x15A00] =	vst v63  }
0x7a: {  	_ =	swait.ge [sflag:s14], $0xFA0  }
0x7b: {  	p0 =	por $0x0, $0x0;
	s11 =	rddreg [dreg:$0x19]  }
0x7c: {  	s4 =	simm.s32 @!p0 $0x0;
	[sflag:s14] =	ssyncset.done $0x0;
	s0 =	sshrl.u32 @!p0 s11, $0x3  }
0x7d: {  	s26 =	simm.s32 @!p0 $0x9600;
	[sflag:s14] =	ssyncadd.s32 $0xFFFFF060;
	s30 =	sadd.s32 @!p0 s9, s0  }
0x7e: {  	[tilespmem:s26], [sflag:$0x1] =	stream.linear.gather @!p0 [hbm4b:s30+s4], $0xFA0, $0x38;
	[tilespmem:$0x15A00] =	vst v63  }
0x7f: {  	s0 =	sadd.s32 @!p0 s10, s0;
	s26 =	simm.s32 @!p0 $0xB600  }
0x80: {  	[tilespmem:s26], [sflag:$0x3] =	stream.linear.gather @!p0 [hbm4b:s0+s4], $0xFA0, $0x38;
	[tilespmem:$0x15A00] =	vst v63  }
0x81: {  	_ =	swait.ge [sflag:s16], $0xFA0  }
0x82: {  	[sflag:s16] =	ssyncset.done $0x0  }
0x83: {  	[sflag:s16] =	ssyncadd.s32 $0xFFFFF060  }
0x84: {  	_ =	swait.ge [sflag:s28], $0xFA0  }
0x85: {  	[sflag:s28] =	ssyncset.done $0x0  }
0x86: {  	[sflag:s28] =	ssyncadd.s32 $0xFFFFF060  }
0x87: {  	[tilespmem:s24], [sflag:$0x5] =	stream.indirect.gather [spmem:s5], $0x1, s19, s23, $0xb8;
	[tilespmem:$0x15A00] =	vst v63  }
0x88: {  	_ = 	snop  }
0x89: {  	[tilespmem:s25], [sflag:$0x6] =	stream.indirect.gather [spmem:s6], $0x1, s19, s23, $0xb8;
	[tilespmem:$0x15A00] =	vst v63  }
0x8a: {  	_ =	swait.ge [sflag:s31], $0xFA0  }
0x8b: {  	[sflag:s31] =	ssyncset.done $0x0  }
0x8c: {  	[sflag:s31] =	ssyncadd.s32 $0xFFFFF060  }
0x8d: {  	[spmem:s1] =	stream.indirect.scatter.add.f32 [tilespmem:s24], [sflag:$0xC], $0x1, s20, s23, $0xb8;
	[tilespmem:$0x15A00] =	vst v63  }
0x8e: {  	_ =	swait.ge [sflag:s14], $0xFA0  }
0x8f: {  	[sflag:s14] =	ssyncset.done $0x0  }
0x90: {  	[sflag:s14] =	ssyncadd.s32 $0xFFFFF060  }
0x91: {  	[tilespmem:s24], [sflag:$0x5] =	stream.indirect.gather [spmem:s7], $0x1, s19, s23, $0xb8;
	[tilespmem:$0x15A00] =	vst v63  }
0x92: {  	_ =	swait.ge [sflag:s15], $0xFA0  }
0x93: {  	[sflag:s15] =	ssyncset.done $0x0  }
0x94: {  	[sflag:s15] =	ssyncadd.s32 $0xFFFFF060  }
0x95: {  	[spmem:s2] =	stream.indirect.scatter.add.f32 [tilespmem:s25], [sflag:$0xC], $0x1, s20, s23, $0xb8;
	[tilespmem:$0x15A00] =	vst v63  }
0x96: {  	_ =	swait.ge [sflag:s14], $0xFA0  }
0x97: {  	[sflag:s14] =	ssyncset.done $0x0  }
0x98: {  	[sflag:s14] =	ssyncadd.s32 $0xFFFFF060  }
0x99: {  	_ =	swait.ge [sflag:s31], $0xFA0  }
0x9a: {  	[sflag:s31] =	ssyncset.done $0x0  }
0x9b: {  	[sflag:s31] =	ssyncadd.s32 $0xFFFFF060  }
0x9c: {  	[spmem:s3] =	stream.indirect.scatter.add.f32 [tilespmem:s24], [sflag:$0xC], $0x1, s20, s23, $0xb8;
	[tilespmem:$0x15A00] =	vst v63  }
0x9d: {  	s30 =	simm.s32 $0x3E8;
	s26 =	smov.u32 s11;
	_ =	swait.ge [sflag:s14], $0xFA0  }
.LBB2_4:
0x9e: {  	s4 =	rddreg [dreg:$0x9];
	s0 =	smov.u32 s30;
	[sflag:s14] =	ssyncset.done $0x0  }
0x9f: {  	s11 =	rddreg [dreg:$0x8];
	s4 =	sadd.s32 s0, s4;
	[sflag:s14] =	ssyncadd.s32 $0xFFFFF060  }
0xa0: {  	[tilespmem:s19], [sflag:$0x2] =	stream.linear.gather [hbm4b:s4+s8], $0xFA0, $0x38;
	[tilespmem:$0x15A00] =	vst v63  }
0xa1: {  	s12 =	sadd.s32 s0, s11  }
0xa2: {  	[tilespmem:s20], [sflag:$0x4] =	stream.linear.gather [hbm4b:s12+s8], $0xFA0, $0x38;
	[tilespmem:$0x15A00] =	vst v63  }
0xa3: {  	_ =	swait.ge [sflag:s21], $0xFA0  }
0xa4: {  	[sflag:s21] =	ssyncset.done $0x0  }
0xa5: {  	[sflag:s21] =	ssyncadd.s32 $0xFFFFF060  }
0xa6: {  	_ =	swait.ge [sflag:s22], $0xFA0  }
0xa7: {  	[sflag:s22] =	ssyncset.done $0x0  }
0xa8: {  	[sflag:s22] =	ssyncadd.s32 $0xFFFFF060  }
0xa9: {  	[tilespmem:s24], [sflag:$0x5] =	stream.indirect.gather [spmem:s5], $0x1, s17, s23, $0xb8;
	[tilespmem:$0x15A00] =	vst v63  }
0xaa: {  	_ = 	snop  }
0xab: {  	[tilespmem:s25], [sflag:$0x6] =	stream.indirect.gather [spmem:s6], $0x1, s17, s23, $0xb8;
	[tilespmem:$0x15A00] =	vst v63  }
0xac: {  	_ =	swait.ge [sflag:s31], $0xFA0  }
0xad: {  	[sflag:s31] =	ssyncset.done $0x0  }
0xae: {  	[sflag:s31] =	ssyncadd.s32 $0xFFFFF060  }
0xaf: {  	[spmem:s1] =	stream.indirect.scatter.add.f32 [tilespmem:s24], [sflag:$0xC], $0x1, s18, s23, $0xb8;
	[tilespmem:$0x15A00] =	vst v63  }
0xb0: {  	_ =	swait.ge [sflag:s14], $0xFA0  }
0xb1: {  	[sflag:s14] =	ssyncset.done $0x0  }
0xb2: {  	[sflag:s14] =	ssyncadd.s32 $0xFFFFF060  }
0xb3: {  	[tilespmem:s24], [sflag:$0x5] =	stream.indirect.gather [spmem:s7], $0x1, s17, s23, $0xb8;
	[tilespmem:$0x15A00] =	vst v63  }
0xb4: {  	_ =	swait.ge [sflag:s15], $0xFA0  }
0xb5: {  	[sflag:s15] =	ssyncset.done $0x0  }
0xb6: {  	[sflag:s15] =	ssyncadd.s32 $0xFFFFF060  }
0xb7: {  	[spmem:s2] =	stream.indirect.scatter.add.f32 [tilespmem:s25], [sflag:$0xC], $0x1, s18, s23, $0xb8;
	[tilespmem:$0x15A00] =	vst v63  }
0xb8: {  	_ =	swait.ge [sflag:s14], $0xFA0  }
0xb9: {  	[sflag:s14] =	ssyncset.done $0x0  }
0xba: {  	[sflag:s14] =	ssyncadd.s32 $0xFFFFF060  }
0xbb: {  	_ =	swait.ge [sflag:s31], $0xFA0  }
0xbc: {  	[sflag:s31] =	ssyncset.done $0x0  }
0xbd: {  	[sflag:s31] =	ssyncadd.s32 $0xFFFFF060  }
0xbe: {  	[spmem:s3] =	stream.indirect.scatter.add.f32 [tilespmem:s24], [sflag:$0xC], $0x1, s18, s23, $0xb8;
	[tilespmem:$0x15A00] =	vst v63  }
0xbf: {  	s26 =	sadd.s32 $0x1F40, s26;
	p1 =	seq.s32 s0, $0x5DC0;
	_ =	swait.ge [sflag:s14], $0xFA0  }
0xc0: {  	s0 =	sshrl.u32 @!p1 s26, $0x3;
	s4 =	simm.s32 @!p1 $0x9600;
	[sflag:s14] =	ssyncset.done $0x0  }
0xc1: {  	s11 =	sadd.s32 @!p1 s9, s0;
	s12 =	simm.s32 @!p1 $0x0;
	[sflag:s14] =	ssyncadd.s32 $0xFFFFF060  }
0xc2: {  	[tilespmem:s4], [sflag:$0x1] =	stream.linear.gather @!p1 [hbm4b:s11+s12], $0xFA0, $0x38;
	[tilespmem:$0x15A00] =	vst v63  }
0xc3: {  	s0 =	sadd.s32 @!p1 s10, s0;
	s4 =	simm.s32 @!p1 $0xB600  }
0xc4: {  	[tilespmem:s4], [sflag:$0x3] =	stream.linear.gather @!p1 [hbm4b:s0+s12], $0xFA0, $0x38;
	[tilespmem:$0x15A00] =	vst v63  }
0xc5: {  	_ =	swait.ge [sflag:s16], $0xFA0  }
0xc6: {  	[sflag:s16] =	ssyncset.done $0x0  }
0xc7: {  	[sflag:s16] =	ssyncadd.s32 $0xFFFFF060  }
0xc8: {  	_ =	swait.ge [sflag:s28], $0xFA0  }
0xc9: {  	[sflag:s28] =	ssyncset.done $0x0  }
0xca: {  	[sflag:s28] =	ssyncadd.s32 $0xFFFFF060  }
0xcb: {  	[tilespmem:s24], [sflag:$0x5] =	stream.indirect.gather [spmem:s5], $0x1, s19, s23, $0xb8;
	[tilespmem:$0x15A00] =	vst v63  }
0xcc: {  	_ = 	snop  }
0xcd: {  	[tilespmem:s25], [sflag:$0x6] =	stream.indirect.gather [spmem:s6], $0x1, s19, s23, $0xb8;
	[tilespmem:$0x15A00] =	vst v63  }
0xce: {  	_ =	swait.ge [sflag:s31], $0xFA0  }
0xcf: {  	[sflag:s31] =	ssyncset.done $0x0  }
0xd0: {  	[sflag:s31] =	ssyncadd.s32 $0xFFFFF060  }
0xd1: {  	[spmem:s1] =	stream.indirect.scatter.add.f32 [tilespmem:s24], [sflag:$0xC], $0x1, s20, s23, $0xb8;
	[tilespmem:$0x15A00] =	vst v63  }
0xd2: {  	_ =	swait.ge [sflag:s14], $0xFA0  }
0xd3: {  	[sflag:s14] =	ssyncset.done $0x0  }
0xd4: {  	[sflag:s14] =	ssyncadd.s32 $0xFFFFF060  }
0xd5: {  	[tilespmem:s24], [sflag:$0x5] =	stream.indirect.gather [spmem:s7], $0x1, s19, s23, $0xb8;
	[tilespmem:$0x15A00] =	vst v63  }
0xd6: {  	_ =	swait.ge [sflag:s15], $0xFA0  }
0xd7: {  	[sflag:s15] =	ssyncset.done $0x0  }
0xd8: {  	[sflag:s15] =	ssyncadd.s32 $0xFFFFF060  }
0xd9: {  	[spmem:s2] =	stream.indirect.scatter.add.f32 [tilespmem:s25], [sflag:$0xC], $0x1, s20, s23, $0xb8;
	[tilespmem:$0x15A00] =	vst v63  }
0xda: {  	_ =	swait.ge [sflag:s14], $0xFA0  }
0xdb: {  	s30 =	sadd.s32 $0x3E8, s30;
	[sflag:s14] =	ssyncset.done $0x0  }
0xdc: {  	p0 =	sne.s32 s30, $0x61A8;
	[sflag:s14] =	ssyncadd.s32 $0xFFFFF060  }
.Ltmp1:
0xdd: {  	_ =	swait.ge [sflag:s31], $0xFA0;
	(pc) =	sbr.rel @p0 .LBB2_4-.Ltmp1, $4  }
0xde: {  	[sflag:s31] =	ssyncset.done $0x0  }
0xdf: {  	[sflag:s31] =	ssyncadd.s32 $0xFFFFF060  }
0xe0: {  	[spmem:s3] =	stream.indirect.scatter.add.f32 [tilespmem:s24], [sflag:$0xC], $0x1, s20, s23, $0xb8;
	[tilespmem:$0x15A00] =	vst v63  }
0xe1: {  	_ =	swait.ge [sflag:s14], $0xFA0  }
0xe2: {  	[sflag:s14] =	ssyncset.done $0x0  }
0xe3: {  	[sflag:s14] =	ssyncadd.s32 $0xFFFFF060  }
0xe4: {  	[bflag:$0x0] =	sbarrier.arrive $0xFFFF  }
0xe5: {  	s4 =	simm.s32 $0xF600;
	s30 =	rddreg [dreg:$0xd]  }
0xe6: {  	[tilespmem:s4], [sflag:$0x7] =	stream.linear.gather [spmem:s30], $0x1900, $0x38;
	[tilespmem:$0x15A00] =	vst v63  }
0xe7: {  	s11 =	simm.s32 $0x10F00;
	s0 =	rddreg [dreg:$0xe]  }
0xe8: {  	[tilespmem:s11], [sflag:$0x8] =	stream.linear.gather [spmem:s0], $0x1900, $0x38;
	[tilespmem:$0x15A00] =	vst v63  }
0xe9: {  	s12 =	simm.s32 $0x12800;
	s26 =	rddreg [dreg:$0xf]  }
0xea: {  	[tilespmem:s12], [sflag:$0x9] =	stream.linear.gather [spmem:s26], $0x1900, $0x38;
	[tilespmem:$0x15A00] =	vst v63  }
0xeb: {  	s26 =	simm.s32 $0x7  }
0xec: {  	_ =	swait.ge [sflag:s26], $0x1900  }
0xed: {  	[sflag:s26] =	ssyncset.done $0x0  }
0xee: {  	[sflag:s26] =	ssyncadd.s32 $0xFFFFE700;
	s26 =	rddreg [dreg:$0x15]  }
0xef: {  	[hbm4b:s26+s8] =	stream.linear.scatter [tilespmem:s4], [sflag:$0xA], $0x1900, $0x38;
	[tilespmem:$0x15A00] =	vst v63  }
0xf0: {  	s26 =	simm.s32 $0x8  }
0xf1: {  	_ =	swait.ge [sflag:s26], $0x1900  }
0xf2: {  	[sflag:s26] =	ssyncset.done $0x0  }
0xf3: {  	[sflag:s26] =	ssyncadd.s32 $0xFFFFE700;
	s26 =	rddreg [dreg:$0x16]  }
0xf4: {  	[hbm4b:s26+s8] =	stream.linear.scatter [tilespmem:s11], [sflag:$0xA], $0x1900, $0x38;
	[tilespmem:$0x15A00] =	vst v63  }
0xf5: {  	s26 =	simm.s32 $0x9  }
0xf6: {  	_ =	swait.ge [sflag:s26], $0x1900  }
0xf7: {  	[sflag:s26] =	ssyncset.done $0x0  }
0xf8: {  	[sflag:s26] =	ssyncadd.s32 $0xFFFFE700;
	s26 =	rddreg [dreg:$0x17]  }
0xf9: {  	[hbm4b:s26+s8] =	stream.linear.scatter [tilespmem:s12], [sflag:$0xA], $0x1900, $0x38;
	[tilespmem:$0x15A00] =	vst v63  }
0xfa: {  	_ =	swait.ge [sflag:s13], $0x1900  }
0xfb: {  	[sflag:s13] =	ssyncset.done $0x0  }
0xfc: {  	[sflag:s13] =	ssyncadd.s32 $0xFFFFE700  }
0xfd: {  	_ =	swait.ge [sflag:s13], $0x1900  }
0xfe: {  	[sflag:s13] =	ssyncset.done $0x0  }
0xff: {  	[sflag:s13] =	ssyncadd.s32 $0xFFFFE700  }
0x100: {  	_ =	swait.ge [sflag:s13], $0x1900  }
0x101: {  	s29 =	sadd.s32 $0x1, s29;
	s26 =	rddreg [dreg:$0x18]  }
0x102: {  	p0 =	sne.s32 s29, s26  }
.Ltmp2:
0x103: {  	_ = 	snop;
	(pc) =	sbr.rel @p0 .LBB2_1-.Ltmp2, $3  }
0x104: {  	_ =	sdelay $0x1  }
0x105: {  	[sflag:s13] =	ssyncset.done $0x0  }
0x106: {  	[sflag:s13] =	ssyncadd.s32 $0xFFFFE700  }
0x107: {  	_ =	sfence.sel $0x180000  }
0x108: {  	[bflag:$0x0] =	sbarrier.arrive $0xFFFF  }
0x109: {  	_ =	strace $0x90000050  }
0x10a: {  	s0 =	stileid.u32;
	[bflag:$0x2] =	sbarrier.arrive $0xFFFF  }
0x10b: {  	p0 =	sne.s32 s0, $0x0;
	s0 =	rddreg [dreg:$0x7]  }
0x10c: {  	s0 =	sadd.s32 @!p0 $0x100000, s0  }
0x10d: {  	[sflag:s0] =	ssyncadd.tile.s32 @!p0 $0x1;
	_ =	shalt  }
.Lfunc_end2:
_tile_overlayer_lowered:
.L_overlay_start_2:
0x10e: {  	(tag) =	ssettag $0x2  }
0x10f: {  	s0 =	rddreg [dreg:$0x0];
	s2 =	stileid.u32  }
0x110: {  	s1 =	rddreg [dreg:$0x1];
	p0 =	sne.s32 s2, $0x0  }
0x111: {  	s3 =	rddreg [dreg:$0x2];
	[bflag:$0x3] =	sbarrier.arrive $0xFFFF;
	s2 =	simm.s32 @!p0 $0x1C0C  }
0x112: {  	[timem:s3], [sflag:s2] =	dma.local @!p0 [hbm:s0], s1  }
0x113: {  	s0 =	simm.s32 @!p0 $0xC  }
0x114: {  	_ =	swait.ge @!p0 [sflag:s0], s1  }
0x115: {  	s1 =	ssub.s32 @!p0 $0x0, s1;
	[sflag:s0] =	ssyncset.done @!p0 $0x0  }
0x116: {  	[sflag:s0] =	ssyncadd.s32 @!p0 s1  }
0x117: {  	[bflag:$0x3] =	sbarrier.arrive $0xFFFF  }
0x118: {  	_ =	shalt  }

// kernel: kernel.20.cloned.1.call-start
scs
__scs_entry_jumppad:
0x0: {  	(pc) =	sbr.rel $0x88, $3  }
0x1: {  	(tag) =	ssettag $0x0;
	lr =	simm.s32 $0x1  }
0x2: {  	[smem:$0x3F92] =	sst lr;
	_ =	strace $0xD0000000  }
0x3: {  	_ = 	snop  }
0x4: {  	_ = 	snop  }
0x5: {  	_ = 	snop  }
0x6: {  	_ = 	snop  }
0x7: {  	_ = 	snop  }
__scs_overlays_trampoline_lowered:
0x8: {  	[smem:$0x3FA1] =	sst s0  }
0x9: {  	[smem:$0x3FA2] =	sst s1  }
0xa: {  	[smem:$0x3FA3] =	sst s2  }
0xb: {  	[smem:$0x3FA4] =	sst s3  }
0xc: {  	[smem:$0x3FA5] =	sst s4  }
0xd: {  	[smem:$0x3FA6] =	sst s5  }
0xe: {  	[smem:$0x3FA7] =	sst s6  }
0xf: {  	[smem:$0x3FA8] =	sst s7  }
0x10: {  	[smem:$0x3FA9] =	sst s8  }
0x11: {  	[smem:$0x3FAA] =	sst s9;
	s0 =	simm.s32 @!p0 $0x0  }
0x12: {  	s1 =	sld [smem:$0x3F90];
	s0 =	simm.s32 @p0 $0x1  }
0x13: {  	[smem:$0x3FAB] =	sst s0;
	s0 =	simm.s32 @!p1 $0x0  }
0x14: {  	s2 =	sld [smem:$0x3F8F];
	s0 =	simm.s32 @p1 $0x1  }
0x15: {  	[smem:$0x3FAC] =	sst s0;
	s0 =	simm.s32 @!p2 $0x0  }
0x16: {  	s3 =	sld [smem:$0x3FDB];
	s0 =	simm.s32 @p2 $0x1  }
0x17: {  	s4 =	simm.s32 $0x1BF5;
	[smem:$0x3FAE] =	sst s0  }
0x18: {  	s0 =	sld [smem:$0x3F91];
	_ =	swait.ge [sflag:s4], $0x0  }
0x19: {  	s7 =	sld [smem:$0x3F92]  }
0x1a: {  	s8 =	sadd.s32 $0xFFFFE003, lr  }
0x1b: {  	s9 =	sadd.s32 $0xFFFFFEF7, lr;
	s5 =	simm.s32 $0xFFFFFFFF;
	p2 =	slt.u32 s8, $0xFFFFF086  }
0x1c: {  	p1 =	slt.u32 s9, $0xF7A;
	s5 =	simm.s32 @!p2 $0x0  }
0x1d: {  	s5 =	simm.s32 @p1 $0x1;
	p0 =	seq.s32 s7, s2  }
0x1e: {  	s7 =	smul.u32 @!p0 $0xF7A, s2;
	p2 =	seq.s32 @!p0 s5, $0x0  }
0x1f: {  	s9 =	smul.u32 $0xF7A, s1;
	s8 =	simm.s32 @!p0 $0x1BF5;
	p2 =	por !p2, p0  }
0x20: {  	[sflag:s8] =	ssyncset.s32 @!p0 $0xFFFFF086;
	s6 =	sadd.s32 @!p0 s3, s7;
	s7 =	simm.s32 @!p0 $0x108  }
0x21: {  	s3 =	sadd.s32 s3, s9;
	s6 =	sadd.s32 @!p0 $0x88, s6;
	s7 =	simm.s32 @p2 $0x1082  }
0x22: {  	[simem:s7], [sflag:s8] =	dma.local @!p0 [hbm:s6], $0xF7A  }
0x23: {  	s9 =	sor.u32 $0xD0000000, s2;
	s6 =	simm.s32 $0x108;
	_ =	swait.ge @!p0 [sflag:s8], $0x0  }
0x24: {  	s3 =	sadd.s32 $0x88, s3;
	s6 =	simm.s32 @!p1 $0x1082;
	[sflag:s4] =	ssyncset.s32 $0xFFFFF086  }
0x25: {  	[simem:s6], [sflag:s4] =	dma.local [hbm:s3], $0xF7A  }
0x26: {  	[smem:$0x3F92] =	sst s1;
	(tag) =	ssettag s2;
	_ =	strace s9  }
0x27: {  	s1 =	sld [smem:$0x3FA2]  }
0x28: {  	s2 =	sld [smem:$0x3FA3]  }
0x29: {  	s4 =	sld [smem:$0x3FA5]  }
0x2a: {  	p0 =	seq.s32 s5, $0x0;
	s5 =	sld [smem:$0x3FA6]  }
0x2b: {  	s6 =	sld [smem:$0x3FA7]  }
0x2c: {  	s7 =	sld [smem:$0x3FA8]  }
0x2d: {  	s3 =	simm.s32 $0x108;
	s8 =	sld [smem:$0x3FA9]  }
0x2e: {  	s3 =	simm.s32 @!p0 $0x1082;
	s9 =	sld [smem:$0x3FAA]  }
0x2f: {  	lr =	sadd.s32 s0, s3;
	s0 =	sld [smem:$0x3FA1]  }
0x30: {  	s3 =	sld [smem:$0x3FA4]  }
0x31: {  	[smem:$0x3FAD] =	sst s10  }
0x32: {  	s10 =	sld [smem:$0x3FAB];
	_ =	sdelay $0x3  }
0x33: {  	p0 =	seq.s32 s10, $0x1;
	s10 =	sld [smem:$0x3FAD];
	_ =	sdelay $0x3  }
0x34: {  	[smem:$0x3FAD] =	sst s10  }
0x35: {  	s10 =	sld [smem:$0x3FAC];
	_ =	sdelay $0x3  }
0x36: {  	p1 =	seq.s32 s10, $0x1;
	s10 =	sld [smem:$0x3FAD];
	_ =	sdelay $0x3  }
0x37: {  	[smem:$0x3FAD] =	sst s10  }
0x38: {  	s10 =	sld [smem:$0x3FAE]  }
0x39: {  	_ = 	snop;
	(pc) =	sbr.ind lr, $3  }
0x3a: {  	_ = 	snop  }
0x3b: {  	_ = 	snop  }
0x3c: {  	p2 =	seq.s32 s10, $0x1;
	s10 =	sld [smem:$0x3FAD]  }
0x3d: {  	_ =	shalt  }
0x3e: {  	_ =	shalt  }
0x3f: {  	_ =	shalt  }
0x40: {  	_ =	shalt  }
0x41: {  	_ =	shalt  }
0x42: {  	_ =	shalt  }
0x43: {  	_ =	shalt  }
0x44: {  	_ =	shalt  }
0x45: {  	_ =	shalt  }
0x46: {  	_ =	shalt  }
0x47: {  	_ =	shalt  }
0x48: {  	_ =	shalt  }
0x49: {  	_ =	shalt  }
0x4a: {  	_ =	shalt  }
0x4b: {  	_ =	shalt  }
0x4c: {  	_ =	shalt  }
0x4d: {  	_ =	shalt  }
0x4e: {  	_ =	shalt  }
0x4f: {  	_ =	shalt  }
0x50: {  	_ =	shalt  }
0x51: {  	_ =	shalt  }
0x52: {  	_ =	shalt  }
0x53: {  	_ =	shalt  }
0x54: {  	_ =	shalt  }
0x55: {  	_ =	shalt  }
0x56: {  	_ =	shalt  }
0x57: {  	_ =	shalt  }
0x58: {  	_ =	shalt  }
0x59: {  	_ =	shalt  }
0x5a: {  	_ =	shalt  }
0x5b: {  	_ =	shalt  }
0x5c: {  	_ =	shalt  }
0x5d: {  	_ =	shalt  }
0x5e: {  	_ =	shalt  }
0x5f: {  	_ =	shalt  }
0x60: {  	_ =	shalt  }
0x61: {  	_ =	shalt  }
0x62: {  	_ =	shalt  }
0x63: {  	_ =	shalt  }
0x64: {  	_ =	shalt  }
0x65: {  	_ =	shalt  }
0x66: {  	_ =	shalt  }
0x67: {  	_ =	shalt  }
0x68: {  	_ =	shalt  }
0x69: {  	_ =	shalt  }
0x6a: {  	_ =	shalt  }
0x6b: {  	_ =	shalt  }
0x6c: {  	_ =	shalt  }
0x6d: {  	_ =	shalt  }
0x6e: {  	_ =	shalt  }
0x6f: {  	_ =	shalt  }
0x70: {  	_ =	shalt  }
0x71: {  	_ =	shalt  }
0x72: {  	_ =	shalt  }
0x73: {  	_ =	shalt  }
0x74: {  	_ =	shalt  }
0x75: {  	_ =	shalt  }
0x76: {  	_ =	shalt  }
0x77: {  	_ =	shalt  }
0x78: {  	_ =	shalt  }
0x79: {  	_ =	shalt  }
0x7a: {  	_ =	shalt  }
0x7b: {  	_ =	shalt  }
0x7c: {  	_ =	shalt  }
0x7d: {  	_ =	shalt  }
0x7e: {  	_ =	shalt  }
0x7f: {  	_ =	shalt  }
0x80: {  	_ =	shalt  }
0x81: {  	_ =	shalt  }
0x82: {  	_ =	shalt  }
0x83: {  	_ =	shalt  }
0x84: {  	_ =	shalt  }
0x85: {  	_ =	shalt  }
0x86: {  	_ =	shalt  }
0x87: {  	_ =	shalt  }
.Lfunc_end0:
.L_simem_size_0:
called_computation.4_lowered:
.L_overlay_start_0:
0x88: {  	s2 =	sld [smem:$0x3FD9]  }
0x89: {  	s3 =	sld [smem:$0x3FFE];
	_ =	sdelay $0x1  }
0x8a: {  	s1 =	srdreg.scid  }
0x8b: {  	s0 =	sand.u32 $0x1, s1  }
0x8c: {  	s16 =	sshll.u32 s0, $0xA;
	s2 =	sadd.s32 s3, s2  }
0x8d: {  	s2 =	sadd.s32 s2, s16  }
0x8e: {  	[smem:$0x3FB9] =	sst s2  }
0x8f: {  	_ = 	snop  }
0x90: {  	(tm) =	ssettm $0x1  }
0x91: {  	s17 =	sld [smem:$0x3FFB];
	_ =	sdelay $0x3  }
0x92: {  	_ =	strace s17  }
0x93: {  	s2 =	sld [smem:$0x3FFC];
	_ =	sdelay $0x3  }
0x94: {  	_ =	strace s2  }
0x95: {  	s2 =	sld [smem:$0x3FFD];
	_ =	sdelay $0x3  }
0x96: {  	_ =	strace s2  }
0x97: {  	_ =	strace $0x8FFFFFFF  }
0x98: {  	s18 =	sld [smem:$0x3FDB];
	_ =	sdelay $0x1  }
0x99: {  	s19 =	simm.s32 $_scs_section_size  }
0x9a: {  	s4 =	simm.s32 $_size__tile_overlayer_lowered;
	s5 =	simm.s32 $_tile_overlayer_lowered  }
0x9b: {  	s22 =	simm.s32 $0x1BFF;
	s21 =	sshll.u32 s5, $0x1;
	s2 =	sadd.s32 s19, s18  }
0x9c: {  	s6 =	simm.s32 $0x0;
	s20 =	sshll.u32 s4, $0x1;
	s4 =	sadd.s32 s21, s2  }
0x9d: {  	[timem:s6], [sflag:s22] =	dma.local [hbm:s4], s20  }
0x9e: {  	_ =	swait.ge [sflag:s22], s20  }
0x9f: {  	s3 =	ssub.s32 $0x0, s20;
	[sflag:s22] =	ssyncset.done $0x0  }
0xa0: {  	[sflag:s22] =	ssyncadd.s32 s3;
	_ =	sdelay $0x1  }
0xa1: {  	s23 =	simm.s32 $0x1B8B  }
0xa2: {  	_ =	swait.ge [sflag:s23], $0x1  }
0xa3: {  	[sflag:s23] =	ssyncset.done $0x0  }
0xa4: {  	s25 =	simm.s32 $0x1B8E;
	s24 =	sld [smem:$0x3FFE];
	[sflag:s23] =	ssyncadd.s32 $0xFFFFFFFF  }
0xa5: {  	s26 =	simm.s32 $execute0_lowered;
	[smem:$0x3FD2] =	sst s25  }
0xa6: {  	s4 =	sshll.u32 s26, $0x1;
	_ =	strace $0x80000052;
	[dreg:$0x1] =	wrdreg $0xFFFFFFFF  }
0xa7: {  	s28 =	simm.s32 $_size_execute0_lowered;
	s2 =	sadd.s32 s2, s4;
	[dreg:$0x0] =	wrdreg $0x0  }
0xa8: {  	s4 =	sshll.u32 s28, $0x1;
	[dreg:$0x2] =	wrdreg s2  }
0xa9: {  	[dreg:$0x3] =	wrdreg s4  }
0xaa: {  	[dreg:$0x4] =	wrdreg $0xC0  }
0xab: {  	_ =	task [dreg:s6], $0x5FFFF  }
0xac: {  	[dreg:$0x1] =	wrdreg $0xFFFFFFFF  }
0xad: {  	[dreg:$0x0] =	wrdreg $0x60  }
0xae: {  	[dreg:$0x2] =	wrdreg s24  }
0xaf: {  	[dreg:$0x3] =	wrdreg $0x4B000  }
0xb0: {  	[dreg:$0x4] =	wrdreg $0x64000  }
0xb1: {  	[dreg:$0x5] =	wrdreg $0x7D000  }
0xb2: {  	[dreg:$0x6] =	wrdreg $0x0  }
0xb3: {  	[dreg:$0x7] =	wrdreg $0x19000  }
0xb4: {  	[dreg:$0x8] =	wrdreg $0x32000  }
0xb5: {  	[dreg:$0x9] =	wrdreg $0x9  }
0xb6: {  	_ =	task.clear_ibuf [dreg:s6], $0xAFFFF;
	_ =	strace $0x90000052  }
0xb7: {  	s29 =	simm.s32 $0x9;
	_ =	strace $0x80000054  }
0xb8: {  	_ =	swait.ge [sflag:s29], $0x1  }
0xb9: {  	[sflag:s29] =	ssyncadd.s32 $0xFFFFFFFF  }
0xba: {  	_ =	strace $0x90000054  }
0xbb: {  	_ =	sfence  }
0xbc: {  	s30 =	sld [smem:$0x0];
	_ =	sdelay $0x2  }
0xbd: {  	s31 =	sshll.u32 s1, $0xD;
	s1 =	sshrl.u32 s1, $0x2  }
0xbe: {  	s3 =	sand.u32 $0x4000, s31;
	s1 =	sadd.s32 s1, s30  }
0xbf: {  	s0 =	sor.u32 s3, s0;
	s1 =	sshll.u32 s1, $0x11  }
0xc0: {  	s0 =	sor.u32 s1, s0  }
0xc1: {  	s0 =	sadd.s32 $0x8F2B, s0  }
0xc2: {  	[sflag:s0] =	ssyncadd.remote.s32 $0x1  }
0xc3: {  	_ =	sfence.sel $0xFFFF  }
0xc4: {  	[dreg:$0x0] =	wrdreg $0xFFFFFFFF;
	(pc) =	sbr.abs _section_cstart, $3  }
0xc5: {  	[dreg:$0x1] =	wrdreg $0xFFFFFFFF  }
0xc6: {  	_ =	task.clear_ibuf [dreg:s6], $0x2FFFF;
	_ =	strace $0x9FFFFFFF  }
0xc7: {  	(tm) =	ssettm $0x7FFFFFFF  }
tec
execute0_lowered:
.L_overlay_start_1:
0x0: {  	(tag) =	ssettag $0x1  }
0x1: {  	s0 =	rddreg [dreg:$0x0]  }
0x2: {  	s1 =	rddreg [dreg:$0x1]  }
0x3: {  	s2 =	rddreg [dreg:$0x2]  }
0x4: {  	s3 =	rddreg [dreg:$0x3]  }
0x5: {  	s5 =	rddreg [dreg:$0x4]  }
0x6: {  	s6 =	rddreg [dreg:$0x5]  }
0x7: {  	s7 =	rddreg [dreg:$0x6];
	s17 =	stileid.u32  }
0x8: {  	s4 =	srdreg.scid;
	s8 =	simm.s32 $0x0;
	s31 =	simm.s32 $0x5  }
0x9: {  	s28 =	simm.s32 $0x4;
	s29 =	simm.s32 $0x0;
	s11 =	smul.u32 $0x1900, s17  }
0xa: {  	s4 =	sand.u32 $0x1, s4;
	[smem:$0x7FF] =	sst s8;
	s24 =	smul.u32 $0x30D40, s17  }
0xb: {  	s9 =	sadd.s32 $0xC6400, s0;
	s10 =	smul.u32 $0x4B000, s4;
	_ =	strace $0x80000053  }
0xc: {  	s23 =	ssub.s32 $0x2, s4;
	s14 =	smul.u32 $0x30D400, s4;
	s4 =	sshll.u32 s4, $0x4  }
0xd: {  	s12 =	sshrl.u32 s11, $0x3;
	s15 =	sshrl.u32 s23, $0x1;
	s30 =	sadd.s32 s11, s1  }
0xe: {  	s4 =	sor.u32 s17, s4;
	s17 =	sadd.s32 s11, s3;
	s18 =	sadd.s32 s11, s5  }
0xf: {  	s19 =	sadd.s32 s11, s6;
	s13 =	sadd.s32 s11, s10;
	[dreg:$0xf] =	wrdreg s17  }
0x10: {  	s10 =	sadd.s32 $0x2E00, s0;
	s12 =	sadd.s32 s12, s0;
	[dreg:$0x10] =	wrdreg s18  }
0x11: {  	s26 =	sadd.s32 s24, s14;
	s4 =	smul.u32 $0x30D40, s4;
	[dreg:$0x11] =	wrdreg s19  }
0x12: {  	s17 =	simm.s32 $0x9600;
	s18 =	simm.s32 $0xB600;
	s19 =	simm.s32 $0xA600  }
0x13: {  	[dreg:$0xd] =	wrdreg s30;
	s13 =	sshrl.u32 s13, $0x3;
	s16 =	sadd.s32 $0x189A00, s12  }
0x14: {  	s25 =	sadd.s32 $0x18CC00, s12;
	s12 =	sadd.s32 $0x18FE00, s12;
	[dreg:$0xa] =	wrdreg s16  }
0x15: {  	s0 =	sadd.s32 s13, s0;
	s13 =	ssub.s32 s23, s15;
	[dreg:$0xb] =	wrdreg s25  }
0x16: {  	[dreg:$0xc] =	wrdreg s12;
	s15 =	sadd.s32 s11, s2;
	s16 =	sadd.s32 $0xFA0, s26  }
0x17: {  	s11 =	sadd.s32 s11, s7;
	s4 =	sshrl.u32 s4, $0x3;
	[dreg:$0xe] =	wrdreg s15  }
0x18: {  	s26 =	sadd.s32 $0x1F40, s26;
	s12 =	simm.s32 $0x12800;
	[dreg:$0x12] =	wrdreg s11  }
0x19: {  	s14 =	sshrl.u32 s16, $0x3;
	s21 =	sadd.s32 s9, s4;
	[dreg:$0x19] =	wrdreg s26  }
0x1a: {  	s4 =	sadd.s32 s10, s4;
	s23 =	sadd.s32 $0x193000, s0;
	[dreg:$0x13] =	wrdreg s21  }
0x1b: {  	s24 =	sadd.s32 $0x196200, s0;
	s0 =	sadd.s32 $0x199400, s0;
	[dreg:$0x14] =	wrdreg s4  }
0x1c: {  	s25 =	smax.u32 s13, $0x1;
	s11 =	simm.s32 $0x10F00;
	[dreg:$0x15] =	wrdreg s23  }
0x1d: {  	s13 =	simm.s32 $0xA;
	s15 =	simm.s32 $0x6;
	[dreg:$0x16] =	wrdreg s24  }
0x1e: {  	s16 =	simm.s32 $0x2;
	s20 =	sadd.s32 s14, s10;
	[dreg:$0x17] =	wrdreg s0  }
0x1f: {  	s22 =	sadd.s32 s14, s9;
	[dreg:$0x18] =	wrdreg s25;
	s4 =	simm.s32 $0xF600  }
0x20: {  	s21 =	simm.s32 $0x1;
	s23 =	simm.s32 $0xFA0;
	s24 =	simm.s32 $0xD600  }
0x21: {  	s25 =	simm.s32 $0xE600;
	s14 =	simm.s32 $0xC;
	[dreg:$0x8] =	wrdreg s20  }
0x22: {  	v0 =	vimm.f32 $0.0e+00;
	[dreg:$0x9] =	wrdreg s22;
	s20 =	simm.s32 $0xC600;
	s22 =	simm.s32 $0x3  }
.LBB2_1:
0x23: {  	s0 =	rddreg [dreg:$0xa]  }
0x24: {  	[tilespmem:s4], [sflag:$0x7] =	stream.linear.gather [hbm4b:s0+s8], $0x1900, $0x38;
	[tilespmem:$0x15A00] =	vst v63  }
0x25: {  	s26 =	rddreg [dreg:$0xb]  }
0x26: {  	[tilespmem:s11], [sflag:$0x8] =	stream.linear.gather [hbm4b:s26+s8], $0x1900, $0x38;
	[tilespmem:$0x15A00] =	vst v63  }
0x27: {  	s26 =	rddreg [dreg:$0xc]  }
0x28: {  	[tilespmem:s12], [sflag:$0x9] =	stream.linear.gather [hbm4b:s26+s8], $0x1900, $0x38;
	[tilespmem:$0x15A00] =	vst v63  }
0x29: {  	s0 =	simm.s32 $0x40;
	s26 =	simm.s32 $0x0  }
.LBB2_2:
0x2a: {  	p0 =	sne.s32 s0, $0x63C0;
	[tilespmem:s26+$0x14100] =	vst v0;
	s26 =	smov.u32 s0;
	s0 =	sadd.s32 $0x40, s0  }
.Ltmp0:
0x2b: {  	(pc) =	sbr.rel @p0 .LBB2_2-.Ltmp0, $2  }
0x2c: {  	_ =	sdelay $0x2  }
0x2d: {  	s26 =	sshra.s32 s26, $0x2  }
0x2e: {  	[tilespmem:s26+$0x14100] =	vst v0;
	s26 =	simm.s32 $0x14100  }
0x2f: {  	[spmem:s30] =	stream.linear.scatter [tilespmem:s26], [sflag:$0xB], $0x1900, $0x38;
	[tilespmem:$0x15A00] =	vst v63  }
0x30: {  	s0 =	rddreg [dreg:$0xe]  }
0x31: {  	[spmem:s0] =	stream.linear.scatter [tilespmem:s26], [sflag:$0xB], $0x1900, $0x38;
	[tilespmem:$0x15A00] =	vst v63  }
0x32: {  	s0 =	rddreg [dreg:$0xf]  }
0x33: {  	[spmem:s0] =	stream.linear.scatter [tilespmem:s26], [sflag:$0xB], $0x1900, $0x38;
	[tilespmem:$0x15A00] =	vst v63  }
0x34: {  	s26 =	simm.s32 $0x7  }
0x35: {  	_ =	swait.ge [sflag:s26], $0x1900  }
0x36: {  	[sflag:s26] =	ssyncset.done $0x0  }
0x37: {  	[sflag:s26] =	ssyncadd.s32 $0xFFFFE700;
	s26 =	rddreg [dreg:$0x10]  }
0x38: {  	[spmem:s26] =	stream.linear.scatter [tilespmem:s4], [sflag:$0xA], $0x1900, $0x38;
	[tilespmem:$0x15A00] =	vst v63  }
0x39: {  	s26 =	simm.s32 $0x8  }
0x3a: {  	_ =	swait.ge [sflag:s26], $0x1900  }
0x3b: {  	[sflag:s26] =	ssyncset.done $0x0  }
0x3c: {  	s4 =	rddreg [dreg:$0x11];
	[sflag:s26] =	ssyncadd.s32 $0xFFFFE700;
	s26 =	simm.s32 $0x9  }
0x3d: {  	[spmem:s4] =	stream.linear.scatter [tilespmem:s11], [sflag:$0xA], $0x1900, $0x38;
	[tilespmem:$0x15A00] =	vst v63  }
0x3e: {  	_ =	swait.ge [sflag:s26], $0x1900  }
0x3f: {  	[sflag:s26] =	ssyncset.done $0x0  }
0x40: {  	s11 =	simm.s32 $0xB;
	s4 =	rddreg [dreg:$0x12];
	[sflag:s26] =	ssyncadd.s32 $0xFFFFE700  }
0x41: {  	[spmem:s4] =	stream.linear.scatter [tilespmem:s12], [sflag:$0xA], $0x1900, $0x38;
	[tilespmem:$0x15A00] =	vst v63  }
0x42: {  	_ =	swait.ge [sflag:s11], $0x1900  }
0x43: {  	[sflag:s11] =	ssyncset.done $0x0  }
0x44: {  	[sflag:s11] =	ssyncadd.s32 $0xFFFFE700  }
0x45: {  	_ =	swait.ge [sflag:s13], $0x1900  }
0x46: {  	[sflag:s13] =	ssyncset.done $0x0  }
0x47: {  	[sflag:s13] =	ssyncadd.s32 $0xFFFFE700  }
0x48: {  	_ =	swait.ge [sflag:s11], $0x1900  }
0x49: {  	[sflag:s11] =	ssyncset.done $0x0  }
0x4a: {  	[sflag:s11] =	ssyncadd.s32 $0xFFFFE700  }
0x4b: {  	_ =	swait.ge [sflag:s13], $0x1900  }
0x4c: {  	[sflag:s13] =	ssyncset.done $0x0  }
0x4d: {  	[sflag:s13] =	ssyncadd.s32 $0xFFFFE700  }
0x4e: {  	_ =	swait.ge [sflag:s11], $0x1900  }
0x4f: {  	[sflag:s11] =	ssyncset.done $0x0  }
0x50: {  	[sflag:s11] =	ssyncadd.s32 $0xFFFFE700  }
0x51: {  	_ =	swait.ge [sflag:s13], $0x1900  }
0x52: {  	[sflag:s13] =	ssyncset.done $0x0  }
0x53: {  	[sflag:s13] =	ssyncadd.s32 $0xFFFFE700  }
0x54: {  	[bflag:$0x0] =	sbarrier.arrive $0xFFFF  }
0x55: {  	s26 =	rddreg [dreg:$0x13]  }
0x56: {  	s12 =	simm.s32 $0x0;
	s11 =	rddreg [dreg:$0x14]  }
0x57: {  	[tilespmem:s17], [sflag:$0x1] =	stream.linear.gather [hbm4b:s26+s12], $0xFA0, $0x38;
	[tilespmem:$0x15A00] =	vst v63  }
0x58: {  	s26 =	rddreg [dreg:$0x9]  }
0x59: {  	[tilespmem:s18], [sflag:$0x3] =	stream.linear.gather [hbm4b:s11+s12], $0xFA0, $0x38;
	[tilespmem:$0x15A00] =	vst v63  }
0x5a: {  	s26 =	sadd.s32 $0x0, s26;
	s12 =	rddreg [dreg:$0x8]  }
0x5b: {  	[tilespmem:s19], [sflag:$0x2] =	stream.linear.gather [hbm4b:s26+s8], $0xFA0, $0x38;
	[tilespmem:$0x15A00] =	vst v63  }
0x5c: {  	s0 =	sadd.s32 $0x0, s12  }
0x5d: {  	[tilespmem:s20], [sflag:$0x4] =	stream.linear.gather [hbm4b:s0+s8], $0xFA0, $0x38;
	[tilespmem:$0x15A00] =	vst v63  }
0x5e: {  	_ =	swait.ge [sflag:s21], $0xFA0  }
0x5f: {  	[sflag:s21] =	ssyncset.done $0x0  }
0x60: {  	[sflag:s21] =	ssyncadd.s32 $0xFFFFF060  }
0x61: {  	_ =	swait.ge [sflag:s22], $0xFA0  }
0x62: {  	[sflag:s22] =	ssyncset.done $0x0  }
0x63: {  	[sflag:s22] =	ssyncadd.s32 $0xFFFFF060  }
0x64: {  	[tilespmem:s24], [sflag:$0x5] =	stream.indirect.gather [spmem:s5], $0x1, s17, s23, $0xb8;
	[tilespmem:$0x15A00] =	vst v63  }
0x65: {  	_ = 	snop  }
0x66: {  	[tilespmem:s25], [sflag:$0x6] =	stream.indirect.gather [spmem:s6], $0x1, s17, s23, $0xb8;
	[tilespmem:$0x15A00] =	vst v63  }
0x67: {  	_ =	swait.ge [sflag:s31], $0xFA0  }
0x68: {  	[sflag:s31] =	ssyncset.done $0x0  }
0x69: {  	[sflag:s31] =	ssyncadd.s32 $0xFFFFF060  }
0x6a: {  	[spmem:s1] =	stream.indirect.scatter.add.f32 [tilespmem:s24], [sflag:$0xC], $0x1, s18, s23, $0xb8;
	[tilespmem:$0x15A00] =	vst v63  }
0x6b: {  	_ =	swait.ge [sflag:s14], $0xFA0  }
0x6c: {  	[sflag:s14] =	ssyncset.done $0x0  }
0x6d: {  	[sflag:s14] =	ssyncadd.s32 $0xFFFFF060  }
0x6e: {  	[tilespmem:s24], [sflag:$0x5] =	stream.indirect.gather [spmem:s7], $0x1, s17, s23, $0xb8;
	[tilespmem:$0x15A00] =	vst v63  }
0x6f: {  	_ =	swait.ge [sflag:s15], $0xFA0  }
0x70: {  	[sflag:s15] =	ssyncset.done $0x0  }
0x71: {  	[sflag:s15] =	ssyncadd.s32 $0xFFFFF060  }
0x72: {  	[spmem:s2] =	stream.indirect.scatter.add.f32 [tilespmem:s25], [sflag:$0xC], $0x1, s18, s23, $0xb8;
	[tilespmem:$0x15A00] =	vst v63  }
0x73: {  	_ =	swait.ge [sflag:s14], $0xFA0  }
0x74: {  	[sflag:s14] =	ssyncset.done $0x0  }
0x75: {  	[sflag:s14] =	ssyncadd.s32 $0xFFFFF060  }
0x76: {  	_ =	swait.ge [sflag:s31], $0xFA0  }
0x77: {  	[sflag:s31] =	ssyncset.done $0x0  }
0x78: {  	[sflag:s31] =	ssyncadd.s32 $0xFFFFF060  }
0x79: {  	[spmem:s3] =	stream.indirect.scatter.add.f32 [tilespmem:s24], [sflag:$0xC], $0x1, s18, s23, $0xb8;
	[tilespmem:$0x15A00] =	vst v63  }
0x7a: {  	_ =	swait.ge [sflag:s14], $0xFA0  }
0x7b: {  	p0 =	por $0x0, $0x0;
	s11 =	rddreg [dreg:$0x19]  }
0x7c: {  	s4 =	simm.s32 @!p0 $0x0;
	[sflag:s14] =	ssyncset.done $0x0;
	s0 =	sshrl.u32 @!p0 s11, $0x3  }
0x7d: {  	s26 =	simm.s32 @!p0 $0x9600;
	[sflag:s14] =	ssyncadd.s32 $0xFFFFF060;
	s30 =	sadd.s32 @!p0 s9, s0  }
0x7e: {  	[tilespmem:s26], [sflag:$0x1] =	stream.linear.gather @!p0 [hbm4b:s30+s4], $0xFA0, $0x38;
	[tilespmem:$0x15A00] =	vst v63  }
0x7f: {  	s0 =	sadd.s32 @!p0 s10, s0;
	s26 =	simm.s32 @!p0 $0xB600  }
0x80: {  	[tilespmem:s26], [sflag:$0x3] =	stream.linear.gather @!p0 [hbm4b:s0+s4], $0xFA0, $0x38;
	[tilespmem:$0x15A00] =	vst v63  }
0x81: {  	_ =	swait.ge [sflag:s16], $0xFA0  }
0x82: {  	[sflag:s16] =	ssyncset.done $0x0  }
0x83: {  	[sflag:s16] =	ssyncadd.s32 $0xFFFFF060  }
0x84: {  	_ =	swait.ge [sflag:s28], $0xFA0  }
0x85: {  	[sflag:s28] =	ssyncset.done $0x0  }
0x86: {  	[sflag:s28] =	ssyncadd.s32 $0xFFFFF060  }
0x87: {  	[tilespmem:s24], [sflag:$0x5] =	stream.indirect.gather [spmem:s5], $0x1, s19, s23, $0xb8;
	[tilespmem:$0x15A00] =	vst v63  }
0x88: {  	_ = 	snop  }
0x89: {  	[tilespmem:s25], [sflag:$0x6] =	stream.indirect.gather [spmem:s6], $0x1, s19, s23, $0xb8;
	[tilespmem:$0x15A00] =	vst v63  }
0x8a: {  	_ =	swait.ge [sflag:s31], $0xFA0  }
0x8b: {  	[sflag:s31] =	ssyncset.done $0x0  }
0x8c: {  	[sflag:s31] =	ssyncadd.s32 $0xFFFFF060  }
0x8d: {  	[spmem:s1] =	stream.indirect.scatter.add.f32 [tilespmem:s24], [sflag:$0xC], $0x1, s20, s23, $0xb8;
	[tilespmem:$0x15A00] =	vst v63  }
0x8e: {  	_ =	swait.ge [sflag:s14], $0xFA0  }
0x8f: {  	[sflag:s14] =	ssyncset.done $0x0  }
0x90: {  	[sflag:s14] =	ssyncadd.s32 $0xFFFFF060  }
0x91: {  	[tilespmem:s24], [sflag:$0x5] =	stream.indirect.gather [spmem:s7], $0x1, s19, s23, $0xb8;
	[tilespmem:$0x15A00] =	vst v63  }
0x92: {  	_ =	swait.ge [sflag:s15], $0xFA0  }
0x93: {  	[sflag:s15] =	ssyncset.done $0x0  }
0x94: {  	[sflag:s15] =	ssyncadd.s32 $0xFFFFF060  }
0x95: {  	[spmem:s2] =	stream.indirect.scatter.add.f32 [tilespmem:s25], [sflag:$0xC], $0x1, s20, s23, $0xb8;
	[tilespmem:$0x15A00] =	vst v63  }
0x96: {  	_ =	swait.ge [sflag:s14], $0xFA0  }
0x97: {  	[sflag:s14] =	ssyncset.done $0x0  }
0x98: {  	[sflag:s14] =	ssyncadd.s32 $0xFFFFF060  }
0x99: {  	_ =	swait.ge [sflag:s31], $0xFA0  }
0x9a: {  	[sflag:s31] =	ssyncset.done $0x0  }
0x9b: {  	[sflag:s31] =	ssyncadd.s32 $0xFFFFF060  }
0x9c: {  	[spmem:s3] =	stream.indirect.scatter.add.f32 [tilespmem:s24], [sflag:$0xC], $0x1, s20, s23, $0xb8;
	[tilespmem:$0x15A00] =	vst v63  }
0x9d: {  	s30 =	simm.s32 $0x3E8;
	s26 =	smov.u32 s11;
	_ =	swait.ge [sflag:s14], $0xFA0  }
.LBB2_4:
0x9e: {  	s4 =	rddreg [dreg:$0x9];
	s0 =	smov.u32 s30;
	[sflag:s14] =	ssyncset.done $0x0  }
0x9f: {  	s11 =	rddreg [dreg:$0x8];
	s4 =	sadd.s32 s0, s4;
	[sflag:s14] =	ssyncadd.s32 $0xFFFFF060  }
0xa0: {  	[tilespmem:s19], [sflag:$0x2] =	stream.linear.gather [hbm4b:s4+s8], $0xFA0, $0x38;
	[tilespmem:$0x15A00] =	vst v63  }
0xa1: {  	s12 =	sadd.s32 s0, s11  }
0xa2: {  	[tilespmem:s20], [sflag:$0x4] =	stream.linear.gather [hbm4b:s12+s8], $0xFA0, $0x38;
	[tilespmem:$0x15A00] =	vst v63  }
0xa3: {  	_ =	swait.ge [sflag:s21], $0xFA0  }
0xa4: {  	[sflag:s21] =	ssyncset.done $0x0  }
0xa5: {  	[sflag:s21] =	ssyncadd.s32 $0xFFFFF060  }
0xa6: {  	_ =	swait.ge [sflag:s22], $0xFA0  }
0xa7: {  	[sflag:s22] =	ssyncset.done $0x0  }
0xa8: {  	[sflag:s22] =	ssyncadd.s32 $0xFFFFF060  }
0xa9: {  	[tilespmem:s24], [sflag:$0x5] =	stream.indirect.gather [spmem:s5], $0x1, s17, s23, $0xb8;
	[tilespmem:$0x15A00] =	vst v63  }
0xaa: {  	_ = 	snop  }
0xab: {  	[tilespmem:s25], [sflag:$0x6] =	stream.indirect.gather [spmem:s6], $0x1, s17, s23, $0xb8;
	[tilespmem:$0x15A00] =	vst v63  }
0xac: {  	_ =	swait.ge [sflag:s31], $0xFA0  }
0xad: {  	[sflag:s31] =	ssyncset.done $0x0  }
0xae: {  	[sflag:s31] =	ssyncadd.s32 $0xFFFFF060  }
0xaf: {  	[spmem:s1] =	stream.indirect.scatter.add.f32 [tilespmem:s24], [sflag:$0xC], $0x1, s18, s23, $0xb8;
	[tilespmem:$0x15A00] =	vst v63  }
0xb0: {  	_ =	swait.ge [sflag:s14], $0xFA0  }
0xb1: {  	[sflag:s14] =	ssyncset.done $0x0  }
0xb2: {  	[sflag:s14] =	ssyncadd.s32 $0xFFFFF060  }
0xb3: {  	[tilespmem:s24], [sflag:$0x5] =	stream.indirect.gather [spmem:s7], $0x1, s17, s23, $0xb8;
	[tilespmem:$0x15A00] =	vst v63  }
0xb4: {  	_ =	swait.ge [sflag:s15], $0xFA0  }
0xb5: {  	[sflag:s15] =	ssyncset.done $0x0  }
0xb6: {  	[sflag:s15] =	ssyncadd.s32 $0xFFFFF060  }
0xb7: {  	[spmem:s2] =	stream.indirect.scatter.add.f32 [tilespmem:s25], [sflag:$0xC], $0x1, s18, s23, $0xb8;
	[tilespmem:$0x15A00] =	vst v63  }
0xb8: {  	_ =	swait.ge [sflag:s14], $0xFA0  }
0xb9: {  	[sflag:s14] =	ssyncset.done $0x0  }
0xba: {  	[sflag:s14] =	ssyncadd.s32 $0xFFFFF060  }
0xbb: {  	_ =	swait.ge [sflag:s31], $0xFA0  }
0xbc: {  	[sflag:s31] =	ssyncset.done $0x0  }
0xbd: {  	[sflag:s31] =	ssyncadd.s32 $0xFFFFF060  }
0xbe: {  	[spmem:s3] =	stream.indirect.scatter.add.f32 [tilespmem:s24], [sflag:$0xC], $0x1, s18, s23, $0xb8;
	[tilespmem:$0x15A00] =	vst v63  }
0xbf: {  	s26 =	sadd.s32 $0x1F40, s26;
	p1 =	seq.s32 s0, $0x5DC0;
	_ =	swait.ge [sflag:s14], $0xFA0  }
0xc0: {  	s0 =	sshrl.u32 @!p1 s26, $0x3;
	s4 =	simm.s32 @!p1 $0x9600;
	[sflag:s14] =	ssyncset.done $0x0  }
0xc1: {  	s11 =	sadd.s32 @!p1 s9, s0;
	s12 =	simm.s32 @!p1 $0x0;
	[sflag:s14] =	ssyncadd.s32 $0xFFFFF060  }
0xc2: {  	[tilespmem:s4], [sflag:$0x1] =	stream.linear.gather @!p1 [hbm4b:s11+s12], $0xFA0, $0x38;
	[tilespmem:$0x15A00] =	vst v63  }
0xc3: {  	s0 =	sadd.s32 @!p1 s10, s0;
	s4 =	simm.s32 @!p1 $0xB600  }
0xc4: {  	[tilespmem:s4], [sflag:$0x3] =	stream.linear.gather @!p1 [hbm4b:s0+s12], $0xFA0, $0x38;
	[tilespmem:$0x15A00] =	vst v63  }
0xc5: {  	_ =	swait.ge [sflag:s16], $0xFA0  }
0xc6: {  	[sflag:s16] =	ssyncset.done $0x0  }
0xc7: {  	[sflag:s16] =	ssyncadd.s32 $0xFFFFF060  }
0xc8: {  	_ =	swait.ge [sflag:s28], $0xFA0  }
0xc9: {  	[sflag:s28] =	ssyncset.done $0x0  }
0xca: {  	[sflag:s28] =	ssyncadd.s32 $0xFFFFF060  }
0xcb: {  	[tilespmem:s24], [sflag:$0x5] =	stream.indirect.gather [spmem:s5], $0x1, s19, s23, $0xb8;
	[tilespmem:$0x15A00] =	vst v63  }
0xcc: {  	_ = 	snop  }
0xcd: {  	[tilespmem:s25], [sflag:$0x6] =	stream.indirect.gather [spmem:s6], $0x1, s19, s23, $0xb8;
	[tilespmem:$0x15A00] =	vst v63  }
0xce: {  	_ =	swait.ge [sflag:s31], $0xFA0  }
0xcf: {  	[sflag:s31] =	ssyncset.done $0x0  }
0xd0: {  	[sflag:s31] =	ssyncadd.s32 $0xFFFFF060  }
0xd1: {  	[spmem:s1] =	stream.indirect.scatter.add.f32 [tilespmem:s24], [sflag:$0xC], $0x1, s20, s23, $0xb8;
	[tilespmem:$0x15A00] =	vst v63  }
0xd2: {  	_ =	swait.ge [sflag:s14], $0xFA0  }
0xd3: {  	[sflag:s14] =	ssyncset.done $0x0  }
0xd4: {  	[sflag:s14] =	ssyncadd.s32 $0xFFFFF060  }
0xd5: {  	[tilespmem:s24], [sflag:$0x5] =	stream.indirect.gather [spmem:s7], $0x1, s19, s23, $0xb8;
	[tilespmem:$0x15A00] =	vst v63  }
0xd6: {  	_ =	swait.ge [sflag:s15], $0xFA0  }
0xd7: {  	[sflag:s15] =	ssyncset.done $0x0  }
0xd8: {  	[sflag:s15] =	ssyncadd.s32 $0xFFFFF060  }
0xd9: {  	[spmem:s2] =	stream.indirect.scatter.add.f32 [tilespmem:s25], [sflag:$0xC], $0x1, s20, s23, $0xb8;
	[tilespmem:$0x15A00] =	vst v63  }
0xda: {  	_ =	swait.ge [sflag:s14], $0xFA0  }
0xdb: {  	s30 =	sadd.s32 $0x3E8, s30;
	[sflag:s14] =	ssyncset.done $0x0  }
0xdc: {  	p0 =	sne.s32 s30, $0x61A8;
	[sflag:s14] =	ssyncadd.s32 $0xFFFFF060  }
.Ltmp1:
0xdd: {  	_ =	swait.ge [sflag:s31], $0xFA0;
	(pc) =	sbr.rel @p0 .LBB2_4-.Ltmp1, $4  }
0xde: {  	[sflag:s31] =	ssyncset.done $0x0  }
0xdf: {  	[sflag:s31] =	ssyncadd.s32 $0xFFFFF060  }
0xe0: {  	[spmem:s3] =	stream.indirect.scatter.add.f32 [tilespmem:s24], [sflag:$0xC], $0x1, s20, s23, $0xb8;
	[tilespmem:$0x15A00] =	vst v63  }
0xe1: {  	_ =	swait.ge [sflag:s14], $0xFA0  }
0xe2: {  	[sflag:s14] =	ssyncset.done $0x0  }
0xe3: {  	[sflag:s14] =	ssyncadd.s32 $0xFFFFF060  }
0xe4: {  	[bflag:$0x0] =	sbarrier.arrive $0xFFFF  }
0xe5: {  	s4 =	simm.s32 $0xF600;
	s30 =	rddreg [dreg:$0xd]  }
0xe6: {  	[tilespmem:s4], [sflag:$0x7] =	stream.linear.gather [spmem:s30], $0x1900, $0x38;
	[tilespmem:$0x15A00] =	vst v63  }
0xe7: {  	s11 =	simm.s32 $0x10F00;
	s0 =	rddreg [dreg:$0xe]  }
0xe8: {  	[tilespmem:s11], [sflag:$0x8] =	stream.linear.gather [spmem:s0], $0x1900, $0x38;
	[tilespmem:$0x15A00] =	vst v63  }
0xe9: {  	s12 =	simm.s32 $0x12800;
	s26 =	rddreg [dreg:$0xf]  }
0xea: {  	[tilespmem:s12], [sflag:$0x9] =	stream.linear.gather [spmem:s26], $0x1900, $0x38;
	[tilespmem:$0x15A00] =	vst v63  }
0xeb: {  	s26 =	simm.s32 $0x7  }
0xec: {  	_ =	swait.ge [sflag:s26], $0x1900  }
0xed: {  	[sflag:s26] =	ssyncset.done $0x0  }
0xee: {  	[sflag:s26] =	ssyncadd.s32 $0xFFFFE700;
	s26 =	rddreg [dreg:$0x15]  }
0xef: {  	[hbm4b:s26+s8] =	stream.linear.scatter [tilespmem:s4], [sflag:$0xA], $0x1900, $0x38;
	[tilespmem:$0x15A00] =	vst v63  }
0xf0: {  	s26 =	simm.s32 $0x8  }
0xf1: {  	_ =	swait.ge [sflag:s26], $0x1900  }
0xf2: {  	[sflag:s26] =	ssyncset.done $0x0  }
0xf3: {  	[sflag:s26] =	ssyncadd.s32 $0xFFFFE700;
	s26 =	rddreg [dreg:$0x16]  }
0xf4: {  	[hbm4b:s26+s8] =	stream.linear.scatter [tilespmem:s11], [sflag:$0xA], $0x1900, $0x38;
	[tilespmem:$0x15A00] =	vst v63  }
0xf5: {  	s26 =	simm.s32 $0x9  }
0xf6: {  	_ =	swait.ge [sflag:s26], $0x1900  }
0xf7: {  	[sflag:s26] =	ssyncset.done $0x0  }
0xf8: {  	[sflag:s26] =	ssyncadd.s32 $0xFFFFE700;
	s26 =	rddreg [dreg:$0x17]  }
0xf9: {  	[hbm4b:s26+s8] =	stream.linear.scatter [tilespmem:s12], [sflag:$0xA], $0x1900, $0x38;
	[tilespmem:$0x15A00] =	vst v63  }
0xfa: {  	_ =	swait.ge [sflag:s13], $0x1900  }
0xfb: {  	[sflag:s13] =	ssyncset.done $0x0  }
0xfc: {  	[sflag:s13] =	ssyncadd.s32 $0xFFFFE700  }
0xfd: {  	_ =	swait.ge [sflag:s13], $0x1900  }
0xfe: {  	[sflag:s13] =	ssyncset.done $0x0  }
0xff: {  	[sflag:s13] =	ssyncadd.s32 $0xFFFFE700  }
0x100: {  	_ =	swait.ge [sflag:s13], $0x1900  }
0x101: {  	s29 =	sadd.s32 $0x1, s29;
	s26 =	rddreg [dreg:$0x18]  }
0x102: {  	p0 =	sne.s32 s29, s26  }
.Ltmp2:
0x103: {  	_ = 	snop;
	(pc) =	sbr.rel @p0 .LBB2_1-.Ltmp2, $3  }
0x104: {  	_ =	sdelay $0x1  }
0x105: {  	[sflag:s13] =	ssyncset.done $0x0  }
0x106: {  	[sflag:s13] =	ssyncadd.s32 $0xFFFFE700  }
0x107: {  	_ =	sfence.sel $0x180000  }
0x108: {  	[bflag:$0x0] =	sbarrier.arrive $0xFFFF  }
0x109: {  	_ =	strace $0x90000053  }
0x10a: {  	s0 =	stileid.u32;
	[bflag:$0x2] =	sbarrier.arrive $0xFFFF  }
0x10b: {  	p0 =	sne.s32 s0, $0x0;
	s0 =	rddreg [dreg:$0x7]  }
0x10c: {  	s0 =	sadd.s32 @!p0 $0x100000, s0  }
0x10d: {  	[sflag:s0] =	ssyncadd.tile.s32 @!p0 $0x1;
	_ =	shalt  }
.Lfunc_end2:
_tile_overlayer_lowered:
.L_overlay_start_2:
0x10e: {  	(tag) =	ssettag $0x2  }
0x10f: {  	s0 =	rddreg [dreg:$0x0];
	s2 =	stileid.u32  }
0x110: {  	s1 =	rddreg [dreg:$0x1];
	p0 =	sne.s32 s2, $0x0  }
0x111: {  	s3 =	rddreg [dreg:$0x2];
	[bflag:$0x3] =	sbarrier.arrive $0xFFFF;
	s2 =	simm.s32 @!p0 $0x1C0C  }
0x112: {  	[timem:s3], [sflag:s2] =	dma.local @!p0 [hbm:s0], s1  }
0x113: {  	s0 =	simm.s32 @!p0 $0xC  }
0x114: {  	_ =	swait.ge @!p0 [sflag:s0], s1  }
0x115: {  	s1 =	ssub.s32 @!p0 $0x0, s1;
	[sflag:s0] =	ssyncset.done @!p0 $0x0  }
0x116: {  	[sflag:s0] =	ssyncadd.s32 @!p0 s1  }
0x117: {  	[bflag:$0x3] =	sbarrier.arrive $0xFFFF  }
0x118: {  	_ =	shalt  }

// kernel: kernel.23.cloned.1.call-start
scs
__scs_entry_jumppad:
0x0: {  	(pc) =	sbr.rel $0x88, $3  }
0x1: {  	(tag) =	ssettag $0x0;
	lr =	simm.s32 $0x1  }
0x2: {  	[smem:$0x3F92] =	sst lr;
	_ =	strace $0xD0000000  }
0x3: {  	_ = 	snop  }
0x4: {  	_ = 	snop  }
0x5: {  	_ = 	snop  }
0x6: {  	_ = 	snop  }
0x7: {  	_ = 	snop  }
__scs_overlays_trampoline_lowered:
0x8: {  	[smem:$0x3FA1] =	sst s0  }
0x9: {  	[smem:$0x3FA2] =	sst s1  }
0xa: {  	[smem:$0x3FA3] =	sst s2  }
0xb: {  	[smem:$0x3FA4] =	sst s3  }
0xc: {  	[smem:$0x3FA5] =	sst s4  }
0xd: {  	[smem:$0x3FA6] =	sst s5  }
0xe: {  	[smem:$0x3FA7] =	sst s6  }
0xf: {  	[smem:$0x3FA8] =	sst s7  }
0x10: {  	[smem:$0x3FA9] =	sst s8  }
0x11: {  	[smem:$0x3FAA] =	sst s9;
	s0 =	simm.s32 @!p0 $0x0  }
0x12: {  	s1 =	sld [smem:$0x3F90];
	s0 =	simm.s32 @p0 $0x1  }
0x13: {  	[smem:$0x3FAB] =	sst s0;
	s0 =	simm.s32 @!p1 $0x0  }
0x14: {  	s2 =	sld [smem:$0x3F8F];
	s0 =	simm.s32 @p1 $0x1  }
0x15: {  	[smem:$0x3FAC] =	sst s0;
	s0 =	simm.s32 @!p2 $0x0  }
0x16: {  	s3 =	sld [smem:$0x3FDB];
	s0 =	simm.s32 @p2 $0x1  }
0x17: {  	s4 =	simm.s32 $0x1BF5;
	[smem:$0x3FAE] =	sst s0  }
0x18: {  	s0 =	sld [smem:$0x3F91];
	_ =	swait.ge [sflag:s4], $0x0  }
0x19: {  	s7 =	sld [smem:$0x3F92]  }
0x1a: {  	s8 =	sadd.s32 $0xFFFFE003, lr  }
0x1b: {  	s9 =	sadd.s32 $0xFFFFFEF7, lr;
	s5 =	simm.s32 $0xFFFFFFFF;
	p2 =	slt.u32 s8, $0xFFFFF086  }
0x1c: {  	p1 =	slt.u32 s9, $0xF7A;
	s5 =	simm.s32 @!p2 $0x0  }
0x1d: {  	s5 =	simm.s32 @p1 $0x1;
	p0 =	seq.s32 s7, s2  }
0x1e: {  	s7 =	smul.u32 @!p0 $0xF7A, s2;
	p2 =	seq.s32 @!p0 s5, $0x0  }
0x1f: {  	s9 =	smul.u32 $0xF7A, s1;
	s8 =	simm.s32 @!p0 $0x1BF5;
	p2 =	por !p2, p0  }
0x20: {  	[sflag:s8] =	ssyncset.s32 @!p0 $0xFFFFF086;
	s6 =	sadd.s32 @!p0 s3, s7;
	s7 =	simm.s32 @!p0 $0x108  }
0x21: {  	s3 =	sadd.s32 s3, s9;
	s6 =	sadd.s32 @!p0 $0x88, s6;
	s7 =	simm.s32 @p2 $0x1082  }
0x22: {  	[simem:s7], [sflag:s8] =	dma.local @!p0 [hbm:s6], $0xF7A  }
0x23: {  	s9 =	sor.u32 $0xD0000000, s2;
	s6 =	simm.s32 $0x108;
	_ =	swait.ge @!p0 [sflag:s8], $0x0  }
0x24: {  	s3 =	sadd.s32 $0x88, s3;
	s6 =	simm.s32 @!p1 $0x1082;
	[sflag:s4] =	ssyncset.s32 $0xFFFFF086  }
0x25: {  	[simem:s6], [sflag:s4] =	dma.local [hbm:s3], $0xF7A  }
0x26: {  	[smem:$0x3F92] =	sst s1;
	(tag) =	ssettag s2;
	_ =	strace s9  }
0x27: {  	s1 =	sld [smem:$0x3FA2]  }
0x28: {  	s2 =	sld [smem:$0x3FA3]  }
0x29: {  	s4 =	sld [smem:$0x3FA5]  }
0x2a: {  	p0 =	seq.s32 s5, $0x0;
	s5 =	sld [smem:$0x3FA6]  }
0x2b: {  	s6 =	sld [smem:$0x3FA7]  }
0x2c: {  	s7 =	sld [smem:$0x3FA8]  }
0x2d: {  	s3 =	simm.s32 $0x108;
	s8 =	sld [smem:$0x3FA9]  }
0x2e: {  	s3 =	simm.s32 @!p0 $0x1082;
	s9 =	sld [smem:$0x3FAA]  }
0x2f: {  	lr =	sadd.s32 s0, s3;
	s0 =	sld [smem:$0x3FA1]  }
0x30: {  	s3 =	sld [smem:$0x3FA4]  }
0x31: {  	[smem:$0x3FAD] =	sst s10  }
0x32: {  	s10 =	sld [smem:$0x3FAB];
	_ =	sdelay $0x3  }
0x33: {  	p0 =	seq.s32 s10, $0x1;
	s10 =	sld [smem:$0x3FAD];
	_ =	sdelay $0x3  }
0x34: {  	[smem:$0x3FAD] =	sst s10  }
0x35: {  	s10 =	sld [smem:$0x3FAC];
	_ =	sdelay $0x3  }
0x36: {  	p1 =	seq.s32 s10, $0x1;
	s10 =	sld [smem:$0x3FAD];
	_ =	sdelay $0x3  }
0x37: {  	[smem:$0x3FAD] =	sst s10  }
0x38: {  	s10 =	sld [smem:$0x3FAE]  }
0x39: {  	_ = 	snop;
	(pc) =	sbr.ind lr, $3  }
0x3a: {  	_ = 	snop  }
0x3b: {  	_ = 	snop  }
0x3c: {  	p2 =	seq.s32 s10, $0x1;
	s10 =	sld [smem:$0x3FAD]  }
0x3d: {  	_ =	shalt  }
0x3e: {  	_ =	shalt  }
0x3f: {  	_ =	shalt  }
0x40: {  	_ =	shalt  }
0x41: {  	_ =	shalt  }
0x42: {  	_ =	shalt  }
0x43: {  	_ =	shalt  }
0x44: {  	_ =	shalt  }
0x45: {  	_ =	shalt  }
0x46: {  	_ =	shalt  }
0x47: {  	_ =	shalt  }
0x48: {  	_ =	shalt  }
0x49: {  	_ =	shalt  }
0x4a: {  	_ =	shalt  }
0x4b: {  	_ =	shalt  }
0x4c: {  	_ =	shalt  }
0x4d: {  	_ =	shalt  }
0x4e: {  	_ =	shalt  }
0x4f: {  	_ =	shalt  }
0x50: {  	_ =	shalt  }
0x51: {  	_ =	shalt  }
0x52: {  	_ =	shalt  }
0x53: {  	_ =	shalt  }
0x54: {  	_ =	shalt  }
0x55: {  	_ =	shalt  }
0x56: {  	_ =	shalt  }
0x57: {  	_ =	shalt  }
0x58: {  	_ =	shalt  }
0x59: {  	_ =	shalt  }
0x5a: {  	_ =	shalt  }
0x5b: {  	_ =	shalt  }
0x5c: {  	_ =	shalt  }
0x5d: {  	_ =	shalt  }
0x5e: {  	_ =	shalt  }
0x5f: {  	_ =	shalt  }
0x60: {  	_ =	shalt  }
0x61: {  	_ =	shalt  }
0x62: {  	_ =	shalt  }
0x63: {  	_ =	shalt  }
0x64: {  	_ =	shalt  }
0x65: {  	_ =	shalt  }
0x66: {  	_ =	shalt  }
0x67: {  	_ =	shalt  }
0x68: {  	_ =	shalt  }
0x69: {  	_ =	shalt  }
0x6a: {  	_ =	shalt  }
0x6b: {  	_ =	shalt  }
0x6c: {  	_ =	shalt  }
0x6d: {  	_ =	shalt  }
0x6e: {  	_ =	shalt  }
0x6f: {  	_ =	shalt  }
0x70: {  	_ =	shalt  }
0x71: {  	_ =	shalt  }
0x72: {  	_ =	shalt  }
0x73: {  	_ =	shalt  }
0x74: {  	_ =	shalt  }
0x75: {  	_ =	shalt  }
0x76: {  	_ =	shalt  }
0x77: {  	_ =	shalt  }
0x78: {  	_ =	shalt  }
0x79: {  	_ =	shalt  }
0x7a: {  	_ =	shalt  }
0x7b: {  	_ =	shalt  }
0x7c: {  	_ =	shalt  }
0x7d: {  	_ =	shalt  }
0x7e: {  	_ =	shalt  }
0x7f: {  	_ =	shalt  }
0x80: {  	_ =	shalt  }
0x81: {  	_ =	shalt  }
0x82: {  	_ =	shalt  }
0x83: {  	_ =	shalt  }
0x84: {  	_ =	shalt  }
0x85: {  	_ =	shalt  }
0x86: {  	_ =	shalt  }
0x87: {  	_ =	shalt  }
.Lfunc_end0:
.L_simem_size_0:
called_computation.5_lowered:
.L_overlay_start_0:
0x88: {  	s2 =	sld [smem:$0x3FD9]  }
0x89: {  	s3 =	sld [smem:$0x3FFE];
	_ =	sdelay $0x1  }
0x8a: {  	s1 =	srdreg.scid  }
0x8b: {  	s0 =	sand.u32 $0x1, s1  }
0x8c: {  	s16 =	sshll.u32 s0, $0xA;
	s2 =	sadd.s32 s3, s2  }
0x8d: {  	s2 =	sadd.s32 s2, s16  }
0x8e: {  	[smem:$0x3FB9] =	sst s2  }
0x8f: {  	_ = 	snop  }
0x90: {  	(tm) =	ssettm $0x1  }
0x91: {  	s17 =	sld [smem:$0x3FFB];
	_ =	sdelay $0x3  }
0x92: {  	_ =	strace s17  }
0x93: {  	s2 =	sld [smem:$0x3FFC];
	_ =	sdelay $0x3  }
0x94: {  	_ =	strace s2  }
0x95: {  	s2 =	sld [smem:$0x3FFD];
	_ =	sdelay $0x3  }
0x96: {  	_ =	strace s2  }
0x97: {  	_ =	strace $0x8FFFFFFF  }
0x98: {  	s18 =	sld [smem:$0x3FDB];
	_ =	sdelay $0x1  }
0x99: {  	s19 =	simm.s32 $_scs_section_size  }
0x9a: {  	s4 =	simm.s32 $_size__tile_overlayer_lowered;
	s5 =	simm.s32 $_tile_overlayer_lowered  }
0x9b: {  	s22 =	simm.s32 $0x1BFF;
	s21 =	sshll.u32 s5, $0x1;
	s2 =	sadd.s32 s19, s18  }
0x9c: {  	s6 =	simm.s32 $0x0;
	s20 =	sshll.u32 s4, $0x1;
	s4 =	sadd.s32 s21, s2  }
0x9d: {  	[timem:s6], [sflag:s22] =	dma.local [hbm:s4], s20  }
0x9e: {  	_ =	swait.ge [sflag:s22], s20  }
0x9f: {  	s3 =	ssub.s32 $0x0, s20;
	[sflag:s22] =	ssyncset.done $0x0  }
0xa0: {  	[sflag:s22] =	ssyncadd.s32 s3;
	_ =	sdelay $0x1  }
0xa1: {  	s23 =	simm.s32 $0x1B8B  }
0xa2: {  	_ =	swait.ge [sflag:s23], $0x1  }
0xa3: {  	[sflag:s23] =	ssyncset.done $0x0  }
0xa4: {  	s25 =	simm.s32 $0x1B8E;
	s24 =	sld [smem:$0x3FFE];
	[sflag:s23] =	ssyncadd.s32 $0xFFFFFFFF  }
0xa5: {  	s26 =	simm.s32 $execute0_lowered;
	[smem:$0x3FD2] =	sst s25  }
0xa6: {  	s4 =	sshll.u32 s26, $0x1;
	_ =	strace $0x80000055;
	[dreg:$0x1] =	wrdreg $0xFFFFFFFF  }
0xa7: {  	s28 =	simm.s32 $_size_execute0_lowered;
	s2 =	sadd.s32 s2, s4;
	[dreg:$0x0] =	wrdreg $0x0  }
0xa8: {  	s4 =	sshll.u32 s28, $0x1;
	[dreg:$0x2] =	wrdreg s2  }
0xa9: {  	[dreg:$0x3] =	wrdreg s4  }
0xaa: {  	[dreg:$0x4] =	wrdreg $0xC0  }
0xab: {  	_ =	task [dreg:s6], $0x5FFFF  }
0xac: {  	[dreg:$0x1] =	wrdreg $0xFFFFFFFF  }
0xad: {  	[dreg:$0x0] =	wrdreg $0x60  }
0xae: {  	[dreg:$0x2] =	wrdreg s24  }
0xaf: {  	[dreg:$0x3] =	wrdreg $0x19000  }
0xb0: {  	[dreg:$0x4] =	wrdreg $0x0  }
0xb1: {  	[dreg:$0x5] =	wrdreg $0x9  }
0xb2: {  	_ =	task.clear_ibuf [dreg:s6], $0x6FFFF;
	_ =	strace $0x90000055  }
0xb3: {  	s29 =	simm.s32 $0x9;
	_ =	strace $0x80000057  }
0xb4: {  	_ =	swait.ge [sflag:s29], $0x1  }
0xb5: {  	[sflag:s29] =	ssyncadd.s32 $0xFFFFFFFF  }
0xb6: {  	_ =	strace $0x90000057  }
0xb7: {  	_ =	sfence  }
0xb8: {  	s30 =	sld [smem:$0x0];
	_ =	sdelay $0x2  }
0xb9: {  	s31 =	sshll.u32 s1, $0xD;
	s1 =	sshrl.u32 s1, $0x2  }
0xba: {  	s3 =	sand.u32 $0x4000, s31;
	s1 =	sadd.s32 s1, s30  }
0xbb: {  	s0 =	sor.u32 s3, s0;
	s1 =	sshll.u32 s1, $0x11  }
0xbc: {  	s0 =	sor.u32 s1, s0  }
0xbd: {  	s0 =	sadd.s32 $0x8F2B, s0  }
0xbe: {  	[sflag:s0] =	ssyncadd.remote.s32 $0x1  }
0xbf: {  	_ =	sfence.sel $0xFFFF  }
0xc0: {  	[dreg:$0x0] =	wrdreg $0xFFFFFFFF;
	(pc) =	sbr.abs _section_cstart, $3  }
0xc1: {  	[dreg:$0x1] =	wrdreg $0xFFFFFFFF  }
0xc2: {  	_ =	task.clear_ibuf [dreg:s6], $0x2FFFF;
	_ =	strace $0x9FFFFFFF  }
0xc3: {  	(tm) =	ssettm $0x7FFFFFFF  }
tec
execute0_lowered:
.L_overlay_start_1:
0x0: {  	(tag) =	ssettag $0x1  }
0x1: {  	s0 =	rddreg [dreg:$0x0]  }
0x2: {  	s1 =	rddreg [dreg:$0x1]  }
0x3: {  	s3 =	rddreg [dreg:$0x2];
	s4 =	simm.s32 $0x0  }
0x4: {  	s13 =	stileid.u32;
	s5 =	srdreg.scid;
	s28 =	simm.s32 $0x6200  }
0x5: {  	s29 =	simm.s32 $0x1;
	s30 =	simm.s32 $0x3;
	s31 =	simm.s32 $0xFA0  }
0x6: {  	[smem:$0x7FF] =	sst s4;
	s2 =	smul.u32 $0x1900, s13;
	s7 =	sand.u32 $0x1, s5  }
0x7: {  	s5 =	sadd.s32 $0xC6400, s0;
	s6 =	sadd.s32 $0x2E00, s0;
	s19 =	smul.u32 $0x30D40, s13  }
0x8: {  	_ =	strace $0x80000056;
	s9 =	smul.u32 $0x19000, s7;
	s10 =	sshll.u32 s7, $0x4  }
0x9: {  	s11 =	ssub.s32 $0x2, s7;
	s7 =	smul.u32 $0x30D400, s7;
	s8 =	sshrl.u32 s2, $0x3  }
0xa: {  	s10 =	sor.u32 s13, s10;
	s12 =	sshrl.u32 s11, $0x1;
	s8 =	sadd.s32 s8, s0  }
0xb: {  	s9 =	sadd.s32 s2, s9;
	s10 =	smul.u32 $0x30D40, s10;
	s18 =	ssub.s32 s11, s12  }
0xc: {  	s22 =	sadd.s32 s19, s7;
	s19 =	simm.s32 $0x8200;
	s9 =	sshrl.u32 s9, $0x3  }
0xd: {  	s8 =	sadd.s32 $0x189A00, s8;
	s23 =	smax.u32 s18, $0x1;
	s7 =	sadd.s32 $0xFA0, s22  }
0xe: {  	s16 =	sadd.s32 $0x1F40, s22;
	s0 =	sadd.s32 s9, s0;
	[dreg:$0x4] =	wrdreg s8  }
0xf: {  	s10 =	sshrl.u32 s10, $0x3;
	s8 =	sadd.s32 s2, s1;
	s2 =	sadd.s32 s2, s3  }
0x10: {  	[dreg:$0x9] =	wrdreg s23;
	s26 =	sshrl.u32 s7, $0x3;
	s23 =	simm.s32 $0x7  }
0x11: {  	s7 =	simm.s32 $0x2;
	s9 =	simm.s32 $0x4;
	[dreg:$0x5] =	wrdreg s2  }
0x12: {  	s20 =	sadd.s32 s5, s10;
	s21 =	sadd.s32 s6, s10;
	s0 =	sadd.s32 $0x18CC00, s0  }
0x13: {  	s24 =	sadd.s32 $0x5FB4, s10;
	s17 =	sadd.s32 s26, s6;
	[dreg:$0x6] =	wrdreg s20  }
0x14: {  	s18 =	sadd.s32 s26, s5;
	s26 =	simm.s32 $0x4200;
	[dreg:$0x7] =	wrdreg s21  }
0x15: {  	s10 =	simm.s32 $0x0;
	[dreg:$0x8] =	wrdreg s0;
	s25 =	sadd.s32 s5, s24  }
0x16: {  	s2 =	sadd.s32 s6, s24;
	s21 =	simm.s32 $0x6;
	s24 =	simm.s32 $0x3200  }
0x17: {  	s0 =	simm.s32 $0x7200;
	s20 =	simm.s32 $0x9;
	[dreg:$0xa] =	wrdreg s25  }
0x18: {  	v0 =	vimm.f32 $0.0e+00;
	[dreg:$0xb] =	wrdreg s2;
	s25 =	simm.s32 $0x5200;
	s2 =	simm.s32 $0x5  }
.LBB2_1:
0x19: {  	s11 =	rddreg [dreg:$0x4]  }
0x1a: {  	[tilespmem:s19], [sflag:$0x6] =	stream.linear.gather [hbm4b:s11+s4], $0x1900, $0x38;
	[tilespmem:$0xB400] =	vst v63  }
0x1b: {  	s12 =	simm.s32 $0x0;
	s11 =	simm.s32 $0x40  }
.LBB2_2:
0x1c: {  	p0 =	sne.s32 s11, $0x63C0;
	[tilespmem:s12+$0x9B00] =	vst v0;
	s12 =	smov.u32 s11;
	s11 =	sadd.s32 $0x40, s11  }
.Ltmp0:
0x1d: {  	(pc) =	sbr.rel @p0 .LBB2_2-.Ltmp0, $2  }
0x1e: {  	_ =	sdelay $0x2  }
0x1f: {  	s12 =	sshra.s32 s12, $0x2  }
0x20: {  	[tilespmem:s12+$0x9B00] =	vst v0;
	s11 =	simm.s32 $0x9B00  }
0x21: {  	[spmem:s8] =	stream.linear.scatter [tilespmem:s11], [sflag:$0x8], $0x1900, $0x38;
	[tilespmem:$0xB400] =	vst v63  }
0x22: {  	_ =	swait.ge [sflag:s21], $0x1900  }
0x23: {  	[sflag:s21] =	ssyncset.done $0x0  }
0x24: {  	s13 =	simm.s32 $0x8;
	s12 =	rddreg [dreg:$0x5];
	[sflag:s21] =	ssyncadd.s32 $0xFFFFE700  }
0x25: {  	[spmem:s12] =	stream.linear.scatter [tilespmem:s19], [sflag:$0x7], $0x1900, $0x38;
	[tilespmem:$0xB400] =	vst v63  }
0x26: {  	_ =	swait.ge [sflag:s13], $0x1900  }
0x27: {  	[sflag:s13] =	ssyncset.done $0x0  }
0x28: {  	[sflag:s13] =	ssyncadd.s32 $0xFFFFE700  }
0x29: {  	_ =	swait.ge [sflag:s23], $0x1900  }
0x2a: {  	[sflag:s23] =	ssyncset.done $0x0  }
0x2b: {  	[sflag:s23] =	ssyncadd.s32 $0xFFFFE700  }
0x2c: {  	[bflag:$0x0] =	sbarrier.arrive $0xFFFF  }
0x2d: {  	s14 =	simm.s32 $0x0;
	s15 =	rddreg [dreg:$0x6]  }
0x2e: {  	[tilespmem:s24], [sflag:$0x1] =	stream.linear.gather [hbm4b:s15+s14], $0xFA0, $0x38;
	[tilespmem:$0xB400] =	vst v63  }
0x2f: {  	s22 =	rddreg [dreg:$0x7]  }
0x30: {  	[tilespmem:s25], [sflag:$0x3] =	stream.linear.gather [hbm4b:s22+s14], $0xFA0, $0x38;
	[tilespmem:$0xB400] =	vst v63  }
0x31: {  	s13 =	sadd.s32 $0x0, s18  }
0x32: {  	[tilespmem:s26], [sflag:$0x2] =	stream.linear.gather [hbm4b:s13+s4], $0xFA0, $0x38;
	[tilespmem:$0xB400] =	vst v63  }
0x33: {  	s14 =	sadd.s32 $0x0, s17  }
0x34: {  	[tilespmem:s28], [sflag:$0x4] =	stream.linear.gather [hbm4b:s14+s4], $0xFA0, $0x38;
	[tilespmem:$0xB400] =	vst v63  }
0x35: {  	_ =	swait.ge [sflag:s29], $0xFA0  }
0x36: {  	[sflag:s29] =	ssyncset.done $0x0  }
0x37: {  	[sflag:s29] =	ssyncadd.s32 $0xFFFFF060  }
0x38: {  	_ =	swait.ge [sflag:s30], $0xFA0  }
0x39: {  	[sflag:s30] =	ssyncset.done $0x0  }
0x3a: {  	[sflag:s30] =	ssyncadd.s32 $0xFFFFF060  }
0x3b: {  	[tilespmem:s0], [sflag:$0x5] =	stream.indirect.gather [spmem:s3], $0x1, s24, s31, $0xb8;
	[tilespmem:$0xB400] =	vst v63  }
0x3c: {  	_ =	swait.ge [sflag:s2], $0xFA0  }
0x3d: {  	[sflag:s2] =	ssyncset.done $0x0  }
0x3e: {  	[sflag:s2] =	ssyncadd.s32 $0xFFFFF060  }
0x3f: {  	[spmem:s1] =	stream.indirect.scatter.add.f32 [tilespmem:s0], [sflag:$0x9], $0x1, s25, s31, $0xb8;
	[tilespmem:$0xB400] =	vst v63  }
0x40: {  	_ =	swait.ge [sflag:s20], $0xFA0  }
0x41: {  	s15 =	sshrl.u32 s16, $0x3;
	[sflag:s20] =	ssyncset.done $0x0  }
0x42: {  	s22 =	sadd.s32 s5, s15;
	[sflag:s20] =	ssyncadd.s32 $0xFFFFF060  }
0x43: {  	[tilespmem:s24], [sflag:$0x1] =	stream.linear.gather [hbm4b:s22+s4], $0xFA0, $0x38;
	[tilespmem:$0xB400] =	vst v63  }
0x44: {  	s11 =	sadd.s32 s6, s15  }
0x45: {  	[tilespmem:s25], [sflag:$0x3] =	stream.linear.gather [hbm4b:s11+s4], $0xFA0, $0x38;
	[tilespmem:$0xB400] =	vst v63  }
0x46: {  	_ =	swait.ge [sflag:s7], $0xFA0  }
0x47: {  	[sflag:s7] =	ssyncset.done $0x0  }
0x48: {  	[sflag:s7] =	ssyncadd.s32 $0xFFFFF060  }
0x49: {  	_ =	swait.ge [sflag:s9], $0xFA0  }
0x4a: {  	[sflag:s9] =	ssyncset.done $0x0  }
0x4b: {  	[sflag:s9] =	ssyncadd.s32 $0xFFFFF060  }
0x4c: {  	[tilespmem:s0], [sflag:$0x5] =	stream.indirect.gather [spmem:s3], $0x1, s26, s31, $0xb8;
	[tilespmem:$0xB400] =	vst v63  }
0x4d: {  	_ =	swait.ge [sflag:s2], $0xFA0  }
0x4e: {  	[sflag:s2] =	ssyncset.done $0x0  }
0x4f: {  	[sflag:s2] =	ssyncadd.s32 $0xFFFFF060  }
0x50: {  	[spmem:s1] =	stream.indirect.scatter.add.f32 [tilespmem:s0], [sflag:$0x9], $0x1, s28, s31, $0xb8;
	[tilespmem:$0xB400] =	vst v63  }
0x51: {  	s12 =	simm.s32 $0x3E8;
	_ =	swait.ge [sflag:s20], $0xFA0  }
0x52: {  	s13 =	simm.s32 $0x7D0;
	s11 =	sadd.s32 $0x1F40, s16;
	[sflag:s20] =	ssyncset.done $0x0  }
.LBB2_4:
0x53: {  	s15 =	sadd.s32 s12, s18  }
0x54: {  	[sflag:s20] =	ssyncadd.s32 $0xFFFFF060;
	s22 =	smov.u32 s13;
	s14 =	sadd.s32 $0x3E8, s13  }
0x55: {  	[tilespmem:s26], [sflag:$0x2] =	stream.linear.gather [hbm4b:s15+s4], $0xFA0, $0x38;
	[tilespmem:$0xB400] =	vst v63  }
0x56: {  	p0 =	sne.s32 s13, $0x59D8;
	s13 =	sadd.s32 s12, s17;
	s12 =	smov.u32 s22  }
0x57: {  	[tilespmem:s28], [sflag:$0x4] =	stream.linear.gather [hbm4b:s13+s4], $0xFA0, $0x38;
	[tilespmem:$0xB400] =	vst v63  }
0x58: {  	_ =	swait.ge [sflag:s29], $0xFA0  }
0x59: {  	[sflag:s29] =	ssyncset.done $0x0  }
0x5a: {  	[sflag:s29] =	ssyncadd.s32 $0xFFFFF060  }
0x5b: {  	_ =	swait.ge [sflag:s30], $0xFA0  }
0x5c: {  	[sflag:s30] =	ssyncset.done $0x0  }
0x5d: {  	[sflag:s30] =	ssyncadd.s32 $0xFFFFF060  }
0x5e: {  	[tilespmem:s0], [sflag:$0x5] =	stream.indirect.gather [spmem:s3], $0x1, s24, s31, $0xb8;
	[tilespmem:$0xB400] =	vst v63  }
0x5f: {  	_ =	swait.ge [sflag:s2], $0xFA0  }
0x60: {  	[sflag:s2] =	ssyncset.done $0x0  }
0x61: {  	[sflag:s2] =	ssyncadd.s32 $0xFFFFF060  }
0x62: {  	[spmem:s1] =	stream.indirect.scatter.add.f32 [tilespmem:s0], [sflag:$0x9], $0x1, s25, s31, $0xb8;
	[tilespmem:$0xB400] =	vst v63  }
0x63: {  	_ =	swait.ge [sflag:s20], $0xFA0  }
0x64: {  	s13 =	sshrl.u32 s11, $0x3;
	[sflag:s20] =	ssyncset.done $0x0  }
0x65: {  	s15 =	sadd.s32 s5, s13;
	[sflag:s20] =	ssyncadd.s32 $0xFFFFF060  }
0x66: {  	[tilespmem:s24], [sflag:$0x1] =	stream.linear.gather [hbm4b:s15+s4], $0xFA0, $0x38;
	[tilespmem:$0xB400] =	vst v63  }
0x67: {  	s13 =	sadd.s32 s6, s13  }
0x68: {  	[tilespmem:s25], [sflag:$0x3] =	stream.linear.gather [hbm4b:s13+s4], $0xFA0, $0x38;
	[tilespmem:$0xB400] =	vst v63  }
0x69: {  	_ =	swait.ge [sflag:s7], $0xFA0  }
0x6a: {  	[sflag:s7] =	ssyncset.done $0x0  }
0x6b: {  	[sflag:s7] =	ssyncadd.s32 $0xFFFFF060  }
0x6c: {  	_ =	swait.ge [sflag:s9], $0xFA0  }
0x6d: {  	[sflag:s9] =	ssyncset.done $0x0  }
0x6e: {  	[sflag:s9] =	ssyncadd.s32 $0xFFFFF060  }
0x6f: {  	[tilespmem:s0], [sflag:$0x5] =	stream.indirect.gather [spmem:s3], $0x1, s26, s31, $0xb8;
	[tilespmem:$0xB400] =	vst v63  }
0x70: {  	_ =	swait.ge [sflag:s2], $0xFA0  }
.Ltmp1:
0x71: {  	[sflag:s2] =	ssyncset.done $0x0;
	(pc) =	sbr.rel @p0 .LBB2_4-.Ltmp1, $4  }
0x72: {  	[sflag:s2] =	ssyncadd.s32 $0xFFFFF060  }
0x73: {  	[spmem:s1] =	stream.indirect.scatter.add.f32 [tilespmem:s0], [sflag:$0x9], $0x1, s28, s31, $0xb8;
	[tilespmem:$0xB400] =	vst v63  }
0x74: {  	_ =	swait.ge [sflag:s20], $0xFA0  }
0x75: {  	s11 =	sadd.s32 $0x1F40, s11;
	s13 =	smov.u32 s14;
	[sflag:s20] =	ssyncset.done $0x0  }
0x76: {  	s13 =	sadd.s32 s12, s18;
	[sflag:s20] =	ssyncadd.s32 $0xFFFFF060  }
0x77: {  	[tilespmem:s26], [sflag:$0x2] =	stream.linear.gather [hbm4b:s13+s4], $0xFA0, $0x38;
	[tilespmem:$0xB400] =	vst v63  }
0x78: {  	s15 =	sadd.s32 s12, s17  }
0x79: {  	[tilespmem:s28], [sflag:$0x4] =	stream.linear.gather [hbm4b:s15+s4], $0xFA0, $0x38;
	[tilespmem:$0xB400] =	vst v63  }
0x7a: {  	_ =	swait.ge [sflag:s29], $0xFA0  }
0x7b: {  	[sflag:s29] =	ssyncset.done $0x0  }
0x7c: {  	[sflag:s29] =	ssyncadd.s32 $0xFFFFF060  }
0x7d: {  	_ =	swait.ge [sflag:s30], $0xFA0  }
0x7e: {  	[sflag:s30] =	ssyncset.done $0x0  }
0x7f: {  	[sflag:s30] =	ssyncadd.s32 $0xFFFFF060  }
0x80: {  	[tilespmem:s0], [sflag:$0x5] =	stream.indirect.gather [spmem:s3], $0x1, s24, s31, $0xb8;
	[tilespmem:$0xB400] =	vst v63  }
0x81: {  	_ =	swait.ge [sflag:s2], $0xFA0  }
0x82: {  	[sflag:s2] =	ssyncset.done $0x0  }
0x83: {  	[sflag:s2] =	ssyncadd.s32 $0xFFFFF060  }
0x84: {  	[spmem:s1] =	stream.indirect.scatter.add.f32 [tilespmem:s0], [sflag:$0x9], $0x1, s25, s31, $0xb8;
	[tilespmem:$0xB400] =	vst v63  }
0x85: {  	_ =	swait.ge [sflag:s20], $0xFA0  }
0x86: {  	s11 =	sshrl.u32 s11, $0x3;
	[sflag:s20] =	ssyncset.done $0x0  }
0x87: {  	s22 =	sadd.s32 s5, s11;
	[sflag:s20] =	ssyncadd.s32 $0xFFFFF060  }
0x88: {  	[tilespmem:s24], [sflag:$0x1] =	stream.linear.gather [hbm4b:s22+s4], $0xFA0, $0x38;
	[tilespmem:$0xB400] =	vst v63  }
0x89: {  	s11 =	sadd.s32 s6, s11  }
0x8a: {  	[tilespmem:s25], [sflag:$0x3] =	stream.linear.gather [hbm4b:s11+s4], $0xFA0, $0x38;
	[tilespmem:$0xB400] =	vst v63  }
0x8b: {  	_ =	swait.ge [sflag:s7], $0xFA0  }
0x8c: {  	[sflag:s7] =	ssyncset.done $0x0  }
0x8d: {  	[sflag:s7] =	ssyncadd.s32 $0xFFFFF060  }
0x8e: {  	_ =	swait.ge [sflag:s9], $0xFA0  }
0x8f: {  	[sflag:s9] =	ssyncset.done $0x0  }
0x90: {  	[sflag:s9] =	ssyncadd.s32 $0xFFFFF060  }
0x91: {  	[tilespmem:s0], [sflag:$0x5] =	stream.indirect.gather [spmem:s3], $0x1, s26, s31, $0xb8;
	[tilespmem:$0xB400] =	vst v63  }
0x92: {  	_ =	swait.ge [sflag:s2], $0xFA0  }
0x93: {  	[sflag:s2] =	ssyncset.done $0x0  }
0x94: {  	[sflag:s2] =	ssyncadd.s32 $0xFFFFF060  }
0x95: {  	[spmem:s1] =	stream.indirect.scatter.add.f32 [tilespmem:s0], [sflag:$0x9], $0x1, s28, s31, $0xb8;
	[tilespmem:$0xB400] =	vst v63  }
0x96: {  	_ =	swait.ge [sflag:s20], $0xFA0  }
0x97: {  	[sflag:s20] =	ssyncset.done $0x0  }
0x98: {  	s13 =	rddreg [dreg:$0xa];
	[sflag:s20] =	ssyncadd.s32 $0xFFFFF060  }
0x99: {  	[tilespmem:s26], [sflag:$0x2] =	stream.linear.gather [hbm4b:s13+s4], $0xFA0, $0x38;
	[tilespmem:$0xB400] =	vst v63  }
0x9a: {  	s14 =	rddreg [dreg:$0xb]  }
0x9b: {  	[tilespmem:s28], [sflag:$0x4] =	stream.linear.gather [hbm4b:s14+s4], $0xFA0, $0x38;
	[tilespmem:$0xB400] =	vst v63  }
0x9c: {  	_ =	swait.ge [sflag:s29], $0xFA0  }
0x9d: {  	[sflag:s29] =	ssyncset.done $0x0  }
0x9e: {  	[sflag:s29] =	ssyncadd.s32 $0xFFFFF060  }
0x9f: {  	_ =	swait.ge [sflag:s30], $0xFA0  }
0xa0: {  	[sflag:s30] =	ssyncset.done $0x0  }
0xa1: {  	[sflag:s30] =	ssyncadd.s32 $0xFFFFF060  }
0xa2: {  	[tilespmem:s0], [sflag:$0x5] =	stream.indirect.gather [spmem:s3], $0x1, s24, s31, $0xb8;
	[tilespmem:$0xB400] =	vst v63  }
0xa3: {  	_ =	swait.ge [sflag:s2], $0xFA0  }
0xa4: {  	[sflag:s2] =	ssyncset.done $0x0  }
0xa5: {  	[sflag:s2] =	ssyncadd.s32 $0xFFFFF060  }
0xa6: {  	[spmem:s1] =	stream.indirect.scatter.add.f32 [tilespmem:s0], [sflag:$0x9], $0x1, s25, s31, $0xb8;
	[tilespmem:$0xB400] =	vst v63  }
0xa7: {  	_ =	swait.ge [sflag:s20], $0xFA0  }
0xa8: {  	[sflag:s20] =	ssyncset.done $0x0  }
0xa9: {  	[sflag:s20] =	ssyncadd.s32 $0xFFFFF060  }
0xaa: {  	_ =	swait.ge [sflag:s7], $0xFA0  }
0xab: {  	[sflag:s7] =	ssyncset.done $0x0  }
0xac: {  	[sflag:s7] =	ssyncadd.s32 $0xFFFFF060  }
0xad: {  	_ =	swait.ge [sflag:s9], $0xFA0  }
0xae: {  	[sflag:s9] =	ssyncset.done $0x0  }
0xaf: {  	[sflag:s9] =	ssyncadd.s32 $0xFFFFF060  }
0xb0: {  	[tilespmem:s0], [sflag:$0x5] =	stream.indirect.gather [spmem:s3], $0x1, s26, s31, $0xb8;
	[tilespmem:$0xB400] =	vst v63  }
0xb1: {  	_ =	swait.ge [sflag:s2], $0xFA0  }
0xb2: {  	[sflag:s2] =	ssyncset.done $0x0  }
0xb3: {  	[sflag:s2] =	ssyncadd.s32 $0xFFFFF060  }
0xb4: {  	[spmem:s1] =	stream.indirect.scatter.add.f32 [tilespmem:s0], [sflag:$0x9], $0x1, s28, s31, $0xb8;
	[tilespmem:$0xB400] =	vst v63  }
0xb5: {  	_ =	swait.ge [sflag:s20], $0xFA0  }
0xb6: {  	[sflag:s20] =	ssyncset.done $0x0  }
0xb7: {  	[sflag:s20] =	ssyncadd.s32 $0xFFFFF060  }
0xb8: {  	[bflag:$0x0] =	sbarrier.arrive $0xFFFF  }
0xb9: {  	[tilespmem:s19], [sflag:$0x6] =	stream.linear.gather [spmem:s8], $0x1900, $0x38;
	[tilespmem:$0xB400] =	vst v63  }
0xba: {  	_ =	swait.ge [sflag:s21], $0x1900  }
0xbb: {  	[sflag:s21] =	ssyncset.done $0x0  }
0xbc: {  	s15 =	rddreg [dreg:$0x8];
	[sflag:s21] =	ssyncadd.s32 $0xFFFFE700  }
0xbd: {  	[hbm4b:s15+s4] =	stream.linear.scatter [tilespmem:s19], [sflag:$0x7], $0x1900, $0x38;
	[tilespmem:$0xB400] =	vst v63  }
0xbe: {  	_ =	swait.ge [sflag:s23], $0x1900  }
0xbf: {  	s10 =	sadd.s32 $0x1, s10;
	s22 =	rddreg [dreg:$0x9]  }
0xc0: {  	p0 =	sne.s32 s10, s22  }
.Ltmp2:
0xc1: {  	_ = 	snop;
	(pc) =	sbr.rel @p0 .LBB2_1-.Ltmp2, $3  }
0xc2: {  	_ =	sdelay $0x1  }
0xc3: {  	[sflag:s23] =	ssyncset.done $0x0  }
0xc4: {  	[sflag:s23] =	ssyncadd.s32 $0xFFFFE700  }
0xc5: {  	_ =	sfence.sel $0x180000  }
0xc6: {  	[bflag:$0x0] =	sbarrier.arrive $0xFFFF  }
0xc7: {  	_ =	strace $0x90000056  }
0xc8: {  	s0 =	stileid.u32;
	[bflag:$0x2] =	sbarrier.arrive $0xFFFF  }
0xc9: {  	p0 =	sne.s32 s0, $0x0;
	s0 =	rddreg [dreg:$0x3]  }
0xca: {  	s0 =	sadd.s32 @!p0 $0x100000, s0  }
0xcb: {  	[sflag:s0] =	ssyncadd.tile.s32 @!p0 $0x1;
	_ =	shalt  }
.Lfunc_end2:
_tile_overlayer_lowered:
.L_overlay_start_2:
0xcc: {  	(tag) =	ssettag $0x2  }
0xcd: {  	s0 =	rddreg [dreg:$0x0];
	s2 =	stileid.u32  }
0xce: {  	s1 =	rddreg [dreg:$0x1];
	p0 =	sne.s32 s2, $0x0  }
0xcf: {  	s3 =	rddreg [dreg:$0x2];
	[bflag:$0x3] =	sbarrier.arrive $0xFFFF;
	s2 =	simm.s32 @!p0 $0x1C09  }
0xd0: {  	[timem:s3], [sflag:s2] =	dma.local @!p0 [hbm:s0], s1  }
0xd1: {  	s0 =	simm.s32 @!p0 $0x9  }
0xd2: {  	_ =	swait.ge @!p0 [sflag:s0], s1  }
0xd3: {  	s1 =	ssub.s32 @!p0 $0x0, s1;
	[sflag:s0] =	ssyncset.done @!p0 $0x0  }
0xd4: {  	[sflag:s0] =	ssyncadd.s32 @!p0 s1  }
0xd5: {  	[bflag:$0x3] =	sbarrier.arrive $0xFFFF  }
0xd6: {  	_ =	shalt  }

// kernel: kernel.8.cloned.1.call-start
scs
__scs_entry_jumppad:
0x0: {  	(pc) =	sbr.rel $0x88, $3  }
0x1: {  	(tag) =	ssettag $0x0;
	lr =	simm.s32 $0x1  }
0x2: {  	[smem:$0x3F92] =	sst lr;
	_ =	strace $0xD0000000  }
0x3: {  	_ = 	snop  }
0x4: {  	_ = 	snop  }
0x5: {  	_ = 	snop  }
0x6: {  	_ = 	snop  }
0x7: {  	_ = 	snop  }
__scs_overlays_trampoline_lowered:
0x8: {  	[smem:$0x3FA1] =	sst s0  }
0x9: {  	[smem:$0x3FA2] =	sst s1  }
0xa: {  	[smem:$0x3FA3] =	sst s2  }
0xb: {  	[smem:$0x3FA4] =	sst s3  }
0xc: {  	[smem:$0x3FA5] =	sst s4  }
0xd: {  	[smem:$0x3FA6] =	sst s5  }
0xe: {  	[smem:$0x3FA7] =	sst s6  }
0xf: {  	[smem:$0x3FA8] =	sst s7  }
0x10: {  	[smem:$0x3FA9] =	sst s8  }
0x11: {  	[smem:$0x3FAA] =	sst s9;
	s0 =	simm.s32 @!p0 $0x0  }
0x12: {  	s1 =	sld [smem:$0x3F90];
	s0 =	simm.s32 @p0 $0x1  }
0x13: {  	[smem:$0x3FAB] =	sst s0;
	s0 =	simm.s32 @!p1 $0x0  }
0x14: {  	s2 =	sld [smem:$0x3F8F];
	s0 =	simm.s32 @p1 $0x1  }
0x15: {  	[smem:$0x3FAC] =	sst s0;
	s0 =	simm.s32 @!p2 $0x0  }
0x16: {  	s3 =	sld [smem:$0x3FDB];
	s0 =	simm.s32 @p2 $0x1  }
0x17: {  	s4 =	simm.s32 $0x1BF5;
	[smem:$0x3FAE] =	sst s0  }
0x18: {  	s0 =	sld [smem:$0x3F91];
	_ =	swait.ge [sflag:s4], $0x0  }
0x19: {  	s7 =	sld [smem:$0x3F92]  }
0x1a: {  	s8 =	sadd.s32 $0xFFFFE003, lr  }
0x1b: {  	s9 =	sadd.s32 $0xFFFFFEF7, lr;
	s5 =	simm.s32 $0xFFFFFFFF;
	p2 =	slt.u32 s8, $0xFFFFF086  }
0x1c: {  	p1 =	slt.u32 s9, $0xF7A;
	s5 =	simm.s32 @!p2 $0x0  }
0x1d: {  	s5 =	simm.s32 @p1 $0x1;
	p0 =	seq.s32 s7, s2  }
0x1e: {  	s7 =	smul.u32 @!p0 $0xF7A, s2;
	p2 =	seq.s32 @!p0 s5, $0x0  }
0x1f: {  	s9 =	smul.u32 $0xF7A, s1;
	s8 =	simm.s32 @!p0 $0x1BF5;
	p2 =	por !p2, p0  }
0x20: {  	[sflag:s8] =	ssyncset.s32 @!p0 $0xFFFFF086;
	s6 =	sadd.s32 @!p0 s3, s7;
	s7 =	simm.s32 @!p0 $0x108  }
0x21: {  	s3 =	sadd.s32 s3, s9;
	s6 =	sadd.s32 @!p0 $0x88, s6;
	s7 =	simm.s32 @p2 $0x1082  }
0x22: {  	[simem:s7], [sflag:s8] =	dma.local @!p0 [hbm:s6], $0xF7A  }
0x23: {  	s9 =	sor.u32 $0xD0000000, s2;
	s6 =	simm.s32 $0x108;
	_ =	swait.ge @!p0 [sflag:s8], $0x0  }
0x24: {  	s3 =	sadd.s32 $0x88, s3;
	s6 =	simm.s32 @!p1 $0x1082;
	[sflag:s4] =	ssyncset.s32 $0xFFFFF086  }
0x25: {  	[simem:s6], [sflag:s4] =	dma.local [hbm:s3], $0xF7A  }
0x26: {  	[smem:$0x3F92] =	sst s1;
	(tag) =	ssettag s2;
	_ =	strace s9  }
0x27: {  	s1 =	sld [smem:$0x3FA2]  }
0x28: {  	s2 =	sld [smem:$0x3FA3]  }
0x29: {  	s4 =	sld [smem:$0x3FA5]  }
0x2a: {  	p0 =	seq.s32 s5, $0x0;
	s5 =	sld [smem:$0x3FA6]  }
0x2b: {  	s6 =	sld [smem:$0x3FA7]  }
0x2c: {  	s7 =	sld [smem:$0x3FA8]  }
0x2d: {  	s3 =	simm.s32 $0x108;
	s8 =	sld [smem:$0x3FA9]  }
0x2e: {  	s3 =	simm.s32 @!p0 $0x1082;
	s9 =	sld [smem:$0x3FAA]  }
0x2f: {  	lr =	sadd.s32 s0, s3;
	s0 =	sld [smem:$0x3FA1]  }
0x30: {  	s3 =	sld [smem:$0x3FA4]  }
0x31: {  	[smem:$0x3FAD] =	sst s10  }
0x32: {  	s10 =	sld [smem:$0x3FAB];
	_ =	sdelay $0x3  }
0x33: {  	p0 =	seq.s32 s10, $0x1;
	s10 =	sld [smem:$0x3FAD];
	_ =	sdelay $0x3  }
0x34: {  	[smem:$0x3FAD] =	sst s10  }
0x35: {  	s10 =	sld [smem:$0x3FAC];
	_ =	sdelay $0x3  }
0x36: {  	p1 =	seq.s32 s10, $0x1;
	s10 =	sld [smem:$0x3FAD];
	_ =	sdelay $0x3  }
0x37: {  	[smem:$0x3FAD] =	sst s10  }
0x38: {  	s10 =	sld [smem:$0x3FAE]  }
0x39: {  	_ = 	snop;
	(pc) =	sbr.ind lr, $3  }
0x3a: {  	_ = 	snop  }
0x3b: {  	_ = 	snop  }
0x3c: {  	p2 =	seq.s32 s10, $0x1;
	s10 =	sld [smem:$0x3FAD]  }
0x3d: {  	_ =	shalt  }
0x3e: {  	_ =	shalt  }
0x3f: {  	_ =	shalt  }
0x40: {  	_ =	shalt  }
0x41: {  	_ =	shalt  }
0x42: {  	_ =	shalt  }
0x43: {  	_ =	shalt  }
0x44: {  	_ =	shalt  }
0x45: {  	_ =	shalt  }
0x46: {  	_ =	shalt  }
0x47: {  	_ =	shalt  }
0x48: {  	_ =	shalt  }
0x49: {  	_ =	shalt  }
0x4a: {  	_ =	shalt  }
0x4b: {  	_ =	shalt  }
0x4c: {  	_ =	shalt  }
0x4d: {  	_ =	shalt  }
0x4e: {  	_ =	shalt  }
0x4f: {  	_ =	shalt  }
0x50: {  	_ =	shalt  }
0x51: {  	_ =	shalt  }
0x52: {  	_ =	shalt  }
0x53: {  	_ =	shalt  }
0x54: {  	_ =	shalt  }
0x55: {  	_ =	shalt  }
0x56: {  	_ =	shalt  }
0x57: {  	_ =	shalt  }
0x58: {  	_ =	shalt  }
0x59: {  	_ =	shalt  }
0x5a: {  	_ =	shalt  }
0x5b: {  	_ =	shalt  }
0x5c: {  	_ =	shalt  }
0x5d: {  	_ =	shalt  }
0x5e: {  	_ =	shalt  }
0x5f: {  	_ =	shalt  }
0x60: {  	_ =	shalt  }
0x61: {  	_ =	shalt  }
0x62: {  	_ =	shalt  }
0x63: {  	_ =	shalt  }
0x64: {  	_ =	shalt  }
0x65: {  	_ =	shalt  }
0x66: {  	_ =	shalt  }
0x67: {  	_ =	shalt  }
0x68: {  	_ =	shalt  }
0x69: {  	_ =	shalt  }
0x6a: {  	_ =	shalt  }
0x6b: {  	_ =	shalt  }
0x6c: {  	_ =	shalt  }
0x6d: {  	_ =	shalt  }
0x6e: {  	_ =	shalt  }
0x6f: {  	_ =	shalt  }
0x70: {  	_ =	shalt  }
0x71: {  	_ =	shalt  }
0x72: {  	_ =	shalt  }
0x73: {  	_ =	shalt  }
0x74: {  	_ =	shalt  }
0x75: {  	_ =	shalt  }
0x76: {  	_ =	shalt  }
0x77: {  	_ =	shalt  }
0x78: {  	_ =	shalt  }
0x79: {  	_ =	shalt  }
0x7a: {  	_ =	shalt  }
0x7b: {  	_ =	shalt  }
0x7c: {  	_ =	shalt  }
0x7d: {  	_ =	shalt  }
0x7e: {  	_ =	shalt  }
0x7f: {  	_ =	shalt  }
0x80: {  	_ =	shalt  }
0x81: {  	_ =	shalt  }
0x82: {  	_ =	shalt  }
0x83: {  	_ =	shalt  }
0x84: {  	_ =	shalt  }
0x85: {  	_ =	shalt  }
0x86: {  	_ =	shalt  }
0x87: {  	_ =	shalt  }
.Lfunc_end0:
.L_simem_size_0:
called_computation_lowered:
.L_overlay_start_0:
0x88: {  	s2 =	sld [smem:$0x3FD9]  }
0x89: {  	s3 =	sld [smem:$0x3FFE];
	_ =	sdelay $0x1  }
0x8a: {  	s1 =	srdreg.scid  }
0x8b: {  	s0 =	sand.u32 $0x1, s1  }
0x8c: {  	s16 =	sshll.u32 s0, $0xA;
	s2 =	sadd.s32 s3, s2  }
0x8d: {  	s2 =	sadd.s32 s2, s16  }
0x8e: {  	[smem:$0x3FB9] =	sst s2  }
0x8f: {  	_ = 	snop  }
0x90: {  	(tm) =	ssettm $0x1  }
0x91: {  	s17 =	sld [smem:$0x3FFB];
	_ =	sdelay $0x3  }
0x92: {  	_ =	strace s17  }
0x93: {  	s2 =	sld [smem:$0x3FFC];
	_ =	sdelay $0x3  }
0x94: {  	_ =	strace s2  }
0x95: {  	s2 =	sld [smem:$0x3FFD];
	_ =	sdelay $0x3  }
0x96: {  	_ =	strace s2  }
0x97: {  	_ =	strace $0x8FFFFFFF  }
0x98: {  	s18 =	sld [smem:$0x3FDB];
	_ =	sdelay $0x1  }
0x99: {  	s19 =	simm.s32 $_scs_section_size  }
0x9a: {  	s4 =	simm.s32 $_size__tile_overlayer_lowered;
	s5 =	simm.s32 $_tile_overlayer_lowered  }
0x9b: {  	s22 =	simm.s32 $0x1BFF;
	s21 =	sshll.u32 s5, $0x1;
	s2 =	sadd.s32 s19, s18  }
0x9c: {  	s6 =	simm.s32 $0x0;
	s20 =	sshll.u32 s4, $0x1;
	s4 =	sadd.s32 s21, s2  }
0x9d: {  	[timem:s6], [sflag:s22] =	dma.local [hbm:s4], s20  }
0x9e: {  	_ =	swait.ge [sflag:s22], s20  }
0x9f: {  	s3 =	ssub.s32 $0x0, s20;
	[sflag:s22] =	ssyncset.done $0x0  }
0xa0: {  	[sflag:s22] =	ssyncadd.s32 s3;
	_ =	sdelay $0x1  }
0xa1: {  	s23 =	simm.s32 $0x1B8B  }
0xa2: {  	_ =	swait.ge [sflag:s23], $0x1  }
0xa3: {  	[sflag:s23] =	ssyncset.done $0x0  }
0xa4: {  	s25 =	simm.s32 $0x1B8E;
	s24 =	sld [smem:$0x3FFE];
	[sflag:s23] =	ssyncadd.s32 $0xFFFFFFFF  }
0xa5: {  	s26 =	simm.s32 $execute0_lowered;
	[smem:$0x3FD2] =	sst s25  }
0xa6: {  	s4 =	sshll.u32 s26, $0x1;
	_ =	strace $0x80000046;
	[dreg:$0x1] =	wrdreg $0xFFFFFFFF  }
0xa7: {  	s28 =	simm.s32 $_size_execute0_lowered;
	s2 =	sadd.s32 s2, s4;
	[dreg:$0x0] =	wrdreg $0x0  }
0xa8: {  	s4 =	sshll.u32 s28, $0x1;
	[dreg:$0x2] =	wrdreg s2  }
0xa9: {  	[dreg:$0x3] =	wrdreg s4  }
0xaa: {  	[dreg:$0x4] =	wrdreg $0xC0  }
0xab: {  	_ =	task [dreg:s6], $0x5FFFF  }
0xac: {  	[dreg:$0x1] =	wrdreg $0xFFFFFFFF  }
0xad: {  	[dreg:$0x0] =	wrdreg $0x60  }
0xae: {  	[dreg:$0x2] =	wrdreg s24  }
0xaf: {  	[dreg:$0x3] =	wrdreg $0x19000  }
0xb0: {  	[dreg:$0x4] =	wrdreg $0x0  }
0xb1: {  	[dreg:$0x5] =	wrdreg $0x9  }
0xb2: {  	_ =	task.clear_ibuf [dreg:s6], $0x6FFFF;
	_ =	strace $0x90000046  }
0xb3: {  	s29 =	simm.s32 $0x9;
	_ =	strace $0x80000048  }
0xb4: {  	_ =	swait.ge [sflag:s29], $0x1  }
0xb5: {  	[sflag:s29] =	ssyncadd.s32 $0xFFFFFFFF  }
0xb6: {  	_ =	strace $0x90000048  }
0xb7: {  	_ =	sfence  }
0xb8: {  	s30 =	sld [smem:$0x0];
	_ =	sdelay $0x2  }
0xb9: {  	s31 =	sshll.u32 s1, $0xD;
	s1 =	sshrl.u32 s1, $0x2  }
0xba: {  	s3 =	sand.u32 $0x4000, s31;
	s1 =	sadd.s32 s1, s30  }
0xbb: {  	s0 =	sor.u32 s3, s0;
	s1 =	sshll.u32 s1, $0x11  }
0xbc: {  	s0 =	sor.u32 s1, s0  }
0xbd: {  	s0 =	sadd.s32 $0x8F2B, s0  }
0xbe: {  	[sflag:s0] =	ssyncadd.remote.s32 $0x1  }
0xbf: {  	_ =	sfence.sel $0xFFFF  }
0xc0: {  	[dreg:$0x0] =	wrdreg $0xFFFFFFFF;
	(pc) =	sbr.abs _section_cstart, $3  }
0xc1: {  	[dreg:$0x1] =	wrdreg $0xFFFFFFFF  }
0xc2: {  	_ =	task.clear_ibuf [dreg:s6], $0x2FFFF;
	_ =	strace $0x9FFFFFFF  }
0xc3: {  	(tm) =	ssettm $0x7FFFFFFF  }
tec
execute0_lowered:
.L_overlay_start_1:
0x0: {  	(tag) =	ssettag $0x1  }
0x1: {  	s0 =	rddreg [dreg:$0x0]  }
0x2: {  	s1 =	rddreg [dreg:$0x1]  }
0x3: {  	s3 =	rddreg [dreg:$0x2];
	s4 =	simm.s32 $0x0  }
0x4: {  	s13 =	stileid.u32;
	s5 =	srdreg.scid;
	s28 =	simm.s32 $0x6200  }
0x5: {  	s29 =	simm.s32 $0x1;
	s30 =	simm.s32 $0x3;
	s31 =	simm.s32 $0xFA0  }
0x6: {  	[smem:$0x7FF] =	sst s4;
	s2 =	smul.u32 $0x1900, s13;
	s7 =	sand.u32 $0x1, s5  }
0x7: {  	s5 =	sadd.s32 $0xC6400, s0;
	s6 =	sadd.s32 $0x2E00, s0;
	s19 =	smul.u32 $0x30D40, s13  }
0x8: {  	_ =	strace $0x80000047;
	s9 =	smul.u32 $0x19000, s7;
	s10 =	sshll.u32 s7, $0x4  }
0x9: {  	s11 =	ssub.s32 $0x2, s7;
	s7 =	smul.u32 $0x30D400, s7;
	s8 =	sshrl.u32 s2, $0x3  }
0xa: {  	s10 =	sor.u32 s13, s10;
	s12 =	sshrl.u32 s11, $0x1;
	s8 =	sadd.s32 s8, s0  }
0xb: {  	s9 =	sadd.s32 s2, s9;
	s10 =	smul.u32 $0x30D40, s10;
	s18 =	ssub.s32 s11, s12  }
0xc: {  	s22 =	sadd.s32 s19, s7;
	s19 =	simm.s32 $0x8200;
	s9 =	sshrl.u32 s9, $0x3  }
0xd: {  	s8 =	sadd.s32 $0x189A00, s8;
	s23 =	smax.u32 s18, $0x1;
	s7 =	sadd.s32 $0xFA0, s22  }
0xe: {  	s16 =	sadd.s32 $0x1F40, s22;
	s0 =	sadd.s32 s9, s0;
	[dreg:$0x4] =	wrdreg s8  }
0xf: {  	s10 =	sshrl.u32 s10, $0x3;
	s8 =	sadd.s32 s2, s1;
	s2 =	sadd.s32 s2, s3  }
0x10: {  	[dreg:$0x9] =	wrdreg s23;
	s26 =	sshrl.u32 s7, $0x3;
	s23 =	simm.s32 $0x7  }
0x11: {  	s7 =	simm.s32 $0x2;
	s9 =	simm.s32 $0x4;
	[dreg:$0x5] =	wrdreg s2  }
0x12: {  	s20 =	sadd.s32 s5, s10;
	s21 =	sadd.s32 s6, s10;
	s0 =	sadd.s32 $0x18CC00, s0  }
0x13: {  	s24 =	sadd.s32 $0x5FB4, s10;
	s17 =	sadd.s32 s26, s6;
	[dreg:$0x6] =	wrdreg s20  }
0x14: {  	s18 =	sadd.s32 s26, s5;
	s26 =	simm.s32 $0x4200;
	[dreg:$0x7] =	wrdreg s21  }
0x15: {  	s10 =	simm.s32 $0x0;
	[dreg:$0x8] =	wrdreg s0;
	s25 =	sadd.s32 s5, s24  }
0x16: {  	s2 =	sadd.s32 s6, s24;
	s21 =	simm.s32 $0x6;
	s24 =	simm.s32 $0x3200  }
0x17: {  	s0 =	simm.s32 $0x7200;
	s20 =	simm.s32 $0x9;
	[dreg:$0xa] =	wrdreg s25  }
0x18: {  	v0 =	vimm.f32 $0.0e+00;
	[dreg:$0xb] =	wrdreg s2;
	s25 =	simm.s32 $0x5200;
	s2 =	simm.s32 $0x5  }
.LBB2_1:
0x19: {  	s11 =	rddreg [dreg:$0x4]  }
0x1a: {  	[tilespmem:s19], [sflag:$0x6] =	stream.linear.gather [hbm4b:s11+s4], $0x1900, $0x38;
	[tilespmem:$0xB400] =	vst v63  }
0x1b: {  	s12 =	simm.s32 $0x0;
	s11 =	simm.s32 $0x40  }
.LBB2_2:
0x1c: {  	p0 =	sne.s32 s11, $0x63C0;
	[tilespmem:s12+$0x9B00] =	vst v0;
	s12 =	smov.u32 s11;
	s11 =	sadd.s32 $0x40, s11  }
.Ltmp0:
0x1d: {  	(pc) =	sbr.rel @p0 .LBB2_2-.Ltmp0, $2  }
0x1e: {  	_ =	sdelay $0x2  }
0x1f: {  	s12 =	sshra.s32 s12, $0x2  }
0x20: {  	[tilespmem:s12+$0x9B00] =	vst v0;
	s11 =	simm.s32 $0x9B00  }
0x21: {  	[spmem:s8] =	stream.linear.scatter [tilespmem:s11], [sflag:$0x8], $0x1900, $0x38;
	[tilespmem:$0xB400] =	vst v63  }
0x22: {  	_ =	swait.ge [sflag:s21], $0x1900  }
0x23: {  	[sflag:s21] =	ssyncset.done $0x0  }
0x24: {  	s13 =	simm.s32 $0x8;
	s12 =	rddreg [dreg:$0x5];
	[sflag:s21] =	ssyncadd.s32 $0xFFFFE700  }
0x25: {  	[spmem:s12] =	stream.linear.scatter [tilespmem:s19], [sflag:$0x7], $0x1900, $0x38;
	[tilespmem:$0xB400] =	vst v63  }
0x26: {  	_ =	swait.ge [sflag:s13], $0x1900  }
0x27: {  	[sflag:s13] =	ssyncset.done $0x0  }
0x28: {  	[sflag:s13] =	ssyncadd.s32 $0xFFFFE700  }
0x29: {  	_ =	swait.ge [sflag:s23], $0x1900  }
0x2a: {  	[sflag:s23] =	ssyncset.done $0x0  }
0x2b: {  	[sflag:s23] =	ssyncadd.s32 $0xFFFFE700  }
0x2c: {  	[bflag:$0x0] =	sbarrier.arrive $0xFFFF  }
0x2d: {  	s14 =	simm.s32 $0x0;
	s15 =	rddreg [dreg:$0x6]  }
0x2e: {  	[tilespmem:s24], [sflag:$0x1] =	stream.linear.gather [hbm4b:s15+s14], $0xFA0, $0x38;
	[tilespmem:$0xB400] =	vst v63  }
0x2f: {  	s22 =	rddreg [dreg:$0x7]  }
0x30: {  	[tilespmem:s25], [sflag:$0x3] =	stream.linear.gather [hbm4b:s22+s14], $0xFA0, $0x38;
	[tilespmem:$0xB400] =	vst v63  }
0x31: {  	s13 =	sadd.s32 $0x0, s18  }
0x32: {  	[tilespmem:s26], [sflag:$0x2] =	stream.linear.gather [hbm4b:s13+s4], $0xFA0, $0x38;
	[tilespmem:$0xB400] =	vst v63  }
0x33: {  	s14 =	sadd.s32 $0x0, s17  }
0x34: {  	[tilespmem:s28], [sflag:$0x4] =	stream.linear.gather [hbm4b:s14+s4], $0xFA0, $0x38;
	[tilespmem:$0xB400] =	vst v63  }
0x35: {  	_ =	swait.ge [sflag:s29], $0xFA0  }
0x36: {  	[sflag:s29] =	ssyncset.done $0x0  }
0x37: {  	[sflag:s29] =	ssyncadd.s32 $0xFFFFF060  }
0x38: {  	_ =	swait.ge [sflag:s30], $0xFA0  }
0x39: {  	[sflag:s30] =	ssyncset.done $0x0  }
0x3a: {  	[sflag:s30] =	ssyncadd.s32 $0xFFFFF060  }
0x3b: {  	[tilespmem:s0], [sflag:$0x5] =	stream.indirect.gather [spmem:s3], $0x1, s24, s31, $0xb8;
	[tilespmem:$0xB400] =	vst v63  }
0x3c: {  	_ =	swait.ge [sflag:s2], $0xFA0  }
0x3d: {  	[sflag:s2] =	ssyncset.done $0x0  }
0x3e: {  	[sflag:s2] =	ssyncadd.s32 $0xFFFFF060  }
0x3f: {  	[spmem:s1] =	stream.indirect.scatter.add.f32 [tilespmem:s0], [sflag:$0x9], $0x1, s25, s31, $0xb8;
	[tilespmem:$0xB400] =	vst v63  }
0x40: {  	_ =	swait.ge [sflag:s20], $0xFA0  }
0x41: {  	s15 =	sshrl.u32 s16, $0x3;
	[sflag:s20] =	ssyncset.done $0x0  }
0x42: {  	s22 =	sadd.s32 s5, s15;
	[sflag:s20] =	ssyncadd.s32 $0xFFFFF060  }
0x43: {  	[tilespmem:s24], [sflag:$0x1] =	stream.linear.gather [hbm4b:s22+s4], $0xFA0, $0x38;
	[tilespmem:$0xB400] =	vst v63  }
0x44: {  	s11 =	sadd.s32 s6, s15  }
0x45: {  	[tilespmem:s25], [sflag:$0x3] =	stream.linear.gather [hbm4b:s11+s4], $0xFA0, $0x38;
	[tilespmem:$0xB400] =	vst v63  }
0x46: {  	_ =	swait.ge [sflag:s7], $0xFA0  }
0x47: {  	[sflag:s7] =	ssyncset.done $0x0  }
0x48: {  	[sflag:s7] =	ssyncadd.s32 $0xFFFFF060  }
0x49: {  	_ =	swait.ge [sflag:s9], $0xFA0  }
0x4a: {  	[sflag:s9] =	ssyncset.done $0x0  }
0x4b: {  	[sflag:s9] =	ssyncadd.s32 $0xFFFFF060  }
0x4c: {  	[tilespmem:s0], [sflag:$0x5] =	stream.indirect.gather [spmem:s3], $0x1, s26, s31, $0xb8;
	[tilespmem:$0xB400] =	vst v63  }
0x4d: {  	_ =	swait.ge [sflag:s2], $0xFA0  }
0x4e: {  	[sflag:s2] =	ssyncset.done $0x0  }
0x4f: {  	[sflag:s2] =	ssyncadd.s32 $0xFFFFF060  }
0x50: {  	[spmem:s1] =	stream.indirect.scatter.add.f32 [tilespmem:s0], [sflag:$0x9], $0x1, s28, s31, $0xb8;
	[tilespmem:$0xB400] =	vst v63  }
0x51: {  	s12 =	simm.s32 $0x3E8;
	_ =	swait.ge [sflag:s20], $0xFA0  }
0x52: {  	s13 =	simm.s32 $0x7D0;
	s11 =	sadd.s32 $0x1F40, s16;
	[sflag:s20] =	ssyncset.done $0x0  }
.LBB2_4:
0x53: {  	s15 =	sadd.s32 s12, s18  }
0x54: {  	[sflag:s20] =	ssyncadd.s32 $0xFFFFF060;
	s22 =	smov.u32 s13;
	s14 =	sadd.s32 $0x3E8, s13  }
0x55: {  	[tilespmem:s26], [sflag:$0x2] =	stream.linear.gather [hbm4b:s15+s4], $0xFA0, $0x38;
	[tilespmem:$0xB400] =	vst v63  }
0x56: {  	p0 =	sne.s32 s13, $0x59D8;
	s13 =	sadd.s32 s12, s17;
	s12 =	smov.u32 s22  }
0x57: {  	[tilespmem:s28], [sflag:$0x4] =	stream.linear.gather [hbm4b:s13+s4], $0xFA0, $0x38;
	[tilespmem:$0xB400] =	vst v63  }
0x58: {  	_ =	swait.ge [sflag:s29], $0xFA0  }
0x59: {  	[sflag:s29] =	ssyncset.done $0x0  }
0x5a: {  	[sflag:s29] =	ssyncadd.s32 $0xFFFFF060  }
0x5b: {  	_ =	swait.ge [sflag:s30], $0xFA0  }
0x5c: {  	[sflag:s30] =	ssyncset.done $0x0  }
0x5d: {  	[sflag:s30] =	ssyncadd.s32 $0xFFFFF060  }
0x5e: {  	[tilespmem:s0], [sflag:$0x5] =	stream.indirect.gather [spmem:s3], $0x1, s24, s31, $0xb8;
	[tilespmem:$0xB400] =	vst v63  }
0x5f: {  	_ =	swait.ge [sflag:s2], $0xFA0  }
0x60: {  	[sflag:s2] =	ssyncset.done $0x0  }
0x61: {  	[sflag:s2] =	ssyncadd.s32 $0xFFFFF060  }
0x62: {  	[spmem:s1] =	stream.indirect.scatter.add.f32 [tilespmem:s0], [sflag:$0x9], $0x1, s25, s31, $0xb8;
	[tilespmem:$0xB400] =	vst v63  }
0x63: {  	_ =	swait.ge [sflag:s20], $0xFA0  }
0x64: {  	s13 =	sshrl.u32 s11, $0x3;
	[sflag:s20] =	ssyncset.done $0x0  }
0x65: {  	s15 =	sadd.s32 s5, s13;
	[sflag:s20] =	ssyncadd.s32 $0xFFFFF060  }
0x66: {  	[tilespmem:s24], [sflag:$0x1] =	stream.linear.gather [hbm4b:s15+s4], $0xFA0, $0x38;
	[tilespmem:$0xB400] =	vst v63  }
0x67: {  	s13 =	sadd.s32 s6, s13  }
0x68: {  	[tilespmem:s25], [sflag:$0x3] =	stream.linear.gather [hbm4b:s13+s4], $0xFA0, $0x38;
	[tilespmem:$0xB400] =	vst v63  }
0x69: {  	_ =	swait.ge [sflag:s7], $0xFA0  }
0x6a: {  	[sflag:s7] =	ssyncset.done $0x0  }
0x6b: {  	[sflag:s7] =	ssyncadd.s32 $0xFFFFF060  }
0x6c: {  	_ =	swait.ge [sflag:s9], $0xFA0  }
0x6d: {  	[sflag:s9] =	ssyncset.done $0x0  }
0x6e: {  	[sflag:s9] =	ssyncadd.s32 $0xFFFFF060  }
0x6f: {  	[tilespmem:s0], [sflag:$0x5] =	stream.indirect.gather [spmem:s3], $0x1, s26, s31, $0xb8;
	[tilespmem:$0xB400] =	vst v63  }
0x70: {  	_ =	swait.ge [sflag:s2], $0xFA0  }
.Ltmp1:
0x71: {  	[sflag:s2] =	ssyncset.done $0x0;
	(pc) =	sbr.rel @p0 .LBB2_4-.Ltmp1, $4  }
0x72: {  	[sflag:s2] =	ssyncadd.s32 $0xFFFFF060  }
0x73: {  	[spmem:s1] =	stream.indirect.scatter.add.f32 [tilespmem:s0], [sflag:$0x9], $0x1, s28, s31, $0xb8;
	[tilespmem:$0xB400] =	vst v63  }
0x74: {  	_ =	swait.ge [sflag:s20], $0xFA0  }
0x75: {  	s11 =	sadd.s32 $0x1F40, s11;
	s13 =	smov.u32 s14;
	[sflag:s20] =	ssyncset.done $0x0  }
0x76: {  	s13 =	sadd.s32 s12, s18;
	[sflag:s20] =	ssyncadd.s32 $0xFFFFF060  }
0x77: {  	[tilespmem:s26], [sflag:$0x2] =	stream.linear.gather [hbm4b:s13+s4], $0xFA0, $0x38;
	[tilespmem:$0xB400] =	vst v63  }
0x78: {  	s15 =	sadd.s32 s12, s17  }
0x79: {  	[tilespmem:s28], [sflag:$0x4] =	stream.linear.gather [hbm4b:s15+s4], $0xFA0, $0x38;
	[tilespmem:$0xB400] =	vst v63  }
0x7a: {  	_ =	swait.ge [sflag:s29], $0xFA0  }
0x7b: {  	[sflag:s29] =	ssyncset.done $0x0  }
0x7c: {  	[sflag:s29] =	ssyncadd.s32 $0xFFFFF060  }
0x7d: {  	_ =	swait.ge [sflag:s30], $0xFA0  }
0x7e: {  	[sflag:s30] =	ssyncset.done $0x0  }
0x7f: {  	[sflag:s30] =	ssyncadd.s32 $0xFFFFF060  }
0x80: {  	[tilespmem:s0], [sflag:$0x5] =	stream.indirect.gather [spmem:s3], $0x1, s24, s31, $0xb8;
	[tilespmem:$0xB400] =	vst v63  }
0x81: {  	_ =	swait.ge [sflag:s2], $0xFA0  }
0x82: {  	[sflag:s2] =	ssyncset.done $0x0  }
0x83: {  	[sflag:s2] =	ssyncadd.s32 $0xFFFFF060  }
0x84: {  	[spmem:s1] =	stream.indirect.scatter.add.f32 [tilespmem:s0], [sflag:$0x9], $0x1, s25, s31, $0xb8;
	[tilespmem:$0xB400] =	vst v63  }
0x85: {  	_ =	swait.ge [sflag:s20], $0xFA0  }
0x86: {  	s11 =	sshrl.u32 s11, $0x3;
	[sflag:s20] =	ssyncset.done $0x0  }
0x87: {  	s22 =	sadd.s32 s5, s11;
	[sflag:s20] =	ssyncadd.s32 $0xFFFFF060  }
0x88: {  	[tilespmem:s24], [sflag:$0x1] =	stream.linear.gather [hbm4b:s22+s4], $0xFA0, $0x38;
	[tilespmem:$0xB400] =	vst v63  }
0x89: {  	s11 =	sadd.s32 s6, s11  }
0x8a: {  	[tilespmem:s25], [sflag:$0x3] =	stream.linear.gather [hbm4b:s11+s4], $0xFA0, $0x38;
	[tilespmem:$0xB400] =	vst v63  }
0x8b: {  	_ =	swait.ge [sflag:s7], $0xFA0  }
0x8c: {  	[sflag:s7] =	ssyncset.done $0x0  }
0x8d: {  	[sflag:s7] =	ssyncadd.s32 $0xFFFFF060  }
0x8e: {  	_ =	swait.ge [sflag:s9], $0xFA0  }
0x8f: {  	[sflag:s9] =	ssyncset.done $0x0  }
0x90: {  	[sflag:s9] =	ssyncadd.s32 $0xFFFFF060  }
0x91: {  	[tilespmem:s0], [sflag:$0x5] =	stream.indirect.gather [spmem:s3], $0x1, s26, s31, $0xb8;
	[tilespmem:$0xB400] =	vst v63  }
0x92: {  	_ =	swait.ge [sflag:s2], $0xFA0  }
0x93: {  	[sflag:s2] =	ssyncset.done $0x0  }
0x94: {  	[sflag:s2] =	ssyncadd.s32 $0xFFFFF060  }
0x95: {  	[spmem:s1] =	stream.indirect.scatter.add.f32 [tilespmem:s0], [sflag:$0x9], $0x1, s28, s31, $0xb8;
	[tilespmem:$0xB400] =	vst v63  }
0x96: {  	_ =	swait.ge [sflag:s20], $0xFA0  }
0x97: {  	[sflag:s20] =	ssyncset.done $0x0  }
0x98: {  	s13 =	rddreg [dreg:$0xa];
	[sflag:s20] =	ssyncadd.s32 $0xFFFFF060  }
0x99: {  	[tilespmem:s26], [sflag:$0x2] =	stream.linear.gather [hbm4b:s13+s4], $0xFA0, $0x38;
	[tilespmem:$0xB400] =	vst v63  }
0x9a: {  	s14 =	rddreg [dreg:$0xb]  }
0x9b: {  	[tilespmem:s28], [sflag:$0x4] =	stream.linear.gather [hbm4b:s14+s4], $0xFA0, $0x38;
	[tilespmem:$0xB400] =	vst v63  }
0x9c: {  	_ =	swait.ge [sflag:s29], $0xFA0  }
0x9d: {  	[sflag:s29] =	ssyncset.done $0x0  }
0x9e: {  	[sflag:s29] =	ssyncadd.s32 $0xFFFFF060  }
0x9f: {  	_ =	swait.ge [sflag:s30], $0xFA0  }
0xa0: {  	[sflag:s30] =	ssyncset.done $0x0  }
0xa1: {  	[sflag:s30] =	ssyncadd.s32 $0xFFFFF060  }
0xa2: {  	[tilespmem:s0], [sflag:$0x5] =	stream.indirect.gather [spmem:s3], $0x1, s24, s31, $0xb8;
	[tilespmem:$0xB400] =	vst v63  }
0xa3: {  	_ =	swait.ge [sflag:s2], $0xFA0  }
0xa4: {  	[sflag:s2] =	ssyncset.done $0x0  }
0xa5: {  	[sflag:s2] =	ssyncadd.s32 $0xFFFFF060  }
0xa6: {  	[spmem:s1] =	stream.indirect.scatter.add.f32 [tilespmem:s0], [sflag:$0x9], $0x1, s25, s31, $0xb8;
	[tilespmem:$0xB400] =	vst v63  }
0xa7: {  	_ =	swait.ge [sflag:s20], $0xFA0  }
0xa8: {  	[sflag:s20] =	ssyncset.done $0x0  }
0xa9: {  	[sflag:s20] =	ssyncadd.s32 $0xFFFFF060  }
0xaa: {  	_ =	swait.ge [sflag:s7], $0xFA0  }
0xab: {  	[sflag:s7] =	ssyncset.done $0x0  }
0xac: {  	[sflag:s7] =	ssyncadd.s32 $0xFFFFF060  }
0xad: {  	_ =	swait.ge [sflag:s9], $0xFA0  }
0xae: {  	[sflag:s9] =	ssyncset.done $0x0  }
0xaf: {  	[sflag:s9] =	ssyncadd.s32 $0xFFFFF060  }
0xb0: {  	[tilespmem:s0], [sflag:$0x5] =	stream.indirect.gather [spmem:s3], $0x1, s26, s31, $0xb8;
	[tilespmem:$0xB400] =	vst v63  }
0xb1: {  	_ =	swait.ge [sflag:s2], $0xFA0  }
0xb2: {  	[sflag:s2] =	ssyncset.done $0x0  }
0xb3: {  	[sflag:s2] =	ssyncadd.s32 $0xFFFFF060  }
0xb4: {  	[spmem:s1] =	stream.indirect.scatter.add.f32 [tilespmem:s0], [sflag:$0x9], $0x1, s28, s31, $0xb8;
	[tilespmem:$0xB400] =	vst v63  }
0xb5: {  	_ =	swait.ge [sflag:s20], $0xFA0  }
0xb6: {  	[sflag:s20] =	ssyncset.done $0x0  }
0xb7: {  	[sflag:s20] =	ssyncadd.s32 $0xFFFFF060  }
0xb8: {  	[bflag:$0x0] =	sbarrier.arrive $0xFFFF  }
0xb9: {  	[tilespmem:s19], [sflag:$0x6] =	stream.linear.gather [spmem:s8], $0x1900, $0x38;
	[tilespmem:$0xB400] =	vst v63  }
0xba: {  	_ =	swait.ge [sflag:s21], $0x1900  }
0xbb: {  	[sflag:s21] =	ssyncset.done $0x0  }
0xbc: {  	s15 =	rddreg [dreg:$0x8];
	[sflag:s21] =	ssyncadd.s32 $0xFFFFE700  }
0xbd: {  	[hbm4b:s15+s4] =	stream.linear.scatter [tilespmem:s19], [sflag:$0x7], $0x1900, $0x38;
	[tilespmem:$0xB400] =	vst v63  }
0xbe: {  	_ =	swait.ge [sflag:s23], $0x1900  }
0xbf: {  	s10 =	sadd.s32 $0x1, s10;
	s22 =	rddreg [dreg:$0x9]  }
0xc0: {  	p0 =	sne.s32 s10, s22  }
.Ltmp2:
0xc1: {  	_ = 	snop;
	(pc) =	sbr.rel @p0 .LBB2_1-.Ltmp2, $3  }
0xc2: {  	_ =	sdelay $0x1  }
0xc3: {  	[sflag:s23] =	ssyncset.done $0x0  }
0xc4: {  	[sflag:s23] =	ssyncadd.s32 $0xFFFFE700  }
0xc5: {  	_ =	sfence.sel $0x180000  }
0xc6: {  	[bflag:$0x0] =	sbarrier.arrive $0xFFFF  }
0xc7: {  	_ =	strace $0x90000047  }
0xc8: {  	s0 =	stileid.u32;
	[bflag:$0x2] =	sbarrier.arrive $0xFFFF  }
0xc9: {  	p0 =	sne.s32 s0, $0x0;
	s0 =	rddreg [dreg:$0x3]  }
0xca: {  	s0 =	sadd.s32 @!p0 $0x100000, s0  }
0xcb: {  	[sflag:s0] =	ssyncadd.tile.s32 @!p0 $0x1;
	_ =	shalt  }
.Lfunc_end2:
_tile_overlayer_lowered:
.L_overlay_start_2:
0xcc: {  	(tag) =	ssettag $0x2  }
0xcd: {  	s0 =	rddreg [dreg:$0x0];
	s2 =	stileid.u32  }
0xce: {  	s1 =	rddreg [dreg:$0x1];
	p0 =	sne.s32 s2, $0x0  }
0xcf: {  	s3 =	rddreg [dreg:$0x2];
	[bflag:$0x3] =	sbarrier.arrive $0xFFFF;
	s2 =	simm.s32 @!p0 $0x1C09  }
0xd0: {  	[timem:s3], [sflag:s2] =	dma.local @!p0 [hbm:s0], s1  }
0xd1: {  	s0 =	simm.s32 @!p0 $0x9  }
0xd2: {  	_ =	swait.ge @!p0 [sflag:s0], s1  }
0xd3: {  	s1 =	ssub.s32 @!p0 $0x0, s1;
	[sflag:s0] =	ssyncset.done @!p0 $0x0  }
0xd4: {  	[sflag:s0] =	ssyncadd.s32 @!p0 s1  }
0xd5: {  	[bflag:$0x3] =	sbarrier.arrive $0xFFFF  }
0xd6: {  	_ =	shalt  }

</sc_bundles>
